<compile_context>
chip_gen: v7x
topology: tpu7x:2x2x1
jax: 0.10.2.dev20260603
libtpu: 0.0.44.dev20260713+nightly
codegen_flags: <defaults>
</compile_context>

<pallas_src>
import functools

import jax
import jax.numpy as jnp
from jax import lax
from jax.experimental import pallas as pl
from jax.experimental.pallas import tpu as pltpu
from jax.experimental.pallas import tpu_sc as plsc

N = 10000
E = 160000
NPAD = 10240
NS = 16
NC = 2
ZR = NPAD // NS
K = 40
EPT = E // NS
NCH = EPT // K
EPT3 = E // (NS * NC)
K3 = 40
NCH3 = EPT3 // K3

_mesh = lambda: plsc.VectorSubcoreMesh(core_axis_name="c", subcore_axis_name="s")


def _make_deg():

    @functools.partial(
        pl.kernel,
        out_type=[jax.ShapeDtypeStruct((NPAD, 128), jnp.float32),
                  jax.ShapeDtypeStruct((NPAD, 128), jnp.float32)],
        mesh=_mesh(),
        scratch_types=[
            pltpu.VMEM_SHARED((NPAD, 128), jnp.float32),
            pltpu.VMEM((K3, 128), jnp.float32),
            pltpu.VMEM((1, K3), jnp.int32),
        ],
    )
    def deg_kernel(dst_hbm, z_hbm, ones_hbm, d0_hbm, d1_hbm,
                   deg_sh, ones_v, idx_v):
        cid = lax.axis_index("c")
        sid = lax.axis_index("s")
        pltpu.sync_copy(z_hbm.at[pl.ds(sid * ZR, ZR)],
                        deg_sh.at[pl.ds(sid * ZR, ZR)])
        pltpu.sync_copy(ones_hbm, ones_v)
        plsc.subcore_barrier()

        base = (cid * NS + sid) * EPT3

        def chunk(i, carry):
            off = base + i * K3
            pltpu.sync_copy(dst_hbm.at[pl.ds(off, K3)], idx_v.at[0])
            pltpu.sync_copy(ones_v, deg_sh.at[idx_v.at[0]], add=True)
            return carry

        lax.fori_loop(0, NCH3, chunk, 0)
        plsc.subcore_barrier()

        @pl.when(cid == 0)
        def _():
            pltpu.sync_copy(deg_sh.at[pl.ds(sid * ZR, ZR)],
                            d0_hbm.at[pl.ds(sid * ZR, ZR)])

        @pl.when(cid == 1)
        def _():
            pltpu.sync_copy(deg_sh.at[pl.ds(sid * ZR, ZR)],
                            d1_hbm.at[pl.ds(sid * ZR, ZR)])

    return deg_kernel


NBUF = 5
NOUT = NCH // NBUF
NOUT3 = NCH3 // NBUF


def _pipe(h_hbm, dst_hbm, acc_sh, sbuf, dibuf, rbuf, sems, ebase, k, nout):
    gsems, isems, ssems = sems[:NBUF], sems[NBUF:2 * NBUF], sems[2 * NBUF:]

    def g_start(i, b):
        pltpu.async_copy(h_hbm.at[sbuf.at[pl.ds(i * k, k)]], rbuf.at[b],
                         gsems[b])
        pltpu.async_copy(dst_hbm.at[pl.ds(ebase + i * k, k)], dibuf.at[b],
                         isems[b])

    def g_wait(b):
        pltpu.make_async_copy(h_hbm.at[sbuf.at[pl.ds(0, k)]], rbuf.at[b],
                              gsems[b]).wait()
        pltpu.make_async_copy(dst_hbm.at[pl.ds(ebase, k)], dibuf.at[b],
                              isems[b]).wait()

    def s_start(b):
        pltpu.async_copy(rbuf.at[b], acc_sh.at[dibuf.at[b]], ssems[b],
                         add=True)

    def s_wait(b):
        pltpu.make_async_copy(rbuf.at[b], acc_sh.at[dibuf.at[0]],
                              ssems[b]).wait()

    for b in range(NBUF):
        g_start(b, b)

    def block(t, carry):
        for b in range(NBUF):
            g_wait(b)
            s_start(b)

        @pl.when(t < nout - 1)
        def _():
            for b in range(NBUF):
                s_wait(b)
                g_start((t + 1) * NBUF + b, b)

        return carry

    lax.fori_loop(0, nout, block, 0)
    for b in range(NBUF):
        s_wait(b)


def _sc_scratch(ept, k):
    return [
        pltpu.VMEM_SHARED((NPAD, 128), jnp.float32),
        pltpu.VMEM((ept,), jnp.int32),
        pltpu.VMEM((NBUF, k), jnp.int32),
        pltpu.VMEM((NBUF, k, 128), jnp.float32),
    ] + [pltpu.SemaphoreType.DMA] * (3 * NBUF)


def _make_agg():

    @functools.partial(
        pl.kernel,
        out_type=[jax.ShapeDtypeStruct((NPAD, 128), jnp.float32),
                  jax.ShapeDtypeStruct((NPAD, 128), jnp.float32)],
        mesh=_mesh(),
        scratch_types=_sc_scratch(EPT, K),
    )
    def agg_kernel(hl_hbm, hr_hbm, src_hbm, dst_hbm, z_hbm,
                   accl_hbm, accr_hbm, acc_sh, sbuf, dibuf, rbuf, *sems):
        cid = lax.axis_index("c")
        sid = lax.axis_index("s")
        pltpu.sync_copy(src_hbm.at[pl.ds(sid * EPT, EPT)], sbuf)
        pltpu.sync_copy(z_hbm.at[pl.ds(sid * ZR, ZR)],
                        acc_sh.at[pl.ds(sid * ZR, ZR)])
        plsc.subcore_barrier()

        def run(h_hbm, out_hbm):
            _pipe(h_hbm, dst_hbm, acc_sh, sbuf, dibuf, rbuf,
                  sems, sid * EPT, K, NOUT)
            plsc.subcore_barrier()
            pltpu.sync_copy(acc_sh.at[pl.ds(sid * ZR, ZR)],
                            out_hbm.at[pl.ds(sid * ZR, ZR)])

        @pl.when(cid == 0)
        def _():
            run(hl_hbm, accl_hbm)

        @pl.when(cid == 1)
        def _():
            run(hr_hbm, accr_hbm)

    return agg_kernel


def _make_agg_l3():

    @functools.partial(
        pl.kernel,
        out_type=[jax.ShapeDtypeStruct((NPAD, 128), jnp.float32),
                  jax.ShapeDtypeStruct((NPAD, 128), jnp.float32)],
        mesh=_mesh(),
        scratch_types=_sc_scratch(EPT3, K3),
    )
    def agg3_kernel(h_hbm, src_hbm, dst_hbm, z_hbm,
                    acc0_hbm, acc1_hbm, acc_sh, sbuf, dibuf, rbuf, *sems):
        cid = lax.axis_index("c")
        sid = lax.axis_index("s")
        w = cid * NS + sid
        pltpu.sync_copy(src_hbm.at[pl.ds(w * EPT3, EPT3)], sbuf)
        pltpu.sync_copy(z_hbm.at[pl.ds(sid * ZR, ZR)],
                        acc_sh.at[pl.ds(sid * ZR, ZR)])
        plsc.subcore_barrier()
        _pipe(h_hbm, dst_hbm, acc_sh, sbuf, dibuf, rbuf,
              sems, w * EPT3, K3, NOUT3)
        plsc.subcore_barrier()

        @pl.when(cid == 0)
        def _():
            pltpu.sync_copy(acc_sh.at[pl.ds(sid * ZR, ZR)],
                            acc0_hbm.at[pl.ds(sid * ZR, ZR)])

        @pl.when(cid == 1)
        def _():
            pltpu.sync_copy(acc_sh.at[pl.ds(sid * ZR, ZR)],
                            acc1_hbm.at[pl.ds(sid * ZR, ZR)])

    return agg3_kernel


_deg = _make_deg()
_agg = _make_agg()
_agg3 = _make_agg_l3()


BM = 512
GRID = NPAD // BM


def _dinv(d0, d1):
    return lax.rsqrt(d0[:, :1] + d1[:, :1] + 1.0)


def _b1_body(x_ref, w_ref, d0_ref, d1_ref, ol_ref, or_ref):
    di = _dinv(d0_ref[...], d1_ref[...])
    h = jnp.dot(x_ref[...], w_ref[...], preferred_element_type=jnp.float32)
    ht = h * di
    ol_ref[...] = ht[:, :128]
    or_ref[...] = ht[:, 128:]


_b1 = pl.pallas_call(
    _b1_body,
    grid=(GRID,),
    in_specs=[
        pl.BlockSpec((BM, 256), lambda i: (i, 0)),
        pl.BlockSpec((256, 256), lambda i: (0, 0)),
        pl.BlockSpec((BM, 128), lambda i: (i, 0)),
        pl.BlockSpec((BM, 128), lambda i: (i, 0)),
    ],
    out_specs=[
        pl.BlockSpec((BM, 128), lambda i: (i, 0)),
        pl.BlockSpec((BM, 128), lambda i: (i, 0)),
    ],
    out_shape=[jax.ShapeDtypeStruct((NPAD, 128), jnp.float32)] * 2,
)


def _b2_body(al_ref, ar_ref, hl_ref, hr_ref, d0_ref, d1_ref, b_ref, w_ref,
             ol_ref, or_ref):
    di = _dinv(d0_ref[...], d1_ref[...])
    s = jnp.concatenate(
        [al_ref[...] + hl_ref[...], ar_ref[...] + hr_ref[...]], axis=1)
    z = jnp.maximum(s * di + b_ref[0:1, :], 0.0)
    o = jnp.dot(z, w_ref[...], preferred_element_type=jnp.float32) * di
    ol_ref[...] = o[:, :128]
    or_ref[...] = o[:, 128:]


_b2 = pl.pallas_call(
    _b2_body,
    grid=(GRID,),
    in_specs=[
        pl.BlockSpec((BM, 128), lambda i: (i, 0)),
        pl.BlockSpec((BM, 128), lambda i: (i, 0)),
        pl.BlockSpec((BM, 128), lambda i: (i, 0)),
        pl.BlockSpec((BM, 128), lambda i: (i, 0)),
        pl.BlockSpec((BM, 128), lambda i: (i, 0)),
        pl.BlockSpec((BM, 128), lambda i: (i, 0)),
        pl.BlockSpec((8, 256), lambda i: (0, 0)),
        pl.BlockSpec((256, 256), lambda i: (0, 0)),
    ],
    out_specs=[
        pl.BlockSpec((BM, 128), lambda i: (i, 0)),
        pl.BlockSpec((BM, 128), lambda i: (i, 0)),
    ],
    out_shape=[jax.ShapeDtypeStruct((NPAD, 128), jnp.float32)] * 2,
)


def _b3_body(al_ref, ar_ref, hl_ref, hr_ref, d0_ref, d1_ref, b_ref, w_ref,
             o_ref):
    di = _dinv(d0_ref[...], d1_ref[...])
    s = jnp.concatenate(
        [al_ref[...] + hl_ref[...], ar_ref[...] + hr_ref[...]], axis=1)
    z = jnp.maximum(s * di + b_ref[0:1, :], 0.0)
    o = jnp.dot(z, w_ref[...], preferred_element_type=jnp.float32) * di
    o_ref[...] = jnp.concatenate([o, jnp.zeros((BM, 64), jnp.float32)], axis=1)


_b3 = pl.pallas_call(
    _b3_body,
    grid=(GRID,),
    in_specs=[
        pl.BlockSpec((BM, 128), lambda i: (i, 0)),
        pl.BlockSpec((BM, 128), lambda i: (i, 0)),
        pl.BlockSpec((BM, 128), lambda i: (i, 0)),
        pl.BlockSpec((BM, 128), lambda i: (i, 0)),
        pl.BlockSpec((BM, 128), lambda i: (i, 0)),
        pl.BlockSpec((BM, 128), lambda i: (i, 0)),
        pl.BlockSpec((8, 256), lambda i: (0, 0)),
        pl.BlockSpec((256, 64), lambda i: (0, 0)),
    ],
    out_specs=pl.BlockSpec((BM, 128), lambda i: (i, 0)),
    out_shape=jax.ShapeDtypeStruct((NPAD, 128), jnp.float32),
)


def _b4_body(a0_ref, a1_ref, h_ref, d0_ref, d1_ref, b_ref, o_ref):
    di = _dinv(d0_ref[...], d1_ref[...])
    s = a0_ref[...] + a1_ref[...] + h_ref[...]
    o_ref[...] = s[:, :64] * di + b_ref[0:1, :]


_b4 = pl.pallas_call(
    _b4_body,
    grid=(GRID,),
    in_specs=[
        pl.BlockSpec((BM, 128), lambda i: (i, 0)),
        pl.BlockSpec((BM, 128), lambda i: (i, 0)),
        pl.BlockSpec((BM, 128), lambda i: (i, 0)),
        pl.BlockSpec((BM, 128), lambda i: (i, 0)),
        pl.BlockSpec((BM, 128), lambda i: (i, 0)),
        pl.BlockSpec((8, 64), lambda i: (0, 0)),
    ],
    out_specs=pl.BlockSpec((BM, 64), lambda i: (i, 0)),
    out_shape=jax.ShapeDtypeStruct((NPAD, 64), jnp.float32),
)


def kernel(x, edge_index, W1, b1, W2, b2, W3, b3):
    src = edge_index[0].astype(jnp.int32)
    dst = edge_index[1].astype(jnp.int32)
    xp = jnp.pad(x, ((0, NPAD - N), (0, 0)))
    z128 = jnp.zeros((NPAD, 128), jnp.float32)
    ones = jnp.ones((K3, 128), jnp.float32)
    b1t = jnp.tile(b1[None, :], (8, 1))
    b2t = jnp.tile(b2[None, :], (8, 1))
    b3t = jnp.tile(b3[None, :], (8, 1))

    d0, d1 = _deg(dst, z128, ones)
    h1l, h1r = _b1(xp, W1, d0, d1)
    a1l, a1r = _agg(h1l, h1r, src, dst, z128)
    h2l, h2r = _b2(a1l, a1r, h1l, h1r, d0, d1, b1t, W2)
    a2l, a2r = _agg(h2l, h2r, src, dst, z128)
    h3 = _b3(a2l, a2r, h2l, h2r, d0, d1, b2t, W3)
    a30, a31 = _agg3(h3, src, dst, z128)
    out = _b4(a30, a31, h3, d0, d1, b3t)
    return out[:N]

# --- scband reference (transcript-rebuilt; emitter-appended) ---
"""Pipeline reference for scband-gcnnetwork-78357383348303 (READ-ONLY COPY).

The authoritative reference and input builder live on the scoring server;
editing this copy changes nothing except your own understanding.
"""

import jax, jax.numpy as jnp
import numpy as np

N_NODES = 10000
N_EDGES = 160000
D_IN = 256
HIDDEN = 256
N_CLASSES = 64


def setup_inputs(seed: int = 0) -> dict:
    key = jax.random.key(seed)
    k1, k2, k3, k4, k5 = jax.random.split(key, 5)
    x = jax.random.normal(k1, (N_NODES, D_IN), dtype=jnp.float32)
    edge_index = jax.random.randint(k2, (2, N_EDGES), 0, N_NODES, dtype=jnp.int64)
    # GCNConv params: weight [in, out] (glorot-ish), bias [out] (zeros like PyG default init then learned)
    W1 = jax.random.normal(k3, (D_IN, HIDDEN), dtype=jnp.float32) * (1.0 / np.sqrt(D_IN))
    b1 = jnp.zeros((HIDDEN,), dtype=jnp.float32)
    W2 = jax.random.normal(k4, (HIDDEN, HIDDEN), dtype=jnp.float32) * (1.0 / np.sqrt(HIDDEN))
    b2 = jnp.zeros((HIDDEN,), dtype=jnp.float32)
    W3 = jax.random.normal(k5, (HIDDEN, N_CLASSES), dtype=jnp.float32) * (1.0 / np.sqrt(HIDDEN))
    b3 = jnp.zeros((N_CLASSES,), dtype=jnp.float32)
    return {"x": x, "edge_index": edge_index, "W1": W1, "b1": b1, "W2": W2, "b2": b2, "W3": W3, "b3": b3}


def _gcn_conv(x, src, dst, norm, W, b, num_nodes):
    # h = X W ; aggregate normalized messages along edges (incl. self loops); add bias
    h = x @ W
    msg = h[src] * norm[:, None]
    out = jnp.zeros((num_nodes, W.shape[1]), dtype=h.dtype).at[dst].add(msg)
    return out + b


def reference(x, edge_index, W1, b1, W2, b2, W3, b3):
    num_nodes = x.shape[0]
    # add self-loops (PyG GCNConv default add_self_loops=True)
    loop = jnp.arange(num_nodes, dtype=edge_index.dtype)
    src = jnp.concatenate([edge_index[0], loop])
    dst = jnp.concatenate([edge_index[1], loop])
    # symmetric normalization D^{-1/2} (A+I) D^{-1/2}; degree computed on dst (in-degree)
    deg = jnp.zeros((num_nodes,), dtype=jnp.float32).at[dst].add(1.0)
    deg_inv_sqrt = jnp.where(deg > 0, 1.0 / jnp.sqrt(deg), 0.0)
    norm = deg_inv_sqrt[src] * deg_inv_sqrt[dst]
    h = _gcn_conv(x, src, dst, norm, W1, b1, num_nodes)
    h = jax.nn.relu(h)
    h = _gcn_conv(h, src, dst, norm, W2, b2, num_nodes)
    h = jax.nn.relu(h)
    out = _gcn_conv(h, src, dst, norm, W3, b3, num_nodes)
    return out

if __name__ == "__main__":
    import jax
    _d = setup_inputs()
    print(jax.jit(kernel)(*tuple(_d.values())))

</pallas_src>

<mosaic_0001>
#map = affine_map<(d0, d1) -> (0)>
#map1 = affine_map<(d0, d1) -> (0, 0)>
module attributes {stable_mosaic.version = 14 : i64} {
  func.func @deg_kernel(%arg0: i32, %arg1: i32, %arg2: memref<160000xi32, #tpu.memory_space<hbm>>, %arg3: memref<10240x128xf32, #tpu.memory_space<hbm>>, %arg4: memref<40x128xf32, #tpu.memory_space<hbm>>, %arg5: memref<10240x128xf32, #tpu.memory_space<hbm>>, %arg6: memref<10240x128xf32, #tpu.memory_space<hbm>>, %arg7: memref<10240x128xf32, #tpu.memory_space<vmem_shared>>, %arg8: memref<40x128xf32, #tpu.memory_space<vmem>>, %arg9: memref<1x40xi32, #tpu.memory_space<vmem>>) attributes {dimension_semantics = [#tpu.dimension_semantics<core_parallel>, #tpu.dimension_semantics<subcore_parallel>], iteration_bounds = array<i64: 2, 16>, scalar_prefetch = 0 : i64, scratch_operands = 3 : i64, tpu.core_type = #tpu.core_type<sc_vector_subcore>, window_params = [{transform_indices = #map}, {transform_indices = #map1}, {transform_indices = #map1}, {transform_indices = #map1}, {transform_indices = #map1}]} {
    %mul3A = arith.constant 640 : i32
    %mul3A_0 = arith.muli %arg1, %mul3A : i32
    %mul3A_1 = arith.constant 640 : i32
    %mul3A_2 = arith.muli %arg1, %mul3A_1 : i32
    "tpu.region"() ({
      %run_scoped3A = tpu.sem_alloc : memref<!tpu.dma_semaphore, #tpu.memory_space<semaphore_mem>>
      %dma_start3A = arith.constant 0 : i32
      %dma_start3A_20 = tpu.memref_slice %arg7[%mul3A_2, %dma_start3A] : memref<10240x128xf32, #tpu.memory_space<vmem_shared>> -> memref<640x128xf32, #tpu.memory_space<vmem_shared>>
      %dma_start3A_21 = arith.constant 0 : i32
      %dma_start3A_22 = tpu.memref_slice %arg3[%mul3A_0, %dma_start3A_21] : memref<10240x128xf32, #tpu.memory_space<hbm>> -> memref<640x128xf32, #tpu.memory_space<hbm>>
      tpu.enqueue_dma source(%dma_start3A_22 : memref<640x128xf32, #tpu.memory_space<hbm>>) target(%dma_start3A_20 : memref<640x128xf32, #tpu.memory_space<vmem_shared>>) target_semaphore(%run_scoped3A : memref<!tpu.dma_semaphore, #tpu.memory_space<semaphore_mem>>)
      %dma_wait3A = arith.constant 0 : i32
      %dma_wait3A_23 = tpu.memref_slice %arg7[%mul3A_2, %dma_wait3A] : memref<10240x128xf32, #tpu.memory_space<vmem_shared>> -> memref<640x128xf32, #tpu.memory_space<vmem_shared>>
      %dma_wait3A_24 = arith.constant 0 : i32
      %dma_wait3A_25 = tpu.memref_slice %arg3[%mul3A_0, %dma_wait3A_24] : memref<10240x128xf32, #tpu.memory_space<hbm>> -> memref<640x128xf32, #tpu.memory_space<hbm>>
      tpu.wait_dma2 semaphore(%run_scoped3A : memref<!tpu.dma_semaphore, #tpu.memory_space<semaphore_mem>>) src(%dma_wait3A_25 : memref<640x128xf32, #tpu.memory_space<hbm>>) dst(%dma_wait3A_23 : memref<640x128xf32, #tpu.memory_space<vmem_shared>>)
      tpu.yield
    }) : () -> ()
    "tpu.region"() ({
      %run_scoped3A = tpu.sem_alloc : memref<!tpu.dma_semaphore, #tpu.memory_space<semaphore_mem>>
      tpu.enqueue_dma source(%arg4 : memref<40x128xf32, #tpu.memory_space<hbm>>) target(%arg8 : memref<40x128xf32, #tpu.memory_space<vmem>>) target_semaphore(%run_scoped3A : memref<!tpu.dma_semaphore, #tpu.memory_space<semaphore_mem>>)
      tpu.wait_dma2 semaphore(%run_scoped3A : memref<!tpu.dma_semaphore, #tpu.memory_space<semaphore_mem>>) src(%arg4 : memref<40x128xf32, #tpu.memory_space<hbm>>) dst(%arg8 : memref<40x128xf32, #tpu.memory_space<vmem>>)
      tpu.yield
    }) : () -> ()
    %barrier3A = arith.constant 0 : index
    tpu.barrier barrier_id(%barrier3A)
    %mul3A_3 = arith.constant 16 : i32
    %mul3A_4 = arith.muli %arg0, %mul3A_3 : i32
    %add3A = arith.addi %mul3A_4, %arg1 : i32
    %mul3A_5 = arith.constant 5000 : i32
    %mul3A_6 = arith.muli %add3A, %mul3A_5 : i32
    %scan3A = arith.constant 0 : i32
    %scan3A_7 = arith.constant 0 : i32
    %scan3A_8 = arith.constant 125 : i32
    %scan3A_9 = arith.addi %scan3A_7, %scan3A_8 : i32
    %scan3A_10 = arith.constant 1 : i32
    scf.for %scan3A_20 = %scan3A_7 to %scan3A_9 step %scan3A_10  : i32 {
      %mul3A_21 = arith.constant 40 : i32
      %mul3A_22 = arith.muli %scan3A_20, %mul3A_21 : i32
      %add3A_23 = arith.addi %mul3A_6, %mul3A_22 : i32
      %run_scoped3A = arith.constant 0 : i32
      "tpu.region"() ({
        %run_scoped3A_25 = tpu.sem_alloc : memref<!tpu.dma_semaphore, #tpu.memory_space<semaphore_mem>>
        %dma_start3A = arith.constant 0 : i32
        %dma_start3A_26 = tpu.memref_slice %arg9[%run_scoped3A, %dma_start3A] : memref<1x40xi32, #tpu.memory_space<vmem>> -> memref<1x40xi32, #tpu.memory_space<vmem>>
        %dma_start3A_27 = tpu.memref_squeeze %dma_start3A_26 : memref<1x40xi32, #tpu.memory_space<vmem>> -> memref<40xi32, #tpu.memory_space<vmem>>
        %dma_start3A_28 = tpu.memref_slice %arg2[%add3A_23] : memref<160000xi32, #tpu.memory_space<hbm>> -> memref<40xi32, #tpu.memory_space<hbm>>
        %dma_start3A_29 = arith.constant 0 : i32
        %dma_start3A_30 = tpu.memref_slice %arg9[%run_scoped3A, %dma_start3A_29] : memref<1x40xi32, #tpu.memory_space<vmem>> -> memref<1x40xi32, #tpu.memory_space<vmem>>
        %dma_start3A_31 = tpu.memref_squeeze %dma_start3A_30 : memref<1x40xi32, #tpu.memory_space<vmem>> -> memref<40xi32, #tpu.memory_space<vmem>>
        %dma_start3A_32 = tpu.memref_slice %arg2[%add3A_23] : memref<160000xi32, #tpu.memory_space<hbm>> -> memref<40xi32, #tpu.memory_space<hbm>>
        tpu.enqueue_dma source(%dma_start3A_32 : memref<40xi32, #tpu.memory_space<hbm>>) target(%dma_start3A_31 : memref<40xi32, #tpu.memory_space<vmem>>) target_semaphore(%run_scoped3A_25 : memref<!tpu.dma_semaphore, #tpu.memory_space<semaphore_mem>>)
        %dma_wait3A = arith.constant 0 : i32
        %dma_wait3A_33 = tpu.memref_slice %arg9[%run_scoped3A, %dma_wait3A] : memref<1x40xi32, #tpu.memory_space<vmem>> -> memref<1x40xi32, #tpu.memory_space<vmem>>
        %dma_wait3A_34 = tpu.memref_squeeze %dma_wait3A_33 : memref<1x40xi32, #tpu.memory_space<vmem>> -> memref<40xi32, #tpu.memory_space<vmem>>
        %dma_wait3A_35 = tpu.memref_slice %arg2[%add3A_23] : memref<160000xi32, #tpu.memory_space<hbm>> -> memref<40xi32, #tpu.memory_space<hbm>>
        %dma_wait3A_36 = arith.constant 0 : i32
        %dma_wait3A_37 = tpu.memref_slice %arg9[%run_scoped3A, %dma_wait3A_36] : memref<1x40xi32, #tpu.memory_space<vmem>> -> memref<1x40xi32, #tpu.memory_space<vmem>>
        %dma_wait3A_38 = tpu.memref_squeeze %dma_wait3A_37 : memref<1x40xi32, #tpu.memory_space<vmem>> -> memref<40xi32, #tpu.memory_space<vmem>>
        %dma_wait3A_39 = tpu.memref_slice %arg2[%add3A_23] : memref<160000xi32, #tpu.memory_space<hbm>> -> memref<40xi32, #tpu.memory_space<hbm>>
        tpu.wait_dma2 semaphore(%run_scoped3A_25 : memref<!tpu.dma_semaphore, #tpu.memory_space<semaphore_mem>>) src(%dma_wait3A_39 : memref<40xi32, #tpu.memory_space<hbm>>) dst(%dma_wait3A_38 : memref<40xi32, #tpu.memory_space<vmem>>)
        tpu.yield
      }) : () -> ()
      %run_scoped3A_24 = arith.constant 0 : i32
      "tpu.region"() ({
        %run_scoped3A_25 = tpu.sem_alloc : memref<!tpu.dma_semaphore, #tpu.memory_space<semaphore_mem>>
        %dma_start3A = arith.constant 0 : i32
        %dma_start3A_26 = tpu.memref_slice %arg9[%run_scoped3A_24, %dma_start3A] : memref<1x40xi32, #tpu.memory_space<vmem>> -> memref<1x40xi32, #tpu.memory_space<vmem>>
        %dma_start3A_27 = tpu.memref_squeeze %dma_start3A_26 : memref<1x40xi32, #tpu.memory_space<vmem>> -> memref<40xi32, #tpu.memory_space<vmem>>
        %dma_start3A_28 = arith.constant 0 : i32
        %dma_start3A_29 = arith.constant 0 : i32
        %dma_start3A_30 = tpu.memref_slice %arg7[%dma_start3A_28, %dma_start3A_29] : memref<10240x128xf32, #tpu.memory_space<vmem_shared>> -> memref<10240x128xf32, #tpu.memory_space<vmem_shared>>
        tpu.enqueue_indirect_dma source(%arg8 : memref<40x128xf32, #tpu.memory_space<vmem>>) target(%dma_start3A_30 : memref<10240x128xf32, #tpu.memory_space<vmem_shared>>) offsets(%dma_start3A_27 : memref<40xi32, #tpu.memory_space<vmem>>) semaphore(%run_scoped3A_25 : memref<!tpu.dma_semaphore, #tpu.memory_space<semaphore_mem>>) {add = true}
        %dma_wait3A = arith.constant 0 : i32
        %dma_wait3A_31 = tpu.memref_slice %arg9[%run_scoped3A_24, %dma_wait3A] : memref<1x40xi32, #tpu.memory_space<vmem>> -> memref<1x40xi32, #tpu.memory_space<vmem>>
        %dma_wait3A_32 = tpu.memref_squeeze %dma_wait3A_31 : memref<1x40xi32, #tpu.memory_space<vmem>> -> memref<40xi32, #tpu.memory_space<vmem>>
        %dma_wait3A_33 = arith.constant 0 : i32
        %dma_wait3A_34 = arith.constant 0 : i32
        %dma_wait3A_35 = tpu.memref_slice %arg7[%dma_wait3A_33, %dma_wait3A_34] : memref<10240x128xf32, #tpu.memory_space<vmem_shared>> -> memref<10240x128xf32, #tpu.memory_space<vmem_shared>>
        tpu.wait_indirect_dma semaphore(%run_scoped3A_25 : memref<!tpu.dma_semaphore, #tpu.memory_space<semaphore_mem>>) src(%arg8 : memref<40x128xf32, #tpu.memory_space<vmem>>) dst(%dma_wait3A_35 : memref<10240x128xf32, #tpu.memory_space<vmem_shared>>)
        tpu.yield
      }) : () -> ()
    }
    %scan3A_11 = arith.constant 125 : i32
    %barrier3A_12 = arith.constant 0 : index
    tpu.barrier barrier_id(%barrier3A_12)
    %eq3A = arith.constant 0 : i32
    %eq3A_13 = arith.cmpi eq, %arg0, %eq3A : i32
    %convert_element_type3A = arith.extui %eq3A_13 : i1 to i32
    %cond3A = arith.constant 0 : i32
    %cond3A_14 = arith.cmpi ne, %convert_element_type3A, %cond3A : i32
    scf.if %cond3A_14 {
      %mul3A_20 = arith.constant 640 : i32
      %mul3A_21 = arith.muli %arg1, %mul3A_20 : i32
      %mul3A_22 = arith.constant 640 : i32
      %mul3A_23 = arith.muli %arg1, %mul3A_22 : i32
      "tpu.region"() ({
        %run_scoped3A = tpu.sem_alloc : memref<!tpu.dma_semaphore, #tpu.memory_space<semaphore_mem>>
        %dma_start3A = arith.constant 0 : i32
        %dma_start3A_24 = tpu.memref_slice %arg5[%mul3A_23, %dma_start3A] : memref<10240x128xf32, #tpu.memory_space<hbm>> -> memref<640x128xf32, #tpu.memory_space<hbm>>
        %dma_start3A_25 = arith.constant 0 : i32
        %dma_start3A_26 = tpu.memref_slice %arg7[%mul3A_21, %dma_start3A_25] : memref<10240x128xf32, #tpu.memory_space<vmem_shared>> -> memref<640x128xf32, #tpu.memory_space<vmem_shared>>
        tpu.enqueue_dma source(%dma_start3A_26 : memref<640x128xf32, #tpu.memory_space<vmem_shared>>) target(%dma_start3A_24 : memref<640x128xf32, #tpu.memory_space<hbm>>) target_semaphore(%run_scoped3A : memref<!tpu.dma_semaphore, #tpu.memory_space<semaphore_mem>>)
        %dma_wait3A = arith.constant 0 : i32
        %dma_wait3A_27 = tpu.memref_slice %arg5[%mul3A_23, %dma_wait3A] : memref<10240x128xf32, #tpu.memory_space<hbm>> -> memref<640x128xf32, #tpu.memory_space<hbm>>
        %dma_wait3A_28 = arith.constant 0 : i32
        %dma_wait3A_29 = tpu.memref_slice %arg7[%mul3A_21, %dma_wait3A_28] : memref<10240x128xf32, #tpu.memory_space<vmem_shared>> -> memref<640x128xf32, #tpu.memory_space<vmem_shared>>
        tpu.wait_dma2 semaphore(%run_scoped3A : memref<!tpu.dma_semaphore, #tpu.memory_space<semaphore_mem>>) src(%dma_wait3A_29 : memref<640x128xf32, #tpu.memory_space<vmem_shared>>) dst(%dma_wait3A_27 : memref<640x128xf32, #tpu.memory_space<hbm>>)
        tpu.yield
      }) : () -> ()
    } else {
    }
    %eq3A_15 = arith.constant 1 : i32
    %eq3A_16 = arith.cmpi eq, %arg0, %eq3A_15 : i32
    %convert_element_type3A_17 = arith.extui %eq3A_16 : i1 to i32
    %cond3A_18 = arith.constant 0 : i32
    %cond3A_19 = arith.cmpi ne, %convert_element_type3A_17, %cond3A_18 : i32
    scf.if %cond3A_19 {
      %mul3A_20 = arith.constant 640 : i32
      %mul3A_21 = arith.muli %arg1, %mul3A_20 : i32
      %mul3A_22 = arith.constant 640 : i32
      %mul3A_23 = arith.muli %arg1, %mul3A_22 : i32
      "tpu.region"() ({
        %run_scoped3A = tpu.sem_alloc : memref<!tpu.dma_semaphore, #tpu.memory_space<semaphore_mem>>
        %dma_start3A = arith.constant 0 : i32
        %dma_start3A_24 = tpu.memref_slice %arg6[%mul3A_23, %dma_start3A] : memref<10240x128xf32, #tpu.memory_space<hbm>> -> memref<640x128xf32, #tpu.memory_space<hbm>>
        %dma_start3A_25 = arith.constant 0 : i32
        %dma_start3A_26 = tpu.memref_slice %arg7[%mul3A_21, %dma_start3A_25] : memref<10240x128xf32, #tpu.memory_space<vmem_shared>> -> memref<640x128xf32, #tpu.memory_space<vmem_shared>>
        tpu.enqueue_dma source(%dma_start3A_26 : memref<640x128xf32, #tpu.memory_space<vmem_shared>>) target(%dma_start3A_24 : memref<640x128xf32, #tpu.memory_space<hbm>>) target_semaphore(%run_scoped3A : memref<!tpu.dma_semaphore, #tpu.memory_space<semaphore_mem>>)
        %dma_wait3A = arith.constant 0 : i32
        %dma_wait3A_27 = tpu.memref_slice %arg6[%mul3A_23, %dma_wait3A] : memref<10240x128xf32, #tpu.memory_space<hbm>> -> memref<640x128xf32, #tpu.memory_space<hbm>>
        %dma_wait3A_28 = arith.constant 0 : i32
        %dma_wait3A_29 = tpu.memref_slice %arg7[%mul3A_21, %dma_wait3A_28] : memref<10240x128xf32, #tpu.memory_space<vmem_shared>> -> memref<640x128xf32, #tpu.memory_space<vmem_shared>>
        tpu.wait_dma2 semaphore(%run_scoped3A : memref<!tpu.dma_semaphore, #tpu.memory_space<semaphore_mem>>) src(%dma_wait3A_29 : memref<640x128xf32, #tpu.memory_space<vmem_shared>>) dst(%dma_wait3A_27 : memref<640x128xf32, #tpu.memory_space<hbm>>)
        tpu.yield
      }) : () -> ()
    } else {
    }
    return
  }
}

#map = affine_map<(d0, d1) -> (0, 0)>
#map1 = affine_map<(d0, d1) -> (0)>
module attributes {stable_mosaic.version = 14 : i64} {
  func.func @agg3_kernel(%arg0: i32, %arg1: i32, %arg2: memref<10240x128xf32, #tpu.memory_space<hbm>>, %arg3: memref<160000xi32, #tpu.memory_space<hbm>>, %arg4: memref<160000xi32, #tpu.memory_space<hbm>>, %arg5: memref<10240x128xf32, #tpu.memory_space<hbm>>, %arg6: memref<10240x128xf32, #tpu.memory_space<hbm>>, %arg7: memref<10240x128xf32, #tpu.memory_space<hbm>>, %arg8: memref<10240x128xf32, #tpu.memory_space<vmem_shared>>, %arg9: memref<5000xi32, #tpu.memory_space<vmem>>, %arg10: memref<5x40xi32, #tpu.memory_space<vmem>>, %arg11: memref<5x40x128xf32, #tpu.memory_space<vmem>>, %arg12: memref<!tpu.dma_semaphore, #tpu.memory_space<semaphore_mem>>, %arg13: memref<!tpu.dma_semaphore, #tpu.memory_space<semaphore_mem>>, %arg14: memref<!tpu.dma_semaphore, #tpu.memory_space<semaphore_mem>>, %arg15: memref<!tpu.dma_semaphore, #tpu.memory_space<semaphore_mem>>, %arg16: memref<!tpu.dma_semaphore, #tpu.memory_space<semaphore_mem>>, %arg17: memref<!tpu.dma_semaphore, #tpu.memory_space<semaphore_mem>>, %arg18: memref<!tpu.dma_semaphore, #tpu.memory_space<semaphore_mem>>, %arg19: memref<!tpu.dma_semaphore, #tpu.memory_space<semaphore_mem>>, %arg20: memref<!tpu.dma_semaphore, #tpu.memory_space<semaphore_mem>>, %arg21: memref<!tpu.dma_semaphore, #tpu.memory_space<semaphore_mem>>, %arg22: memref<!tpu.dma_semaphore, #tpu.memory_space<semaphore_mem>>, %arg23: memref<!tpu.dma_semaphore, #tpu.memory_space<semaphore_mem>>, %arg24: memref<!tpu.dma_semaphore, #tpu.memory_space<semaphore_mem>>, %arg25: memref<!tpu.dma_semaphore, #tpu.memory_space<semaphore_mem>>, %arg26: memref<!tpu.dma_semaphore, #tpu.memory_space<semaphore_mem>>) attributes {dimension_semantics = [#tpu.dimension_semantics<core_parallel>, #tpu.dimension_semantics<subcore_parallel>], iteration_bounds = array<i64: 2, 16>, scalar_prefetch = 0 : i64, scratch_operands = 19 : i64, tpu.core_type = #tpu.core_type<sc_vector_subcore>, window_params = [{transform_indices = #map}, {transform_indices = #map1}, {transform_indices = #map1}, {transform_indices = #map}, {transform_indices = #map}, {transform_indices = #map}]} {
    %mul3A = arith.constant 16 : i32
    %mul3A_0 = arith.muli %arg0, %mul3A : i32
    %add3A = arith.addi %mul3A_0, %arg1 : i32
    %mul3A_1 = arith.constant 5000 : i32
    %mul3A_2 = arith.muli %add3A, %mul3A_1 : i32
    "tpu.region"() ({
      %run_scoped3A = tpu.sem_alloc : memref<!tpu.dma_semaphore, #tpu.memory_space<semaphore_mem>>
      %dma_start3A_185 = tpu.memref_slice %arg3[%mul3A_2] : memref<160000xi32, #tpu.memory_space<hbm>> -> memref<5000xi32, #tpu.memory_space<hbm>>
      %dma_start3A_186 = tpu.memref_slice %arg3[%mul3A_2] : memref<160000xi32, #tpu.memory_space<hbm>> -> memref<5000xi32, #tpu.memory_space<hbm>>
      tpu.enqueue_dma source(%dma_start3A_186 : memref<5000xi32, #tpu.memory_space<hbm>>) target(%arg9 : memref<5000xi32, #tpu.memory_space<vmem>>) target_semaphore(%run_scoped3A : memref<!tpu.dma_semaphore, #tpu.memory_space<semaphore_mem>>)
      %dma_wait3A_187 = tpu.memref_slice %arg3[%mul3A_2] : memref<160000xi32, #tpu.memory_space<hbm>> -> memref<5000xi32, #tpu.memory_space<hbm>>
      %dma_wait3A_188 = tpu.memref_slice %arg3[%mul3A_2] : memref<160000xi32, #tpu.memory_space<hbm>> -> memref<5000xi32, #tpu.memory_space<hbm>>
      tpu.wait_dma2 semaphore(%run_scoped3A : memref<!tpu.dma_semaphore, #tpu.memory_space<semaphore_mem>>) src(%dma_wait3A_188 : memref<5000xi32, #tpu.memory_space<hbm>>) dst(%arg9 : memref<5000xi32, #tpu.memory_space<vmem>>)
      tpu.yield
    }) : () -> ()
    %mul3A_3 = arith.constant 640 : i32
    %mul3A_4 = arith.muli %arg1, %mul3A_3 : i32
    %mul3A_5 = arith.constant 640 : i32
    %mul3A_6 = arith.muli %arg1, %mul3A_5 : i32
    "tpu.region"() ({
      %run_scoped3A = tpu.sem_alloc : memref<!tpu.dma_semaphore, #tpu.memory_space<semaphore_mem>>
      %dma_start3A_185 = arith.constant 0 : i32
      %dma_start3A_186 = tpu.memref_slice %arg8[%mul3A_6, %dma_start3A_185] : memref<10240x128xf32, #tpu.memory_space<vmem_shared>> -> memref<640x128xf32, #tpu.memory_space<vmem_shared>>
      %dma_start3A_187 = arith.constant 0 : i32
      %dma_start3A_188 = tpu.memref_slice %arg5[%mul3A_4, %dma_start3A_187] : memref<10240x128xf32, #tpu.memory_space<hbm>> -> memref<640x128xf32, #tpu.memory_space<hbm>>
      tpu.enqueue_dma source(%dma_start3A_188 : memref<640x128xf32, #tpu.memory_space<hbm>>) target(%dma_start3A_186 : memref<640x128xf32, #tpu.memory_space<vmem_shared>>) target_semaphore(%run_scoped3A : memref<!tpu.dma_semaphore, #tpu.memory_space<semaphore_mem>>)
      %dma_wait3A_189 = arith.constant 0 : i32
      %dma_wait3A_190 = tpu.memref_slice %arg8[%mul3A_6, %dma_wait3A_189] : memref<10240x128xf32, #tpu.memory_space<vmem_shared>> -> memref<640x128xf32, #tpu.memory_space<vmem_shared>>
      %dma_wait3A_191 = arith.constant 0 : i32
      %dma_wait3A_192 = tpu.memref_slice %arg5[%mul3A_4, %dma_wait3A_191] : memref<10240x128xf32, #tpu.memory_space<hbm>> -> memref<640x128xf32, #tpu.memory_space<hbm>>
      tpu.wait_dma2 semaphore(%run_scoped3A : memref<!tpu.dma_semaphore, #tpu.memory_space<semaphore_mem>>) src(%dma_wait3A_192 : memref<640x128xf32, #tpu.memory_space<hbm>>) dst(%dma_wait3A_190 : memref<640x128xf32, #tpu.memory_space<vmem_shared>>)
      tpu.yield
    }) : () -> ()
    %barrier3A = arith.constant 0 : index
    tpu.barrier barrier_id(%barrier3A)
    %mul3A_7 = arith.constant 5000 : i32
    %mul3A_8 = arith.muli %add3A, %mul3A_7 : i32
    %dma_start3A = arith.constant 0 : i32
    %dma_start3A_9 = arith.constant 0 : i32
    %dma_start3A_10 = arith.constant 0 : i32
    %dma_start3A_11 = tpu.memref_slice %arg11[%dma_start3A, %dma_start3A_9, %dma_start3A_10] : memref<5x40x128xf32, #tpu.memory_space<vmem>> -> memref<1x40x128xf32, #tpu.memory_space<vmem>>
    %dma_start3A_12 = tpu.memref_squeeze %dma_start3A_11 : memref<1x40x128xf32, #tpu.memory_space<vmem>> -> memref<40x128xf32, #tpu.memory_space<vmem>>
    %dma_start3A_13 = arith.constant 0 : i32
    %dma_start3A_14 = tpu.memref_slice %arg9[%dma_start3A_13] : memref<5000xi32, #tpu.memory_space<vmem>> -> memref<40xi32, #tpu.memory_space<vmem>>
    %dma_start3A_15 = arith.constant 0 : i32
    %dma_start3A_16 = arith.constant 0 : i32
    %dma_start3A_17 = tpu.memref_slice %arg2[%dma_start3A_15, %dma_start3A_16] : memref<10240x128xf32, #tpu.memory_space<hbm>> -> memref<10240x128xf32, #tpu.memory_space<hbm>>
    tpu.enqueue_indirect_dma source(%dma_start3A_17 : memref<10240x128xf32, #tpu.memory_space<hbm>>) target(%dma_start3A_12 : memref<40x128xf32, #tpu.memory_space<vmem>>) offsets(%dma_start3A_14 : memref<40xi32, #tpu.memory_space<vmem>>) semaphore(%arg12 : memref<!tpu.dma_semaphore, #tpu.memory_space<semaphore_mem>>)
    %add3A_18 = arith.constant 0 : i32
    %add3A_19 = arith.addi %mul3A_8, %add3A_18 : i32
    %dma_start3A_20 = arith.constant 0 : i32
    %dma_start3A_21 = arith.constant 0 : i32
    %dma_start3A_22 = tpu.memref_slice %arg10[%dma_start3A_20, %dma_start3A_21] : memref<5x40xi32, #tpu.memory_space<vmem>> -> memref<1x40xi32, #tpu.memory_space<vmem>>
    %dma_start3A_23 = tpu.memref_squeeze %dma_start3A_22 : memref<1x40xi32, #tpu.memory_space<vmem>> -> memref<40xi32, #tpu.memory_space<vmem>>
    %dma_start3A_24 = tpu.memref_slice %arg4[%add3A_19] : memref<160000xi32, #tpu.memory_space<hbm>> -> memref<40xi32, #tpu.memory_space<hbm>>
    %dma_start3A_25 = arith.constant 0 : i32
    %dma_start3A_26 = tpu.memref_slice %arg10[%dma_start3A_20, %dma_start3A_25] : memref<5x40xi32, #tpu.memory_space<vmem>> -> memref<1x40xi32, #tpu.memory_space<vmem>>
    %dma_start3A_27 = tpu.memref_squeeze %dma_start3A_26 : memref<1x40xi32, #tpu.memory_space<vmem>> -> memref<40xi32, #tpu.memory_space<vmem>>
    %dma_start3A_28 = tpu.memref_slice %arg4[%add3A_19] : memref<160000xi32, #tpu.memory_space<hbm>> -> memref<40xi32, #tpu.memory_space<hbm>>
    tpu.enqueue_dma source(%dma_start3A_28 : memref<40xi32, #tpu.memory_space<hbm>>) target(%dma_start3A_27 : memref<40xi32, #tpu.memory_space<vmem>>) target_semaphore(%arg17 : memref<!tpu.dma_semaphore, #tpu.memory_space<semaphore_mem>>)
    %dma_start3A_29 = arith.constant 1 : i32
    %dma_start3A_30 = arith.constant 0 : i32
    %dma_start3A_31 = arith.constant 0 : i32
    %dma_start3A_32 = tpu.memref_slice %arg11[%dma_start3A_29, %dma_start3A_30, %dma_start3A_31] : memref<5x40x128xf32, #tpu.memory_space<vmem>> -> memref<1x40x128xf32, #tpu.memory_space<vmem>>
    %dma_start3A_33 = tpu.memref_squeeze %dma_start3A_32 : memref<1x40x128xf32, #tpu.memory_space<vmem>> -> memref<40x128xf32, #tpu.memory_space<vmem>>
    %dma_start3A_34 = arith.constant 40 : i32
    %dma_start3A_35 = tpu.memref_slice %arg9[%dma_start3A_34] : memref<5000xi32, #tpu.memory_space<vmem>> -> memref<40xi32, #tpu.memory_space<vmem>>
    %dma_start3A_36 = arith.constant 0 : i32
    %dma_start3A_37 = arith.constant 0 : i32
    %dma_start3A_38 = tpu.memref_slice %arg2[%dma_start3A_36, %dma_start3A_37] : memref<10240x128xf32, #tpu.memory_space<hbm>> -> memref<10240x128xf32, #tpu.memory_space<hbm>>
    tpu.enqueue_indirect_dma source(%dma_start3A_38 : memref<10240x128xf32, #tpu.memory_space<hbm>>) target(%dma_start3A_33 : memref<40x128xf32, #tpu.memory_space<vmem>>) offsets(%dma_start3A_35 : memref<40xi32, #tpu.memory_space<vmem>>) semaphore(%arg13 : memref<!tpu.dma_semaphore, #tpu.memory_space<semaphore_mem>>)
    %add3A_39 = arith.constant 40 : i32
    %add3A_40 = arith.addi %mul3A_8, %add3A_39 : i32
    %dma_start3A_41 = arith.constant 1 : i32
    %dma_start3A_42 = arith.constant 0 : i32
    %dma_start3A_43 = tpu.memref_slice %arg10[%dma_start3A_41, %dma_start3A_42] : memref<5x40xi32, #tpu.memory_space<vmem>> -> memref<1x40xi32, #tpu.memory_space<vmem>>
    %dma_start3A_44 = tpu.memref_squeeze %dma_start3A_43 : memref<1x40xi32, #tpu.memory_space<vmem>> -> memref<40xi32, #tpu.memory_space<vmem>>
    %dma_start3A_45 = tpu.memref_slice %arg4[%add3A_40] : memref<160000xi32, #tpu.memory_space<hbm>> -> memref<40xi32, #tpu.memory_space<hbm>>
    %dma_start3A_46 = arith.constant 0 : i32
    %dma_start3A_47 = tpu.memref_slice %arg10[%dma_start3A_41, %dma_start3A_46] : memref<5x40xi32, #tpu.memory_space<vmem>> -> memref<1x40xi32, #tpu.memory_space<vmem>>
    %dma_start3A_48 = tpu.memref_squeeze %dma_start3A_47 : memref<1x40xi32, #tpu.memory_space<vmem>> -> memref<40xi32, #tpu.memory_space<vmem>>
    %dma_start3A_49 = tpu.memref_slice %arg4[%add3A_40] : memref<160000xi32, #tpu.memory_space<hbm>> -> memref<40xi32, #tpu.memory_space<hbm>>
    tpu.enqueue_dma source(%dma_start3A_49 : memref<40xi32, #tpu.memory_space<hbm>>) target(%dma_start3A_48 : memref<40xi32, #tpu.memory_space<vmem>>) target_semaphore(%arg18 : memref<!tpu.dma_semaphore, #tpu.memory_space<semaphore_mem>>)
    %dma_start3A_50 = arith.constant 2 : i32
    %dma_start3A_51 = arith.constant 0 : i32
    %dma_start3A_52 = arith.constant 0 : i32
    %dma_start3A_53 = tpu.memref_slice %arg11[%dma_start3A_50, %dma_start3A_51, %dma_start3A_52] : memref<5x40x128xf32, #tpu.memory_space<vmem>> -> memref<1x40x128xf32, #tpu.memory_space<vmem>>
    %dma_start3A_54 = tpu.memref_squeeze %dma_start3A_53 : memref<1x40x128xf32, #tpu.memory_space<vmem>> -> memref<40x128xf32, #tpu.memory_space<vmem>>
    %dma_start3A_55 = arith.constant 80 : i32
    %dma_start3A_56 = tpu.memref_slice %arg9[%dma_start3A_55] : memref<5000xi32, #tpu.memory_space<vmem>> -> memref<40xi32, #tpu.memory_space<vmem>>
    %dma_start3A_57 = arith.constant 0 : i32
    %dma_start3A_58 = arith.constant 0 : i32
    %dma_start3A_59 = tpu.memref_slice %arg2[%dma_start3A_57, %dma_start3A_58] : memref<10240x128xf32, #tpu.memory_space<hbm>> -> memref<10240x128xf32, #tpu.memory_space<hbm>>
    tpu.enqueue_indirect_dma source(%dma_start3A_59 : memref<10240x128xf32, #tpu.memory_space<hbm>>) target(%dma_start3A_54 : memref<40x128xf32, #tpu.memory_space<vmem>>) offsets(%dma_start3A_56 : memref<40xi32, #tpu.memory_space<vmem>>) semaphore(%arg14 : memref<!tpu.dma_semaphore, #tpu.memory_space<semaphore_mem>>)
    %add3A_60 = arith.constant 80 : i32
    %add3A_61 = arith.addi %mul3A_8, %add3A_60 : i32
    %dma_start3A_62 = arith.constant 2 : i32
    %dma_start3A_63 = arith.constant 0 : i32
    %dma_start3A_64 = tpu.memref_slice %arg10[%dma_start3A_62, %dma_start3A_63] : memref<5x40xi32, #tpu.memory_space<vmem>> -> memref<1x40xi32, #tpu.memory_space<vmem>>
    %dma_start3A_65 = tpu.memref_squeeze %dma_start3A_64 : memref<1x40xi32, #tpu.memory_space<vmem>> -> memref<40xi32, #tpu.memory_space<vmem>>
    %dma_start3A_66 = tpu.memref_slice %arg4[%add3A_61] : memref<160000xi32, #tpu.memory_space<hbm>> -> memref<40xi32, #tpu.memory_space<hbm>>
    %dma_start3A_67 = arith.constant 0 : i32
    %dma_start3A_68 = tpu.memref_slice %arg10[%dma_start3A_62, %dma_start3A_67] : memref<5x40xi32, #tpu.memory_space<vmem>> -> memref<1x40xi32, #tpu.memory_space<vmem>>
    %dma_start3A_69 = tpu.memref_squeeze %dma_start3A_68 : memref<1x40xi32, #tpu.memory_space<vmem>> -> memref<40xi32, #tpu.memory_space<vmem>>
    %dma_start3A_70 = tpu.memref_slice %arg4[%add3A_61] : memref<160000xi32, #tpu.memory_space<hbm>> -> memref<40xi32, #tpu.memory_space<hbm>>
    tpu.enqueue_dma source(%dma_start3A_70 : memref<40xi32, #tpu.memory_space<hbm>>) target(%dma_start3A_69 : memref<40xi32, #tpu.memory_space<vmem>>) target_semaphore(%arg19 : memref<!tpu.dma_semaphore, #tpu.memory_space<semaphore_mem>>)
    %dma_start3A_71 = arith.constant 3 : i32
    %dma_start3A_72 = arith.constant 0 : i32
    %dma_start3A_73 = arith.constant 0 : i32
    %dma_start3A_74 = tpu.memref_slice %arg11[%dma_start3A_71, %dma_start3A_72, %dma_start3A_73] : memref<5x40x128xf32, #tpu.memory_space<vmem>> -> memref<1x40x128xf32, #tpu.memory_space<vmem>>
    %dma_start3A_75 = tpu.memref_squeeze %dma_start3A_74 : memref<1x40x128xf32, #tpu.memory_space<vmem>> -> memref<40x128xf32, #tpu.memory_space<vmem>>
    %dma_start3A_76 = arith.constant 120 : i32
    %dma_start3A_77 = tpu.memref_slice %arg9[%dma_start3A_76] : memref<5000xi32, #tpu.memory_space<vmem>> -> memref<40xi32, #tpu.memory_space<vmem>>
    %dma_start3A_78 = arith.constant 0 : i32
    %dma_start3A_79 = arith.constant 0 : i32
    %dma_start3A_80 = tpu.memref_slice %arg2[%dma_start3A_78, %dma_start3A_79] : memref<10240x128xf32, #tpu.memory_space<hbm>> -> memref<10240x128xf32, #tpu.memory_space<hbm>>
    tpu.enqueue_indirect_dma source(%dma_start3A_80 : memref<10240x128xf32, #tpu.memory_space<hbm>>) target(%dma_start3A_75 : memref<40x128xf32, #tpu.memory_space<vmem>>) offsets(%dma_start3A_77 : memref<40xi32, #tpu.memory_space<vmem>>) semaphore(%arg15 : memref<!tpu.dma_semaphore, #tpu.memory_space<semaphore_mem>>)
    %add3A_81 = arith.constant 120 : i32
    %add3A_82 = arith.addi %mul3A_8, %add3A_81 : i32
    %dma_start3A_83 = arith.constant 3 : i32
    %dma_start3A_84 = arith.constant 0 : i32
    %dma_start3A_85 = tpu.memref_slice %arg10[%dma_start3A_83, %dma_start3A_84] : memref<5x40xi32, #tpu.memory_space<vmem>> -> memref<1x40xi32, #tpu.memory_space<vmem>>
    %dma_start3A_86 = tpu.memref_squeeze %dma_start3A_85 : memref<1x40xi32, #tpu.memory_space<vmem>> -> memref<40xi32, #tpu.memory_space<vmem>>
    %dma_start3A_87 = tpu.memref_slice %arg4[%add3A_82] : memref<160000xi32, #tpu.memory_space<hbm>> -> memref<40xi32, #tpu.memory_space<hbm>>
    %dma_start3A_88 = arith.constant 0 : i32
    %dma_start3A_89 = tpu.memref_slice %arg10[%dma_start3A_83, %dma_start3A_88] : memref<5x40xi32, #tpu.memory_space<vmem>> -> memref<1x40xi32, #tpu.memory_space<vmem>>
    %dma_start3A_90 = tpu.memref_squeeze %dma_start3A_89 : memref<1x40xi32, #tpu.memory_space<vmem>> -> memref<40xi32, #tpu.memory_space<vmem>>
    %dma_start3A_91 = tpu.memref_slice %arg4[%add3A_82] : memref<160000xi32, #tpu.memory_space<hbm>> -> memref<40xi32, #tpu.memory_space<hbm>>
    tpu.enqueue_dma source(%dma_start3A_91 : memref<40xi32, #tpu.memory_space<hbm>>) target(%dma_start3A_90 : memref<40xi32, #tpu.memory_space<vmem>>) target_semaphore(%arg20 : memref<!tpu.dma_semaphore, #tpu.memory_space<semaphore_mem>>)
    %dma_start3A_92 = arith.constant 4 : i32
    %dma_start3A_93 = arith.constant 0 : i32
    %dma_start3A_94 = arith.constant 0 : i32
    %dma_start3A_95 = tpu.memref_slice %arg11[%dma_start3A_92, %dma_start3A_93, %dma_start3A_94] : memref<5x40x128xf32, #tpu.memory_space<vmem>> -> memref<1x40x128xf32, #tpu.memory_space<vmem>>
    %dma_start3A_96 = tpu.memref_squeeze %dma_start3A_95 : memref<1x40x128xf32, #tpu.memory_space<vmem>> -> memref<40x128xf32, #tpu.memory_space<vmem>>
    %dma_start3A_97 = arith.constant 160 : i32
    %dma_start3A_98 = tpu.memref_slice %arg9[%dma_start3A_97] : memref<5000xi32, #tpu.memory_space<vmem>> -> memref<40xi32, #tpu.memory_space<vmem>>
    %dma_start3A_99 = arith.constant 0 : i32
    %dma_start3A_100 = arith.constant 0 : i32
    %dma_start3A_101 = tpu.memref_slice %arg2[%dma_start3A_99, %dma_start3A_100] : memref<10240x128xf32, #tpu.memory_space<hbm>> -> memref<10240x128xf32, #tpu.memory_space<hbm>>
    tpu.enqueue_indirect_dma source(%dma_start3A_101 : memref<10240x128xf32, #tpu.memory_space<hbm>>) target(%dma_start3A_96 : memref<40x128xf32, #tpu.memory_space<vmem>>) offsets(%dma_start3A_98 : memref<40xi32, #tpu.memory_space<vmem>>) semaphore(%arg16 : memref<!tpu.dma_semaphore, #tpu.memory_space<semaphore_mem>>)
    %add3A_102 = arith.constant 160 : i32
    %add3A_103 = arith.addi %mul3A_8, %add3A_102 : i32
    %dma_start3A_104 = arith.constant 4 : i32
    %dma_start3A_105 = arith.constant 0 : i32
    %dma_start3A_106 = tpu.memref_slice %arg10[%dma_start3A_104, %dma_start3A_105] : memref<5x40xi32, #tpu.memory_space<vmem>> -> memref<1x40xi32, #tpu.memory_space<vmem>>
    %dma_start3A_107 = tpu.memref_squeeze %dma_start3A_106 : memref<1x40xi32, #tpu.memory_space<vmem>> -> memref<40xi32, #tpu.memory_space<vmem>>
    %dma_start3A_108 = tpu.memref_slice %arg4[%add3A_103] : memref<160000xi32, #tpu.memory_space<hbm>> -> memref<40xi32, #tpu.memory_space<hbm>>
    %dma_start3A_109 = arith.constant 0 : i32
    %dma_start3A_110 = tpu.memref_slice %arg10[%dma_start3A_104, %dma_start3A_109] : memref<5x40xi32, #tpu.memory_space<vmem>> -> memref<1x40xi32, #tpu.memory_space<vmem>>
    %dma_start3A_111 = tpu.memref_squeeze %dma_start3A_110 : memref<1x40xi32, #tpu.memory_space<vmem>> -> memref<40xi32, #tpu.memory_space<vmem>>
    %dma_start3A_112 = tpu.memref_slice %arg4[%add3A_103] : memref<160000xi32, #tpu.memory_space<hbm>> -> memref<40xi32, #tpu.memory_space<hbm>>
    tpu.enqueue_dma source(%dma_start3A_112 : memref<40xi32, #tpu.memory_space<hbm>>) target(%dma_start3A_111 : memref<40xi32, #tpu.memory_space<vmem>>) target_semaphore(%arg21 : memref<!tpu.dma_semaphore, #tpu.memory_space<semaphore_mem>>)
    %scan3A = arith.constant 0 : i32
    %scan3A_113 = arith.constant 0 : i32
    %scan3A_114 = arith.constant 25 : i32
    %scan3A_115 = arith.addi %scan3A_113, %scan3A_114 : i32
    %scan3A_116 = arith.constant 1 : i32
    scf.for %scan3A_185 = %scan3A_113 to %scan3A_115 step %scan3A_116  : i32 {
      %dma_wait3A_186 = arith.constant 0 : i32
      %dma_wait3A_187 = arith.constant 0 : i32
      %dma_wait3A_188 = arith.constant 0 : i32
      %dma_wait3A_189 = tpu.memref_slice %arg11[%dma_wait3A_186, %dma_wait3A_187, %dma_wait3A_188] : memref<5x40x128xf32, #tpu.memory_space<vmem>> -> memref<1x40x128xf32, #tpu.memory_space<vmem>>
      %dma_wait3A_190 = tpu.memref_squeeze %dma_wait3A_189 : memref<1x40x128xf32, #tpu.memory_space<vmem>> -> memref<40x128xf32, #tpu.memory_space<vmem>>
      %dma_wait3A_191 = arith.constant 0 : i32
      %dma_wait3A_192 = tpu.memref_slice %arg9[%dma_wait3A_191] : memref<5000xi32, #tpu.memory_space<vmem>> -> memref<40xi32, #tpu.memory_space<vmem>>
      %dma_wait3A_193 = arith.constant 0 : i32
      %dma_wait3A_194 = arith.constant 0 : i32
      %dma_wait3A_195 = tpu.memref_slice %arg2[%dma_wait3A_193, %dma_wait3A_194] : memref<10240x128xf32, #tpu.memory_space<hbm>> -> memref<10240x128xf32, #tpu.memory_space<hbm>>
      tpu.wait_indirect_dma semaphore(%arg12 : memref<!tpu.dma_semaphore, #tpu.memory_space<semaphore_mem>>) src(%dma_wait3A_195 : memref<10240x128xf32, #tpu.memory_space<hbm>>) dst(%dma_wait3A_190 : memref<40x128xf32, #tpu.memory_space<vmem>>)
      %dma_wait3A_196 = arith.constant 0 : i32
      %dma_wait3A_197 = arith.constant 0 : i32
      %dma_wait3A_198 = tpu.memref_slice %arg10[%dma_wait3A_196, %dma_wait3A_197] : memref<5x40xi32, #tpu.memory_space<vmem>> -> memref<1x40xi32, #tpu.memory_space<vmem>>
      %dma_wait3A_199 = tpu.memref_squeeze %dma_wait3A_198 : memref<1x40xi32, #tpu.memory_space<vmem>> -> memref<40xi32, #tpu.memory_space<vmem>>
      %dma_wait3A_200 = tpu.memref_slice %arg4[%mul3A_8] : memref<160000xi32, #tpu.memory_space<hbm>> -> memref<40xi32, #tpu.memory_space<hbm>>
      %dma_wait3A_201 = arith.constant 0 : i32
      %dma_wait3A_202 = tpu.memref_slice %arg10[%dma_wait3A_196, %dma_wait3A_201] : memref<5x40xi32, #tpu.memory_space<vmem>> -> memref<1x40xi32, #tpu.memory_space<vmem>>
      %dma_wait3A_203 = tpu.memref_squeeze %dma_wait3A_202 : memref<1x40xi32, #tpu.memory_space<vmem>> -> memref<40xi32, #tpu.memory_space<vmem>>
      %dma_wait3A_204 = tpu.memref_slice %arg4[%mul3A_8] : memref<160000xi32, #tpu.memory_space<hbm>> -> memref<40xi32, #tpu.memory_space<hbm>>
      tpu.wait_dma2 semaphore(%arg17 : memref<!tpu.dma_semaphore, #tpu.memory_space<semaphore_mem>>) src(%dma_wait3A_204 : memref<40xi32, #tpu.memory_space<hbm>>) dst(%dma_wait3A_203 : memref<40xi32, #tpu.memory_space<vmem>>)
      %dma_start3A_205 = arith.constant 0 : i32
      %dma_start3A_206 = arith.constant 0 : i32
      %dma_start3A_207 = arith.constant 0 : i32
      %dma_start3A_208 = arith.constant 0 : i32
      %dma_start3A_209 = tpu.memref_slice %arg11[%dma_start3A_205, %dma_start3A_207, %dma_start3A_208] : memref<5x40x128xf32, #tpu.memory_space<vmem>> -> memref<1x40x128xf32, #tpu.memory_space<vmem>>
      %dma_start3A_210 = tpu.memref_squeeze %dma_start3A_209 : memref<1x40x128xf32, #tpu.memory_space<vmem>> -> memref<40x128xf32, #tpu.memory_space<vmem>>
      %dma_start3A_211 = arith.constant 0 : i32
      %dma_start3A_212 = tpu.memref_slice %arg10[%dma_start3A_206, %dma_start3A_211] : memref<5x40xi32, #tpu.memory_space<vmem>> -> memref<1x40xi32, #tpu.memory_space<vmem>>
      %dma_start3A_213 = tpu.memref_squeeze %dma_start3A_212 : memref<1x40xi32, #tpu.memory_space<vmem>> -> memref<40xi32, #tpu.memory_space<vmem>>
      %dma_start3A_214 = arith.constant 0 : i32
      %dma_start3A_215 = arith.constant 0 : i32
      %dma_start3A_216 = tpu.memref_slice %arg8[%dma_start3A_214, %dma_start3A_215] : memref<10240x128xf32, #tpu.memory_space<vmem_shared>> -> memref<10240x128xf32, #tpu.memory_space<vmem_shared>>
      tpu.enqueue_indirect_dma source(%dma_start3A_210 : memref<40x128xf32, #tpu.memory_space<vmem>>) target(%dma_start3A_216 : memref<10240x128xf32, #tpu.memory_space<vmem_shared>>) offsets(%dma_start3A_213 : memref<40xi32, #tpu.memory_space<vmem>>) semaphore(%arg22 : memref<!tpu.dma_semaphore, #tpu.memory_space<semaphore_mem>>) {add = true}
      %dma_wait3A_217 = arith.constant 1 : i32
      %dma_wait3A_218 = arith.constant 0 : i32
      %dma_wait3A_219 = arith.constant 0 : i32
      %dma_wait3A_220 = tpu.memref_slice %arg11[%dma_wait3A_217, %dma_wait3A_218, %dma_wait3A_219] : memref<5x40x128xf32, #tpu.memory_space<vmem>> -> memref<1x40x128xf32, #tpu.memory_space<vmem>>
      %dma_wait3A_221 = tpu.memref_squeeze %dma_wait3A_220 : memref<1x40x128xf32, #tpu.memory_space<vmem>> -> memref<40x128xf32, #tpu.memory_space<vmem>>
      %dma_wait3A_222 = arith.constant 0 : i32
      %dma_wait3A_223 = tpu.memref_slice %arg9[%dma_wait3A_222] : memref<5000xi32, #tpu.memory_space<vmem>> -> memref<40xi32, #tpu.memory_space<vmem>>
      %dma_wait3A_224 = arith.constant 0 : i32
      %dma_wait3A_225 = arith.constant 0 : i32
      %dma_wait3A_226 = tpu.memref_slice %arg2[%dma_wait3A_224, %dma_wait3A_225] : memref<10240x128xf32, #tpu.memory_space<hbm>> -> memref<10240x128xf32, #tpu.memory_space<hbm>>
      tpu.wait_indirect_dma semaphore(%arg13 : memref<!tpu.dma_semaphore, #tpu.memory_space<semaphore_mem>>) src(%dma_wait3A_226 : memref<10240x128xf32, #tpu.memory_space<hbm>>) dst(%dma_wait3A_221 : memref<40x128xf32, #tpu.memory_space<vmem>>)
      %dma_wait3A_227 = arith.constant 1 : i32
      %dma_wait3A_228 = arith.constant 0 : i32
      %dma_wait3A_229 = tpu.memref_slice %arg10[%dma_wait3A_227, %dma_wait3A_228] : memref<5x40xi32, #tpu.memory_space<vmem>> -> memref<1x40xi32, #tpu.memory_space<vmem>>
      %dma_wait3A_230 = tpu.memref_squeeze %dma_wait3A_229 : memref<1x40xi32, #tpu.memory_space<vmem>> -> memref<40xi32, #tpu.memory_space<vmem>>
      %dma_wait3A_231 = tpu.memref_slice %arg4[%mul3A_8] : memref<160000xi32, #tpu.memory_space<hbm>> -> memref<40xi32, #tpu.memory_space<hbm>>
      %dma_wait3A_232 = arith.constant 0 : i32
      %dma_wait3A_233 = tpu.memref_slice %arg10[%dma_wait3A_227, %dma_wait3A_232] : memref<5x40xi32, #tpu.memory_space<vmem>> -> memref<1x40xi32, #tpu.memory_space<vmem>>
      %dma_wait3A_234 = tpu.memref_squeeze %dma_wait3A_233 : memref<1x40xi32, #tpu.memory_space<vmem>> -> memref<40xi32, #tpu.memory_space<vmem>>
      %dma_wait3A_235 = tpu.memref_slice %arg4[%mul3A_8] : memref<160000xi32, #tpu.memory_space<hbm>> -> memref<40xi32, #tpu.memory_space<hbm>>
      tpu.wait_dma2 semaphore(%arg18 : memref<!tpu.dma_semaphore, #tpu.memory_space<semaphore_mem>>) src(%dma_wait3A_235 : memref<40xi32, #tpu.memory_space<hbm>>) dst(%dma_wait3A_234 : memref<40xi32, #tpu.memory_space<vmem>>)
      %dma_start3A_236 = arith.constant 1 : i32
      %dma_start3A_237 = arith.constant 1 : i32
      %dma_start3A_238 = arith.constant 0 : i32
      %dma_start3A_239 = arith.constant 0 : i32
      %dma_start3A_240 = tpu.memref_slice %arg11[%dma_start3A_236, %dma_start3A_238, %dma_start3A_239] : memref<5x40x128xf32, #tpu.memory_space<vmem>> -> memref<1x40x128xf32, #tpu.memory_space<vmem>>
      %dma_start3A_241 = tpu.memref_squeeze %dma_start3A_240 : memref<1x40x128xf32, #tpu.memory_space<vmem>> -> memref<40x128xf32, #tpu.memory_space<vmem>>
      %dma_start3A_242 = arith.constant 0 : i32
      %dma_start3A_243 = tpu.memref_slice %arg10[%dma_start3A_237, %dma_start3A_242] : memref<5x40xi32, #tpu.memory_space<vmem>> -> memref<1x40xi32, #tpu.memory_space<vmem>>
      %dma_start3A_244 = tpu.memref_squeeze %dma_start3A_243 : memref<1x40xi32, #tpu.memory_space<vmem>> -> memref<40xi32, #tpu.memory_space<vmem>>
      %dma_start3A_245 = arith.constant 0 : i32
      %dma_start3A_246 = arith.constant 0 : i32
      %dma_start3A_247 = tpu.memref_slice %arg8[%dma_start3A_245, %dma_start3A_246] : memref<10240x128xf32, #tpu.memory_space<vmem_shared>> -> memref<10240x128xf32, #tpu.memory_space<vmem_shared>>
      tpu.enqueue_indirect_dma source(%dma_start3A_241 : memref<40x128xf32, #tpu.memory_space<vmem>>) target(%dma_start3A_247 : memref<10240x128xf32, #tpu.memory_space<vmem_shared>>) offsets(%dma_start3A_244 : memref<40xi32, #tpu.memory_space<vmem>>) semaphore(%arg23 : memref<!tpu.dma_semaphore, #tpu.memory_space<semaphore_mem>>) {add = true}
      %dma_wait3A_248 = arith.constant 2 : i32
      %dma_wait3A_249 = arith.constant 0 : i32
      %dma_wait3A_250 = arith.constant 0 : i32
      %dma_wait3A_251 = tpu.memref_slice %arg11[%dma_wait3A_248, %dma_wait3A_249, %dma_wait3A_250] : memref<5x40x128xf32, #tpu.memory_space<vmem>> -> memref<1x40x128xf32, #tpu.memory_space<vmem>>
      %dma_wait3A_252 = tpu.memref_squeeze %dma_wait3A_251 : memref<1x40x128xf32, #tpu.memory_space<vmem>> -> memref<40x128xf32, #tpu.memory_space<vmem>>
      %dma_wait3A_253 = arith.constant 0 : i32
      %dma_wait3A_254 = tpu.memref_slice %arg9[%dma_wait3A_253] : memref<5000xi32, #tpu.memory_space<vmem>> -> memref<40xi32, #tpu.memory_space<vmem>>
      %dma_wait3A_255 = arith.constant 0 : i32
      %dma_wait3A_256 = arith.constant 0 : i32
      %dma_wait3A_257 = tpu.memref_slice %arg2[%dma_wait3A_255, %dma_wait3A_256] : memref<10240x128xf32, #tpu.memory_space<hbm>> -> memref<10240x128xf32, #tpu.memory_space<hbm>>
      tpu.wait_indirect_dma semaphore(%arg14 : memref<!tpu.dma_semaphore, #tpu.memory_space<semaphore_mem>>) src(%dma_wait3A_257 : memref<10240x128xf32, #tpu.memory_space<hbm>>) dst(%dma_wait3A_252 : memref<40x128xf32, #tpu.memory_space<vmem>>)
      %dma_wait3A_258 = arith.constant 2 : i32
      %dma_wait3A_259 = arith.constant 0 : i32
      %dma_wait3A_260 = tpu.memref_slice %arg10[%dma_wait3A_258, %dma_wait3A_259] : memref<5x40xi32, #tpu.memory_space<vmem>> -> memref<1x40xi32, #tpu.memory_space<vmem>>
      %dma_wait3A_261 = tpu.memref_squeeze %dma_wait3A_260 : memref<1x40xi32, #tpu.memory_space<vmem>> -> memref<40xi32, #tpu.memory_space<vmem>>
      %dma_wait3A_262 = tpu.memref_slice %arg4[%mul3A_8] : memref<160000xi32, #tpu.memory_space<hbm>> -> memref<40xi32, #tpu.memory_space<hbm>>
      %dma_wait3A_263 = arith.constant 0 : i32
      %dma_wait3A_264 = tpu.memref_slice %arg10[%dma_wait3A_258, %dma_wait3A_263] : memref<5x40xi32, #tpu.memory_space<vmem>> -> memref<1x40xi32, #tpu.memory_space<vmem>>
      %dma_wait3A_265 = tpu.memref_squeeze %dma_wait3A_264 : memref<1x40xi32, #tpu.memory_space<vmem>> -> memref<40xi32, #tpu.memory_space<vmem>>
      %dma_wait3A_266 = tpu.memref_slice %arg4[%mul3A_8] : memref<160000xi32, #tpu.memory_space<hbm>> -> memref<40xi32, #tpu.memory_space<hbm>>
      tpu.wait_dma2 semaphore(%arg19 : memref<!tpu.dma_semaphore, #tpu.memory_space<semaphore_mem>>) src(%dma_wait3A_266 : memref<40xi32, #tpu.memory_space<hbm>>) dst(%dma_wait3A_265 : memref<40xi32, #tpu.memory_space<vmem>>)
      %dma_start3A_267 = arith.constant 2 : i32
      %dma_start3A_268 = arith.constant 2 : i32
      %dma_start3A_269 = arith.constant 0 : i32
      %dma_start3A_270 = arith.constant 0 : i32
      %dma_start3A_271 = tpu.memref_slice %arg11[%dma_start3A_267, %dma_start3A_269, %dma_start3A_270] : memref<5x40x128xf32, #tpu.memory_space<vmem>> -> memref<1x40x128xf32, #tpu.memory_space<vmem>>
      %dma_start3A_272 = tpu.memref_squeeze %dma_start3A_271 : memref<1x40x128xf32, #tpu.memory_space<vmem>> -> memref<40x128xf32, #tpu.memory_space<vmem>>
      %dma_start3A_273 = arith.constant 0 : i32
      %dma_start3A_274 = tpu.memref_slice %arg10[%dma_start3A_268, %dma_start3A_273] : memref<5x40xi32, #tpu.memory_space<vmem>> -> memref<1x40xi32, #tpu.memory_space<vmem>>
      %dma_start3A_275 = tpu.memref_squeeze %dma_start3A_274 : memref<1x40xi32, #tpu.memory_space<vmem>> -> memref<40xi32, #tpu.memory_space<vmem>>
      %dma_start3A_276 = arith.constant 0 : i32
      %dma_start3A_277 = arith.constant 0 : i32
      %dma_start3A_278 = tpu.memref_slice %arg8[%dma_start3A_276, %dma_start3A_277] : memref<10240x128xf32, #tpu.memory_space<vmem_shared>> -> memref<10240x128xf32, #tpu.memory_space<vmem_shared>>
      tpu.enqueue_indirect_dma source(%dma_start3A_272 : memref<40x128xf32, #tpu.memory_space<vmem>>) target(%dma_start3A_278 : memref<10240x128xf32, #tpu.memory_space<vmem_shared>>) offsets(%dma_start3A_275 : memref<40xi32, #tpu.memory_space<vmem>>) semaphore(%arg24 : memref<!tpu.dma_semaphore, #tpu.memory_space<semaphore_mem>>) {add = true}
      %dma_wait3A_279 = arith.constant 3 : i32
      %dma_wait3A_280 = arith.constant 0 : i32
      %dma_wait3A_281 = arith.constant 0 : i32
      %dma_wait3A_282 = tpu.memref_slice %arg11[%dma_wait3A_279, %dma_wait3A_280, %dma_wait3A_281] : memref<5x40x128xf32, #tpu.memory_space<vmem>> -> memref<1x40x128xf32, #tpu.memory_space<vmem>>
      %dma_wait3A_283 = tpu.memref_squeeze %dma_wait3A_282 : memref<1x40x128xf32, #tpu.memory_space<vmem>> -> memref<40x128xf32, #tpu.memory_space<vmem>>
      %dma_wait3A_284 = arith.constant 0 : i32
      %dma_wait3A_285 = tpu.memref_slice %arg9[%dma_wait3A_284] : memref<5000xi32, #tpu.memory_space<vmem>> -> memref<40xi32, #tpu.memory_space<vmem>>
      %dma_wait3A_286 = arith.constant 0 : i32
      %dma_wait3A_287 = arith.constant 0 : i32
      %dma_wait3A_288 = tpu.memref_slice %arg2[%dma_wait3A_286, %dma_wait3A_287] : memref<10240x128xf32, #tpu.memory_space<hbm>> -> memref<10240x128xf32, #tpu.memory_space<hbm>>
      tpu.wait_indirect_dma semaphore(%arg15 : memref<!tpu.dma_semaphore, #tpu.memory_space<semaphore_mem>>) src(%dma_wait3A_288 : memref<10240x128xf32, #tpu.memory_space<hbm>>) dst(%dma_wait3A_283 : memref<40x128xf32, #tpu.memory_space<vmem>>)
      %dma_wait3A_289 = arith.constant 3 : i32
      %dma_wait3A_290 = arith.constant 0 : i32
      %dma_wait3A_291 = tpu.memref_slice %arg10[%dma_wait3A_289, %dma_wait3A_290] : memref<5x40xi32, #tpu.memory_space<vmem>> -> memref<1x40xi32, #tpu.memory_space<vmem>>
      %dma_wait3A_292 = tpu.memref_squeeze %dma_wait3A_291 : memref<1x40xi32, #tpu.memory_space<vmem>> -> memref<40xi32, #tpu.memory_space<vmem>>
      %dma_wait3A_293 = tpu.memref_slice %arg4[%mul3A_8] : memref<160000xi32, #tpu.memory_space<hbm>> -> memref<40xi32, #tpu.memory_space<hbm>>
      %dma_wait3A_294 = arith.constant 0 : i32
      %dma_wait3A_295 = tpu.memref_slice %arg10[%dma_wait3A_289, %dma_wait3A_294] : memref<5x40xi32, #tpu.memory_space<vmem>> -> memref<1x40xi32, #tpu.memory_space<vmem>>
      %dma_wait3A_296 = tpu.memref_squeeze %dma_wait3A_295 : memref<1x40xi32, #tpu.memory_space<vmem>> -> memref<40xi32, #tpu.memory_space<vmem>>
      %dma_wait3A_297 = tpu.memref_slice %arg4[%mul3A_8] : memref<160000xi32, #tpu.memory_space<hbm>> -> memref<40xi32, #tpu.memory_space<hbm>>
      tpu.wait_dma2 semaphore(%arg20 : memref<!tpu.dma_semaphore, #tpu.memory_space<semaphore_mem>>) src(%dma_wait3A_297 : memref<40xi32, #tpu.memory_space<hbm>>) dst(%dma_wait3A_296 : memref<40xi32, #tpu.memory_space<vmem>>)
      %dma_start3A_298 = arith.constant 3 : i32
      %dma_start3A_299 = arith.constant 3 : i32
      %dma_start3A_300 = arith.constant 0 : i32
      %dma_start3A_301 = arith.constant 0 : i32
      %dma_start3A_302 = tpu.memref_slice %arg11[%dma_start3A_298, %dma_start3A_300, %dma_start3A_301] : memref<5x40x128xf32, #tpu.memory_space<vmem>> -> memref<1x40x128xf32, #tpu.memory_space<vmem>>
      %dma_start3A_303 = tpu.memref_squeeze %dma_start3A_302 : memref<1x40x128xf32, #tpu.memory_space<vmem>> -> memref<40x128xf32, #tpu.memory_space<vmem>>
      %dma_start3A_304 = arith.constant 0 : i32
      %dma_start3A_305 = tpu.memref_slice %arg10[%dma_start3A_299, %dma_start3A_304] : memref<5x40xi32, #tpu.memory_space<vmem>> -> memref<1x40xi32, #tpu.memory_space<vmem>>
      %dma_start3A_306 = tpu.memref_squeeze %dma_start3A_305 : memref<1x40xi32, #tpu.memory_space<vmem>> -> memref<40xi32, #tpu.memory_space<vmem>>
      %dma_start3A_307 = arith.constant 0 : i32
      %dma_start3A_308 = arith.constant 0 : i32
      %dma_start3A_309 = tpu.memref_slice %arg8[%dma_start3A_307, %dma_start3A_308] : memref<10240x128xf32, #tpu.memory_space<vmem_shared>> -> memref<10240x128xf32, #tpu.memory_space<vmem_shared>>
      tpu.enqueue_indirect_dma source(%dma_start3A_303 : memref<40x128xf32, #tpu.memory_space<vmem>>) target(%dma_start3A_309 : memref<10240x128xf32, #tpu.memory_space<vmem_shared>>) offsets(%dma_start3A_306 : memref<40xi32, #tpu.memory_space<vmem>>) semaphore(%arg25 : memref<!tpu.dma_semaphore, #tpu.memory_space<semaphore_mem>>) {add = true}
      %dma_wait3A_310 = arith.constant 4 : i32
      %dma_wait3A_311 = arith.constant 0 : i32
      %dma_wait3A_312 = arith.constant 0 : i32
      %dma_wait3A_313 = tpu.memref_slice %arg11[%dma_wait3A_310, %dma_wait3A_311, %dma_wait3A_312] : memref<5x40x128xf32, #tpu.memory_space<vmem>> -> memref<1x40x128xf32, #tpu.memory_space<vmem>>
      %dma_wait3A_314 = tpu.memref_squeeze %dma_wait3A_313 : memref<1x40x128xf32, #tpu.memory_space<vmem>> -> memref<40x128xf32, #tpu.memory_space<vmem>>
      %dma_wait3A_315 = arith.constant 0 : i32
      %dma_wait3A_316 = tpu.memref_slice %arg9[%dma_wait3A_315] : memref<5000xi32, #tpu.memory_space<vmem>> -> memref<40xi32, #tpu.memory_space<vmem>>
      %dma_wait3A_317 = arith.constant 0 : i32
      %dma_wait3A_318 = arith.constant 0 : i32
      %dma_wait3A_319 = tpu.memref_slice %arg2[%dma_wait3A_317, %dma_wait3A_318] : memref<10240x128xf32, #tpu.memory_space<hbm>> -> memref<10240x128xf32, #tpu.memory_space<hbm>>
      tpu.wait_indirect_dma semaphore(%arg16 : memref<!tpu.dma_semaphore, #tpu.memory_space<semaphore_mem>>) src(%dma_wait3A_319 : memref<10240x128xf32, #tpu.memory_space<hbm>>) dst(%dma_wait3A_314 : memref<40x128xf32, #tpu.memory_space<vmem>>)
      %dma_wait3A_320 = arith.constant 4 : i32
      %dma_wait3A_321 = arith.constant 0 : i32
      %dma_wait3A_322 = tpu.memref_slice %arg10[%dma_wait3A_320, %dma_wait3A_321] : memref<5x40xi32, #tpu.memory_space<vmem>> -> memref<1x40xi32, #tpu.memory_space<vmem>>
      %dma_wait3A_323 = tpu.memref_squeeze %dma_wait3A_322 : memref<1x40xi32, #tpu.memory_space<vmem>> -> memref<40xi32, #tpu.memory_space<vmem>>
      %dma_wait3A_324 = tpu.memref_slice %arg4[%mul3A_8] : memref<160000xi32, #tpu.memory_space<hbm>> -> memref<40xi32, #tpu.memory_space<hbm>>
      %dma_wait3A_325 = arith.constant 0 : i32
      %dma_wait3A_326 = tpu.memref_slice %arg10[%dma_wait3A_320, %dma_wait3A_325] : memref<5x40xi32, #tpu.memory_space<vmem>> -> memref<1x40xi32, #tpu.memory_space<vmem>>
      %dma_wait3A_327 = tpu.memref_squeeze %dma_wait3A_326 : memref<1x40xi32, #tpu.memory_space<vmem>> -> memref<40xi32, #tpu.memory_space<vmem>>
      %dma_wait3A_328 = tpu.memref_slice %arg4[%mul3A_8] : memref<160000xi32, #tpu.memory_space<hbm>> -> memref<40xi32, #tpu.memory_space<hbm>>
      tpu.wait_dma2 semaphore(%arg21 : memref<!tpu.dma_semaphore, #tpu.memory_space<semaphore_mem>>) src(%dma_wait3A_328 : memref<40xi32, #tpu.memory_space<hbm>>) dst(%dma_wait3A_327 : memref<40xi32, #tpu.memory_space<vmem>>)
      %dma_start3A_329 = arith.constant 4 : i32
      %dma_start3A_330 = arith.constant 4 : i32
      %dma_start3A_331 = arith.constant 0 : i32
      %dma_start3A_332 = arith.constant 0 : i32
      %dma_start3A_333 = tpu.memref_slice %arg11[%dma_start3A_329, %dma_start3A_331, %dma_start3A_332] : memref<5x40x128xf32, #tpu.memory_space<vmem>> -> memref<1x40x128xf32, #tpu.memory_space<vmem>>
      %dma_start3A_334 = tpu.memref_squeeze %dma_start3A_333 : memref<1x40x128xf32, #tpu.memory_space<vmem>> -> memref<40x128xf32, #tpu.memory_space<vmem>>
      %dma_start3A_335 = arith.constant 0 : i32
      %dma_start3A_336 = tpu.memref_slice %arg10[%dma_start3A_330, %dma_start3A_335] : memref<5x40xi32, #tpu.memory_space<vmem>> -> memref<1x40xi32, #tpu.memory_space<vmem>>
      %dma_start3A_337 = tpu.memref_squeeze %dma_start3A_336 : memref<1x40xi32, #tpu.memory_space<vmem>> -> memref<40xi32, #tpu.memory_space<vmem>>
      %dma_start3A_338 = arith.constant 0 : i32
      %dma_start3A_339 = arith.constant 0 : i32
      %dma_start3A_340 = tpu.memref_slice %arg8[%dma_start3A_338, %dma_start3A_339] : memref<10240x128xf32, #tpu.memory_space<vmem_shared>> -> memref<10240x128xf32, #tpu.memory_space<vmem_shared>>
      tpu.enqueue_indirect_dma source(%dma_start3A_334 : memref<40x128xf32, #tpu.memory_space<vmem>>) target(%dma_start3A_340 : memref<10240x128xf32, #tpu.memory_space<vmem_shared>>) offsets(%dma_start3A_337 : memref<40xi32, #tpu.memory_space<vmem>>) semaphore(%arg26 : memref<!tpu.dma_semaphore, #tpu.memory_space<semaphore_mem>>) {add = true}
      %lt3A = arith.constant 24 : i32
      %lt3A_341 = arith.cmpi slt, %scan3A_185, %lt3A : i32
      %convert_element_type3A_342 = arith.extui %lt3A_341 : i1 to i32
      %cond3A_343 = arith.constant 0 : i32
      %cond3A_344 = arith.cmpi ne, %convert_element_type3A_342, %cond3A_343 : i32
      scf.if %cond3A_344 {
        %dma_wait3A_345 = arith.constant 0 : i32
        %dma_wait3A_346 = arith.constant 0 : i32
        %dma_wait3A_347 = arith.constant 0 : i32
        %dma_wait3A_348 = arith.constant 0 : i32
        %dma_wait3A_349 = tpu.memref_slice %arg11[%dma_wait3A_345, %dma_wait3A_347, %dma_wait3A_348] : memref<5x40x128xf32, #tpu.memory_space<vmem>> -> memref<1x40x128xf32, #tpu.memory_space<vmem>>
        %dma_wait3A_350 = tpu.memref_squeeze %dma_wait3A_349 : memref<1x40x128xf32, #tpu.memory_space<vmem>> -> memref<40x128xf32, #tpu.memory_space<vmem>>
        %dma_wait3A_351 = arith.constant 0 : i32
        %dma_wait3A_352 = tpu.memref_slice %arg10[%dma_wait3A_346, %dma_wait3A_351] : memref<5x40xi32, #tpu.memory_space<vmem>> -> memref<1x40xi32, #tpu.memory_space<vmem>>
        %dma_wait3A_353 = tpu.memref_squeeze %dma_wait3A_352 : memref<1x40xi32, #tpu.memory_space<vmem>> -> memref<40xi32, #tpu.memory_space<vmem>>
        %dma_wait3A_354 = arith.constant 0 : i32
        %dma_wait3A_355 = arith.constant 0 : i32
        %dma_wait3A_356 = tpu.memref_slice %arg8[%dma_wait3A_354, %dma_wait3A_355] : memref<10240x128xf32, #tpu.memory_space<vmem_shared>> -> memref<10240x128xf32, #tpu.memory_space<vmem_shared>>
        tpu.wait_indirect_dma semaphore(%arg22 : memref<!tpu.dma_semaphore, #tpu.memory_space<semaphore_mem>>) src(%dma_wait3A_350 : memref<40x128xf32, #tpu.memory_space<vmem>>) dst(%dma_wait3A_356 : memref<10240x128xf32, #tpu.memory_space<vmem_shared>>)
        %add3A_357 = arith.constant 1 : i32
        %add3A_358 = arith.addi %scan3A_185, %add3A_357 : i32
        %mul3A_359 = arith.constant 5 : i32
        %mul3A_360 = arith.muli %add3A_358, %mul3A_359 : i32
        %add3A_361 = arith.constant 0 : i32
        %add3A_362 = arith.addi %mul3A_360, %add3A_361 : i32
        %mul3A_363 = arith.constant 40 : i32
        %mul3A_364 = arith.muli %add3A_362, %mul3A_363 : i32
        %dma_start3A_365 = arith.constant 0 : i32
        %dma_start3A_366 = arith.constant 0 : i32
        %dma_start3A_367 = arith.constant 0 : i32
        %dma_start3A_368 = tpu.memref_slice %arg11[%dma_start3A_365, %dma_start3A_366, %dma_start3A_367] : memref<5x40x128xf32, #tpu.memory_space<vmem>> -> memref<1x40x128xf32, #tpu.memory_space<vmem>>
        %dma_start3A_369 = tpu.memref_squeeze %dma_start3A_368 : memref<1x40x128xf32, #tpu.memory_space<vmem>> -> memref<40x128xf32, #tpu.memory_space<vmem>>
        %dma_start3A_370 = tpu.memref_slice %arg9[%mul3A_364] : memref<5000xi32, #tpu.memory_space<vmem>> -> memref<40xi32, #tpu.memory_space<vmem>>
        %dma_start3A_371 = arith.constant 0 : i32
        %dma_start3A_372 = arith.constant 0 : i32
        %dma_start3A_373 = tpu.memref_slice %arg2[%dma_start3A_371, %dma_start3A_372] : memref<10240x128xf32, #tpu.memory_space<hbm>> -> memref<10240x128xf32, #tpu.memory_space<hbm>>
        tpu.enqueue_indirect_dma source(%dma_start3A_373 : memref<10240x128xf32, #tpu.memory_space<hbm>>) target(%dma_start3A_369 : memref<40x128xf32, #tpu.memory_space<vmem>>) offsets(%dma_start3A_370 : memref<40xi32, #tpu.memory_space<vmem>>) semaphore(%arg12 : memref<!tpu.dma_semaphore, #tpu.memory_space<semaphore_mem>>)
        %mul3A_374 = arith.constant 40 : i32
        %mul3A_375 = arith.muli %add3A_362, %mul3A_374 : i32
        %add3A_376 = arith.addi %mul3A_8, %mul3A_375 : i32
        %dma_start3A_377 = arith.constant 0 : i32
        %dma_start3A_378 = arith.constant 0 : i32
        %dma_start3A_379 = tpu.memref_slice %arg10[%dma_start3A_377, %dma_start3A_378] : memref<5x40xi32, #tpu.memory_space<vmem>> -> memref<1x40xi32, #tpu.memory_space<vmem>>
        %dma_start3A_380 = tpu.memref_squeeze %dma_start3A_379 : memref<1x40xi32, #tpu.memory_space<vmem>> -> memref<40xi32, #tpu.memory_space<vmem>>
        %dma_start3A_381 = tpu.memref_slice %arg4[%add3A_376] : memref<160000xi32, #tpu.memory_space<hbm>> -> memref<40xi32, #tpu.memory_space<hbm>>
        %dma_start3A_382 = arith.constant 0 : i32
        %dma_start3A_383 = tpu.memref_slice %arg10[%dma_start3A_377, %dma_start3A_382] : memref<5x40xi32, #tpu.memory_space<vmem>> -> memref<1x40xi32, #tpu.memory_space<vmem>>
        %dma_start3A_384 = tpu.memref_squeeze %dma_start3A_383 : memref<1x40xi32, #tpu.memory_space<vmem>> -> memref<40xi32, #tpu.memory_space<vmem>>
        %dma_start3A_385 = tpu.memref_slice %arg4[%add3A_376] : memref<160000xi32, #tpu.memory_space<hbm>> -> memref<40xi32, #tpu.memory_space<hbm>>
        tpu.enqueue_dma source(%dma_start3A_385 : memref<40xi32, #tpu.memory_space<hbm>>) target(%dma_start3A_384 : memref<40xi32, #tpu.memory_space<vmem>>) target_semaphore(%arg17 : memref<!tpu.dma_semaphore, #tpu.memory_space<semaphore_mem>>)
        %dma_wait3A_386 = arith.constant 1 : i32
        %dma_wait3A_387 = arith.constant 0 : i32
        %dma_wait3A_388 = arith.constant 0 : i32
        %dma_wait3A_389 = arith.constant 0 : i32
        %dma_wait3A_390 = tpu.memref_slice %arg11[%dma_wait3A_386, %dma_wait3A_388, %dma_wait3A_389] : memref<5x40x128xf32, #tpu.memory_space<vmem>> -> memref<1x40x128xf32, #tpu.memory_space<vmem>>
        %dma_wait3A_391 = tpu.memref_squeeze %dma_wait3A_390 : memref<1x40x128xf32, #tpu.memory_space<vmem>> -> memref<40x128xf32, #tpu.memory_space<vmem>>
        %dma_wait3A_392 = arith.constant 0 : i32
        %dma_wait3A_393 = tpu.memref_slice %arg10[%dma_wait3A_387, %dma_wait3A_392] : memref<5x40xi32, #tpu.memory_space<vmem>> -> memref<1x40xi32, #tpu.memory_space<vmem>>
        %dma_wait3A_394 = tpu.memref_squeeze %dma_wait3A_393 : memref<1x40xi32, #tpu.memory_space<vmem>> -> memref<40xi32, #tpu.memory_space<vmem>>
        %dma_wait3A_395 = arith.constant 0 : i32
        %dma_wait3A_396 = arith.constant 0 : i32
        %dma_wait3A_397 = tpu.memref_slice %arg8[%dma_wait3A_395, %dma_wait3A_396] : memref<10240x128xf32, #tpu.memory_space<vmem_shared>> -> memref<10240x128xf32, #tpu.memory_space<vmem_shared>>
        tpu.wait_indirect_dma semaphore(%arg23 : memref<!tpu.dma_semaphore, #tpu.memory_space<semaphore_mem>>) src(%dma_wait3A_391 : memref<40x128xf32, #tpu.memory_space<vmem>>) dst(%dma_wait3A_397 : memref<10240x128xf32, #tpu.memory_space<vmem_shared>>)
        %add3A_398 = arith.constant 1 : i32
        %add3A_399 = arith.addi %scan3A_185, %add3A_398 : i32
        %mul3A_400 = arith.constant 5 : i32
        %mul3A_401 = arith.muli %add3A_399, %mul3A_400 : i32
        %add3A_402 = arith.constant 1 : i32
        %add3A_403 = arith.addi %mul3A_401, %add3A_402 : i32
        %mul3A_404 = arith.constant 40 : i32
        %mul3A_405 = arith.muli %add3A_403, %mul3A_404 : i32
        %dma_start3A_406 = arith.constant 1 : i32
        %dma_start3A_407 = arith.constant 0 : i32
        %dma_start3A_408 = arith.constant 0 : i32
        %dma_start3A_409 = tpu.memref_slice %arg11[%dma_start3A_406, %dma_start3A_407, %dma_start3A_408] : memref<5x40x128xf32, #tpu.memory_space<vmem>> -> memref<1x40x128xf32, #tpu.memory_space<vmem>>
        %dma_start3A_410 = tpu.memref_squeeze %dma_start3A_409 : memref<1x40x128xf32, #tpu.memory_space<vmem>> -> memref<40x128xf32, #tpu.memory_space<vmem>>
        %dma_start3A_411 = tpu.memref_slice %arg9[%mul3A_405] : memref<5000xi32, #tpu.memory_space<vmem>> -> memref<40xi32, #tpu.memory_space<vmem>>
        %dma_start3A_412 = arith.constant 0 : i32
        %dma_start3A_413 = arith.constant 0 : i32
        %dma_start3A_414 = tpu.memref_slice %arg2[%dma_start3A_412, %dma_start3A_413] : memref<10240x128xf32, #tpu.memory_space<hbm>> -> memref<10240x128xf32, #tpu.memory_space<hbm>>
        tpu.enqueue_indirect_dma source(%dma_start3A_414 : memref<10240x128xf32, #tpu.memory_space<hbm>>) target(%dma_start3A_410 : memref<40x128xf32, #tpu.memory_space<vmem>>) offsets(%dma_start3A_411 : memref<40xi32, #tpu.memory_space<vmem>>) semaphore(%arg13 : memref<!tpu.dma_semaphore, #tpu.memory_space<semaphore_mem>>)
        %mul3A_415 = arith.constant 40 : i32
        %mul3A_416 = arith.muli %add3A_403, %mul3A_415 : i32
        %add3A_417 = arith.addi %mul3A_8, %mul3A_416 : i32
        %dma_start3A_418 = arith.constant 1 : i32
        %dma_start3A_419 = arith.constant 0 : i32
        %dma_start3A_420 = tpu.memref_slice %arg10[%dma_start3A_418, %dma_start3A_419] : memref<5x40xi32, #tpu.memory_space<vmem>> -> memref<1x40xi32, #tpu.memory_space<vmem>>
        %dma_start3A_421 = tpu.memref_squeeze %dma_start3A_420 : memref<1x40xi32, #tpu.memory_space<vmem>> -> memref<40xi32, #tpu.memory_space<vmem>>
        %dma_start3A_422 = tpu.memref_slice %arg4[%add3A_417] : memref<160000xi32, #tpu.memory_space<hbm>> -> memref<40xi32, #tpu.memory_space<hbm>>
        %dma_start3A_423 = arith.constant 0 : i32
        %dma_start3A_424 = tpu.memref_slice %arg10[%dma_start3A_418, %dma_start3A_423] : memref<5x40xi32, #tpu.memory_space<vmem>> -> memref<1x40xi32, #tpu.memory_space<vmem>>
        %dma_start3A_425 = tpu.memref_squeeze %dma_start3A_424 : memref<1x40xi32, #tpu.memory_space<vmem>> -> memref<40xi32, #tpu.memory_space<vmem>>
        %dma_start3A_426 = tpu.memref_slice %arg4[%add3A_417] : memref<160000xi32, #tpu.memory_space<hbm>> -> memref<40xi32, #tpu.memory_space<hbm>>
        tpu.enqueue_dma source(%dma_start3A_426 : memref<40xi32, #tpu.memory_space<hbm>>) target(%dma_start3A_425 : memref<40xi32, #tpu.memory_space<vmem>>) target_semaphore(%arg18 : memref<!tpu.dma_semaphore, #tpu.memory_space<semaphore_mem>>)
        %dma_wait3A_427 = arith.constant 2 : i32
        %dma_wait3A_428 = arith.constant 0 : i32
        %dma_wait3A_429 = arith.constant 0 : i32
        %dma_wait3A_430 = arith.constant 0 : i32
        %dma_wait3A_431 = tpu.memref_slice %arg11[%dma_wait3A_427, %dma_wait3A_429, %dma_wait3A_430] : memref<5x40x128xf32, #tpu.memory_space<vmem>> -> memref<1x40x128xf32, #tpu.memory_space<vmem>>
        %dma_wait3A_432 = tpu.memref_squeeze %dma_wait3A_431 : memref<1x40x128xf32, #tpu.memory_space<vmem>> -> memref<40x128xf32, #tpu.memory_space<vmem>>
        %dma_wait3A_433 = arith.constant 0 : i32
        %dma_wait3A_434 = tpu.memref_slice %arg10[%dma_wait3A_428, %dma_wait3A_433] : memref<5x40xi32, #tpu.memory_space<vmem>> -> memref<1x40xi32, #tpu.memory_space<vmem>>
        %dma_wait3A_435 = tpu.memref_squeeze %dma_wait3A_434 : memref<1x40xi32, #tpu.memory_space<vmem>> -> memref<40xi32, #tpu.memory_space<vmem>>
        %dma_wait3A_436 = arith.constant 0 : i32
        %dma_wait3A_437 = arith.constant 0 : i32
        %dma_wait3A_438 = tpu.memref_slice %arg8[%dma_wait3A_436, %dma_wait3A_437] : memref<10240x128xf32, #tpu.memory_space<vmem_shared>> -> memref<10240x128xf32, #tpu.memory_space<vmem_shared>>
        tpu.wait_indirect_dma semaphore(%arg24 : memref<!tpu.dma_semaphore, #tpu.memory_space<semaphore_mem>>) src(%dma_wait3A_432 : memref<40x128xf32, #tpu.memory_space<vmem>>) dst(%dma_wait3A_438 : memref<10240x128xf32, #tpu.memory_space<vmem_shared>>)
        %add3A_439 = arith.constant 1 : i32
        %add3A_440 = arith.addi %scan3A_185, %add3A_439 : i32
        %mul3A_441 = arith.constant 5 : i32
        %mul3A_442 = arith.muli %add3A_440, %mul3A_441 : i32
        %add3A_443 = arith.constant 2 : i32
        %add3A_444 = arith.addi %mul3A_442, %add3A_443 : i32
        %mul3A_445 = arith.constant 40 : i32
        %mul3A_446 = arith.muli %add3A_444, %mul3A_445 : i32
        %dma_start3A_447 = arith.constant 2 : i32
        %dma_start3A_448 = arith.constant 0 : i32
        %dma_start3A_449 = arith.constant 0 : i32
        %dma_start3A_450 = tpu.memref_slice %arg11[%dma_start3A_447, %dma_start3A_448, %dma_start3A_449] : memref<5x40x128xf32, #tpu.memory_space<vmem>> -> memref<1x40x128xf32, #tpu.memory_space<vmem>>
        %dma_start3A_451 = tpu.memref_squeeze %dma_start3A_450 : memref<1x40x128xf32, #tpu.memory_space<vmem>> -> memref<40x128xf32, #tpu.memory_space<vmem>>
        %dma_start3A_452 = tpu.memref_slice %arg9[%mul3A_446] : memref<5000xi32, #tpu.memory_space<vmem>> -> memref<40xi32, #tpu.memory_space<vmem>>
        %dma_start3A_453 = arith.constant 0 : i32
        %dma_start3A_454 = arith.constant 0 : i32
        %dma_start3A_455 = tpu.memref_slice %arg2[%dma_start3A_453, %dma_start3A_454] : memref<10240x128xf32, #tpu.memory_space<hbm>> -> memref<10240x128xf32, #tpu.memory_space<hbm>>
        tpu.enqueue_indirect_dma source(%dma_start3A_455 : memref<10240x128xf32, #tpu.memory_space<hbm>>) target(%dma_start3A_451 : memref<40x128xf32, #tpu.memory_space<vmem>>) offsets(%dma_start3A_452 : memref<40xi32, #tpu.memory_space<vmem>>) semaphore(%arg14 : memref<!tpu.dma_semaphore, #tpu.memory_space<semaphore_mem>>)
        %mul3A_456 = arith.constant 40 : i32
        %mul3A_457 = arith.muli %add3A_444, %mul3A_456 : i32
        %add3A_458 = arith.addi %mul3A_8, %mul3A_457 : i32
        %dma_start3A_459 = arith.constant 2 : i32
        %dma_start3A_460 = arith.constant 0 : i32
        %dma_start3A_461 = tpu.memref_slice %arg10[%dma_start3A_459, %dma_start3A_460] : memref<5x40xi32, #tpu.memory_space<vmem>> -> memref<1x40xi32, #tpu.memory_space<vmem>>
        %dma_start3A_462 = tpu.memref_squeeze %dma_start3A_461 : memref<1x40xi32, #tpu.memory_space<vmem>> -> memref<40xi32, #tpu.memory_space<vmem>>
        %dma_start3A_463 = tpu.memref_slice %arg4[%add3A_458] : memref<160000xi32, #tpu.memory_space<hbm>> -> memref<40xi32, #tpu.memory_space<hbm>>
        %dma_start3A_464 = arith.constant 0 : i32
        %dma_start3A_465 = tpu.memref_slice %arg10[%dma_start3A_459, %dma_start3A_464] : memref<5x40xi32, #tpu.memory_space<vmem>> -> memref<1x40xi32, #tpu.memory_space<vmem>>
        %dma_start3A_466 = tpu.memref_squeeze %dma_start3A_465 : memref<1x40xi32, #tpu.memory_space<vmem>> -> memref<40xi32, #tpu.memory_space<vmem>>
        %dma_start3A_467 = tpu.memref_slice %arg4[%add3A_458] : memref<160000xi32, #tpu.memory_space<hbm>> -> memref<40xi32, #tpu.memory_space<hbm>>
        tpu.enqueue_dma source(%dma_start3A_467 : memref<40xi32, #tpu.memory_space<hbm>>) target(%dma_start3A_466 : memref<40xi32, #tpu.memory_space<vmem>>) target_semaphore(%arg19 : memref<!tpu.dma_semaphore, #tpu.memory_space<semaphore_mem>>)
        %dma_wait3A_468 = arith.constant 3 : i32
        %dma_wait3A_469 = arith.constant 0 : i32
        %dma_wait3A_470 = arith.constant 0 : i32
        %dma_wait3A_471 = arith.constant 0 : i32
        %dma_wait3A_472 = tpu.memref_slice %arg11[%dma_wait3A_468, %dma_wait3A_470, %dma_wait3A_471] : memref<5x40x128xf32, #tpu.memory_space<vmem>> -> memref<1x40x128xf32, #tpu.memory_space<vmem>>
        %dma_wait3A_473 = tpu.memref_squeeze %dma_wait3A_472 : memref<1x40x128xf32, #tpu.memory_space<vmem>> -> memref<40x128xf32, #tpu.memory_space<vmem>>
        %dma_wait3A_474 = arith.constant 0 : i32
        %dma_wait3A_475 = tpu.memref_slice %arg10[%dma_wait3A_469, %dma_wait3A_474] : memref<5x40xi32, #tpu.memory_space<vmem>> -> memref<1x40xi32, #tpu.memory_space<vmem>>
        %dma_wait3A_476 = tpu.memref_squeeze %dma_wait3A_475 : memref<1x40xi32, #tpu.memory_space<vmem>> -> memref<40xi32, #tpu.memory_space<vmem>>
        %dma_wait3A_477 = arith.constant 0 : i32
        %dma_wait3A_478 = arith.constant 0 : i32
        %dma_wait3A_479 = tpu.memref_slice %arg8[%dma_wait3A_477, %dma_wait3A_478] : memref<10240x128xf32, #tpu.memory_space<vmem_shared>> -> memref<10240x128xf32, #tpu.memory_space<vmem_shared>>
        tpu.wait_indirect_dma semaphore(%arg25 : memref<!tpu.dma_semaphore, #tpu.memory_space<semaphore_mem>>) src(%dma_wait3A_473 : memref<40x128xf32, #tpu.memory_space<vmem>>) dst(%dma_wait3A_479 : memref<10240x128xf32, #tpu.memory_space<vmem_shared>>)
        %add3A_480 = arith.constant 1 : i32
        %add3A_481 = arith.addi %scan3A_185, %add3A_480 : i32
        %mul3A_482 = arith.constant 5 : i32
        %mul3A_483 = arith.muli %add3A_481, %mul3A_482 : i32
        %add3A_484 = arith.constant 3 : i32
        %add3A_485 = arith.addi %mul3A_483, %add3A_484 : i32
        %mul3A_486 = arith.constant 40 : i32
        %mul3A_487 = arith.muli %add3A_485, %mul3A_486 : i32
        %dma_start3A_488 = arith.constant 3 : i32
        %dma_start3A_489 = arith.constant 0 : i32
        %dma_start3A_490 = arith.constant 0 : i32
        %dma_start3A_491 = tpu.memref_slice %arg11[%dma_start3A_488, %dma_start3A_489, %dma_start3A_490] : memref<5x40x128xf32, #tpu.memory_space<vmem>> -> memref<1x40x128xf32, #tpu.memory_space<vmem>>
        %dma_start3A_492 = tpu.memref_squeeze %dma_start3A_491 : memref<1x40x128xf32, #tpu.memory_space<vmem>> -> memref<40x128xf32, #tpu.memory_space<vmem>>
        %dma_start3A_493 = tpu.memref_slice %arg9[%mul3A_487] : memref<5000xi32, #tpu.memory_space<vmem>> -> memref<40xi32, #tpu.memory_space<vmem>>
        %dma_start3A_494 = arith.constant 0 : i32
        %dma_start3A_495 = arith.constant 0 : i32
        %dma_start3A_496 = tpu.memref_slice %arg2[%dma_start3A_494, %dma_start3A_495] : memref<10240x128xf32, #tpu.memory_space<hbm>> -> memref<10240x128xf32, #tpu.memory_space<hbm>>
        tpu.enqueue_indirect_dma source(%dma_start3A_496 : memref<10240x128xf32, #tpu.memory_space<hbm>>) target(%dma_start3A_492 : memref<40x128xf32, #tpu.memory_space<vmem>>) offsets(%dma_start3A_493 : memref<40xi32, #tpu.memory_space<vmem>>) semaphore(%arg15 : memref<!tpu.dma_semaphore, #tpu.memory_space<semaphore_mem>>)
        %mul3A_497 = arith.constant 40 : i32
        %mul3A_498 = arith.muli %add3A_485, %mul3A_497 : i32
        %add3A_499 = arith.addi %mul3A_8, %mul3A_498 : i32
        %dma_start3A_500 = arith.constant 3 : i32
        %dma_start3A_501 = arith.constant 0 : i32
        %dma_start3A_502 = tpu.memref_slice %arg10[%dma_start3A_500, %dma_start3A_501] : memref<5x40xi32, #tpu.memory_space<vmem>> -> memref<1x40xi32, #tpu.memory_space<vmem>>
        %dma_start3A_503 = tpu.memref_squeeze %dma_start3A_502 : memref<1x40xi32, #tpu.memory_space<vmem>> -> memref<40xi32, #tpu.memory_space<vmem>>
        %dma_start3A_504 = tpu.memref_slice %arg4[%add3A_499] : memref<160000xi32, #tpu.memory_space<hbm>> -> memref<40xi32, #tpu.memory_space<hbm>>
        %dma_start3A_505 = arith.constant 0 : i32
        %dma_start3A_506 = tpu.memref_slice %arg10[%dma_start3A_500, %dma_start3A_505] : memref<5x40xi32, #tpu.memory_space<vmem>> -> memref<1x40xi32, #tpu.memory_space<vmem>>
        %dma_start3A_507 = tpu.memref_squeeze %dma_start3A_506 : memref<1x40xi32, #tpu.memory_space<vmem>> -> memref<40xi32, #tpu.memory_space<vmem>>
        %dma_start3A_508 = tpu.memref_slice %arg4[%add3A_499] : memref<160000xi32, #tpu.memory_space<hbm>> -> memref<40xi32, #tpu.memory_space<hbm>>
        tpu.enqueue_dma source(%dma_start3A_508 : memref<40xi32, #tpu.memory_space<hbm>>) target(%dma_start3A_507 : memref<40xi32, #tpu.memory_space<vmem>>) target_semaphore(%arg20 : memref<!tpu.dma_semaphore, #tpu.memory_space<semaphore_mem>>)
        %dma_wait3A_509 = arith.constant 4 : i32
        %dma_wait3A_510 = arith.constant 0 : i32
        %dma_wait3A_511 = arith.constant 0 : i32
        %dma_wait3A_512 = arith.constant 0 : i32
        %dma_wait3A_513 = tpu.memref_slice %arg11[%dma_wait3A_509, %dma_wait3A_511, %dma_wait3A_512] : memref<5x40x128xf32, #tpu.memory_space<vmem>> -> memref<1x40x128xf32, #tpu.memory_space<vmem>>
        %dma_wait3A_514 = tpu.memref_squeeze %dma_wait3A_513 : memref<1x40x128xf32, #tpu.memory_space<vmem>> -> memref<40x128xf32, #tpu.memory_space<vmem>>
        %dma_wait3A_515 = arith.constant 0 : i32
        %dma_wait3A_516 = tpu.memref_slice %arg10[%dma_wait3A_510, %dma_wait3A_515] : memref<5x40xi32, #tpu.memory_space<vmem>> -> memref<1x40xi32, #tpu.memory_space<vmem>>
        %dma_wait3A_517 = tpu.memref_squeeze %dma_wait3A_516 : memref<1x40xi32, #tpu.memory_space<vmem>> -> memref<40xi32, #tpu.memory_space<vmem>>
        %dma_wait3A_518 = arith.constant 0 : i32
        %dma_wait3A_519 = arith.constant 0 : i32
        %dma_wait3A_520 = tpu.memref_slice %arg8[%dma_wait3A_518, %dma_wait3A_519] : memref<10240x128xf32, #tpu.memory_space<vmem_shared>> -> memref<10240x128xf32, #tpu.memory_space<vmem_shared>>
        tpu.wait_indirect_dma semaphore(%arg26 : memref<!tpu.dma_semaphore, #tpu.memory_space<semaphore_mem>>) src(%dma_wait3A_514 : memref<40x128xf32, #tpu.memory_space<vmem>>) dst(%dma_wait3A_520 : memref<10240x128xf32, #tpu.memory_space<vmem_shared>>)
        %add3A_521 = arith.constant 1 : i32
        %add3A_522 = arith.addi %scan3A_185, %add3A_521 : i32
        %mul3A_523 = arith.constant 5 : i32
        %mul3A_524 = arith.muli %add3A_522, %mul3A_523 : i32
        %add3A_525 = arith.constant 4 : i32
        %add3A_526 = arith.addi %mul3A_524, %add3A_525 : i32
        %mul3A_527 = arith.constant 40 : i32
        %mul3A_528 = arith.muli %add3A_526, %mul3A_527 : i32
        %dma_start3A_529 = arith.constant 4 : i32
        %dma_start3A_530 = arith.constant 0 : i32
        %dma_start3A_531 = arith.constant 0 : i32
        %dma_start3A_532 = tpu.memref_slice %arg11[%dma_start3A_529, %dma_start3A_530, %dma_start3A_531] : memref<5x40x128xf32, #tpu.memory_space<vmem>> -> memref<1x40x128xf32, #tpu.memory_space<vmem>>
        %dma_start3A_533 = tpu.memref_squeeze %dma_start3A_532 : memref<1x40x128xf32, #tpu.memory_space<vmem>> -> memref<40x128xf32, #tpu.memory_space<vmem>>
        %dma_start3A_534 = tpu.memref_slice %arg9[%mul3A_528] : memref<5000xi32, #tpu.memory_space<vmem>> -> memref<40xi32, #tpu.memory_space<vmem>>
        %dma_start3A_535 = arith.constant 0 : i32
        %dma_start3A_536 = arith.constant 0 : i32
        %dma_start3A_537 = tpu.memref_slice %arg2[%dma_start3A_535, %dma_start3A_536] : memref<10240x128xf32, #tpu.memory_space<hbm>> -> memref<10240x128xf32, #tpu.memory_space<hbm>>
        tpu.enqueue_indirect_dma source(%dma_start3A_537 : memref<10240x128xf32, #tpu.memory_space<hbm>>) target(%dma_start3A_533 : memref<40x128xf32, #tpu.memory_space<vmem>>) offsets(%dma_start3A_534 : memref<40xi32, #tpu.memory_space<vmem>>) semaphore(%arg16 : memref<!tpu.dma_semaphore, #tpu.memory_space<semaphore_mem>>)
        %mul3A_538 = arith.constant 40 : i32
        %mul3A_539 = arith.muli %add3A_526, %mul3A_538 : i32
        %add3A_540 = arith.addi %mul3A_8, %mul3A_539 : i32
        %dma_start3A_541 = arith.constant 4 : i32
        %dma_start3A_542 = arith.constant 0 : i32
        %dma_start3A_543 = tpu.memref_slice %arg10[%dma_start3A_541, %dma_start3A_542] : memref<5x40xi32, #tpu.memory_space<vmem>> -> memref<1x40xi32, #tpu.memory_space<vmem>>
        %dma_start3A_544 = tpu.memref_squeeze %dma_start3A_543 : memref<1x40xi32, #tpu.memory_space<vmem>> -> memref<40xi32, #tpu.memory_space<vmem>>
        %dma_start3A_545 = tpu.memref_slice %arg4[%add3A_540] : memref<160000xi32, #tpu.memory_space<hbm>> -> memref<40xi32, #tpu.memory_space<hbm>>
        %dma_start3A_546 = arith.constant 0 : i32
        %dma_start3A_547 = tpu.memref_slice %arg10[%dma_start3A_541, %dma_start3A_546] : memref<5x40xi32, #tpu.memory_space<vmem>> -> memref<1x40xi32, #tpu.memory_space<vmem>>
        %dma_start3A_548 = tpu.memref_squeeze %dma_start3A_547 : memref<1x40xi32, #tpu.memory_space<vmem>> -> memref<40xi32, #tpu.memory_space<vmem>>
        %dma_start3A_549 = tpu.memref_slice %arg4[%add3A_540] : memref<160000xi32, #tpu.memory_space<hbm>> -> memref<40xi32, #tpu.memory_space<hbm>>
        tpu.enqueue_dma source(%dma_start3A_549 : memref<40xi32, #tpu.memory_space<hbm>>) target(%dma_start3A_548 : memref<40xi32, #tpu.memory_space<vmem>>) target_semaphore(%arg21 : memref<!tpu.dma_semaphore, #tpu.memory_space<semaphore_mem>>)
      } else {
      }
    }
    %scan3A_117 = arith.constant 25 : i32
    %dma_wait3A = arith.constant 0 : i32
    %dma_wait3A_118 = arith.constant 0 : i32
    %dma_wait3A_119 = arith.constant 0 : i32
    %dma_wait3A_120 = arith.constant 0 : i32
    %dma_wait3A_121 = tpu.memref_slice %arg11[%dma_wait3A, %dma_wait3A_119, %dma_wait3A_120] : memref<5x40x128xf32, #tpu.memory_space<vmem>> -> memref<1x40x128xf32, #tpu.memory_space<vmem>>
    %dma_wait3A_122 = tpu.memref_squeeze %dma_wait3A_121 : memref<1x40x128xf32, #tpu.memory_space<vmem>> -> memref<40x128xf32, #tpu.memory_space<vmem>>
    %dma_wait3A_123 = arith.constant 0 : i32
    %dma_wait3A_124 = tpu.memref_slice %arg10[%dma_wait3A_118, %dma_wait3A_123] : memref<5x40xi32, #tpu.memory_space<vmem>> -> memref<1x40xi32, #tpu.memory_space<vmem>>
    %dma_wait3A_125 = tpu.memref_squeeze %dma_wait3A_124 : memref<1x40xi32, #tpu.memory_space<vmem>> -> memref<40xi32, #tpu.memory_space<vmem>>
    %dma_wait3A_126 = arith.constant 0 : i32
    %dma_wait3A_127 = arith.constant 0 : i32
    %dma_wait3A_128 = tpu.memref_slice %arg8[%dma_wait3A_126, %dma_wait3A_127] : memref<10240x128xf32, #tpu.memory_space<vmem_shared>> -> memref<10240x128xf32, #tpu.memory_space<vmem_shared>>
    tpu.wait_indirect_dma semaphore(%arg22 : memref<!tpu.dma_semaphore, #tpu.memory_space<semaphore_mem>>) src(%dma_wait3A_122 : memref<40x128xf32, #tpu.memory_space<vmem>>) dst(%dma_wait3A_128 : memref<10240x128xf32, #tpu.memory_space<vmem_shared>>)
    %dma_wait3A_129 = arith.constant 1 : i32
    %dma_wait3A_130 = arith.constant 0 : i32
    %dma_wait3A_131 = arith.constant 0 : i32
    %dma_wait3A_132 = arith.constant 0 : i32
    %dma_wait3A_133 = tpu.memref_slice %arg11[%dma_wait3A_129, %dma_wait3A_131, %dma_wait3A_132] : memref<5x40x128xf32, #tpu.memory_space<vmem>> -> memref<1x40x128xf32, #tpu.memory_space<vmem>>
    %dma_wait3A_134 = tpu.memref_squeeze %dma_wait3A_133 : memref<1x40x128xf32, #tpu.memory_space<vmem>> -> memref<40x128xf32, #tpu.memory_space<vmem>>
    %dma_wait3A_135 = arith.constant 0 : i32
    %dma_wait3A_136 = tpu.memref_slice %arg10[%dma_wait3A_130, %dma_wait3A_135] : memref<5x40xi32, #tpu.memory_space<vmem>> -> memref<1x40xi32, #tpu.memory_space<vmem>>
    %dma_wait3A_137 = tpu.memref_squeeze %dma_wait3A_136 : memref<1x40xi32, #tpu.memory_space<vmem>> -> memref<40xi32, #tpu.memory_space<vmem>>
    %dma_wait3A_138 = arith.constant 0 : i32
    %dma_wait3A_139 = arith.constant 0 : i32
    %dma_wait3A_140 = tpu.memref_slice %arg8[%dma_wait3A_138, %dma_wait3A_139] : memref<10240x128xf32, #tpu.memory_space<vmem_shared>> -> memref<10240x128xf32, #tpu.memory_space<vmem_shared>>
    tpu.wait_indirect_dma semaphore(%arg23 : memref<!tpu.dma_semaphore, #tpu.memory_space<semaphore_mem>>) src(%dma_wait3A_134 : memref<40x128xf32, #tpu.memory_space<vmem>>) dst(%dma_wait3A_140 : memref<10240x128xf32, #tpu.memory_space<vmem_shared>>)
    %dma_wait3A_141 = arith.constant 2 : i32
    %dma_wait3A_142 = arith.constant 0 : i32
    %dma_wait3A_143 = arith.constant 0 : i32
    %dma_wait3A_144 = arith.constant 0 : i32
    %dma_wait3A_145 = tpu.memref_slice %arg11[%dma_wait3A_141, %dma_wait3A_143, %dma_wait3A_144] : memref<5x40x128xf32, #tpu.memory_space<vmem>> -> memref<1x40x128xf32, #tpu.memory_space<vmem>>
    %dma_wait3A_146 = tpu.memref_squeeze %dma_wait3A_145 : memref<1x40x128xf32, #tpu.memory_space<vmem>> -> memref<40x128xf32, #tpu.memory_space<vmem>>
    %dma_wait3A_147 = arith.constant 0 : i32
    %dma_wait3A_148 = tpu.memref_slice %arg10[%dma_wait3A_142, %dma_wait3A_147] : memref<5x40xi32, #tpu.memory_space<vmem>> -> memref<1x40xi32, #tpu.memory_space<vmem>>
    %dma_wait3A_149 = tpu.memref_squeeze %dma_wait3A_148 : memref<1x40xi32, #tpu.memory_space<vmem>> -> memref<40xi32, #tpu.memory_space<vmem>>
    %dma_wait3A_150 = arith.constant 0 : i32
    %dma_wait3A_151 = arith.constant 0 : i32
    %dma_wait3A_152 = tpu.memref_slice %arg8[%dma_wait3A_150, %dma_wait3A_151] : memref<10240x128xf32, #tpu.memory_space<vmem_shared>> -> memref<10240x128xf32, #tpu.memory_space<vmem_shared>>
    tpu.wait_indirect_dma semaphore(%arg24 : memref<!tpu.dma_semaphore, #tpu.memory_space<semaphore_mem>>) src(%dma_wait3A_146 : memref<40x128xf32, #tpu.memory_space<vmem>>) dst(%dma_wait3A_152 : memref<10240x128xf32, #tpu.memory_space<vmem_shared>>)
    %dma_wait3A_153 = arith.constant 3 : i32
    %dma_wait3A_154 = arith.constant 0 : i32
    %dma_wait3A_155 = arith.constant 0 : i32
    %dma_wait3A_156 = arith.constant 0 : i32
    %dma_wait3A_157 = tpu.memref_slice %arg11[%dma_wait3A_153, %dma_wait3A_155, %dma_wait3A_156] : memref<5x40x128xf32, #tpu.memory_space<vmem>> -> memref<1x40x128xf32, #tpu.memory_space<vmem>>
    %dma_wait3A_158 = tpu.memref_squeeze %dma_wait3A_157 : memref<1x40x128xf32, #tpu.memory_space<vmem>> -> memref<40x128xf32, #tpu.memory_space<vmem>>
    %dma_wait3A_159 = arith.constant 0 : i32
    %dma_wait3A_160 = tpu.memref_slice %arg10[%dma_wait3A_154, %dma_wait3A_159] : memref<5x40xi32, #tpu.memory_space<vmem>> -> memref<1x40xi32, #tpu.memory_space<vmem>>
    %dma_wait3A_161 = tpu.memref_squeeze %dma_wait3A_160 : memref<1x40xi32, #tpu.memory_space<vmem>> -> memref<40xi32, #tpu.memory_space<vmem>>
    %dma_wait3A_162 = arith.constant 0 : i32
    %dma_wait3A_163 = arith.constant 0 : i32
    %dma_wait3A_164 = tpu.memref_slice %arg8[%dma_wait3A_162, %dma_wait3A_163] : memref<10240x128xf32, #tpu.memory_space<vmem_shared>> -> memref<10240x128xf32, #tpu.memory_space<vmem_shared>>
    tpu.wait_indirect_dma semaphore(%arg25 : memref<!tpu.dma_semaphore, #tpu.memory_space<semaphore_mem>>) src(%dma_wait3A_158 : memref<40x128xf32, #tpu.memory_space<vmem>>) dst(%dma_wait3A_164 : memref<10240x128xf32, #tpu.memory_space<vmem_shared>>)
    %dma_wait3A_165 = arith.constant 4 : i32
    %dma_wait3A_166 = arith.constant 0 : i32
    %dma_wait3A_167 = arith.constant 0 : i32
    %dma_wait3A_168 = arith.constant 0 : i32
    %dma_wait3A_169 = tpu.memref_slice %arg11[%dma_wait3A_165, %dma_wait3A_167, %dma_wait3A_168] : memref<5x40x128xf32, #tpu.memory_space<vmem>> -> memref<1x40x128xf32, #tpu.memory_space<vmem>>
    %dma_wait3A_170 = tpu.memref_squeeze %dma_wait3A_169 : memref<1x40x128xf32, #tpu.memory_space<vmem>> -> memref<40x128xf32, #tpu.memory_space<vmem>>
    %dma_wait3A_171 = arith.constant 0 : i32
    %dma_wait3A_172 = tpu.memref_slice %arg10[%dma_wait3A_166, %dma_wait3A_171] : memref<5x40xi32, #tpu.memory_space<vmem>> -> memref<1x40xi32, #tpu.memory_space<vmem>>
    %dma_wait3A_173 = tpu.memref_squeeze %dma_wait3A_172 : memref<1x40xi32, #tpu.memory_space<vmem>> -> memref<40xi32, #tpu.memory_space<vmem>>
    %dma_wait3A_174 = arith.constant 0 : i32
    %dma_wait3A_175 = arith.constant 0 : i32
    %dma_wait3A_176 = tpu.memref_slice %arg8[%dma_wait3A_174, %dma_wait3A_175] : memref<10240x128xf32, #tpu.memory_space<vmem_shared>> -> memref<10240x128xf32, #tpu.memory_space<vmem_shared>>
    tpu.wait_indirect_dma semaphore(%arg26 : memref<!tpu.dma_semaphore, #tpu.memory_space<semaphore_mem>>) src(%dma_wait3A_170 : memref<40x128xf32, #tpu.memory_space<vmem>>) dst(%dma_wait3A_176 : memref<10240x128xf32, #tpu.memory_space<vmem_shared>>)
    %barrier3A_177 = arith.constant 0 : index
    tpu.barrier barrier_id(%barrier3A_177)
    %eq3A = arith.constant 0 : i32
    %eq3A_178 = arith.cmpi eq, %arg0, %eq3A : i32
    %convert_element_type3A = arith.extui %eq3A_178 : i1 to i32
    %cond3A = arith.constant 0 : i32
    %cond3A_179 = arith.cmpi ne, %convert_element_type3A, %cond3A : i32
    scf.if %cond3A_179 {
      %mul3A_185 = arith.constant 640 : i32
      %mul3A_186 = arith.muli %arg1, %mul3A_185 : i32
      %mul3A_187 = arith.constant 640 : i32
      %mul3A_188 = arith.muli %arg1, %mul3A_187 : i32
      "tpu.region"() ({
        %run_scoped3A = tpu.sem_alloc : memref<!tpu.dma_semaphore, #tpu.memory_space<semaphore_mem>>
        %dma_start3A_189 = arith.constant 0 : i32
        %dma_start3A_190 = tpu.memref_slice %arg6[%mul3A_188, %dma_start3A_189] : memref<10240x128xf32, #tpu.memory_space<hbm>> -> memref<640x128xf32, #tpu.memory_space<hbm>>
        %dma_start3A_191 = arith.constant 0 : i32
        %dma_start3A_192 = tpu.memref_slice %arg8[%mul3A_186, %dma_start3A_191] : memref<10240x128xf32, #tpu.memory_space<vmem_shared>> -> memref<640x128xf32, #tpu.memory_space<vmem_shared>>
        tpu.enqueue_dma source(%dma_start3A_192 : memref<640x128xf32, #tpu.memory_space<vmem_shared>>) target(%dma_start3A_190 : memref<640x128xf32, #tpu.memory_space<hbm>>) target_semaphore(%run_scoped3A : memref<!tpu.dma_semaphore, #tpu.memory_space<semaphore_mem>>)
        %dma_wait3A_193 = arith.constant 0 : i32
        %dma_wait3A_194 = tpu.memref_slice %arg6[%mul3A_188, %dma_wait3A_193] : memref<10240x128xf32, #tpu.memory_space<hbm>> -> memref<640x128xf32, #tpu.memory_space<hbm>>
        %dma_wait3A_195 = arith.constant 0 : i32
        %dma_wait3A_196 = tpu.memref_slice %arg8[%mul3A_186, %dma_wait3A_195] : memref<10240x128xf32, #tpu.memory_space<vmem_shared>> -> memref<640x128xf32, #tpu.memory_space<vmem_shared>>
        tpu.wait_dma2 semaphore(%run_scoped3A : memref<!tpu.dma_semaphore, #tpu.memory_space<semaphore_mem>>) src(%dma_wait3A_196 : memref<640x128xf32, #tpu.memory_space<vmem_shared>>) dst(%dma_wait3A_194 : memref<640x128xf32, #tpu.memory_space<hbm>>)
        tpu.yield
      }) : () -> ()
    } else {
    }
    %eq3A_180 = arith.constant 1 : i32
    %eq3A_181 = arith.cmpi eq, %arg0, %eq3A_180 : i32
    %convert_element_type3A_182 = arith.extui %eq3A_181 : i1 to i32
    %cond3A_183 = arith.constant 0 : i32
    %cond3A_184 = arith.cmpi ne, %convert_element_type3A_182, %cond3A_183 : i32
    scf.if %cond3A_184 {
      %mul3A_185 = arith.constant 640 : i32
      %mul3A_186 = arith.muli %arg1, %mul3A_185 : i32
      %mul3A_187 = arith.constant 640 : i32
      %mul3A_188 = arith.muli %arg1, %mul3A_187 : i32
      "tpu.region"() ({
        %run_scoped3A = tpu.sem_alloc : memref<!tpu.dma_semaphore, #tpu.memory_space<semaphore_mem>>
        %dma_start3A_189 = arith.constant 0 : i32
        %dma_start3A_190 = tpu.memref_slice %arg7[%mul3A_188, %dma_start3A_189] : memref<10240x128xf32, #tpu.memory_space<hbm>> -> memref<640x128xf32, #tpu.memory_space<hbm>>
        %dma_start3A_191 = arith.constant 0 : i32
        %dma_start3A_192 = tpu.memref_slice %arg8[%mul3A_186, %dma_start3A_191] : memref<10240x128xf32, #tpu.memory_space<vmem_shared>> -> memref<640x128xf32, #tpu.memory_space<vmem_shared>>
        tpu.enqueue_dma source(%dma_start3A_192 : memref<640x128xf32, #tpu.memory_space<vmem_shared>>) target(%dma_start3A_190 : memref<640x128xf32, #tpu.memory_space<hbm>>) target_semaphore(%run_scoped3A : memref<!tpu.dma_semaphore, #tpu.memory_space<semaphore_mem>>)
        %dma_wait3A_193 = arith.constant 0 : i32
        %dma_wait3A_194 = tpu.memref_slice %arg7[%mul3A_188, %dma_wait3A_193] : memref<10240x128xf32, #tpu.memory_space<hbm>> -> memref<640x128xf32, #tpu.memory_space<hbm>>
        %dma_wait3A_195 = arith.constant 0 : i32
        %dma_wait3A_196 = tpu.memref_slice %arg8[%mul3A_186, %dma_wait3A_195] : memref<10240x128xf32, #tpu.memory_space<vmem_shared>> -> memref<640x128xf32, #tpu.memory_space<vmem_shared>>
        tpu.wait_dma2 semaphore(%run_scoped3A : memref<!tpu.dma_semaphore, #tpu.memory_space<semaphore_mem>>) src(%dma_wait3A_196 : memref<640x128xf32, #tpu.memory_space<vmem_shared>>) dst(%dma_wait3A_194 : memref<640x128xf32, #tpu.memory_space<hbm>>)
        tpu.yield
      }) : () -> ()
    } else {
    }
    return
  }
}

#map = affine_map<(d0, d1) -> (0, 0)>
#map1 = affine_map<(d0, d1) -> (0)>
module attributes {stable_mosaic.version = 14 : i64} {
  func.func @agg_kernel(%arg0: i32, %arg1: i32, %arg2: memref<10240x128xf32, #tpu.memory_space<hbm>>, %arg3: memref<10240x128xf32, #tpu.memory_space<hbm>>, %arg4: memref<160000xi32, #tpu.memory_space<hbm>>, %arg5: memref<160000xi32, #tpu.memory_space<hbm>>, %arg6: memref<10240x128xf32, #tpu.memory_space<hbm>>, %arg7: memref<10240x128xf32, #tpu.memory_space<hbm>>, %arg8: memref<10240x128xf32, #tpu.memory_space<hbm>>, %arg9: memref<10240x128xf32, #tpu.memory_space<vmem_shared>>, %arg10: memref<10000xi32, #tpu.memory_space<vmem>>, %arg11: memref<5x40xi32, #tpu.memory_space<vmem>>, %arg12: memref<5x40x128xf32, #tpu.memory_space<vmem>>, %arg13: memref<!tpu.dma_semaphore, #tpu.memory_space<semaphore_mem>>, %arg14: memref<!tpu.dma_semaphore, #tpu.memory_space<semaphore_mem>>, %arg15: memref<!tpu.dma_semaphore, #tpu.memory_space<semaphore_mem>>, %arg16: memref<!tpu.dma_semaphore, #tpu.memory_space<semaphore_mem>>, %arg17: memref<!tpu.dma_semaphore, #tpu.memory_space<semaphore_mem>>, %arg18: memref<!tpu.dma_semaphore, #tpu.memory_space<semaphore_mem>>, %arg19: memref<!tpu.dma_semaphore, #tpu.memory_space<semaphore_mem>>, %arg20: memref<!tpu.dma_semaphore, #tpu.memory_space<semaphore_mem>>, %arg21: memref<!tpu.dma_semaphore, #tpu.memory_space<semaphore_mem>>, %arg22: memref<!tpu.dma_semaphore, #tpu.memory_space<semaphore_mem>>, %arg23: memref<!tpu.dma_semaphore, #tpu.memory_space<semaphore_mem>>, %arg24: memref<!tpu.dma_semaphore, #tpu.memory_space<semaphore_mem>>, %arg25: memref<!tpu.dma_semaphore, #tpu.memory_space<semaphore_mem>>, %arg26: memref<!tpu.dma_semaphore, #tpu.memory_space<semaphore_mem>>, %arg27: memref<!tpu.dma_semaphore, #tpu.memory_space<semaphore_mem>>) attributes {dimension_semantics = [#tpu.dimension_semantics<core_parallel>, #tpu.dimension_semantics<subcore_parallel>], iteration_bounds = array<i64: 2, 16>, scalar_prefetch = 0 : i64, scratch_operands = 19 : i64, tpu.core_type = #tpu.core_type<sc_vector_subcore>, window_params = [{transform_indices = #map}, {transform_indices = #map}, {transform_indices = #map1}, {transform_indices = #map1}, {transform_indices = #map}, {transform_indices = #map}, {transform_indices = #map}]} {
    %mul3A = arith.constant 10000 : i32
    %mul3A_0 = arith.muli %arg1, %mul3A : i32
    "tpu.region"() ({
      %run_scoped3A = tpu.sem_alloc : memref<!tpu.dma_semaphore, #tpu.memory_space<semaphore_mem>>
      %dma_start3A = tpu.memref_slice %arg4[%mul3A_0] : memref<160000xi32, #tpu.memory_space<hbm>> -> memref<10000xi32, #tpu.memory_space<hbm>>
      %dma_start3A_12 = tpu.memref_slice %arg4[%mul3A_0] : memref<160000xi32, #tpu.memory_space<hbm>> -> memref<10000xi32, #tpu.memory_space<hbm>>
      tpu.enqueue_dma source(%dma_start3A_12 : memref<10000xi32, #tpu.memory_space<hbm>>) target(%arg10 : memref<10000xi32, #tpu.memory_space<vmem>>) target_semaphore(%run_scoped3A : memref<!tpu.dma_semaphore, #tpu.memory_space<semaphore_mem>>)
      %dma_wait3A = tpu.memref_slice %arg4[%mul3A_0] : memref<160000xi32, #tpu.memory_space<hbm>> -> memref<10000xi32, #tpu.memory_space<hbm>>
      %dma_wait3A_13 = tpu.memref_slice %arg4[%mul3A_0] : memref<160000xi32, #tpu.memory_space<hbm>> -> memref<10000xi32, #tpu.memory_space<hbm>>
      tpu.wait_dma2 semaphore(%run_scoped3A : memref<!tpu.dma_semaphore, #tpu.memory_space<semaphore_mem>>) src(%dma_wait3A_13 : memref<10000xi32, #tpu.memory_space<hbm>>) dst(%arg10 : memref<10000xi32, #tpu.memory_space<vmem>>)
      tpu.yield
    }) : () -> ()
    %mul3A_1 = arith.constant 640 : i32
    %mul3A_2 = arith.muli %arg1, %mul3A_1 : i32
    %mul3A_3 = arith.constant 640 : i32
    %mul3A_4 = arith.muli %arg1, %mul3A_3 : i32
    "tpu.region"() ({
      %run_scoped3A = tpu.sem_alloc : memref<!tpu.dma_semaphore, #tpu.memory_space<semaphore_mem>>
      %dma_start3A = arith.constant 0 : i32
      %dma_start3A_12 = tpu.memref_slice %arg9[%mul3A_4, %dma_start3A] : memref<10240x128xf32, #tpu.memory_space<vmem_shared>> -> memref<640x128xf32, #tpu.memory_space<vmem_shared>>
      %dma_start3A_13 = arith.constant 0 : i32
      %dma_start3A_14 = tpu.memref_slice %arg6[%mul3A_2, %dma_start3A_13] : memref<10240x128xf32, #tpu.memory_space<hbm>> -> memref<640x128xf32, #tpu.memory_space<hbm>>
      tpu.enqueue_dma source(%dma_start3A_14 : memref<640x128xf32, #tpu.memory_space<hbm>>) target(%dma_start3A_12 : memref<640x128xf32, #tpu.memory_space<vmem_shared>>) target_semaphore(%run_scoped3A : memref<!tpu.dma_semaphore, #tpu.memory_space<semaphore_mem>>)
      %dma_wait3A = arith.constant 0 : i32
      %dma_wait3A_15 = tpu.memref_slice %arg9[%mul3A_4, %dma_wait3A] : memref<10240x128xf32, #tpu.memory_space<vmem_shared>> -> memref<640x128xf32, #tpu.memory_space<vmem_shared>>
      %dma_wait3A_16 = arith.constant 0 : i32
      %dma_wait3A_17 = tpu.memref_slice %arg6[%mul3A_2, %dma_wait3A_16] : memref<10240x128xf32, #tpu.memory_space<hbm>> -> memref<640x128xf32, #tpu.memory_space<hbm>>
      tpu.wait_dma2 semaphore(%run_scoped3A : memref<!tpu.dma_semaphore, #tpu.memory_space<semaphore_mem>>) src(%dma_wait3A_17 : memref<640x128xf32, #tpu.memory_space<hbm>>) dst(%dma_wait3A_15 : memref<640x128xf32, #tpu.memory_space<vmem_shared>>)
      tpu.yield
    }) : () -> ()
    %barrier3A = arith.constant 0 : index
    tpu.barrier barrier_id(%barrier3A)
    %eq3A = arith.constant 0 : i32
    %eq3A_5 = arith.cmpi eq, %arg0, %eq3A : i32
    %convert_element_type3A = arith.extui %eq3A_5 : i1 to i32
    %cond3A = arith.constant 0 : i32
    %cond3A_6 = arith.cmpi ne, %convert_element_type3A, %cond3A : i32
    scf.if %cond3A_6 {
      %mul3A_12 = arith.constant 10000 : i32
      %mul3A_13 = arith.muli %arg1, %mul3A_12 : i32
      %dma_start3A = arith.constant 0 : i32
      %dma_start3A_14 = arith.constant 0 : i32
      %dma_start3A_15 = arith.constant 0 : i32
      %dma_start3A_16 = tpu.memref_slice %arg12[%dma_start3A, %dma_start3A_14, %dma_start3A_15] : memref<5x40x128xf32, #tpu.memory_space<vmem>> -> memref<1x40x128xf32, #tpu.memory_space<vmem>>
      %dma_start3A_17 = tpu.memref_squeeze %dma_start3A_16 : memref<1x40x128xf32, #tpu.memory_space<vmem>> -> memref<40x128xf32, #tpu.memory_space<vmem>>
      %dma_start3A_18 = arith.constant 0 : i32
      %dma_start3A_19 = tpu.memref_slice %arg10[%dma_start3A_18] : memref<10000xi32, #tpu.memory_space<vmem>> -> memref<40xi32, #tpu.memory_space<vmem>>
      %dma_start3A_20 = arith.constant 0 : i32
      %dma_start3A_21 = arith.constant 0 : i32
      %dma_start3A_22 = tpu.memref_slice %arg2[%dma_start3A_20, %dma_start3A_21] : memref<10240x128xf32, #tpu.memory_space<hbm>> -> memref<10240x128xf32, #tpu.memory_space<hbm>>
      tpu.enqueue_indirect_dma source(%dma_start3A_22 : memref<10240x128xf32, #tpu.memory_space<hbm>>) target(%dma_start3A_17 : memref<40x128xf32, #tpu.memory_space<vmem>>) offsets(%dma_start3A_19 : memref<40xi32, #tpu.memory_space<vmem>>) semaphore(%arg13 : memref<!tpu.dma_semaphore, #tpu.memory_space<semaphore_mem>>)
      %add3A = arith.constant 0 : i32
      %add3A_23 = arith.addi %mul3A_13, %add3A : i32
      %dma_start3A_24 = arith.constant 0 : i32
      %dma_start3A_25 = arith.constant 0 : i32
      %dma_start3A_26 = tpu.memref_slice %arg11[%dma_start3A_24, %dma_start3A_25] : memref<5x40xi32, #tpu.memory_space<vmem>> -> memref<1x40xi32, #tpu.memory_space<vmem>>
      %dma_start3A_27 = tpu.memref_squeeze %dma_start3A_26 : memref<1x40xi32, #tpu.memory_space<vmem>> -> memref<40xi32, #tpu.memory_space<vmem>>
      %dma_start3A_28 = tpu.memref_slice %arg5[%add3A_23] : memref<160000xi32, #tpu.memory_space<hbm>> -> memref<40xi32, #tpu.memory_space<hbm>>
      %dma_start3A_29 = arith.constant 0 : i32
      %dma_start3A_30 = tpu.memref_slice %arg11[%dma_start3A_24, %dma_start3A_29] : memref<5x40xi32, #tpu.memory_space<vmem>> -> memref<1x40xi32, #tpu.memory_space<vmem>>
      %dma_start3A_31 = tpu.memref_squeeze %dma_start3A_30 : memref<1x40xi32, #tpu.memory_space<vmem>> -> memref<40xi32, #tpu.memory_space<vmem>>
      %dma_start3A_32 = tpu.memref_slice %arg5[%add3A_23] : memref<160000xi32, #tpu.memory_space<hbm>> -> memref<40xi32, #tpu.memory_space<hbm>>
      tpu.enqueue_dma source(%dma_start3A_32 : memref<40xi32, #tpu.memory_space<hbm>>) target(%dma_start3A_31 : memref<40xi32, #tpu.memory_space<vmem>>) target_semaphore(%arg18 : memref<!tpu.dma_semaphore, #tpu.memory_space<semaphore_mem>>)
      %dma_start3A_33 = arith.constant 1 : i32
      %dma_start3A_34 = arith.constant 0 : i32
      %dma_start3A_35 = arith.constant 0 : i32
      %dma_start3A_36 = tpu.memref_slice %arg12[%dma_start3A_33, %dma_start3A_34, %dma_start3A_35] : memref<5x40x128xf32, #tpu.memory_space<vmem>> -> memref<1x40x128xf32, #tpu.memory_space<vmem>>
      %dma_start3A_37 = tpu.memref_squeeze %dma_start3A_36 : memref<1x40x128xf32, #tpu.memory_space<vmem>> -> memref<40x128xf32, #tpu.memory_space<vmem>>
      %dma_start3A_38 = arith.constant 40 : i32
      %dma_start3A_39 = tpu.memref_slice %arg10[%dma_start3A_38] : memref<10000xi32, #tpu.memory_space<vmem>> -> memref<40xi32, #tpu.memory_space<vmem>>
      %dma_start3A_40 = arith.constant 0 : i32
      %dma_start3A_41 = arith.constant 0 : i32
      %dma_start3A_42 = tpu.memref_slice %arg2[%dma_start3A_40, %dma_start3A_41] : memref<10240x128xf32, #tpu.memory_space<hbm>> -> memref<10240x128xf32, #tpu.memory_space<hbm>>
      tpu.enqueue_indirect_dma source(%dma_start3A_42 : memref<10240x128xf32, #tpu.memory_space<hbm>>) target(%dma_start3A_37 : memref<40x128xf32, #tpu.memory_space<vmem>>) offsets(%dma_start3A_39 : memref<40xi32, #tpu.memory_space<vmem>>) semaphore(%arg14 : memref<!tpu.dma_semaphore, #tpu.memory_space<semaphore_mem>>)
      %add3A_43 = arith.constant 40 : i32
      %add3A_44 = arith.addi %mul3A_13, %add3A_43 : i32
      %dma_start3A_45 = arith.constant 1 : i32
      %dma_start3A_46 = arith.constant 0 : i32
      %dma_start3A_47 = tpu.memref_slice %arg11[%dma_start3A_45, %dma_start3A_46] : memref<5x40xi32, #tpu.memory_space<vmem>> -> memref<1x40xi32, #tpu.memory_space<vmem>>
      %dma_start3A_48 = tpu.memref_squeeze %dma_start3A_47 : memref<1x40xi32, #tpu.memory_space<vmem>> -> memref<40xi32, #tpu.memory_space<vmem>>
      %dma_start3A_49 = tpu.memref_slice %arg5[%add3A_44] : memref<160000xi32, #tpu.memory_space<hbm>> -> memref<40xi32, #tpu.memory_space<hbm>>
      %dma_start3A_50 = arith.constant 0 : i32
      %dma_start3A_51 = tpu.memref_slice %arg11[%dma_start3A_45, %dma_start3A_50] : memref<5x40xi32, #tpu.memory_space<vmem>> -> memref<1x40xi32, #tpu.memory_space<vmem>>
      %dma_start3A_52 = tpu.memref_squeeze %dma_start3A_51 : memref<1x40xi32, #tpu.memory_space<vmem>> -> memref<40xi32, #tpu.memory_space<vmem>>
      %dma_start3A_53 = tpu.memref_slice %arg5[%add3A_44] : memref<160000xi32, #tpu.memory_space<hbm>> -> memref<40xi32, #tpu.memory_space<hbm>>
      tpu.enqueue_dma source(%dma_start3A_53 : memref<40xi32, #tpu.memory_space<hbm>>) target(%dma_start3A_52 : memref<40xi32, #tpu.memory_space<vmem>>) target_semaphore(%arg19 : memref<!tpu.dma_semaphore, #tpu.memory_space<semaphore_mem>>)
      %dma_start3A_54 = arith.constant 2 : i32
      %dma_start3A_55 = arith.constant 0 : i32
      %dma_start3A_56 = arith.constant 0 : i32
      %dma_start3A_57 = tpu.memref_slice %arg12[%dma_start3A_54, %dma_start3A_55, %dma_start3A_56] : memref<5x40x128xf32, #tpu.memory_space<vmem>> -> memref<1x40x128xf32, #tpu.memory_space<vmem>>
      %dma_start3A_58 = tpu.memref_squeeze %dma_start3A_57 : memref<1x40x128xf32, #tpu.memory_space<vmem>> -> memref<40x128xf32, #tpu.memory_space<vmem>>
      %dma_start3A_59 = arith.constant 80 : i32
      %dma_start3A_60 = tpu.memref_slice %arg10[%dma_start3A_59] : memref<10000xi32, #tpu.memory_space<vmem>> -> memref<40xi32, #tpu.memory_space<vmem>>
      %dma_start3A_61 = arith.constant 0 : i32
      %dma_start3A_62 = arith.constant 0 : i32
      %dma_start3A_63 = tpu.memref_slice %arg2[%dma_start3A_61, %dma_start3A_62] : memref<10240x128xf32, #tpu.memory_space<hbm>> -> memref<10240x128xf32, #tpu.memory_space<hbm>>
      tpu.enqueue_indirect_dma source(%dma_start3A_63 : memref<10240x128xf32, #tpu.memory_space<hbm>>) target(%dma_start3A_58 : memref<40x128xf32, #tpu.memory_space<vmem>>) offsets(%dma_start3A_60 : memref<40xi32, #tpu.memory_space<vmem>>) semaphore(%arg15 : memref<!tpu.dma_semaphore, #tpu.memory_space<semaphore_mem>>)
      %add3A_64 = arith.constant 80 : i32
      %add3A_65 = arith.addi %mul3A_13, %add3A_64 : i32
      %dma_start3A_66 = arith.constant 2 : i32
      %dma_start3A_67 = arith.constant 0 : i32
      %dma_start3A_68 = tpu.memref_slice %arg11[%dma_start3A_66, %dma_start3A_67] : memref<5x40xi32, #tpu.memory_space<vmem>> -> memref<1x40xi32, #tpu.memory_space<vmem>>
      %dma_start3A_69 = tpu.memref_squeeze %dma_start3A_68 : memref<1x40xi32, #tpu.memory_space<vmem>> -> memref<40xi32, #tpu.memory_space<vmem>>
      %dma_start3A_70 = tpu.memref_slice %arg5[%add3A_65] : memref<160000xi32, #tpu.memory_space<hbm>> -> memref<40xi32, #tpu.memory_space<hbm>>
      %dma_start3A_71 = arith.constant 0 : i32
      %dma_start3A_72 = tpu.memref_slice %arg11[%dma_start3A_66, %dma_start3A_71] : memref<5x40xi32, #tpu.memory_space<vmem>> -> memref<1x40xi32, #tpu.memory_space<vmem>>
      %dma_start3A_73 = tpu.memref_squeeze %dma_start3A_72 : memref<1x40xi32, #tpu.memory_space<vmem>> -> memref<40xi32, #tpu.memory_space<vmem>>
      %dma_start3A_74 = tpu.memref_slice %arg5[%add3A_65] : memref<160000xi32, #tpu.memory_space<hbm>> -> memref<40xi32, #tpu.memory_space<hbm>>
      tpu.enqueue_dma source(%dma_start3A_74 : memref<40xi32, #tpu.memory_space<hbm>>) target(%dma_start3A_73 : memref<40xi32, #tpu.memory_space<vmem>>) target_semaphore(%arg20 : memref<!tpu.dma_semaphore, #tpu.memory_space<semaphore_mem>>)
      %dma_start3A_75 = arith.constant 3 : i32
      %dma_start3A_76 = arith.constant 0 : i32
      %dma_start3A_77 = arith.constant 0 : i32
      %dma_start3A_78 = tpu.memref_slice %arg12[%dma_start3A_75, %dma_start3A_76, %dma_start3A_77] : memref<5x40x128xf32, #tpu.memory_space<vmem>> -> memref<1x40x128xf32, #tpu.memory_space<vmem>>
      %dma_start3A_79 = tpu.memref_squeeze %dma_start3A_78 : memref<1x40x128xf32, #tpu.memory_space<vmem>> -> memref<40x128xf32, #tpu.memory_space<vmem>>
      %dma_start3A_80 = arith.constant 120 : i32
      %dma_start3A_81 = tpu.memref_slice %arg10[%dma_start3A_80] : memref<10000xi32, #tpu.memory_space<vmem>> -> memref<40xi32, #tpu.memory_space<vmem>>
      %dma_start3A_82 = arith.constant 0 : i32
      %dma_start3A_83 = arith.constant 0 : i32
      %dma_start3A_84 = tpu.memref_slice %arg2[%dma_start3A_82, %dma_start3A_83] : memref<10240x128xf32, #tpu.memory_space<hbm>> -> memref<10240x128xf32, #tpu.memory_space<hbm>>
      tpu.enqueue_indirect_dma source(%dma_start3A_84 : memref<10240x128xf32, #tpu.memory_space<hbm>>) target(%dma_start3A_79 : memref<40x128xf32, #tpu.memory_space<vmem>>) offsets(%dma_start3A_81 : memref<40xi32, #tpu.memory_space<vmem>>) semaphore(%arg16 : memref<!tpu.dma_semaphore, #tpu.memory_space<semaphore_mem>>)
      %add3A_85 = arith.constant 120 : i32
      %add3A_86 = arith.addi %mul3A_13, %add3A_85 : i32
      %dma_start3A_87 = arith.constant 3 : i32
      %dma_start3A_88 = arith.constant 0 : i32
      %dma_start3A_89 = tpu.memref_slice %arg11[%dma_start3A_87, %dma_start3A_88] : memref<5x40xi32, #tpu.memory_space<vmem>> -> memref<1x40xi32, #tpu.memory_space<vmem>>
      %dma_start3A_90 = tpu.memref_squeeze %dma_start3A_89 : memref<1x40xi32, #tpu.memory_space<vmem>> -> memref<40xi32, #tpu.memory_space<vmem>>
      %dma_start3A_91 = tpu.memref_slice %arg5[%add3A_86] : memref<160000xi32, #tpu.memory_space<hbm>> -> memref<40xi32, #tpu.memory_space<hbm>>
      %dma_start3A_92 = arith.constant 0 : i32
      %dma_start3A_93 = tpu.memref_slice %arg11[%dma_start3A_87, %dma_start3A_92] : memref<5x40xi32, #tpu.memory_space<vmem>> -> memref<1x40xi32, #tpu.memory_space<vmem>>
      %dma_start3A_94 = tpu.memref_squeeze %dma_start3A_93 : memref<1x40xi32, #tpu.memory_space<vmem>> -> memref<40xi32, #tpu.memory_space<vmem>>
      %dma_start3A_95 = tpu.memref_slice %arg5[%add3A_86] : memref<160000xi32, #tpu.memory_space<hbm>> -> memref<40xi32, #tpu.memory_space<hbm>>
      tpu.enqueue_dma source(%dma_start3A_95 : memref<40xi32, #tpu.memory_space<hbm>>) target(%dma_start3A_94 : memref<40xi32, #tpu.memory_space<vmem>>) target_semaphore(%arg21 : memref<!tpu.dma_semaphore, #tpu.memory_space<semaphore_mem>>)
      %dma_start3A_96 = arith.constant 4 : i32
      %dma_start3A_97 = arith.constant 0 : i32
      %dma_start3A_98 = arith.constant 0 : i32
      %dma_start3A_99 = tpu.memref_slice %arg12[%dma_start3A_96, %dma_start3A_97, %dma_start3A_98] : memref<5x40x128xf32, #tpu.memory_space<vmem>> -> memref<1x40x128xf32, #tpu.memory_space<vmem>>
      %dma_start3A_100 = tpu.memref_squeeze %dma_start3A_99 : memref<1x40x128xf32, #tpu.memory_space<vmem>> -> memref<40x128xf32, #tpu.memory_space<vmem>>
      %dma_start3A_101 = arith.constant 160 : i32
      %dma_start3A_102 = tpu.memref_slice %arg10[%dma_start3A_101] : memref<10000xi32, #tpu.memory_space<vmem>> -> memref<40xi32, #tpu.memory_space<vmem>>
      %dma_start3A_103 = arith.constant 0 : i32
      %dma_start3A_104 = arith.constant 0 : i32
      %dma_start3A_105 = tpu.memref_slice %arg2[%dma_start3A_103, %dma_start3A_104] : memref<10240x128xf32, #tpu.memory_space<hbm>> -> memref<10240x128xf32, #tpu.memory_space<hbm>>
      tpu.enqueue_indirect_dma source(%dma_start3A_105 : memref<10240x128xf32, #tpu.memory_space<hbm>>) target(%dma_start3A_100 : memref<40x128xf32, #tpu.memory_space<vmem>>) offsets(%dma_start3A_102 : memref<40xi32, #tpu.memory_space<vmem>>) semaphore(%arg17 : memref<!tpu.dma_semaphore, #tpu.memory_space<semaphore_mem>>)
      %add3A_106 = arith.constant 160 : i32
      %add3A_107 = arith.addi %mul3A_13, %add3A_106 : i32
      %dma_start3A_108 = arith.constant 4 : i32
      %dma_start3A_109 = arith.constant 0 : i32
      %dma_start3A_110 = tpu.memref_slice %arg11[%dma_start3A_108, %dma_start3A_109] : memref<5x40xi32, #tpu.memory_space<vmem>> -> memref<1x40xi32, #tpu.memory_space<vmem>>
      %dma_start3A_111 = tpu.memref_squeeze %dma_start3A_110 : memref<1x40xi32, #tpu.memory_space<vmem>> -> memref<40xi32, #tpu.memory_space<vmem>>
      %dma_start3A_112 = tpu.memref_slice %arg5[%add3A_107] : memref<160000xi32, #tpu.memory_space<hbm>> -> memref<40xi32, #tpu.memory_space<hbm>>
      %dma_start3A_113 = arith.constant 0 : i32
      %dma_start3A_114 = tpu.memref_slice %arg11[%dma_start3A_108, %dma_start3A_113] : memref<5x40xi32, #tpu.memory_space<vmem>> -> memref<1x40xi32, #tpu.memory_space<vmem>>
      %dma_start3A_115 = tpu.memref_squeeze %dma_start3A_114 : memref<1x40xi32, #tpu.memory_space<vmem>> -> memref<40xi32, #tpu.memory_space<vmem>>
      %dma_start3A_116 = tpu.memref_slice %arg5[%add3A_107] : memref<160000xi32, #tpu.memory_space<hbm>> -> memref<40xi32, #tpu.memory_space<hbm>>
      tpu.enqueue_dma source(%dma_start3A_116 : memref<40xi32, #tpu.memory_space<hbm>>) target(%dma_start3A_115 : memref<40xi32, #tpu.memory_space<vmem>>) target_semaphore(%arg22 : memref<!tpu.dma_semaphore, #tpu.memory_space<semaphore_mem>>)
      %scan3A = arith.constant 0 : i32
      %scan3A_117 = arith.constant 0 : i32
      %scan3A_118 = arith.constant 50 : i32
      %scan3A_119 = arith.addi %scan3A_117, %scan3A_118 : i32
      %scan3A_120 = arith.constant 1 : i32
      scf.for %scan3A_186 = %scan3A_117 to %scan3A_119 step %scan3A_120  : i32 {
        %dma_wait3A_187 = arith.constant 0 : i32
        %dma_wait3A_188 = arith.constant 0 : i32
        %dma_wait3A_189 = arith.constant 0 : i32
        %dma_wait3A_190 = tpu.memref_slice %arg12[%dma_wait3A_187, %dma_wait3A_188, %dma_wait3A_189] : memref<5x40x128xf32, #tpu.memory_space<vmem>> -> memref<1x40x128xf32, #tpu.memory_space<vmem>>
        %dma_wait3A_191 = tpu.memref_squeeze %dma_wait3A_190 : memref<1x40x128xf32, #tpu.memory_space<vmem>> -> memref<40x128xf32, #tpu.memory_space<vmem>>
        %dma_wait3A_192 = arith.constant 0 : i32
        %dma_wait3A_193 = tpu.memref_slice %arg10[%dma_wait3A_192] : memref<10000xi32, #tpu.memory_space<vmem>> -> memref<40xi32, #tpu.memory_space<vmem>>
        %dma_wait3A_194 = arith.constant 0 : i32
        %dma_wait3A_195 = arith.constant 0 : i32
        %dma_wait3A_196 = tpu.memref_slice %arg2[%dma_wait3A_194, %dma_wait3A_195] : memref<10240x128xf32, #tpu.memory_space<hbm>> -> memref<10240x128xf32, #tpu.memory_space<hbm>>
        tpu.wait_indirect_dma semaphore(%arg13 : memref<!tpu.dma_semaphore, #tpu.memory_space<semaphore_mem>>) src(%dma_wait3A_196 : memref<10240x128xf32, #tpu.memory_space<hbm>>) dst(%dma_wait3A_191 : memref<40x128xf32, #tpu.memory_space<vmem>>)
        %dma_wait3A_197 = arith.constant 0 : i32
        %dma_wait3A_198 = arith.constant 0 : i32
        %dma_wait3A_199 = tpu.memref_slice %arg11[%dma_wait3A_197, %dma_wait3A_198] : memref<5x40xi32, #tpu.memory_space<vmem>> -> memref<1x40xi32, #tpu.memory_space<vmem>>
        %dma_wait3A_200 = tpu.memref_squeeze %dma_wait3A_199 : memref<1x40xi32, #tpu.memory_space<vmem>> -> memref<40xi32, #tpu.memory_space<vmem>>
        %dma_wait3A_201 = tpu.memref_slice %arg5[%mul3A_13] : memref<160000xi32, #tpu.memory_space<hbm>> -> memref<40xi32, #tpu.memory_space<hbm>>
        %dma_wait3A_202 = arith.constant 0 : i32
        %dma_wait3A_203 = tpu.memref_slice %arg11[%dma_wait3A_197, %dma_wait3A_202] : memref<5x40xi32, #tpu.memory_space<vmem>> -> memref<1x40xi32, #tpu.memory_space<vmem>>
        %dma_wait3A_204 = tpu.memref_squeeze %dma_wait3A_203 : memref<1x40xi32, #tpu.memory_space<vmem>> -> memref<40xi32, #tpu.memory_space<vmem>>
        %dma_wait3A_205 = tpu.memref_slice %arg5[%mul3A_13] : memref<160000xi32, #tpu.memory_space<hbm>> -> memref<40xi32, #tpu.memory_space<hbm>>
        tpu.wait_dma2 semaphore(%arg18 : memref<!tpu.dma_semaphore, #tpu.memory_space<semaphore_mem>>) src(%dma_wait3A_205 : memref<40xi32, #tpu.memory_space<hbm>>) dst(%dma_wait3A_204 : memref<40xi32, #tpu.memory_space<vmem>>)
        %dma_start3A_206 = arith.constant 0 : i32
        %dma_start3A_207 = arith.constant 0 : i32
        %dma_start3A_208 = arith.constant 0 : i32
        %dma_start3A_209 = arith.constant 0 : i32
        %dma_start3A_210 = tpu.memref_slice %arg12[%dma_start3A_206, %dma_start3A_208, %dma_start3A_209] : memref<5x40x128xf32, #tpu.memory_space<vmem>> -> memref<1x40x128xf32, #tpu.memory_space<vmem>>
        %dma_start3A_211 = tpu.memref_squeeze %dma_start3A_210 : memref<1x40x128xf32, #tpu.memory_space<vmem>> -> memref<40x128xf32, #tpu.memory_space<vmem>>
        %dma_start3A_212 = arith.constant 0 : i32
        %dma_start3A_213 = tpu.memref_slice %arg11[%dma_start3A_207, %dma_start3A_212] : memref<5x40xi32, #tpu.memory_space<vmem>> -> memref<1x40xi32, #tpu.memory_space<vmem>>
        %dma_start3A_214 = tpu.memref_squeeze %dma_start3A_213 : memref<1x40xi32, #tpu.memory_space<vmem>> -> memref<40xi32, #tpu.memory_space<vmem>>
        %dma_start3A_215 = arith.constant 0 : i32
        %dma_start3A_216 = arith.constant 0 : i32
        %dma_start3A_217 = tpu.memref_slice %arg9[%dma_start3A_215, %dma_start3A_216] : memref<10240x128xf32, #tpu.memory_space<vmem_shared>> -> memref<10240x128xf32, #tpu.memory_space<vmem_shared>>
        tpu.enqueue_indirect_dma source(%dma_start3A_211 : memref<40x128xf32, #tpu.memory_space<vmem>>) target(%dma_start3A_217 : memref<10240x128xf32, #tpu.memory_space<vmem_shared>>) offsets(%dma_start3A_214 : memref<40xi32, #tpu.memory_space<vmem>>) semaphore(%arg23 : memref<!tpu.dma_semaphore, #tpu.memory_space<semaphore_mem>>) {add = true}
        %dma_wait3A_218 = arith.constant 1 : i32
        %dma_wait3A_219 = arith.constant 0 : i32
        %dma_wait3A_220 = arith.constant 0 : i32
        %dma_wait3A_221 = tpu.memref_slice %arg12[%dma_wait3A_218, %dma_wait3A_219, %dma_wait3A_220] : memref<5x40x128xf32, #tpu.memory_space<vmem>> -> memref<1x40x128xf32, #tpu.memory_space<vmem>>
        %dma_wait3A_222 = tpu.memref_squeeze %dma_wait3A_221 : memref<1x40x128xf32, #tpu.memory_space<vmem>> -> memref<40x128xf32, #tpu.memory_space<vmem>>
        %dma_wait3A_223 = arith.constant 0 : i32
        %dma_wait3A_224 = tpu.memref_slice %arg10[%dma_wait3A_223] : memref<10000xi32, #tpu.memory_space<vmem>> -> memref<40xi32, #tpu.memory_space<vmem>>
        %dma_wait3A_225 = arith.constant 0 : i32
        %dma_wait3A_226 = arith.constant 0 : i32
        %dma_wait3A_227 = tpu.memref_slice %arg2[%dma_wait3A_225, %dma_wait3A_226] : memref<10240x128xf32, #tpu.memory_space<hbm>> -> memref<10240x128xf32, #tpu.memory_space<hbm>>
        tpu.wait_indirect_dma semaphore(%arg14 : memref<!tpu.dma_semaphore, #tpu.memory_space<semaphore_mem>>) src(%dma_wait3A_227 : memref<10240x128xf32, #tpu.memory_space<hbm>>) dst(%dma_wait3A_222 : memref<40x128xf32, #tpu.memory_space<vmem>>)
        %dma_wait3A_228 = arith.constant 1 : i32
        %dma_wait3A_229 = arith.constant 0 : i32
        %dma_wait3A_230 = tpu.memref_slice %arg11[%dma_wait3A_228, %dma_wait3A_229] : memref<5x40xi32, #tpu.memory_space<vmem>> -> memref<1x40xi32, #tpu.memory_space<vmem>>
        %dma_wait3A_231 = tpu.memref_squeeze %dma_wait3A_230 : memref<1x40xi32, #tpu.memory_space<vmem>> -> memref<40xi32, #tpu.memory_space<vmem>>
        %dma_wait3A_232 = tpu.memref_slice %arg5[%mul3A_13] : memref<160000xi32, #tpu.memory_space<hbm>> -> memref<40xi32, #tpu.memory_space<hbm>>
        %dma_wait3A_233 = arith.constant 0 : i32
        %dma_wait3A_234 = tpu.memref_slice %arg11[%dma_wait3A_228, %dma_wait3A_233] : memref<5x40xi32, #tpu.memory_space<vmem>> -> memref<1x40xi32, #tpu.memory_space<vmem>>
        %dma_wait3A_235 = tpu.memref_squeeze %dma_wait3A_234 : memref<1x40xi32, #tpu.memory_space<vmem>> -> memref<40xi32, #tpu.memory_space<vmem>>
        %dma_wait3A_236 = tpu.memref_slice %arg5[%mul3A_13] : memref<160000xi32, #tpu.memory_space<hbm>> -> memref<40xi32, #tpu.memory_space<hbm>>
        tpu.wait_dma2 semaphore(%arg19 : memref<!tpu.dma_semaphore, #tpu.memory_space<semaphore_mem>>) src(%dma_wait3A_236 : memref<40xi32, #tpu.memory_space<hbm>>) dst(%dma_wait3A_235 : memref<40xi32, #tpu.memory_space<vmem>>)
        %dma_start3A_237 = arith.constant 1 : i32
        %dma_start3A_238 = arith.constant 1 : i32
        %dma_start3A_239 = arith.constant 0 : i32
        %dma_start3A_240 = arith.constant 0 : i32
        %dma_start3A_241 = tpu.memref_slice %arg12[%dma_start3A_237, %dma_start3A_239, %dma_start3A_240] : memref<5x40x128xf32, #tpu.memory_space<vmem>> -> memref<1x40x128xf32, #tpu.memory_space<vmem>>
        %dma_start3A_242 = tpu.memref_squeeze %dma_start3A_241 : memref<1x40x128xf32, #tpu.memory_space<vmem>> -> memref<40x128xf32, #tpu.memory_space<vmem>>
        %dma_start3A_243 = arith.constant 0 : i32
        %dma_start3A_244 = tpu.memref_slice %arg11[%dma_start3A_238, %dma_start3A_243] : memref<5x40xi32, #tpu.memory_space<vmem>> -> memref<1x40xi32, #tpu.memory_space<vmem>>
        %dma_start3A_245 = tpu.memref_squeeze %dma_start3A_244 : memref<1x40xi32, #tpu.memory_space<vmem>> -> memref<40xi32, #tpu.memory_space<vmem>>
        %dma_start3A_246 = arith.constant 0 : i32
        %dma_start3A_247 = arith.constant 0 : i32
        %dma_start3A_248 = tpu.memref_slice %arg9[%dma_start3A_246, %dma_start3A_247] : memref<10240x128xf32, #tpu.memory_space<vmem_shared>> -> memref<10240x128xf32, #tpu.memory_space<vmem_shared>>
        tpu.enqueue_indirect_dma source(%dma_start3A_242 : memref<40x128xf32, #tpu.memory_space<vmem>>) target(%dma_start3A_248 : memref<10240x128xf32, #tpu.memory_space<vmem_shared>>) offsets(%dma_start3A_245 : memref<40xi32, #tpu.memory_space<vmem>>) semaphore(%arg24 : memref<!tpu.dma_semaphore, #tpu.memory_space<semaphore_mem>>) {add = true}
        %dma_wait3A_249 = arith.constant 2 : i32
        %dma_wait3A_250 = arith.constant 0 : i32
        %dma_wait3A_251 = arith.constant 0 : i32
        %dma_wait3A_252 = tpu.memref_slice %arg12[%dma_wait3A_249, %dma_wait3A_250, %dma_wait3A_251] : memref<5x40x128xf32, #tpu.memory_space<vmem>> -> memref<1x40x128xf32, #tpu.memory_space<vmem>>
        %dma_wait3A_253 = tpu.memref_squeeze %dma_wait3A_252 : memref<1x40x128xf32, #tpu.memory_space<vmem>> -> memref<40x128xf32, #tpu.memory_space<vmem>>
        %dma_wait3A_254 = arith.constant 0 : i32
        %dma_wait3A_255 = tpu.memref_slice %arg10[%dma_wait3A_254] : memref<10000xi32, #tpu.memory_space<vmem>> -> memref<40xi32, #tpu.memory_space<vmem>>
        %dma_wait3A_256 = arith.constant 0 : i32
        %dma_wait3A_257 = arith.constant 0 : i32
        %dma_wait3A_258 = tpu.memref_slice %arg2[%dma_wait3A_256, %dma_wait3A_257] : memref<10240x128xf32, #tpu.memory_space<hbm>> -> memref<10240x128xf32, #tpu.memory_space<hbm>>
        tpu.wait_indirect_dma semaphore(%arg15 : memref<!tpu.dma_semaphore, #tpu.memory_space<semaphore_mem>>) src(%dma_wait3A_258 : memref<10240x128xf32, #tpu.memory_space<hbm>>) dst(%dma_wait3A_253 : memref<40x128xf32, #tpu.memory_space<vmem>>)
        %dma_wait3A_259 = arith.constant 2 : i32
        %dma_wait3A_260 = arith.constant 0 : i32
        %dma_wait3A_261 = tpu.memref_slice %arg11[%dma_wait3A_259, %dma_wait3A_260] : memref<5x40xi32, #tpu.memory_space<vmem>> -> memref<1x40xi32, #tpu.memory_space<vmem>>
        %dma_wait3A_262 = tpu.memref_squeeze %dma_wait3A_261 : memref<1x40xi32, #tpu.memory_space<vmem>> -> memref<40xi32, #tpu.memory_space<vmem>>
        %dma_wait3A_263 = tpu.memref_slice %arg5[%mul3A_13] : memref<160000xi32, #tpu.memory_space<hbm>> -> memref<40xi32, #tpu.memory_space<hbm>>
        %dma_wait3A_264 = arith.constant 0 : i32
        %dma_wait3A_265 = tpu.memref_slice %arg11[%dma_wait3A_259, %dma_wait3A_264] : memref<5x40xi32, #tpu.memory_space<vmem>> -> memref<1x40xi32, #tpu.memory_space<vmem>>
        %dma_wait3A_266 = tpu.memref_squeeze %dma_wait3A_265 : memref<1x40xi32, #tpu.memory_space<vmem>> -> memref<40xi32, #tpu.memory_space<vmem>>
        %dma_wait3A_267 = tpu.memref_slice %arg5[%mul3A_13] : memref<160000xi32, #tpu.memory_space<hbm>> -> memref<40xi32, #tpu.memory_space<hbm>>
        tpu.wait_dma2 semaphore(%arg20 : memref<!tpu.dma_semaphore, #tpu.memory_space<semaphore_mem>>) src(%dma_wait3A_267 : memref<40xi32, #tpu.memory_space<hbm>>) dst(%dma_wait3A_266 : memref<40xi32, #tpu.memory_space<vmem>>)
        %dma_start3A_268 = arith.constant 2 : i32
        %dma_start3A_269 = arith.constant 2 : i32
        %dma_start3A_270 = arith.constant 0 : i32
        %dma_start3A_271 = arith.constant 0 : i32
        %dma_start3A_272 = tpu.memref_slice %arg12[%dma_start3A_268, %dma_start3A_270, %dma_start3A_271] : memref<5x40x128xf32, #tpu.memory_space<vmem>> -> memref<1x40x128xf32, #tpu.memory_space<vmem>>
        %dma_start3A_273 = tpu.memref_squeeze %dma_start3A_272 : memref<1x40x128xf32, #tpu.memory_space<vmem>> -> memref<40x128xf32, #tpu.memory_space<vmem>>
        %dma_start3A_274 = arith.constant 0 : i32
        %dma_start3A_275 = tpu.memref_slice %arg11[%dma_start3A_269, %dma_start3A_274] : memref<5x40xi32, #tpu.memory_space<vmem>> -> memref<1x40xi32, #tpu.memory_space<vmem>>
        %dma_start3A_276 = tpu.memref_squeeze %dma_start3A_275 : memref<1x40xi32, #tpu.memory_space<vmem>> -> memref<40xi32, #tpu.memory_space<vmem>>
        %dma_start3A_277 = arith.constant 0 : i32
        %dma_start3A_278 = arith.constant 0 : i32
        %dma_start3A_279 = tpu.memref_slice %arg9[%dma_start3A_277, %dma_start3A_278] : memref<10240x128xf32, #tpu.memory_space<vmem_shared>> -> memref<10240x128xf32, #tpu.memory_space<vmem_shared>>
        tpu.enqueue_indirect_dma source(%dma_start3A_273 : memref<40x128xf32, #tpu.memory_space<vmem>>) target(%dma_start3A_279 : memref<10240x128xf32, #tpu.memory_space<vmem_shared>>) offsets(%dma_start3A_276 : memref<40xi32, #tpu.memory_space<vmem>>) semaphore(%arg25 : memref<!tpu.dma_semaphore, #tpu.memory_space<semaphore_mem>>) {add = true}
        %dma_wait3A_280 = arith.constant 3 : i32
        %dma_wait3A_281 = arith.constant 0 : i32
        %dma_wait3A_282 = arith.constant 0 : i32
        %dma_wait3A_283 = tpu.memref_slice %arg12[%dma_wait3A_280, %dma_wait3A_281, %dma_wait3A_282] : memref<5x40x128xf32, #tpu.memory_space<vmem>> -> memref<1x40x128xf32, #tpu.memory_space<vmem>>
        %dma_wait3A_284 = tpu.memref_squeeze %dma_wait3A_283 : memref<1x40x128xf32, #tpu.memory_space<vmem>> -> memref<40x128xf32, #tpu.memory_space<vmem>>
        %dma_wait3A_285 = arith.constant 0 : i32
        %dma_wait3A_286 = tpu.memref_slice %arg10[%dma_wait3A_285] : memref<10000xi32, #tpu.memory_space<vmem>> -> memref<40xi32, #tpu.memory_space<vmem>>
        %dma_wait3A_287 = arith.constant 0 : i32
        %dma_wait3A_288 = arith.constant 0 : i32
        %dma_wait3A_289 = tpu.memref_slice %arg2[%dma_wait3A_287, %dma_wait3A_288] : memref<10240x128xf32, #tpu.memory_space<hbm>> -> memref<10240x128xf32, #tpu.memory_space<hbm>>
        tpu.wait_indirect_dma semaphore(%arg16 : memref<!tpu.dma_semaphore, #tpu.memory_space<semaphore_mem>>) src(%dma_wait3A_289 : memref<10240x128xf32, #tpu.memory_space<hbm>>) dst(%dma_wait3A_284 : memref<40x128xf32, #tpu.memory_space<vmem>>)
        %dma_wait3A_290 = arith.constant 3 : i32
        %dma_wait3A_291 = arith.constant 0 : i32
        %dma_wait3A_292 = tpu.memref_slice %arg11[%dma_wait3A_290, %dma_wait3A_291] : memref<5x40xi32, #tpu.memory_space<vmem>> -> memref<1x40xi32, #tpu.memory_space<vmem>>
        %dma_wait3A_293 = tpu.memref_squeeze %dma_wait3A_292 : memref<1x40xi32, #tpu.memory_space<vmem>> -> memref<40xi32, #tpu.memory_space<vmem>>
        %dma_wait3A_294 = tpu.memref_slice %arg5[%mul3A_13] : memref<160000xi32, #tpu.memory_space<hbm>> -> memref<40xi32, #tpu.memory_space<hbm>>
        %dma_wait3A_295 = arith.constant 0 : i32
        %dma_wait3A_296 = tpu.memref_slice %arg11[%dma_wait3A_290, %dma_wait3A_295] : memref<5x40xi32, #tpu.memory_space<vmem>> -> memref<1x40xi32, #tpu.memory_space<vmem>>
        %dma_wait3A_297 = tpu.memref_squeeze %dma_wait3A_296 : memref<1x40xi32, #tpu.memory_space<vmem>> -> memref<40xi32, #tpu.memory_space<vmem>>
        %dma_wait3A_298 = tpu.memref_slice %arg5[%mul3A_13] : memref<160000xi32, #tpu.memory_space<hbm>> -> memref<40xi32, #tpu.memory_space<hbm>>
        tpu.wait_dma2 semaphore(%arg21 : memref<!tpu.dma_semaphore, #tpu.memory_space<semaphore_mem>>) src(%dma_wait3A_298 : memref<40xi32, #tpu.memory_space<hbm>>) dst(%dma_wait3A_297 : memref<40xi32, #tpu.memory_space<vmem>>)
        %dma_start3A_299 = arith.constant 3 : i32
        %dma_start3A_300 = arith.constant 3 : i32
        %dma_start3A_301 = arith.constant 0 : i32
        %dma_start3A_302 = arith.constant 0 : i32
        %dma_start3A_303 = tpu.memref_slice %arg12[%dma_start3A_299, %dma_start3A_301, %dma_start3A_302] : memref<5x40x128xf32, #tpu.memory_space<vmem>> -> memref<1x40x128xf32, #tpu.memory_space<vmem>>
        %dma_start3A_304 = tpu.memref_squeeze %dma_start3A_303 : memref<1x40x128xf32, #tpu.memory_space<vmem>> -> memref<40x128xf32, #tpu.memory_space<vmem>>
        %dma_start3A_305 = arith.constant 0 : i32
        %dma_start3A_306 = tpu.memref_slice %arg11[%dma_start3A_300, %dma_start3A_305] : memref<5x40xi32, #tpu.memory_space<vmem>> -> memref<1x40xi32, #tpu.memory_space<vmem>>
        %dma_start3A_307 = tpu.memref_squeeze %dma_start3A_306 : memref<1x40xi32, #tpu.memory_space<vmem>> -> memref<40xi32, #tpu.memory_space<vmem>>
        %dma_start3A_308 = arith.constant 0 : i32
        %dma_start3A_309 = arith.constant 0 : i32
        %dma_start3A_310 = tpu.memref_slice %arg9[%dma_start3A_308, %dma_start3A_309] : memref<10240x128xf32, #tpu.memory_space<vmem_shared>> -> memref<10240x128xf32, #tpu.memory_space<vmem_shared>>
        tpu.enqueue_indirect_dma source(%dma_start3A_304 : memref<40x128xf32, #tpu.memory_space<vmem>>) target(%dma_start3A_310 : memref<10240x128xf32, #tpu.memory_space<vmem_shared>>) offsets(%dma_start3A_307 : memref<40xi32, #tpu.memory_space<vmem>>) semaphore(%arg26 : memref<!tpu.dma_semaphore, #tpu.memory_space<semaphore_mem>>) {add = true}
        %dma_wait3A_311 = arith.constant 4 : i32
        %dma_wait3A_312 = arith.constant 0 : i32
        %dma_wait3A_313 = arith.constant 0 : i32
        %dma_wait3A_314 = tpu.memref_slice %arg12[%dma_wait3A_311, %dma_wait3A_312, %dma_wait3A_313] : memref<5x40x128xf32, #tpu.memory_space<vmem>> -> memref<1x40x128xf32, #tpu.memory_space<vmem>>
        %dma_wait3A_315 = tpu.memref_squeeze %dma_wait3A_314 : memref<1x40x128xf32, #tpu.memory_space<vmem>> -> memref<40x128xf32, #tpu.memory_space<vmem>>
        %dma_wait3A_316 = arith.constant 0 : i32
        %dma_wait3A_317 = tpu.memref_slice %arg10[%dma_wait3A_316] : memref<10000xi32, #tpu.memory_space<vmem>> -> memref<40xi32, #tpu.memory_space<vmem>>
        %dma_wait3A_318 = arith.constant 0 : i32
        %dma_wait3A_319 = arith.constant 0 : i32
        %dma_wait3A_320 = tpu.memref_slice %arg2[%dma_wait3A_318, %dma_wait3A_319] : memref<10240x128xf32, #tpu.memory_space<hbm>> -> memref<10240x128xf32, #tpu.memory_space<hbm>>
        tpu.wait_indirect_dma semaphore(%arg17 : memref<!tpu.dma_semaphore, #tpu.memory_space<semaphore_mem>>) src(%dma_wait3A_320 : memref<10240x128xf32, #tpu.memory_space<hbm>>) dst(%dma_wait3A_315 : memref<40x128xf32, #tpu.memory_space<vmem>>)
        %dma_wait3A_321 = arith.constant 4 : i32
        %dma_wait3A_322 = arith.constant 0 : i32
        %dma_wait3A_323 = tpu.memref_slice %arg11[%dma_wait3A_321, %dma_wait3A_322] : memref<5x40xi32, #tpu.memory_space<vmem>> -> memref<1x40xi32, #tpu.memory_space<vmem>>
        %dma_wait3A_324 = tpu.memref_squeeze %dma_wait3A_323 : memref<1x40xi32, #tpu.memory_space<vmem>> -> memref<40xi32, #tpu.memory_space<vmem>>
        %dma_wait3A_325 = tpu.memref_slice %arg5[%mul3A_13] : memref<160000xi32, #tpu.memory_space<hbm>> -> memref<40xi32, #tpu.memory_space<hbm>>
        %dma_wait3A_326 = arith.constant 0 : i32
        %dma_wait3A_327 = tpu.memref_slice %arg11[%dma_wait3A_321, %dma_wait3A_326] : memref<5x40xi32, #tpu.memory_space<vmem>> -> memref<1x40xi32, #tpu.memory_space<vmem>>
        %dma_wait3A_328 = tpu.memref_squeeze %dma_wait3A_327 : memref<1x40xi32, #tpu.memory_space<vmem>> -> memref<40xi32, #tpu.memory_space<vmem>>
        %dma_wait3A_329 = tpu.memref_slice %arg5[%mul3A_13] : memref<160000xi32, #tpu.memory_space<hbm>> -> memref<40xi32, #tpu.memory_space<hbm>>
        tpu.wait_dma2 semaphore(%arg22 : memref<!tpu.dma_semaphore, #tpu.memory_space<semaphore_mem>>) src(%dma_wait3A_329 : memref<40xi32, #tpu.memory_space<hbm>>) dst(%dma_wait3A_328 : memref<40xi32, #tpu.memory_space<vmem>>)
        %dma_start3A_330 = arith.constant 4 : i32
        %dma_start3A_331 = arith.constant 4 : i32
        %dma_start3A_332 = arith.constant 0 : i32
        %dma_start3A_333 = arith.constant 0 : i32
        %dma_start3A_334 = tpu.memref_slice %arg12[%dma_start3A_330, %dma_start3A_332, %dma_start3A_333] : memref<5x40x128xf32, #tpu.memory_space<vmem>> -> memref<1x40x128xf32, #tpu.memory_space<vmem>>
        %dma_start3A_335 = tpu.memref_squeeze %dma_start3A_334 : memref<1x40x128xf32, #tpu.memory_space<vmem>> -> memref<40x128xf32, #tpu.memory_space<vmem>>
        %dma_start3A_336 = arith.constant 0 : i32
        %dma_start3A_337 = tpu.memref_slice %arg11[%dma_start3A_331, %dma_start3A_336] : memref<5x40xi32, #tpu.memory_space<vmem>> -> memref<1x40xi32, #tpu.memory_space<vmem>>
        %dma_start3A_338 = tpu.memref_squeeze %dma_start3A_337 : memref<1x40xi32, #tpu.memory_space<vmem>> -> memref<40xi32, #tpu.memory_space<vmem>>
        %dma_start3A_339 = arith.constant 0 : i32
        %dma_start3A_340 = arith.constant 0 : i32
        %dma_start3A_341 = tpu.memref_slice %arg9[%dma_start3A_339, %dma_start3A_340] : memref<10240x128xf32, #tpu.memory_space<vmem_shared>> -> memref<10240x128xf32, #tpu.memory_space<vmem_shared>>
        tpu.enqueue_indirect_dma source(%dma_start3A_335 : memref<40x128xf32, #tpu.memory_space<vmem>>) target(%dma_start3A_341 : memref<10240x128xf32, #tpu.memory_space<vmem_shared>>) offsets(%dma_start3A_338 : memref<40xi32, #tpu.memory_space<vmem>>) semaphore(%arg27 : memref<!tpu.dma_semaphore, #tpu.memory_space<semaphore_mem>>) {add = true}
        %lt3A = arith.constant 49 : i32
        %lt3A_342 = arith.cmpi slt, %scan3A_186, %lt3A : i32
        %convert_element_type3A_343 = arith.extui %lt3A_342 : i1 to i32
        %cond3A_344 = arith.constant 0 : i32
        %cond3A_345 = arith.cmpi ne, %convert_element_type3A_343, %cond3A_344 : i32
        scf.if %cond3A_345 {
          %dma_wait3A_346 = arith.constant 0 : i32
          %dma_wait3A_347 = arith.constant 0 : i32
          %dma_wait3A_348 = arith.constant 0 : i32
          %dma_wait3A_349 = arith.constant 0 : i32
          %dma_wait3A_350 = tpu.memref_slice %arg12[%dma_wait3A_346, %dma_wait3A_348, %dma_wait3A_349] : memref<5x40x128xf32, #tpu.memory_space<vmem>> -> memref<1x40x128xf32, #tpu.memory_space<vmem>>
          %dma_wait3A_351 = tpu.memref_squeeze %dma_wait3A_350 : memref<1x40x128xf32, #tpu.memory_space<vmem>> -> memref<40x128xf32, #tpu.memory_space<vmem>>
          %dma_wait3A_352 = arith.constant 0 : i32
          %dma_wait3A_353 = tpu.memref_slice %arg11[%dma_wait3A_347, %dma_wait3A_352] : memref<5x40xi32, #tpu.memory_space<vmem>> -> memref<1x40xi32, #tpu.memory_space<vmem>>
          %dma_wait3A_354 = tpu.memref_squeeze %dma_wait3A_353 : memref<1x40xi32, #tpu.memory_space<vmem>> -> memref<40xi32, #tpu.memory_space<vmem>>
          %dma_wait3A_355 = arith.constant 0 : i32
          %dma_wait3A_356 = arith.constant 0 : i32
          %dma_wait3A_357 = tpu.memref_slice %arg9[%dma_wait3A_355, %dma_wait3A_356] : memref<10240x128xf32, #tpu.memory_space<vmem_shared>> -> memref<10240x128xf32, #tpu.memory_space<vmem_shared>>
          tpu.wait_indirect_dma semaphore(%arg23 : memref<!tpu.dma_semaphore, #tpu.memory_space<semaphore_mem>>) src(%dma_wait3A_351 : memref<40x128xf32, #tpu.memory_space<vmem>>) dst(%dma_wait3A_357 : memref<10240x128xf32, #tpu.memory_space<vmem_shared>>)
          %add3A_358 = arith.constant 1 : i32
          %add3A_359 = arith.addi %scan3A_186, %add3A_358 : i32
          %mul3A_360 = arith.constant 5 : i32
          %mul3A_361 = arith.muli %add3A_359, %mul3A_360 : i32
          %add3A_362 = arith.constant 0 : i32
          %add3A_363 = arith.addi %mul3A_361, %add3A_362 : i32
          %mul3A_364 = arith.constant 40 : i32
          %mul3A_365 = arith.muli %add3A_363, %mul3A_364 : i32
          %dma_start3A_366 = arith.constant 0 : i32
          %dma_start3A_367 = arith.constant 0 : i32
          %dma_start3A_368 = arith.constant 0 : i32
          %dma_start3A_369 = tpu.memref_slice %arg12[%dma_start3A_366, %dma_start3A_367, %dma_start3A_368] : memref<5x40x128xf32, #tpu.memory_space<vmem>> -> memref<1x40x128xf32, #tpu.memory_space<vmem>>
          %dma_start3A_370 = tpu.memref_squeeze %dma_start3A_369 : memref<1x40x128xf32, #tpu.memory_space<vmem>> -> memref<40x128xf32, #tpu.memory_space<vmem>>
          %dma_start3A_371 = tpu.memref_slice %arg10[%mul3A_365] : memref<10000xi32, #tpu.memory_space<vmem>> -> memref<40xi32, #tpu.memory_space<vmem>>
          %dma_start3A_372 = arith.constant 0 : i32
          %dma_start3A_373 = arith.constant 0 : i32
          %dma_start3A_374 = tpu.memref_slice %arg2[%dma_start3A_372, %dma_start3A_373] : memref<10240x128xf32, #tpu.memory_space<hbm>> -> memref<10240x128xf32, #tpu.memory_space<hbm>>
          tpu.enqueue_indirect_dma source(%dma_start3A_374 : memref<10240x128xf32, #tpu.memory_space<hbm>>) target(%dma_start3A_370 : memref<40x128xf32, #tpu.memory_space<vmem>>) offsets(%dma_start3A_371 : memref<40xi32, #tpu.memory_space<vmem>>) semaphore(%arg13 : memref<!tpu.dma_semaphore, #tpu.memory_space<semaphore_mem>>)
          %mul3A_375 = arith.constant 40 : i32
          %mul3A_376 = arith.muli %add3A_363, %mul3A_375 : i32
          %add3A_377 = arith.addi %mul3A_13, %mul3A_376 : i32
          %dma_start3A_378 = arith.constant 0 : i32
          %dma_start3A_379 = arith.constant 0 : i32
          %dma_start3A_380 = tpu.memref_slice %arg11[%dma_start3A_378, %dma_start3A_379] : memref<5x40xi32, #tpu.memory_space<vmem>> -> memref<1x40xi32, #tpu.memory_space<vmem>>
          %dma_start3A_381 = tpu.memref_squeeze %dma_start3A_380 : memref<1x40xi32, #tpu.memory_space<vmem>> -> memref<40xi32, #tpu.memory_space<vmem>>
          %dma_start3A_382 = tpu.memref_slice %arg5[%add3A_377] : memref<160000xi32, #tpu.memory_space<hbm>> -> memref<40xi32, #tpu.memory_space<hbm>>
          %dma_start3A_383 = arith.constant 0 : i32
          %dma_start3A_384 = tpu.memref_slice %arg11[%dma_start3A_378, %dma_start3A_383] : memref<5x40xi32, #tpu.memory_space<vmem>> -> memref<1x40xi32, #tpu.memory_space<vmem>>
          %dma_start3A_385 = tpu.memref_squeeze %dma_start3A_384 : memref<1x40xi32, #tpu.memory_space<vmem>> -> memref<40xi32, #tpu.memory_space<vmem>>
          %dma_start3A_386 = tpu.memref_slice %arg5[%add3A_377] : memref<160000xi32, #tpu.memory_space<hbm>> -> memref<40xi32, #tpu.memory_space<hbm>>
          tpu.enqueue_dma source(%dma_start3A_386 : memref<40xi32, #tpu.memory_space<hbm>>) target(%dma_start3A_385 : memref<40xi32, #tpu.memory_space<vmem>>) target_semaphore(%arg18 : memref<!tpu.dma_semaphore, #tpu.memory_space<semaphore_mem>>)
          %dma_wait3A_387 = arith.constant 1 : i32
          %dma_wait3A_388 = arith.constant 0 : i32
          %dma_wait3A_389 = arith.constant 0 : i32
          %dma_wait3A_390 = arith.constant 0 : i32
          %dma_wait3A_391 = tpu.memref_slice %arg12[%dma_wait3A_387, %dma_wait3A_389, %dma_wait3A_390] : memref<5x40x128xf32, #tpu.memory_space<vmem>> -> memref<1x40x128xf32, #tpu.memory_space<vmem>>
          %dma_wait3A_392 = tpu.memref_squeeze %dma_wait3A_391 : memref<1x40x128xf32, #tpu.memory_space<vmem>> -> memref<40x128xf32, #tpu.memory_space<vmem>>
          %dma_wait3A_393 = arith.constant 0 : i32
          %dma_wait3A_394 = tpu.memref_slice %arg11[%dma_wait3A_388, %dma_wait3A_393] : memref<5x40xi32, #tpu.memory_space<vmem>> -> memref<1x40xi32, #tpu.memory_space<vmem>>
          %dma_wait3A_395 = tpu.memref_squeeze %dma_wait3A_394 : memref<1x40xi32, #tpu.memory_space<vmem>> -> memref<40xi32, #tpu.memory_space<vmem>>
          %dma_wait3A_396 = arith.constant 0 : i32
          %dma_wait3A_397 = arith.constant 0 : i32
          %dma_wait3A_398 = tpu.memref_slice %arg9[%dma_wait3A_396, %dma_wait3A_397] : memref<10240x128xf32, #tpu.memory_space<vmem_shared>> -> memref<10240x128xf32, #tpu.memory_space<vmem_shared>>
          tpu.wait_indirect_dma semaphore(%arg24 : memref<!tpu.dma_semaphore, #tpu.memory_space<semaphore_mem>>) src(%dma_wait3A_392 : memref<40x128xf32, #tpu.memory_space<vmem>>) dst(%dma_wait3A_398 : memref<10240x128xf32, #tpu.memory_space<vmem_shared>>)
          %add3A_399 = arith.constant 1 : i32
          %add3A_400 = arith.addi %scan3A_186, %add3A_399 : i32
          %mul3A_401 = arith.constant 5 : i32
          %mul3A_402 = arith.muli %add3A_400, %mul3A_401 : i32
          %add3A_403 = arith.constant 1 : i32
          %add3A_404 = arith.addi %mul3A_402, %add3A_403 : i32
          %mul3A_405 = arith.constant 40 : i32
          %mul3A_406 = arith.muli %add3A_404, %mul3A_405 : i32
          %dma_start3A_407 = arith.constant 1 : i32
          %dma_start3A_408 = arith.constant 0 : i32
          %dma_start3A_409 = arith.constant 0 : i32
          %dma_start3A_410 = tpu.memref_slice %arg12[%dma_start3A_407, %dma_start3A_408, %dma_start3A_409] : memref<5x40x128xf32, #tpu.memory_space<vmem>> -> memref<1x40x128xf32, #tpu.memory_space<vmem>>
          %dma_start3A_411 = tpu.memref_squeeze %dma_start3A_410 : memref<1x40x128xf32, #tpu.memory_space<vmem>> -> memref<40x128xf32, #tpu.memory_space<vmem>>
          %dma_start3A_412 = tpu.memref_slice %arg10[%mul3A_406] : memref<10000xi32, #tpu.memory_space<vmem>> -> memref<40xi32, #tpu.memory_space<vmem>>
          %dma_start3A_413 = arith.constant 0 : i32
          %dma_start3A_414 = arith.constant 0 : i32
          %dma_start3A_415 = tpu.memref_slice %arg2[%dma_start3A_413, %dma_start3A_414] : memref<10240x128xf32, #tpu.memory_space<hbm>> -> memref<10240x128xf32, #tpu.memory_space<hbm>>
          tpu.enqueue_indirect_dma source(%dma_start3A_415 : memref<10240x128xf32, #tpu.memory_space<hbm>>) target(%dma_start3A_411 : memref<40x128xf32, #tpu.memory_space<vmem>>) offsets(%dma_start3A_412 : memref<40xi32, #tpu.memory_space<vmem>>) semaphore(%arg14 : memref<!tpu.dma_semaphore, #tpu.memory_space<semaphore_mem>>)
          %mul3A_416 = arith.constant 40 : i32
          %mul3A_417 = arith.muli %add3A_404, %mul3A_416 : i32
          %add3A_418 = arith.addi %mul3A_13, %mul3A_417 : i32
          %dma_start3A_419 = arith.constant 1 : i32
          %dma_start3A_420 = arith.constant 0 : i32
          %dma_start3A_421 = tpu.memref_slice %arg11[%dma_start3A_419, %dma_start3A_420] : memref<5x40xi32, #tpu.memory_space<vmem>> -> memref<1x40xi32, #tpu.memory_space<vmem>>
          %dma_start3A_422 = tpu.memref_squeeze %dma_start3A_421 : memref<1x40xi32, #tpu.memory_space<vmem>> -> memref<40xi32, #tpu.memory_space<vmem>>
          %dma_start3A_423 = tpu.memref_slice %arg5[%add3A_418] : memref<160000xi32, #tpu.memory_space<hbm>> -> memref<40xi32, #tpu.memory_space<hbm>>
          %dma_start3A_424 = arith.constant 0 : i32
          %dma_start3A_425 = tpu.memref_slice %arg11[%dma_start3A_419, %dma_start3A_424] : memref<5x40xi32, #tpu.memory_space<vmem>> -> memref<1x40xi32, #tpu.memory_space<vmem>>
          %dma_start3A_426 = tpu.memref_squeeze %dma_start3A_425 : memref<1x40xi32, #tpu.memory_space<vmem>> -> memref<40xi32, #tpu.memory_space<vmem>>
          %dma_start3A_427 = tpu.memref_slice %arg5[%add3A_418] : memref<160000xi32, #tpu.memory_space<hbm>> -> memref<40xi32, #tpu.memory_space<hbm>>
          tpu.enqueue_dma source(%dma_start3A_427 : memref<40xi32, #tpu.memory_space<hbm>>) target(%dma_start3A_426 : memref<40xi32, #tpu.memory_space<vmem>>) target_semaphore(%arg19 : memref<!tpu.dma_semaphore, #tpu.memory_space<semaphore_mem>>)
          %dma_wait3A_428 = arith.constant 2 : i32
          %dma_wait3A_429 = arith.constant 0 : i32
          %dma_wait3A_430 = arith.constant 0 : i32
          %dma_wait3A_431 = arith.constant 0 : i32
          %dma_wait3A_432 = tpu.memref_slice %arg12[%dma_wait3A_428, %dma_wait3A_430, %dma_wait3A_431] : memref<5x40x128xf32, #tpu.memory_space<vmem>> -> memref<1x40x128xf32, #tpu.memory_space<vmem>>
          %dma_wait3A_433 = tpu.memref_squeeze %dma_wait3A_432 : memref<1x40x128xf32, #tpu.memory_space<vmem>> -> memref<40x128xf32, #tpu.memory_space<vmem>>
          %dma_wait3A_434 = arith.constant 0 : i32
          %dma_wait3A_435 = tpu.memref_slice %arg11[%dma_wait3A_429, %dma_wait3A_434] : memref<5x40xi32, #tpu.memory_space<vmem>> -> memref<1x40xi32, #tpu.memory_space<vmem>>
          %dma_wait3A_436 = tpu.memref_squeeze %dma_wait3A_435 : memref<1x40xi32, #tpu.memory_space<vmem>> -> memref<40xi32, #tpu.memory_space<vmem>>
          %dma_wait3A_437 = arith.constant 0 : i32
          %dma_wait3A_438 = arith.constant 0 : i32
          %dma_wait3A_439 = tpu.memref_slice %arg9[%dma_wait3A_437, %dma_wait3A_438] : memref<10240x128xf32, #tpu.memory_space<vmem_shared>> -> memref<10240x128xf32, #tpu.memory_space<vmem_shared>>
          tpu.wait_indirect_dma semaphore(%arg25 : memref<!tpu.dma_semaphore, #tpu.memory_space<semaphore_mem>>) src(%dma_wait3A_433 : memref<40x128xf32, #tpu.memory_space<vmem>>) dst(%dma_wait3A_439 : memref<10240x128xf32, #tpu.memory_space<vmem_shared>>)
          %add3A_440 = arith.constant 1 : i32
          %add3A_441 = arith.addi %scan3A_186, %add3A_440 : i32
          %mul3A_442 = arith.constant 5 : i32
          %mul3A_443 = arith.muli %add3A_441, %mul3A_442 : i32
          %add3A_444 = arith.constant 2 : i32
          %add3A_445 = arith.addi %mul3A_443, %add3A_444 : i32
          %mul3A_446 = arith.constant 40 : i32
          %mul3A_447 = arith.muli %add3A_445, %mul3A_446 : i32
          %dma_start3A_448 = arith.constant 2 : i32
          %dma_start3A_449 = arith.constant 0 : i32
          %dma_start3A_450 = arith.constant 0 : i32
          %dma_start3A_451 = tpu.memref_slice %arg12[%dma_start3A_448, %dma_start3A_449, %dma_start3A_450] : memref<5x40x128xf32, #tpu.memory_space<vmem>> -> memref<1x40x128xf32, #tpu.memory_space<vmem>>
          %dma_start3A_452 = tpu.memref_squeeze %dma_start3A_451 : memref<1x40x128xf32, #tpu.memory_space<vmem>> -> memref<40x128xf32, #tpu.memory_space<vmem>>
          %dma_start3A_453 = tpu.memref_slice %arg10[%mul3A_447] : memref<10000xi32, #tpu.memory_space<vmem>> -> memref<40xi32, #tpu.memory_space<vmem>>
          %dma_start3A_454 = arith.constant 0 : i32
          %dma_start3A_455 = arith.constant 0 : i32
          %dma_start3A_456 = tpu.memref_slice %arg2[%dma_start3A_454, %dma_start3A_455] : memref<10240x128xf32, #tpu.memory_space<hbm>> -> memref<10240x128xf32, #tpu.memory_space<hbm>>
          tpu.enqueue_indirect_dma source(%dma_start3A_456 : memref<10240x128xf32, #tpu.memory_space<hbm>>) target(%dma_start3A_452 : memref<40x128xf32, #tpu.memory_space<vmem>>) offsets(%dma_start3A_453 : memref<40xi32, #tpu.memory_space<vmem>>) semaphore(%arg15 : memref<!tpu.dma_semaphore, #tpu.memory_space<semaphore_mem>>)
          %mul3A_457 = arith.constant 40 : i32
          %mul3A_458 = arith.muli %add3A_445, %mul3A_457 : i32
          %add3A_459 = arith.addi %mul3A_13, %mul3A_458 : i32
          %dma_start3A_460 = arith.constant 2 : i32
          %dma_start3A_461 = arith.constant 0 : i32
          %dma_start3A_462 = tpu.memref_slice %arg11[%dma_start3A_460, %dma_start3A_461] : memref<5x40xi32, #tpu.memory_space<vmem>> -> memref<1x40xi32, #tpu.memory_space<vmem>>
          %dma_start3A_463 = tpu.memref_squeeze %dma_start3A_462 : memref<1x40xi32, #tpu.memory_space<vmem>> -> memref<40xi32, #tpu.memory_space<vmem>>
          %dma_start3A_464 = tpu.memref_slice %arg5[%add3A_459] : memref<160000xi32, #tpu.memory_space<hbm>> -> memref<40xi32, #tpu.memory_space<hbm>>
          %dma_start3A_465 = arith.constant 0 : i32
          %dma_start3A_466 = tpu.memref_slice %arg11[%dma_start3A_460, %dma_start3A_465] : memref<5x40xi32, #tpu.memory_space<vmem>> -> memref<1x40xi32, #tpu.memory_space<vmem>>
          %dma_start3A_467 = tpu.memref_squeeze %dma_start3A_466 : memref<1x40xi32, #tpu.memory_space<vmem>> -> memref<40xi32, #tpu.memory_space<vmem>>
          %dma_start3A_468 = tpu.memref_slice %arg5[%add3A_459] : memref<160000xi32, #tpu.memory_space<hbm>> -> memref<40xi32, #tpu.memory_space<hbm>>
          tpu.enqueue_dma source(%dma_start3A_468 : memref<40xi32, #tpu.memory_space<hbm>>) target(%dma_start3A_467 : memref<40xi32, #tpu.memory_space<vmem>>) target_semaphore(%arg20 : memref<!tpu.dma_semaphore, #tpu.memory_space<semaphore_mem>>)
          %dma_wait3A_469 = arith.constant 3 : i32
          %dma_wait3A_470 = arith.constant 0 : i32
          %dma_wait3A_471 = arith.constant 0 : i32
          %dma_wait3A_472 = arith.constant 0 : i32
          %dma_wait3A_473 = tpu.memref_slice %arg12[%dma_wait3A_469, %dma_wait3A_471, %dma_wait3A_472] : memref<5x40x128xf32, #tpu.memory_space<vmem>> -> memref<1x40x128xf32, #tpu.memory_space<vmem>>
          %dma_wait3A_474 = tpu.memref_squeeze %dma_wait3A_473 : memref<1x40x128xf32, #tpu.memory_space<vmem>> -> memref<40x128xf32, #tpu.memory_space<vmem>>
          %dma_wait3A_475 = arith.constant 0 : i32
          %dma_wait3A_476 = tpu.memref_slice %arg11[%dma_wait3A_470, %dma_wait3A_475] : memref<5x40xi32, #tpu.memory_space<vmem>> -> memref<1x40xi32, #tpu.memory_space<vmem>>
          %dma_wait3A_477 = tpu.memref_squeeze %dma_wait3A_476 : memref<1x40xi32, #tpu.memory_space<vmem>> -> memref<40xi32, #tpu.memory_space<vmem>>
          %dma_wait3A_478 = arith.constant 0 : i32
          %dma_wait3A_479 = arith.constant 0 : i32
          %dma_wait3A_480 = tpu.memref_slice %arg9[%dma_wait3A_478, %dma_wait3A_479] : memref<10240x128xf32, #tpu.memory_space<vmem_shared>> -> memref<10240x128xf32, #tpu.memory_space<vmem_shared>>
          tpu.wait_indirect_dma semaphore(%arg26 : memref<!tpu.dma_semaphore, #tpu.memory_space<semaphore_mem>>) src(%dma_wait3A_474 : memref<40x128xf32, #tpu.memory_space<vmem>>) dst(%dma_wait3A_480 : memref<10240x128xf32, #tpu.memory_space<vmem_shared>>)
          %add3A_481 = arith.constant 1 : i32
          %add3A_482 = arith.addi %scan3A_186, %add3A_481 : i32
          %mul3A_483 = arith.constant 5 : i32
          %mul3A_484 = arith.muli %add3A_482, %mul3A_483 : i32
          %add3A_485 = arith.constant 3 : i32
          %add3A_486 = arith.addi %mul3A_484, %add3A_485 : i32
          %mul3A_487 = arith.constant 40 : i32
          %mul3A_488 = arith.muli %add3A_486, %mul3A_487 : i32
          %dma_start3A_489 = arith.constant 3 : i32
          %dma_start3A_490 = arith.constant 0 : i32
          %dma_start3A_491 = arith.constant 0 : i32
          %dma_start3A_492 = tpu.memref_slice %arg12[%dma_start3A_489, %dma_start3A_490, %dma_start3A_491] : memref<5x40x128xf32, #tpu.memory_space<vmem>> -> memref<1x40x128xf32, #tpu.memory_space<vmem>>
          %dma_start3A_493 = tpu.memref_squeeze %dma_start3A_492 : memref<1x40x128xf32, #tpu.memory_space<vmem>> -> memref<40x128xf32, #tpu.memory_space<vmem>>
          %dma_start3A_494 = tpu.memref_slice %arg10[%mul3A_488] : memref<10000xi32, #tpu.memory_space<vmem>> -> memref<40xi32, #tpu.memory_space<vmem>>
          %dma_start3A_495 = arith.constant 0 : i32
          %dma_start3A_496 = arith.constant 0 : i32
          %dma_start3A_497 = tpu.memref_slice %arg2[%dma_start3A_495, %dma_start3A_496] : memref<10240x128xf32, #tpu.memory_space<hbm>> -> memref<10240x128xf32, #tpu.memory_space<hbm>>
          tpu.enqueue_indirect_dma source(%dma_start3A_497 : memref<10240x128xf32, #tpu.memory_space<hbm>>) target(%dma_start3A_493 : memref<40x128xf32, #tpu.memory_space<vmem>>) offsets(%dma_start3A_494 : memref<40xi32, #tpu.memory_space<vmem>>) semaphore(%arg16 : memref<!tpu.dma_semaphore, #tpu.memory_space<semaphore_mem>>)
          %mul3A_498 = arith.constant 40 : i32
          %mul3A_499 = arith.muli %add3A_486, %mul3A_498 : i32
          %add3A_500 = arith.addi %mul3A_13, %mul3A_499 : i32
          %dma_start3A_501 = arith.constant 3 : i32
          %dma_start3A_502 = arith.constant 0 : i32
          %dma_start3A_503 = tpu.memref_slice %arg11[%dma_start3A_501, %dma_start3A_502] : memref<5x40xi32, #tpu.memory_space<vmem>> -> memref<1x40xi32, #tpu.memory_space<vmem>>
          %dma_start3A_504 = tpu.memref_squeeze %dma_start3A_503 : memref<1x40xi32, #tpu.memory_space<vmem>> -> memref<40xi32, #tpu.memory_space<vmem>>
          %dma_start3A_505 = tpu.memref_slice %arg5[%add3A_500] : memref<160000xi32, #tpu.memory_space<hbm>> -> memref<40xi32, #tpu.memory_space<hbm>>
          %dma_start3A_506 = arith.constant 0 : i32
          %dma_start3A_507 = tpu.memref_slice %arg11[%dma_start3A_501, %dma_start3A_506] : memref<5x40xi32, #tpu.memory_space<vmem>> -> memref<1x40xi32, #tpu.memory_space<vmem>>
          %dma_start3A_508 = tpu.memref_squeeze %dma_start3A_507 : memref<1x40xi32, #tpu.memory_space<vmem>> -> memref<40xi32, #tpu.memory_space<vmem>>
          %dma_start3A_509 = tpu.memref_slice %arg5[%add3A_500] : memref<160000xi32, #tpu.memory_space<hbm>> -> memref<40xi32, #tpu.memory_space<hbm>>
          tpu.enqueue_dma source(%dma_start3A_509 : memref<40xi32, #tpu.memory_space<hbm>>) target(%dma_start3A_508 : memref<40xi32, #tpu.memory_space<vmem>>) target_semaphore(%arg21 : memref<!tpu.dma_semaphore, #tpu.memory_space<semaphore_mem>>)
          %dma_wait3A_510 = arith.constant 4 : i32
          %dma_wait3A_511 = arith.constant 0 : i32
          %dma_wait3A_512 = arith.constant 0 : i32
          %dma_wait3A_513 = arith.constant 0 : i32
          %dma_wait3A_514 = tpu.memref_slice %arg12[%dma_wait3A_510, %dma_wait3A_512, %dma_wait3A_513] : memref<5x40x128xf32, #tpu.memory_space<vmem>> -> memref<1x40x128xf32, #tpu.memory_space<vmem>>
          %dma_wait3A_515 = tpu.memref_squeeze %dma_wait3A_514 : memref<1x40x128xf32, #tpu.memory_space<vmem>> -> memref<40x128xf32, #tpu.memory_space<vmem>>
          %dma_wait3A_516 = arith.constant 0 : i32
          %dma_wait3A_517 = tpu.memref_slice %arg11[%dma_wait3A_511, %dma_wait3A_516] : memref<5x40xi32, #tpu.memory_space<vmem>> -> memref<1x40xi32, #tpu.memory_space<vmem>>
          %dma_wait3A_518 = tpu.memref_squeeze %dma_wait3A_517 : memref<1x40xi32, #tpu.memory_space<vmem>> -> memref<40xi32, #tpu.memory_space<vmem>>
          %dma_wait3A_519 = arith.constant 0 : i32
          %dma_wait3A_520 = arith.constant 0 : i32
          %dma_wait3A_521 = tpu.memref_slice %arg9[%dma_wait3A_519, %dma_wait3A_520] : memref<10240x128xf32, #tpu.memory_space<vmem_shared>> -> memref<10240x128xf32, #tpu.memory_space<vmem_shared>>
          tpu.wait_indirect_dma semaphore(%arg27 : memref<!tpu.dma_semaphore, #tpu.memory_space<semaphore_mem>>) src(%dma_wait3A_515 : memref<40x128xf32, #tpu.memory_space<vmem>>) dst(%dma_wait3A_521 : memref<10240x128xf32, #tpu.memory_space<vmem_shared>>)
          %add3A_522 = arith.constant 1 : i32
          %add3A_523 = arith.addi %scan3A_186, %add3A_522 : i32
          %mul3A_524 = arith.constant 5 : i32
          %mul3A_525 = arith.muli %add3A_523, %mul3A_524 : i32
          %add3A_526 = arith.constant 4 : i32
          %add3A_527 = arith.addi %mul3A_525, %add3A_526 : i32
          %mul3A_528 = arith.constant 40 : i32
          %mul3A_529 = arith.muli %add3A_527, %mul3A_528 : i32
          %dma_start3A_530 = arith.constant 4 : i32
          %dma_start3A_531 = arith.constant 0 : i32
          %dma_start3A_532 = arith.constant 0 : i32
          %dma_start3A_533 = tpu.memref_slice %arg12[%dma_start3A_530, %dma_start3A_531, %dma_start3A_532] : memref<5x40x128xf32, #tpu.memory_space<vmem>> -> memref<1x40x128xf32, #tpu.memory_space<vmem>>
          %dma_start3A_534 = tpu.memref_squeeze %dma_start3A_533 : memref<1x40x128xf32, #tpu.memory_space<vmem>> -> memref<40x128xf32, #tpu.memory_space<vmem>>
          %dma_start3A_535 = tpu.memref_slice %arg10[%mul3A_529] : memref<10000xi32, #tpu.memory_space<vmem>> -> memref<40xi32, #tpu.memory_space<vmem>>
          %dma_start3A_536 = arith.constant 0 : i32
          %dma_start3A_537 = arith.constant 0 : i32
          %dma_start3A_538 = tpu.memref_slice %arg2[%dma_start3A_536, %dma_start3A_537] : memref<10240x128xf32, #tpu.memory_space<hbm>> -> memref<10240x128xf32, #tpu.memory_space<hbm>>
          tpu.enqueue_indirect_dma source(%dma_start3A_538 : memref<10240x128xf32, #tpu.memory_space<hbm>>) target(%dma_start3A_534 : memref<40x128xf32, #tpu.memory_space<vmem>>) offsets(%dma_start3A_535 : memref<40xi32, #tpu.memory_space<vmem>>) semaphore(%arg17 : memref<!tpu.dma_semaphore, #tpu.memory_space<semaphore_mem>>)
          %mul3A_539 = arith.constant 40 : i32
          %mul3A_540 = arith.muli %add3A_527, %mul3A_539 : i32
          %add3A_541 = arith.addi %mul3A_13, %mul3A_540 : i32
          %dma_start3A_542 = arith.constant 4 : i32
          %dma_start3A_543 = arith.constant 0 : i32
          %dma_start3A_544 = tpu.memref_slice %arg11[%dma_start3A_542, %dma_start3A_543] : memref<5x40xi32, #tpu.memory_space<vmem>> -> memref<1x40xi32, #tpu.memory_space<vmem>>
          %dma_start3A_545 = tpu.memref_squeeze %dma_start3A_544 : memref<1x40xi32, #tpu.memory_space<vmem>> -> memref<40xi32, #tpu.memory_space<vmem>>
          %dma_start3A_546 = tpu.memref_slice %arg5[%add3A_541] : memref<160000xi32, #tpu.memory_space<hbm>> -> memref<40xi32, #tpu.memory_space<hbm>>
          %dma_start3A_547 = arith.constant 0 : i32
          %dma_start3A_548 = tpu.memref_slice %arg11[%dma_start3A_542, %dma_start3A_547] : memref<5x40xi32, #tpu.memory_space<vmem>> -> memref<1x40xi32, #tpu.memory_space<vmem>>
          %dma_start3A_549 = tpu.memref_squeeze %dma_start3A_548 : memref<1x40xi32, #tpu.memory_space<vmem>> -> memref<40xi32, #tpu.memory_space<vmem>>
          %dma_start3A_550 = tpu.memref_slice %arg5[%add3A_541] : memref<160000xi32, #tpu.memory_space<hbm>> -> memref<40xi32, #tpu.memory_space<hbm>>
          tpu.enqueue_dma source(%dma_start3A_550 : memref<40xi32, #tpu.memory_space<hbm>>) target(%dma_start3A_549 : memref<40xi32, #tpu.memory_space<vmem>>) target_semaphore(%arg22 : memref<!tpu.dma_semaphore, #tpu.memory_space<semaphore_mem>>)
        } else {
        }
      }
      %scan3A_121 = arith.constant 50 : i32
      %dma_wait3A = arith.constant 0 : i32
      %dma_wait3A_122 = arith.constant 0 : i32
      %dma_wait3A_123 = arith.constant 0 : i32
      %dma_wait3A_124 = arith.constant 0 : i32
      %dma_wait3A_125 = tpu.memref_slice %arg12[%dma_wait3A, %dma_wait3A_123, %dma_wait3A_124] : memref<5x40x128xf32, #tpu.memory_space<vmem>> -> memref<1x40x128xf32, #tpu.memory_space<vmem>>
      %dma_wait3A_126 = tpu.memref_squeeze %dma_wait3A_125 : memref<1x40x128xf32, #tpu.memory_space<vmem>> -> memref<40x128xf32, #tpu.memory_space<vmem>>
      %dma_wait3A_127 = arith.constant 0 : i32
      %dma_wait3A_128 = tpu.memref_slice %arg11[%dma_wait3A_122, %dma_wait3A_127] : memref<5x40xi32, #tpu.memory_space<vmem>> -> memref<1x40xi32, #tpu.memory_space<vmem>>
      %dma_wait3A_129 = tpu.memref_squeeze %dma_wait3A_128 : memref<1x40xi32, #tpu.memory_space<vmem>> -> memref<40xi32, #tpu.memory_space<vmem>>
      %dma_wait3A_130 = arith.constant 0 : i32
      %dma_wait3A_131 = arith.constant 0 : i32
      %dma_wait3A_132 = tpu.memref_slice %arg9[%dma_wait3A_130, %dma_wait3A_131] : memref<10240x128xf32, #tpu.memory_space<vmem_shared>> -> memref<10240x128xf32, #tpu.memory_space<vmem_shared>>
      tpu.wait_indirect_dma semaphore(%arg23 : memref<!tpu.dma_semaphore, #tpu.memory_space<semaphore_mem>>) src(%dma_wait3A_126 : memref<40x128xf32, #tpu.memory_space<vmem>>) dst(%dma_wait3A_132 : memref<10240x128xf32, #tpu.memory_space<vmem_shared>>)
      %dma_wait3A_133 = arith.constant 1 : i32
      %dma_wait3A_134 = arith.constant 0 : i32
      %dma_wait3A_135 = arith.constant 0 : i32
      %dma_wait3A_136 = arith.constant 0 : i32
      %dma_wait3A_137 = tpu.memref_slice %arg12[%dma_wait3A_133, %dma_wait3A_135, %dma_wait3A_136] : memref<5x40x128xf32, #tpu.memory_space<vmem>> -> memref<1x40x128xf32, #tpu.memory_space<vmem>>
      %dma_wait3A_138 = tpu.memref_squeeze %dma_wait3A_137 : memref<1x40x128xf32, #tpu.memory_space<vmem>> -> memref<40x128xf32, #tpu.memory_space<vmem>>
      %dma_wait3A_139 = arith.constant 0 : i32
      %dma_wait3A_140 = tpu.memref_slice %arg11[%dma_wait3A_134, %dma_wait3A_139] : memref<5x40xi32, #tpu.memory_space<vmem>> -> memref<1x40xi32, #tpu.memory_space<vmem>>
      %dma_wait3A_141 = tpu.memref_squeeze %dma_wait3A_140 : memref<1x40xi32, #tpu.memory_space<vmem>> -> memref<40xi32, #tpu.memory_space<vmem>>
      %dma_wait3A_142 = arith.constant 0 : i32
      %dma_wait3A_143 = arith.constant 0 : i32
      %dma_wait3A_144 = tpu.memref_slice %arg9[%dma_wait3A_142, %dma_wait3A_143] : memref<10240x128xf32, #tpu.memory_space<vmem_shared>> -> memref<10240x128xf32, #tpu.memory_space<vmem_shared>>
      tpu.wait_indirect_dma semaphore(%arg24 : memref<!tpu.dma_semaphore, #tpu.memory_space<semaphore_mem>>) src(%dma_wait3A_138 : memref<40x128xf32, #tpu.memory_space<vmem>>) dst(%dma_wait3A_144 : memref<10240x128xf32, #tpu.memory_space<vmem_shared>>)
      %dma_wait3A_145 = arith.constant 2 : i32
      %dma_wait3A_146 = arith.constant 0 : i32
      %dma_wait3A_147 = arith.constant 0 : i32
      %dma_wait3A_148 = arith.constant 0 : i32
      %dma_wait3A_149 = tpu.memref_slice %arg12[%dma_wait3A_145, %dma_wait3A_147, %dma_wait3A_148] : memref<5x40x128xf32, #tpu.memory_space<vmem>> -> memref<1x40x128xf32, #tpu.memory_space<vmem>>
      %dma_wait3A_150 = tpu.memref_squeeze %dma_wait3A_149 : memref<1x40x128xf32, #tpu.memory_space<vmem>> -> memref<40x128xf32, #tpu.memory_space<vmem>>
      %dma_wait3A_151 = arith.constant 0 : i32
      %dma_wait3A_152 = tpu.memref_slice %arg11[%dma_wait3A_146, %dma_wait3A_151] : memref<5x40xi32, #tpu.memory_space<vmem>> -> memref<1x40xi32, #tpu.memory_space<vmem>>
      %dma_wait3A_153 = tpu.memref_squeeze %dma_wait3A_152 : memref<1x40xi32, #tpu.memory_space<vmem>> -> memref<40xi32, #tpu.memory_space<vmem>>
      %dma_wait3A_154 = arith.constant 0 : i32
      %dma_wait3A_155 = arith.constant 0 : i32
      %dma_wait3A_156 = tpu.memref_slice %arg9[%dma_wait3A_154, %dma_wait3A_155] : memref<10240x128xf32, #tpu.memory_space<vmem_shared>> -> memref<10240x128xf32, #tpu.memory_space<vmem_shared>>
      tpu.wait_indirect_dma semaphore(%arg25 : memref<!tpu.dma_semaphore, #tpu.memory_space<semaphore_mem>>) src(%dma_wait3A_150 : memref<40x128xf32, #tpu.memory_space<vmem>>) dst(%dma_wait3A_156 : memref<10240x128xf32, #tpu.memory_space<vmem_shared>>)
      %dma_wait3A_157 = arith.constant 3 : i32
      %dma_wait3A_158 = arith.constant 0 : i32
      %dma_wait3A_159 = arith.constant 0 : i32
      %dma_wait3A_160 = arith.constant 0 : i32
      %dma_wait3A_161 = tpu.memref_slice %arg12[%dma_wait3A_157, %dma_wait3A_159, %dma_wait3A_160] : memref<5x40x128xf32, #tpu.memory_space<vmem>> -> memref<1x40x128xf32, #tpu.memory_space<vmem>>
      %dma_wait3A_162 = tpu.memref_squeeze %dma_wait3A_161 : memref<1x40x128xf32, #tpu.memory_space<vmem>> -> memref<40x128xf32, #tpu.memory_space<vmem>>
      %dma_wait3A_163 = arith.constant 0 : i32
      %dma_wait3A_164 = tpu.memref_slice %arg11[%dma_wait3A_158, %dma_wait3A_163] : memref<5x40xi32, #tpu.memory_space<vmem>> -> memref<1x40xi32, #tpu.memory_space<vmem>>
      %dma_wait3A_165 = tpu.memref_squeeze %dma_wait3A_164 : memref<1x40xi32, #tpu.memory_space<vmem>> -> memref<40xi32, #tpu.memory_space<vmem>>
      %dma_wait3A_166 = arith.constant 0 : i32
      %dma_wait3A_167 = arith.constant 0 : i32
      %dma_wait3A_168 = tpu.memref_slice %arg9[%dma_wait3A_166, %dma_wait3A_167] : memref<10240x128xf32, #tpu.memory_space<vmem_shared>> -> memref<10240x128xf32, #tpu.memory_space<vmem_shared>>
      tpu.wait_indirect_dma semaphore(%arg26 : memref<!tpu.dma_semaphore, #tpu.memory_space<semaphore_mem>>) src(%dma_wait3A_162 : memref<40x128xf32, #tpu.memory_space<vmem>>) dst(%dma_wait3A_168 : memref<10240x128xf32, #tpu.memory_space<vmem_shared>>)
      %dma_wait3A_169 = arith.constant 4 : i32
      %dma_wait3A_170 = arith.constant 0 : i32
      %dma_wait3A_171 = arith.constant 0 : i32
      %dma_wait3A_172 = arith.constant 0 : i32
      %dma_wait3A_173 = tpu.memref_slice %arg12[%dma_wait3A_169, %dma_wait3A_171, %dma_wait3A_172] : memref<5x40x128xf32, #tpu.memory_space<vmem>> -> memref<1x40x128xf32, #tpu.memory_space<vmem>>
      %dma_wait3A_174 = tpu.memref_squeeze %dma_wait3A_173 : memref<1x40x128xf32, #tpu.memory_space<vmem>> -> memref<40x128xf32, #tpu.memory_space<vmem>>
      %dma_wait3A_175 = arith.constant 0 : i32
      %dma_wait3A_176 = tpu.memref_slice %arg11[%dma_wait3A_170, %dma_wait3A_175] : memref<5x40xi32, #tpu.memory_space<vmem>> -> memref<1x40xi32, #tpu.memory_space<vmem>>
      %dma_wait3A_177 = tpu.memref_squeeze %dma_wait3A_176 : memref<1x40xi32, #tpu.memory_space<vmem>> -> memref<40xi32, #tpu.memory_space<vmem>>
      %dma_wait3A_178 = arith.constant 0 : i32
      %dma_wait3A_179 = arith.constant 0 : i32
      %dma_wait3A_180 = tpu.memref_slice %arg9[%dma_wait3A_178, %dma_wait3A_179] : memref<10240x128xf32, #tpu.memory_space<vmem_shared>> -> memref<10240x128xf32, #tpu.memory_space<vmem_shared>>
      tpu.wait_indirect_dma semaphore(%arg27 : memref<!tpu.dma_semaphore, #tpu.memory_space<semaphore_mem>>) src(%dma_wait3A_174 : memref<40x128xf32, #tpu.memory_space<vmem>>) dst(%dma_wait3A_180 : memref<10240x128xf32, #tpu.memory_space<vmem_shared>>)
      %barrier3A_181 = arith.constant 0 : index
      tpu.barrier barrier_id(%barrier3A_181)
      %mul3A_182 = arith.constant 640 : i32
      %mul3A_183 = arith.muli %arg1, %mul3A_182 : i32
      %mul3A_184 = arith.constant 640 : i32
      %mul3A_185 = arith.muli %arg1, %mul3A_184 : i32
      "tpu.region"() ({
        %run_scoped3A = tpu.sem_alloc : memref<!tpu.dma_semaphore, #tpu.memory_space<semaphore_mem>>
        %dma_start3A_186 = arith.constant 0 : i32
        %dma_start3A_187 = tpu.memref_slice %arg7[%mul3A_185, %dma_start3A_186] : memref<10240x128xf32, #tpu.memory_space<hbm>> -> memref<640x128xf32, #tpu.memory_space<hbm>>
        %dma_start3A_188 = arith.constant 0 : i32
        %dma_start3A_189 = tpu.memref_slice %arg9[%mul3A_183, %dma_start3A_188] : memref<10240x128xf32, #tpu.memory_space<vmem_shared>> -> memref<640x128xf32, #tpu.memory_space<vmem_shared>>
        tpu.enqueue_dma source(%dma_start3A_189 : memref<640x128xf32, #tpu.memory_space<vmem_shared>>) target(%dma_start3A_187 : memref<640x128xf32, #tpu.memory_space<hbm>>) target_semaphore(%run_scoped3A : memref<!tpu.dma_semaphore, #tpu.memory_space<semaphore_mem>>)
        %dma_wait3A_190 = arith.constant 0 : i32
        %dma_wait3A_191 = tpu.memref_slice %arg7[%mul3A_185, %dma_wait3A_190] : memref<10240x128xf32, #tpu.memory_space<hbm>> -> memref<640x128xf32, #tpu.memory_space<hbm>>
        %dma_wait3A_192 = arith.constant 0 : i32
        %dma_wait3A_193 = tpu.memref_slice %arg9[%mul3A_183, %dma_wait3A_192] : memref<10240x128xf32, #tpu.memory_space<vmem_shared>> -> memref<640x128xf32, #tpu.memory_space<vmem_shared>>
        tpu.wait_dma2 semaphore(%run_scoped3A : memref<!tpu.dma_semaphore, #tpu.memory_space<semaphore_mem>>) src(%dma_wait3A_193 : memref<640x128xf32, #tpu.memory_space<vmem_shared>>) dst(%dma_wait3A_191 : memref<640x128xf32, #tpu.memory_space<hbm>>)
        tpu.yield
      }) : () -> ()
    } else {
    }
    %eq3A_7 = arith.constant 1 : i32
    %eq3A_8 = arith.cmpi eq, %arg0, %eq3A_7 : i32
    %convert_element_type3A_9 = arith.extui %eq3A_8 : i1 to i32
    %cond3A_10 = arith.constant 0 : i32
    %cond3A_11 = arith.cmpi ne, %convert_element_type3A_9, %cond3A_10 : i32
    scf.if %cond3A_11 {
      %mul3A_12 = arith.constant 10000 : i32
      %mul3A_13 = arith.muli %arg1, %mul3A_12 : i32
      %dma_start3A = arith.constant 0 : i32
      %dma_start3A_14 = arith.constant 0 : i32
      %dma_start3A_15 = arith.constant 0 : i32
      %dma_start3A_16 = tpu.memref_slice %arg12[%dma_start3A, %dma_start3A_14, %dma_start3A_15] : memref<5x40x128xf32, #tpu.memory_space<vmem>> -> memref<1x40x128xf32, #tpu.memory_space<vmem>>
      %dma_start3A_17 = tpu.memref_squeeze %dma_start3A_16 : memref<1x40x128xf32, #tpu.memory_space<vmem>> -> memref<40x128xf32, #tpu.memory_space<vmem>>
      %dma_start3A_18 = arith.constant 0 : i32
      %dma_start3A_19 = tpu.memref_slice %arg10[%dma_start3A_18] : memref<10000xi32, #tpu.memory_space<vmem>> -> memref<40xi32, #tpu.memory_space<vmem>>
      %dma_start3A_20 = arith.constant 0 : i32
      %dma_start3A_21 = arith.constant 0 : i32
      %dma_start3A_22 = tpu.memref_slice %arg3[%dma_start3A_20, %dma_start3A_21] : memref<10240x128xf32, #tpu.memory_space<hbm>> -> memref<10240x128xf32, #tpu.memory_space<hbm>>
      tpu.enqueue_indirect_dma source(%dma_start3A_22 : memref<10240x128xf32, #tpu.memory_space<hbm>>) target(%dma_start3A_17 : memref<40x128xf32, #tpu.memory_space<vmem>>) offsets(%dma_start3A_19 : memref<40xi32, #tpu.memory_space<vmem>>) semaphore(%arg13 : memref<!tpu.dma_semaphore, #tpu.memory_space<semaphore_mem>>)
      %add3A = arith.constant 0 : i32
      %add3A_23 = arith.addi %mul3A_13, %add3A : i32
      %dma_start3A_24 = arith.constant 0 : i32
      %dma_start3A_25 = arith.constant 0 : i32
      %dma_start3A_26 = tpu.memref_slice %arg11[%dma_start3A_24, %dma_start3A_25] : memref<5x40xi32, #tpu.memory_space<vmem>> -> memref<1x40xi32, #tpu.memory_space<vmem>>
      %dma_start3A_27 = tpu.memref_squeeze %dma_start3A_26 : memref<1x40xi32, #tpu.memory_space<vmem>> -> memref<40xi32, #tpu.memory_space<vmem>>
      %dma_start3A_28 = tpu.memref_slice %arg5[%add3A_23] : memref<160000xi32, #tpu.memory_space<hbm>> -> memref<40xi32, #tpu.memory_space<hbm>>
      %dma_start3A_29 = arith.constant 0 : i32
      %dma_start3A_30 = tpu.memref_slice %arg11[%dma_start3A_24, %dma_start3A_29] : memref<5x40xi32, #tpu.memory_space<vmem>> -> memref<1x40xi32, #tpu.memory_space<vmem>>
      %dma_start3A_31 = tpu.memref_squeeze %dma_start3A_30 : memref<1x40xi32, #tpu.memory_space<vmem>> -> memref<40xi32, #tpu.memory_space<vmem>>
      %dma_start3A_32 = tpu.memref_slice %arg5[%add3A_23] : memref<160000xi32, #tpu.memory_space<hbm>> -> memref<40xi32, #tpu.memory_space<hbm>>
      tpu.enqueue_dma source(%dma_start3A_32 : memref<40xi32, #tpu.memory_space<hbm>>) target(%dma_start3A_31 : memref<40xi32, #tpu.memory_space<vmem>>) target_semaphore(%arg18 : memref<!tpu.dma_semaphore, #tpu.memory_space<semaphore_mem>>)
      %dma_start3A_33 = arith.constant 1 : i32
      %dma_start3A_34 = arith.constant 0 : i32
      %dma_start3A_35 = arith.constant 0 : i32
      %dma_start3A_36 = tpu.memref_slice %arg12[%dma_start3A_33, %dma_start3A_34, %dma_start3A_35] : memref<5x40x128xf32, #tpu.memory_space<vmem>> -> memref<1x40x128xf32, #tpu.memory_space<vmem>>
      %dma_start3A_37 = tpu.memref_squeeze %dma_start3A_36 : memref<1x40x128xf32, #tpu.memory_space<vmem>> -> memref<40x128xf32, #tpu.memory_space<vmem>>
      %dma_start3A_38 = arith.constant 40 : i32
      %dma_start3A_39 = tpu.memref_slice %arg10[%dma_start3A_38] : memref<10000xi32, #tpu.memory_space<vmem>> -> memref<40xi32, #tpu.memory_space<vmem>>
      %dma_start3A_40 = arith.constant 0 : i32
      %dma_start3A_41 = arith.constant 0 : i32
      %dma_start3A_42 = tpu.memref_slice %arg3[%dma_start3A_40, %dma_start3A_41] : memref<10240x128xf32, #tpu.memory_space<hbm>> -> memref<10240x128xf32, #tpu.memory_space<hbm>>
      tpu.enqueue_indirect_dma source(%dma_start3A_42 : memref<10240x128xf32, #tpu.memory_space<hbm>>) target(%dma_start3A_37 : memref<40x128xf32, #tpu.memory_space<vmem>>) offsets(%dma_start3A_39 : memref<40xi32, #tpu.memory_space<vmem>>) semaphore(%arg14 : memref<!tpu.dma_semaphore, #tpu.memory_space<semaphore_mem>>)
      %add3A_43 = arith.constant 40 : i32
      %add3A_44 = arith.addi %mul3A_13, %add3A_43 : i32
      %dma_start3A_45 = arith.constant 1 : i32
      %dma_start3A_46 = arith.constant 0 : i32
      %dma_start3A_47 = tpu.memref_slice %arg11[%dma_start3A_45, %dma_start3A_46] : memref<5x40xi32, #tpu.memory_space<vmem>> -> memref<1x40xi32, #tpu.memory_space<vmem>>
      %dma_start3A_48 = tpu.memref_squeeze %dma_start3A_47 : memref<1x40xi32, #tpu.memory_space<vmem>> -> memref<40xi32, #tpu.memory_space<vmem>>
      %dma_start3A_49 = tpu.memref_slice %arg5[%add3A_44] : memref<160000xi32, #tpu.memory_space<hbm>> -> memref<40xi32, #tpu.memory_space<hbm>>
      %dma_start3A_50 = arith.constant 0 : i32
      %dma_start3A_51 = tpu.memref_slice %arg11[%dma_start3A_45, %dma_start3A_50] : memref<5x40xi32, #tpu.memory_space<vmem>> -> memref<1x40xi32, #tpu.memory_space<vmem>>
      %dma_start3A_52 = tpu.memref_squeeze %dma_start3A_51 : memref<1x40xi32, #tpu.memory_space<vmem>> -> memref<40xi32, #tpu.memory_space<vmem>>
      %dma_start3A_53 = tpu.memref_slice %arg5[%add3A_44] : memref<160000xi32, #tpu.memory_space<hbm>> -> memref<40xi32, #tpu.memory_space<hbm>>
      tpu.enqueue_dma source(%dma_start3A_53 : memref<40xi32, #tpu.memory_space<hbm>>) target(%dma_start3A_52 : memref<40xi32, #tpu.memory_space<vmem>>) target_semaphore(%arg19 : memref<!tpu.dma_semaphore, #tpu.memory_space<semaphore_mem>>)
      %dma_start3A_54 = arith.constant 2 : i32
      %dma_start3A_55 = arith.constant 0 : i32
      %dma_start3A_56 = arith.constant 0 : i32
      %dma_start3A_57 = tpu.memref_slice %arg12[%dma_start3A_54, %dma_start3A_55, %dma_start3A_56] : memref<5x40x128xf32, #tpu.memory_space<vmem>> -> memref<1x40x128xf32, #tpu.memory_space<vmem>>
      %dma_start3A_58 = tpu.memref_squeeze %dma_start3A_57 : memref<1x40x128xf32, #tpu.memory_space<vmem>> -> memref<40x128xf32, #tpu.memory_space<vmem>>
      %dma_start3A_59 = arith.constant 80 : i32
      %dma_start3A_60 = tpu.memref_slice %arg10[%dma_start3A_59] : memref<10000xi32, #tpu.memory_space<vmem>> -> memref<40xi32, #tpu.memory_space<vmem>>
      %dma_start3A_61 = arith.constant 0 : i32
      %dma_start3A_62 = arith.constant 0 : i32
      %dma_start3A_63 = tpu.memref_slice %arg3[%dma_start3A_61, %dma_start3A_62] : memref<10240x128xf32, #tpu.memory_space<hbm>> -> memref<10240x128xf32, #tpu.memory_space<hbm>>
      tpu.enqueue_indirect_dma source(%dma_start3A_63 : memref<10240x128xf32, #tpu.memory_space<hbm>>) target(%dma_start3A_58 : memref<40x128xf32, #tpu.memory_space<vmem>>) offsets(%dma_start3A_60 : memref<40xi32, #tpu.memory_space<vmem>>) semaphore(%arg15 : memref<!tpu.dma_semaphore, #tpu.memory_space<semaphore_mem>>)
      %add3A_64 = arith.constant 80 : i32
      %add3A_65 = arith.addi %mul3A_13, %add3A_64 : i32
      %dma_start3A_66 = arith.constant 2 : i32
      %dma_start3A_67 = arith.constant 0 : i32
      %dma_start3A_68 = tpu.memref_slice %arg11[%dma_start3A_66, %dma_start3A_67] : memref<5x40xi32, #tpu.memory_space<vmem>> -> memref<1x40xi32, #tpu.memory_space<vmem>>
      %dma_start3A_69 = tpu.memref_squeeze %dma_start3A_68 : memref<1x40xi32, #tpu.memory_space<vmem>> -> memref<40xi32, #tpu.memory_space<vmem>>
      %dma_start3A_70 = tpu.memref_slice %arg5[%add3A_65] : memref<160000xi32, #tpu.memory_space<hbm>> -> memref<40xi32, #tpu.memory_space<hbm>>
      %dma_start3A_71 = arith.constant 0 : i32
      %dma_start3A_72 = tpu.memref_slice %arg11[%dma_start3A_66, %dma_start3A_71] : memref<5x40xi32, #tpu.memory_space<vmem>> -> memref<1x40xi32, #tpu.memory_space<vmem>>
      %dma_start3A_73 = tpu.memref_squeeze %dma_start3A_72 : memref<1x40xi32, #tpu.memory_space<vmem>> -> memref<40xi32, #tpu.memory_space<vmem>>
      %dma_start3A_74 = tpu.memref_slice %arg5[%add3A_65] : memref<160000xi32, #tpu.memory_space<hbm>> -> memref<40xi32, #tpu.memory_space<hbm>>
      tpu.enqueue_dma source(%dma_start3A_74 : memref<40xi32, #tpu.memory_space<hbm>>) target(%dma_start3A_73 : memref<40xi32, #tpu.memory_space<vmem>>) target_semaphore(%arg20 : memref<!tpu.dma_semaphore, #tpu.memory_space<semaphore_mem>>)
      %dma_start3A_75 = arith.constant 3 : i32
      %dma_start3A_76 = arith.constant 0 : i32
      %dma_start3A_77 = arith.constant 0 : i32
      %dma_start3A_78 = tpu.memref_slice %arg12[%dma_start3A_75, %dma_start3A_76, %dma_start3A_77] : memref<5x40x128xf32, #tpu.memory_space<vmem>> -> memref<1x40x128xf32, #tpu.memory_space<vmem>>
      %dma_start3A_79 = tpu.memref_squeeze %dma_start3A_78 : memref<1x40x128xf32, #tpu.memory_space<vmem>> -> memref<40x128xf32, #tpu.memory_space<vmem>>
      %dma_start3A_80 = arith.constant 120 : i32
      %dma_start3A_81 = tpu.memref_slice %arg10[%dma_start3A_80] : memref<10000xi32, #tpu.memory_space<vmem>> -> memref<40xi32, #tpu.memory_space<vmem>>
      %dma_start3A_82 = arith.constant 0 : i32
      %dma_start3A_83 = arith.constant 0 : i32
      %dma_start3A_84 = tpu.memref_slice %arg3[%dma_start3A_82, %dma_start3A_83] : memref<10240x128xf32, #tpu.memory_space<hbm>> -> memref<10240x128xf32, #tpu.memory_space<hbm>>
      tpu.enqueue_indirect_dma source(%dma_start3A_84 : memref<10240x128xf32, #tpu.memory_space<hbm>>) target(%dma_start3A_79 : memref<40x128xf32, #tpu.memory_space<vmem>>) offsets(%dma_start3A_81 : memref<40xi32, #tpu.memory_space<vmem>>) semaphore(%arg16 : memref<!tpu.dma_semaphore, #tpu.memory_space<semaphore_mem>>)
      %add3A_85 = arith.constant 120 : i32
      %add3A_86 = arith.addi %mul3A_13, %add3A_85 : i32
      %dma_start3A_87 = arith.constant 3 : i32
      %dma_start3A_88 = arith.constant 0 : i32
      %dma_start3A_89 = tpu.memref_slice %arg11[%dma_start3A_87, %dma_start3A_88] : memref<5x40xi32, #tpu.memory_space<vmem>> -> memref<1x40xi32, #tpu.memory_space<vmem>>
      %dma_start3A_90 = tpu.memref_squeeze %dma_start3A_89 : memref<1x40xi32, #tpu.memory_space<vmem>> -> memref<40xi32, #tpu.memory_space<vmem>>
      %dma_start3A_91 = tpu.memref_slice %arg5[%add3A_86] : memref<160000xi32, #tpu.memory_space<hbm>> -> memref<40xi32, #tpu.memory_space<hbm>>
      %dma_start3A_92 = arith.constant 0 : i32
      %dma_start3A_93 = tpu.memref_slice %arg11[%dma_start3A_87, %dma_start3A_92] : memref<5x40xi32, #tpu.memory_space<vmem>> -> memref<1x40xi32, #tpu.memory_space<vmem>>
      %dma_start3A_94 = tpu.memref_squeeze %dma_start3A_93 : memref<1x40xi32, #tpu.memory_space<vmem>> -> memref<40xi32, #tpu.memory_space<vmem>>
      %dma_start3A_95 = tpu.memref_slice %arg5[%add3A_86] : memref<160000xi32, #tpu.memory_space<hbm>> -> memref<40xi32, #tpu.memory_space<hbm>>
      tpu.enqueue_dma source(%dma_start3A_95 : memref<40xi32, #tpu.memory_space<hbm>>) target(%dma_start3A_94 : memref<40xi32, #tpu.memory_space<vmem>>) target_semaphore(%arg21 : memref<!tpu.dma_semaphore, #tpu.memory_space<semaphore_mem>>)
      %dma_start3A_96 = arith.constant 4 : i32
      %dma_start3A_97 = arith.constant 0 : i32
      %dma_start3A_98 = arith.constant 0 : i32
      %dma_start3A_99 = tpu.memref_slice %arg12[%dma_start3A_96, %dma_start3A_97, %dma_start3A_98] : memref<5x40x128xf32, #tpu.memory_space<vmem>> -> memref<1x40x128xf32, #tpu.memory_space<vmem>>
      %dma_start3A_100 = tpu.memref_squeeze %dma_start3A_99 : memref<1x40x128xf32, #tpu.memory_space<vmem>> -> memref<40x128xf32, #tpu.memory_space<vmem>>
      %dma_start3A_101 = arith.constant 160 : i32
      %dma_start3A_102 = tpu.memref_slice %arg10[%dma_start3A_101] : memref<10000xi32, #tpu.memory_space<vmem>> -> memref<40xi32, #tpu.memory_space<vmem>>
      %dma_start3A_103 = arith.constant 0 : i32
      %dma_start3A_104 = arith.constant 0 : i32
      %dma_start3A_105 = tpu.memref_slice %arg3[%dma_start3A_103, %dma_start3A_104] : memref<10240x128xf32, #tpu.memory_space<hbm>> -> memref<10240x128xf32, #tpu.memory_space<hbm>>
      tpu.enqueue_indirect_dma source(%dma_start3A_105 : memref<10240x128xf32, #tpu.memory_space<hbm>>) target(%dma_start3A_100 : memref<40x128xf32, #tpu.memory_space<vmem>>) offsets(%dma_start3A_102 : memref<40xi32, #tpu.memory_space<vmem>>) semaphore(%arg17 : memref<!tpu.dma_semaphore, #tpu.memory_space<semaphore_mem>>)
      %add3A_106 = arith.constant 160 : i32
      %add3A_107 = arith.addi %mul3A_13, %add3A_106 : i32
      %dma_start3A_108 = arith.constant 4 : i32
      %dma_start3A_109 = arith.constant 0 : i32
      %dma_start3A_110 = tpu.memref_slice %arg11[%dma_start3A_108, %dma_start3A_109] : memref<5x40xi32, #tpu.memory_space<vmem>> -> memref<1x40xi32, #tpu.memory_space<vmem>>
      %dma_start3A_111 = tpu.memref_squeeze %dma_start3A_110 : memref<1x40xi32, #tpu.memory_space<vmem>> -> memref<40xi32, #tpu.memory_space<vmem>>
      %dma_start3A_112 = tpu.memref_slice %arg5[%add3A_107] : memref<160000xi32, #tpu.memory_space<hbm>> -> memref<40xi32, #tpu.memory_space<hbm>>
      %dma_start3A_113 = arith.constant 0 : i32
      %dma_start3A_114 = tpu.memref_slice %arg11[%dma_start3A_108, %dma_start3A_113] : memref<5x40xi32, #tpu.memory_space<vmem>> -> memref<1x40xi32, #tpu.memory_space<vmem>>
      %dma_start3A_115 = tpu.memref_squeeze %dma_start3A_114 : memref<1x40xi32, #tpu.memory_space<vmem>> -> memref<40xi32, #tpu.memory_space<vmem>>
      %dma_start3A_116 = tpu.memref_slice %arg5[%add3A_107] : memref<160000xi32, #tpu.memory_space<hbm>> -> memref<40xi32, #tpu.memory_space<hbm>>
      tpu.enqueue_dma source(%dma_start3A_116 : memref<40xi32, #tpu.memory_space<hbm>>) target(%dma_start3A_115 : memref<40xi32, #tpu.memory_space<vmem>>) target_semaphore(%arg22 : memref<!tpu.dma_semaphore, #tpu.memory_space<semaphore_mem>>)
      %scan3A = arith.constant 0 : i32
      %scan3A_117 = arith.constant 0 : i32
      %scan3A_118 = arith.constant 50 : i32
      %scan3A_119 = arith.addi %scan3A_117, %scan3A_118 : i32
      %scan3A_120 = arith.constant 1 : i32
      scf.for %scan3A_186 = %scan3A_117 to %scan3A_119 step %scan3A_120  : i32 {
        %dma_wait3A_187 = arith.constant 0 : i32
        %dma_wait3A_188 = arith.constant 0 : i32
        %dma_wait3A_189 = arith.constant 0 : i32
        %dma_wait3A_190 = tpu.memref_slice %arg12[%dma_wait3A_187, %dma_wait3A_188, %dma_wait3A_189] : memref<5x40x128xf32, #tpu.memory_space<vmem>> -> memref<1x40x128xf32, #tpu.memory_space<vmem>>
        %dma_wait3A_191 = tpu.memref_squeeze %dma_wait3A_190 : memref<1x40x128xf32, #tpu.memory_space<vmem>> -> memref<40x128xf32, #tpu.memory_space<vmem>>
        %dma_wait3A_192 = arith.constant 0 : i32
        %dma_wait3A_193 = tpu.memref_slice %arg10[%dma_wait3A_192] : memref<10000xi32, #tpu.memory_space<vmem>> -> memref<40xi32, #tpu.memory_space<vmem>>
        %dma_wait3A_194 = arith.constant 0 : i32
        %dma_wait3A_195 = arith.constant 0 : i32
        %dma_wait3A_196 = tpu.memref_slice %arg3[%dma_wait3A_194, %dma_wait3A_195] : memref<10240x128xf32, #tpu.memory_space<hbm>> -> memref<10240x128xf32, #tpu.memory_space<hbm>>
        tpu.wait_indirect_dma semaphore(%arg13 : memref<!tpu.dma_semaphore, #tpu.memory_space<semaphore_mem>>) src(%dma_wait3A_196 : memref<10240x128xf32, #tpu.memory_space<hbm>>) dst(%dma_wait3A_191 : memref<40x128xf32, #tpu.memory_space<vmem>>)
        %dma_wait3A_197 = arith.constant 0 : i32
        %dma_wait3A_198 = arith.constant 0 : i32
        %dma_wait3A_199 = tpu.memref_slice %arg11[%dma_wait3A_197, %dma_wait3A_198] : memref<5x40xi32, #tpu.memory_space<vmem>> -> memref<1x40xi32, #tpu.memory_space<vmem>>
        %dma_wait3A_200 = tpu.memref_squeeze %dma_wait3A_199 : memref<1x40xi32, #tpu.memory_space<vmem>> -> memref<40xi32, #tpu.memory_space<vmem>>
        %dma_wait3A_201 = tpu.memref_slice %arg5[%mul3A_13] : memref<160000xi32, #tpu.memory_space<hbm>> -> memref<40xi32, #tpu.memory_space<hbm>>
        %dma_wait3A_202 = arith.constant 0 : i32
        %dma_wait3A_203 = tpu.memref_slice %arg11[%dma_wait3A_197, %dma_wait3A_202] : memref<5x40xi32, #tpu.memory_space<vmem>> -> memref<1x40xi32, #tpu.memory_space<vmem>>
        %dma_wait3A_204 = tpu.memref_squeeze %dma_wait3A_203 : memref<1x40xi32, #tpu.memory_space<vmem>> -> memref<40xi32, #tpu.memory_space<vmem>>
        %dma_wait3A_205 = tpu.memref_slice %arg5[%mul3A_13] : memref<160000xi32, #tpu.memory_space<hbm>> -> memref<40xi32, #tpu.memory_space<hbm>>
        tpu.wait_dma2 semaphore(%arg18 : memref<!tpu.dma_semaphore, #tpu.memory_space<semaphore_mem>>) src(%dma_wait3A_205 : memref<40xi32, #tpu.memory_space<hbm>>) dst(%dma_wait3A_204 : memref<40xi32, #tpu.memory_space<vmem>>)
        %dma_start3A_206 = arith.constant 0 : i32
        %dma_start3A_207 = arith.constant 0 : i32
        %dma_start3A_208 = arith.constant 0 : i32
        %dma_start3A_209 = arith.constant 0 : i32
        %dma_start3A_210 = tpu.memref_slice %arg12[%dma_start3A_206, %dma_start3A_208, %dma_start3A_209] : memref<5x40x128xf32, #tpu.memory_space<vmem>> -> memref<1x40x128xf32, #tpu.memory_space<vmem>>
        %dma_start3A_211 = tpu.memref_squeeze %dma_start3A_210 : memref<1x40x128xf32, #tpu.memory_space<vmem>> -> memref<40x128xf32, #tpu.memory_space<vmem>>
        %dma_start3A_212 = arith.constant 0 : i32
        %dma_start3A_213 = tpu.memref_slice %arg11[%dma_start3A_207, %dma_start3A_212] : memref<5x40xi32, #tpu.memory_space<vmem>> -> memref<1x40xi32, #tpu.memory_space<vmem>>
        %dma_start3A_214 = tpu.memref_squeeze %dma_start3A_213 : memref<1x40xi32, #tpu.memory_space<vmem>> -> memref<40xi32, #tpu.memory_space<vmem>>
        %dma_start3A_215 = arith.constant 0 : i32
        %dma_start3A_216 = arith.constant 0 : i32
        %dma_start3A_217 = tpu.memref_slice %arg9[%dma_start3A_215, %dma_start3A_216] : memref<10240x128xf32, #tpu.memory_space<vmem_shared>> -> memref<10240x128xf32, #tpu.memory_space<vmem_shared>>
        tpu.enqueue_indirect_dma source(%dma_start3A_211 : memref<40x128xf32, #tpu.memory_space<vmem>>) target(%dma_start3A_217 : memref<10240x128xf32, #tpu.memory_space<vmem_shared>>) offsets(%dma_start3A_214 : memref<40xi32, #tpu.memory_space<vmem>>) semaphore(%arg23 : memref<!tpu.dma_semaphore, #tpu.memory_space<semaphore_mem>>) {add = true}
        %dma_wait3A_218 = arith.constant 1 : i32
        %dma_wait3A_219 = arith.constant 0 : i32
        %dma_wait3A_220 = arith.constant 0 : i32
        %dma_wait3A_221 = tpu.memref_slice %arg12[%dma_wait3A_218, %dma_wait3A_219, %dma_wait3A_220] : memref<5x40x128xf32, #tpu.memory_space<vmem>> -> memref<1x40x128xf32, #tpu.memory_space<vmem>>
        %dma_wait3A_222 = tpu.memref_squeeze %dma_wait3A_221 : memref<1x40x128xf32, #tpu.memory_space<vmem>> -> memref<40x128xf32, #tpu.memory_space<vmem>>
        %dma_wait3A_223 = arith.constant 0 : i32
        %dma_wait3A_224 = tpu.memref_slice %arg10[%dma_wait3A_223] : memref<10000xi32, #tpu.memory_space<vmem>> -> memref<40xi32, #tpu.memory_space<vmem>>
        %dma_wait3A_225 = arith.constant 0 : i32
        %dma_wait3A_226 = arith.constant 0 : i32
        %dma_wait3A_227 = tpu.memref_slice %arg3[%dma_wait3A_225, %dma_wait3A_226] : memref<10240x128xf32, #tpu.memory_space<hbm>> -> memref<10240x128xf32, #tpu.memory_space<hbm>>
        tpu.wait_indirect_dma semaphore(%arg14 : memref<!tpu.dma_semaphore, #tpu.memory_space<semaphore_mem>>) src(%dma_wait3A_227 : memref<10240x128xf32, #tpu.memory_space<hbm>>) dst(%dma_wait3A_222 : memref<40x128xf32, #tpu.memory_space<vmem>>)
        %dma_wait3A_228 = arith.constant 1 : i32
        %dma_wait3A_229 = arith.constant 0 : i32
        %dma_wait3A_230 = tpu.memref_slice %arg11[%dma_wait3A_228, %dma_wait3A_229] : memref<5x40xi32, #tpu.memory_space<vmem>> -> memref<1x40xi32, #tpu.memory_space<vmem>>
        %dma_wait3A_231 = tpu.memref_squeeze %dma_wait3A_230 : memref<1x40xi32, #tpu.memory_space<vmem>> -> memref<40xi32, #tpu.memory_space<vmem>>
        %dma_wait3A_232 = tpu.memref_slice %arg5[%mul3A_13] : memref<160000xi32, #tpu.memory_space<hbm>> -> memref<40xi32, #tpu.memory_space<hbm>>
        %dma_wait3A_233 = arith.constant 0 : i32
        %dma_wait3A_234 = tpu.memref_slice %arg11[%dma_wait3A_228, %dma_wait3A_233] : memref<5x40xi32, #tpu.memory_space<vmem>> -> memref<1x40xi32, #tpu.memory_space<vmem>>
        %dma_wait3A_235 = tpu.memref_squeeze %dma_wait3A_234 : memref<1x40xi32, #tpu.memory_space<vmem>> -> memref<40xi32, #tpu.memory_space<vmem>>
        %dma_wait3A_236 = tpu.memref_slice %arg5[%mul3A_13] : memref<160000xi32, #tpu.memory_space<hbm>> -> memref<40xi32, #tpu.memory_space<hbm>>
        tpu.wait_dma2 semaphore(%arg19 : memref<!tpu.dma_semaphore, #tpu.memory_space<semaphore_mem>>) src(%dma_wait3A_236 : memref<40xi32, #tpu.memory_space<hbm>>) dst(%dma_wait3A_235 : memref<40xi32, #tpu.memory_space<vmem>>)
        %dma_start3A_237 = arith.constant 1 : i32
        %dma_start3A_238 = arith.constant 1 : i32
        %dma_start3A_239 = arith.constant 0 : i32
        %dma_start3A_240 = arith.constant 0 : i32
        %dma_start3A_241 = tpu.memref_slice %arg12[%dma_start3A_237, %dma_start3A_239, %dma_start3A_240] : memref<5x40x128xf32, #tpu.memory_space<vmem>> -> memref<1x40x128xf32, #tpu.memory_space<vmem>>
        %dma_start3A_242 = tpu.memref_squeeze %dma_start3A_241 : memref<1x40x128xf32, #tpu.memory_space<vmem>> -> memref<40x128xf32, #tpu.memory_space<vmem>>
        %dma_start3A_243 = arith.constant 0 : i32
        %dma_start3A_244 = tpu.memref_slice %arg11[%dma_start3A_238, %dma_start3A_243] : memref<5x40xi32, #tpu.memory_space<vmem>> -> memref<1x40xi32, #tpu.memory_space<vmem>>
        %dma_start3A_245 = tpu.memref_squeeze %dma_start3A_244 : memref<1x40xi32, #tpu.memory_space<vmem>> -> memref<40xi32, #tpu.memory_space<vmem>>
        %dma_start3A_246 = arith.constant 0 : i32
        %dma_start3A_247 = arith.constant 0 : i32
        %dma_start3A_248 = tpu.memref_slice %arg9[%dma_start3A_246, %dma_start3A_247] : memref<10240x128xf32, #tpu.memory_space<vmem_shared>> -> memref<10240x128xf32, #tpu.memory_space<vmem_shared>>
        tpu.enqueue_indirect_dma source(%dma_start3A_242 : memref<40x128xf32, #tpu.memory_space<vmem>>) target(%dma_start3A_248 : memref<10240x128xf32, #tpu.memory_space<vmem_shared>>) offsets(%dma_start3A_245 : memref<40xi32, #tpu.memory_space<vmem>>) semaphore(%arg24 : memref<!tpu.dma_semaphore, #tpu.memory_space<semaphore_mem>>) {add = true}
        %dma_wait3A_249 = arith.constant 2 : i32
        %dma_wait3A_250 = arith.constant 0 : i32
        %dma_wait3A_251 = arith.constant 0 : i32
        %dma_wait3A_252 = tpu.memref_slice %arg12[%dma_wait3A_249, %dma_wait3A_250, %dma_wait3A_251] : memref<5x40x128xf32, #tpu.memory_space<vmem>> -> memref<1x40x128xf32, #tpu.memory_space<vmem>>
        %dma_wait3A_253 = tpu.memref_squeeze %dma_wait3A_252 : memref<1x40x128xf32, #tpu.memory_space<vmem>> -> memref<40x128xf32, #tpu.memory_space<vmem>>
        %dma_wait3A_254 = arith.constant 0 : i32
        %dma_wait3A_255 = tpu.memref_slice %arg10[%dma_wait3A_254] : memref<10000xi32, #tpu.memory_space<vmem>> -> memref<40xi32, #tpu.memory_space<vmem>>
        %dma_wait3A_256 = arith.constant 0 : i32
        %dma_wait3A_257 = arith.constant 0 : i32
        %dma_wait3A_258 = tpu.memref_slice %arg3[%dma_wait3A_256, %dma_wait3A_257] : memref<10240x128xf32, #tpu.memory_space<hbm>> -> memref<10240x128xf32, #tpu.memory_space<hbm>>
        tpu.wait_indirect_dma semaphore(%arg15 : memref<!tpu.dma_semaphore, #tpu.memory_space<semaphore_mem>>) src(%dma_wait3A_258 : memref<10240x128xf32, #tpu.memory_space<hbm>>) dst(%dma_wait3A_253 : memref<40x128xf32, #tpu.memory_space<vmem>>)
        %dma_wait3A_259 = arith.constant 2 : i32
        %dma_wait3A_260 = arith.constant 0 : i32
        %dma_wait3A_261 = tpu.memref_slice %arg11[%dma_wait3A_259, %dma_wait3A_260] : memref<5x40xi32, #tpu.memory_space<vmem>> -> memref<1x40xi32, #tpu.memory_space<vmem>>
        %dma_wait3A_262 = tpu.memref_squeeze %dma_wait3A_261 : memref<1x40xi32, #tpu.memory_space<vmem>> -> memref<40xi32, #tpu.memory_space<vmem>>
        %dma_wait3A_263 = tpu.memref_slice %arg5[%mul3A_13] : memref<160000xi32, #tpu.memory_space<hbm>> -> memref<40xi32, #tpu.memory_space<hbm>>
        %dma_wait3A_264 = arith.constant 0 : i32
        %dma_wait3A_265 = tpu.memref_slice %arg11[%dma_wait3A_259, %dma_wait3A_264] : memref<5x40xi32, #tpu.memory_space<vmem>> -> memref<1x40xi32, #tpu.memory_space<vmem>>
        %dma_wait3A_266 = tpu.memref_squeeze %dma_wait3A_265 : memref<1x40xi32, #tpu.memory_space<vmem>> -> memref<40xi32, #tpu.memory_space<vmem>>
        %dma_wait3A_267 = tpu.memref_slice %arg5[%mul3A_13] : memref<160000xi32, #tpu.memory_space<hbm>> -> memref<40xi32, #tpu.memory_space<hbm>>
        tpu.wait_dma2 semaphore(%arg20 : memref<!tpu.dma_semaphore, #tpu.memory_space<semaphore_mem>>) src(%dma_wait3A_267 : memref<40xi32, #tpu.memory_space<hbm>>) dst(%dma_wait3A_266 : memref<40xi32, #tpu.memory_space<vmem>>)
        %dma_start3A_268 = arith.constant 2 : i32
        %dma_start3A_269 = arith.constant 2 : i32
        %dma_start3A_270 = arith.constant 0 : i32
        %dma_start3A_271 = arith.constant 0 : i32
        %dma_start3A_272 = tpu.memref_slice %arg12[%dma_start3A_268, %dma_start3A_270, %dma_start3A_271] : memref<5x40x128xf32, #tpu.memory_space<vmem>> -> memref<1x40x128xf32, #tpu.memory_space<vmem>>
        %dma_start3A_273 = tpu.memref_squeeze %dma_start3A_272 : memref<1x40x128xf32, #tpu.memory_space<vmem>> -> memref<40x128xf32, #tpu.memory_space<vmem>>
        %dma_start3A_274 = arith.constant 0 : i32
        %dma_start3A_275 = tpu.memref_slice %arg11[%dma_start3A_269, %dma_start3A_274] : memref<5x40xi32, #tpu.memory_space<vmem>> -> memref<1x40xi32, #tpu.memory_space<vmem>>
        %dma_start3A_276 = tpu.memref_squeeze %dma_start3A_275 : memref<1x40xi32, #tpu.memory_space<vmem>> -> memref<40xi32, #tpu.memory_space<vmem>>
        %dma_start3A_277 = arith.constant 0 : i32
        %dma_start3A_278 = arith.constant 0 : i32
        %dma_start3A_279 = tpu.memref_slice %arg9[%dma_start3A_277, %dma_start3A_278] : memref<10240x128xf32, #tpu.memory_space<vmem_shared>> -> memref<10240x128xf32, #tpu.memory_space<vmem_shared>>
        tpu.enqueue_indirect_dma source(%dma_start3A_273 : memref<40x128xf32, #tpu.memory_space<vmem>>) target(%dma_start3A_279 : memref<10240x128xf32, #tpu.memory_space<vmem_shared>>) offsets(%dma_start3A_276 : memref<40xi32, #tpu.memory_space<vmem>>) semaphore(%arg25 : memref<!tpu.dma_semaphore, #tpu.memory_space<semaphore_mem>>) {add = true}
        %dma_wait3A_280 = arith.constant 3 : i32
        %dma_wait3A_281 = arith.constant 0 : i32
        %dma_wait3A_282 = arith.constant 0 : i32
        %dma_wait3A_283 = tpu.memref_slice %arg12[%dma_wait3A_280, %dma_wait3A_281, %dma_wait3A_282] : memref<5x40x128xf32, #tpu.memory_space<vmem>> -> memref<1x40x128xf32, #tpu.memory_space<vmem>>
        %dma_wait3A_284 = tpu.memref_squeeze %dma_wait3A_283 : memref<1x40x128xf32, #tpu.memory_space<vmem>> -> memref<40x128xf32, #tpu.memory_space<vmem>>
        %dma_wait3A_285 = arith.constant 0 : i32
        %dma_wait3A_286 = tpu.memref_slice %arg10[%dma_wait3A_285] : memref<10000xi32, #tpu.memory_space<vmem>> -> memref<40xi32, #tpu.memory_space<vmem>>
        %dma_wait3A_287 = arith.constant 0 : i32
        %dma_wait3A_288 = arith.constant 0 : i32
        %dma_wait3A_289 = tpu.memref_slice %arg3[%dma_wait3A_287, %dma_wait3A_288] : memref<10240x128xf32, #tpu.memory_space<hbm>> -> memref<10240x128xf32, #tpu.memory_space<hbm>>
        tpu.wait_indirect_dma semaphore(%arg16 : memref<!tpu.dma_semaphore, #tpu.memory_space<semaphore_mem>>) src(%dma_wait3A_289 : memref<10240x128xf32, #tpu.memory_space<hbm>>) dst(%dma_wait3A_284 : memref<40x128xf32, #tpu.memory_space<vmem>>)
        %dma_wait3A_290 = arith.constant 3 : i32
        %dma_wait3A_291 = arith.constant 0 : i32
        %dma_wait3A_292 = tpu.memref_slice %arg11[%dma_wait3A_290, %dma_wait3A_291] : memref<5x40xi32, #tpu.memory_space<vmem>> -> memref<1x40xi32, #tpu.memory_space<vmem>>
        %dma_wait3A_293 = tpu.memref_squeeze %dma_wait3A_292 : memref<1x40xi32, #tpu.memory_space<vmem>> -> memref<40xi32, #tpu.memory_space<vmem>>
        %dma_wait3A_294 = tpu.memref_slice %arg5[%mul3A_13] : memref<160000xi32, #tpu.memory_space<hbm>> -> memref<40xi32, #tpu.memory_space<hbm>>
        %dma_wait3A_295 = arith.constant 0 : i32
        %dma_wait3A_296 = tpu.memref_slice %arg11[%dma_wait3A_290, %dma_wait3A_295] : memref<5x40xi32, #tpu.memory_space<vmem>> -> memref<1x40xi32, #tpu.memory_space<vmem>>
        %dma_wait3A_297 = tpu.memref_squeeze %dma_wait3A_296 : memref<1x40xi32, #tpu.memory_space<vmem>> -> memref<40xi32, #tpu.memory_space<vmem>>
        %dma_wait3A_298 = tpu.memref_slice %arg5[%mul3A_13] : memref<160000xi32, #tpu.memory_space<hbm>> -> memref<40xi32, #tpu.memory_space<hbm>>
        tpu.wait_dma2 semaphore(%arg21 : memref<!tpu.dma_semaphore, #tpu.memory_space<semaphore_mem>>) src(%dma_wait3A_298 : memref<40xi32, #tpu.memory_space<hbm>>) dst(%dma_wait3A_297 : memref<40xi32, #tpu.memory_space<vmem>>)
        %dma_start3A_299 = arith.constant 3 : i32
        %dma_start3A_300 = arith.constant 3 : i32
        %dma_start3A_301 = arith.constant 0 : i32
        %dma_start3A_302 = arith.constant 0 : i32
        %dma_start3A_303 = tpu.memref_slice %arg12[%dma_start3A_299, %dma_start3A_301, %dma_start3A_302] : memref<5x40x128xf32, #tpu.memory_space<vmem>> -> memref<1x40x128xf32, #tpu.memory_space<vmem>>
        %dma_start3A_304 = tpu.memref_squeeze %dma_start3A_303 : memref<1x40x128xf32, #tpu.memory_space<vmem>> -> memref<40x128xf32, #tpu.memory_space<vmem>>
        %dma_start3A_305 = arith.constant 0 : i32
        %dma_start3A_306 = tpu.memref_slice %arg11[%dma_start3A_300, %dma_start3A_305] : memref<5x40xi32, #tpu.memory_space<vmem>> -> memref<1x40xi32, #tpu.memory_space<vmem>>
        %dma_start3A_307 = tpu.memref_squeeze %dma_start3A_306 : memref<1x40xi32, #tpu.memory_space<vmem>> -> memref<40xi32, #tpu.memory_space<vmem>>
        %dma_start3A_308 = arith.constant 0 : i32
        %dma_start3A_309 = arith.constant 0 : i32
        %dma_start3A_310 = tpu.memref_slice %arg9[%dma_start3A_308, %dma_start3A_309] : memref<10240x128xf32, #tpu.memory_space<vmem_shared>> -> memref<10240x128xf32, #tpu.memory_space<vmem_shared>>
        tpu.enqueue_indirect_dma source(%dma_start3A_304 : memref<40x128xf32, #tpu.memory_space<vmem>>) target(%dma_start3A_310 : memref<10240x128xf32, #tpu.memory_space<vmem_shared>>) offsets(%dma_start3A_307 : memref<40xi32, #tpu.memory_space<vmem>>) semaphore(%arg26 : memref<!tpu.dma_semaphore, #tpu.memory_space<semaphore_mem>>) {add = true}
        %dma_wait3A_311 = arith.constant 4 : i32
        %dma_wait3A_312 = arith.constant 0 : i32
        %dma_wait3A_313 = arith.constant 0 : i32
        %dma_wait3A_314 = tpu.memref_slice %arg12[%dma_wait3A_311, %dma_wait3A_312, %dma_wait3A_313] : memref<5x40x128xf32, #tpu.memory_space<vmem>> -> memref<1x40x128xf32, #tpu.memory_space<vmem>>
        %dma_wait3A_315 = tpu.memref_squeeze %dma_wait3A_314 : memref<1x40x128xf32, #tpu.memory_space<vmem>> -> memref<40x128xf32, #tpu.memory_space<vmem>>
        %dma_wait3A_316 = arith.constant 0 : i32
        %dma_wait3A_317 = tpu.memref_slice %arg10[%dma_wait3A_316] : memref<10000xi32, #tpu.memory_space<vmem>> -> memref<40xi32, #tpu.memory_space<vmem>>
        %dma_wait3A_318 = arith.constant 0 : i32
        %dma_wait3A_319 = arith.constant 0 : i32
        %dma_wait3A_320 = tpu.memref_slice %arg3[%dma_wait3A_318, %dma_wait3A_319] : memref<10240x128xf32, #tpu.memory_space<hbm>> -> memref<10240x128xf32, #tpu.memory_space<hbm>>
        tpu.wait_indirect_dma semaphore(%arg17 : memref<!tpu.dma_semaphore, #tpu.memory_space<semaphore_mem>>) src(%dma_wait3A_320 : memref<10240x128xf32, #tpu.memory_space<hbm>>) dst(%dma_wait3A_315 : memref<40x128xf32, #tpu.memory_space<vmem>>)
        %dma_wait3A_321 = arith.constant 4 : i32
        %dma_wait3A_322 = arith.constant 0 : i32
        %dma_wait3A_323 = tpu.memref_slice %arg11[%dma_wait3A_321, %dma_wait3A_322] : memref<5x40xi32, #tpu.memory_space<vmem>> -> memref<1x40xi32, #tpu.memory_space<vmem>>
        %dma_wait3A_324 = tpu.memref_squeeze %dma_wait3A_323 : memref<1x40xi32, #tpu.memory_space<vmem>> -> memref<40xi32, #tpu.memory_space<vmem>>
        %dma_wait3A_325 = tpu.memref_slice %arg5[%mul3A_13] : memref<160000xi32, #tpu.memory_space<hbm>> -> memref<40xi32, #tpu.memory_space<hbm>>
        %dma_wait3A_326 = arith.constant 0 : i32
        %dma_wait3A_327 = tpu.memref_slice %arg11[%dma_wait3A_321, %dma_wait3A_326] : memref<5x40xi32, #tpu.memory_space<vmem>> -> memref<1x40xi32, #tpu.memory_space<vmem>>
        %dma_wait3A_328 = tpu.memref_squeeze %dma_wait3A_327 : memref<1x40xi32, #tpu.memory_space<vmem>> -> memref<40xi32, #tpu.memory_space<vmem>>
        %dma_wait3A_329 = tpu.memref_slice %arg5[%mul3A_13] : memref<160000xi32, #tpu.memory_space<hbm>> -> memref<40xi32, #tpu.memory_space<hbm>>
        tpu.wait_dma2 semaphore(%arg22 : memref<!tpu.dma_semaphore, #tpu.memory_space<semaphore_mem>>) src(%dma_wait3A_329 : memref<40xi32, #tpu.memory_space<hbm>>) dst(%dma_wait3A_328 : memref<40xi32, #tpu.memory_space<vmem>>)
        %dma_start3A_330 = arith.constant 4 : i32
        %dma_start3A_331 = arith.constant 4 : i32
        %dma_start3A_332 = arith.constant 0 : i32
        %dma_start3A_333 = arith.constant 0 : i32
        %dma_start3A_334 = tpu.memref_slice %arg12[%dma_start3A_330, %dma_start3A_332, %dma_start3A_333] : memref<5x40x128xf32, #tpu.memory_space<vmem>> -> memref<1x40x128xf32, #tpu.memory_space<vmem>>
        %dma_start3A_335 = tpu.memref_squeeze %dma_start3A_334 : memref<1x40x128xf32, #tpu.memory_space<vmem>> -> memref<40x128xf32, #tpu.memory_space<vmem>>
        %dma_start3A_336 = arith.constant 0 : i32
        %dma_start3A_337 = tpu.memref_slice %arg11[%dma_start3A_331, %dma_start3A_336] : memref<5x40xi32, #tpu.memory_space<vmem>> -> memref<1x40xi32, #tpu.memory_space<vmem>>
        %dma_start3A_338 = tpu.memref_squeeze %dma_start3A_337 : memref<1x40xi32, #tpu.memory_space<vmem>> -> memref<40xi32, #tpu.memory_space<vmem>>
        %dma_start3A_339 = arith.constant 0 : i32
        %dma_start3A_340 = arith.constant 0 : i32
        %dma_start3A_341 = tpu.memref_slice %arg9[%dma_start3A_339, %dma_start3A_340] : memref<10240x128xf32, #tpu.memory_space<vmem_shared>> -> memref<10240x128xf32, #tpu.memory_space<vmem_shared>>
        tpu.enqueue_indirect_dma source(%dma_start3A_335 : memref<40x128xf32, #tpu.memory_space<vmem>>) target(%dma_start3A_341 : memref<10240x128xf32, #tpu.memory_space<vmem_shared>>) offsets(%dma_start3A_338 : memref<40xi32, #tpu.memory_space<vmem>>) semaphore(%arg27 : memref<!tpu.dma_semaphore, #tpu.memory_space<semaphore_mem>>) {add = true}
        %lt3A = arith.constant 49 : i32
        %lt3A_342 = arith.cmpi slt, %scan3A_186, %lt3A : i32
        %convert_element_type3A_343 = arith.extui %lt3A_342 : i1 to i32
        %cond3A_344 = arith.constant 0 : i32
        %cond3A_345 = arith.cmpi ne, %convert_element_type3A_343, %cond3A_344 : i32
        scf.if %cond3A_345 {
          %dma_wait3A_346 = arith.constant 0 : i32
          %dma_wait3A_347 = arith.constant 0 : i32
          %dma_wait3A_348 = arith.constant 0 : i32
          %dma_wait3A_349 = arith.constant 0 : i32
          %dma_wait3A_350 = tpu.memref_slice %arg12[%dma_wait3A_346, %dma_wait3A_348, %dma_wait3A_349] : memref<5x40x128xf32, #tpu.memory_space<vmem>> -> memref<1x40x128xf32, #tpu.memory_space<vmem>>
          %dma_wait3A_351 = tpu.memref_squeeze %dma_wait3A_350 : memref<1x40x128xf32, #tpu.memory_space<vmem>> -> memref<40x128xf32, #tpu.memory_space<vmem>>
          %dma_wait3A_352 = arith.constant 0 : i32
          %dma_wait3A_353 = tpu.memref_slice %arg11[%dma_wait3A_347, %dma_wait3A_352] : memref<5x40xi32, #tpu.memory_space<vmem>> -> memref<1x40xi32, #tpu.memory_space<vmem>>
          %dma_wait3A_354 = tpu.memref_squeeze %dma_wait3A_353 : memref<1x40xi32, #tpu.memory_space<vmem>> -> memref<40xi32, #tpu.memory_space<vmem>>
          %dma_wait3A_355 = arith.constant 0 : i32
          %dma_wait3A_356 = arith.constant 0 : i32
          %dma_wait3A_357 = tpu.memref_slice %arg9[%dma_wait3A_355, %dma_wait3A_356] : memref<10240x128xf32, #tpu.memory_space<vmem_shared>> -> memref<10240x128xf32, #tpu.memory_space<vmem_shared>>
          tpu.wait_indirect_dma semaphore(%arg23 : memref<!tpu.dma_semaphore, #tpu.memory_space<semaphore_mem>>) src(%dma_wait3A_351 : memref<40x128xf32, #tpu.memory_space<vmem>>) dst(%dma_wait3A_357 : memref<10240x128xf32, #tpu.memory_space<vmem_shared>>)
          %add3A_358 = arith.constant 1 : i32
          %add3A_359 = arith.addi %scan3A_186, %add3A_358 : i32
          %mul3A_360 = arith.constant 5 : i32
          %mul3A_361 = arith.muli %add3A_359, %mul3A_360 : i32
          %add3A_362 = arith.constant 0 : i32
          %add3A_363 = arith.addi %mul3A_361, %add3A_362 : i32
          %mul3A_364 = arith.constant 40 : i32
          %mul3A_365 = arith.muli %add3A_363, %mul3A_364 : i32
          %dma_start3A_366 = arith.constant 0 : i32
          %dma_start3A_367 = arith.constant 0 : i32
          %dma_start3A_368 = arith.constant 0 : i32
          %dma_start3A_369 = tpu.memref_slice %arg12[%dma_start3A_366, %dma_start3A_367, %dma_start3A_368] : memref<5x40x128xf32, #tpu.memory_space<vmem>> -> memref<1x40x128xf32, #tpu.memory_space<vmem>>
          %dma_start3A_370 = tpu.memref_squeeze %dma_start3A_369 : memref<1x40x128xf32, #tpu.memory_space<vmem>> -> memref<40x128xf32, #tpu.memory_space<vmem>>
          %dma_start3A_371 = tpu.memref_slice %arg10[%mul3A_365] : memref<10000xi32, #tpu.memory_space<vmem>> -> memref<40xi32, #tpu.memory_space<vmem>>
          %dma_start3A_372 = arith.constant 0 : i32
          %dma_start3A_373 = arith.constant 0 : i32
          %dma_start3A_374 = tpu.memref_slice %arg3[%dma_start3A_372, %dma_start3A_373] : memref<10240x128xf32, #tpu.memory_space<hbm>> -> memref<10240x128xf32, #tpu.memory_space<hbm>>
          tpu.enqueue_indirect_dma source(%dma_start3A_374 : memref<10240x128xf32, #tpu.memory_space<hbm>>) target(%dma_start3A_370 : memref<40x128xf32, #tpu.memory_space<vmem>>) offsets(%dma_start3A_371 : memref<40xi32, #tpu.memory_space<vmem>>) semaphore(%arg13 : memref<!tpu.dma_semaphore, #tpu.memory_space<semaphore_mem>>)
          %mul3A_375 = arith.constant 40 : i32
          %mul3A_376 = arith.muli %add3A_363, %mul3A_375 : i32
          %add3A_377 = arith.addi %mul3A_13, %mul3A_376 : i32
          %dma_start3A_378 = arith.constant 0 : i32
          %dma_start3A_379 = arith.constant 0 : i32
          %dma_start3A_380 = tpu.memref_slice %arg11[%dma_start3A_378, %dma_start3A_379] : memref<5x40xi32, #tpu.memory_space<vmem>> -> memref<1x40xi32, #tpu.memory_space<vmem>>
          %dma_start3A_381 = tpu.memref_squeeze %dma_start3A_380 : memref<1x40xi32, #tpu.memory_space<vmem>> -> memref<40xi32, #tpu.memory_space<vmem>>
          %dma_start3A_382 = tpu.memref_slice %arg5[%add3A_377] : memref<160000xi32, #tpu.memory_space<hbm>> -> memref<40xi32, #tpu.memory_space<hbm>>
          %dma_start3A_383 = arith.constant 0 : i32
          %dma_start3A_384 = tpu.memref_slice %arg11[%dma_start3A_378, %dma_start3A_383] : memref<5x40xi32, #tpu.memory_space<vmem>> -> memref<1x40xi32, #tpu.memory_space<vmem>>
          %dma_start3A_385 = tpu.memref_squeeze %dma_start3A_384 : memref<1x40xi32, #tpu.memory_space<vmem>> -> memref<40xi32, #tpu.memory_space<vmem>>
          %dma_start3A_386 = tpu.memref_slice %arg5[%add3A_377] : memref<160000xi32, #tpu.memory_space<hbm>> -> memref<40xi32, #tpu.memory_space<hbm>>
          tpu.enqueue_dma source(%dma_start3A_386 : memref<40xi32, #tpu.memory_space<hbm>>) target(%dma_start3A_385 : memref<40xi32, #tpu.memory_space<vmem>>) target_semaphore(%arg18 : memref<!tpu.dma_semaphore, #tpu.memory_space<semaphore_mem>>)
          %dma_wait3A_387 = arith.constant 1 : i32
          %dma_wait3A_388 = arith.constant 0 : i32
          %dma_wait3A_389 = arith.constant 0 : i32
          %dma_wait3A_390 = arith.constant 0 : i32
          %dma_wait3A_391 = tpu.memref_slice %arg12[%dma_wait3A_387, %dma_wait3A_389, %dma_wait3A_390] : memref<5x40x128xf32, #tpu.memory_space<vmem>> -> memref<1x40x128xf32, #tpu.memory_space<vmem>>
          %dma_wait3A_392 = tpu.memref_squeeze %dma_wait3A_391 : memref<1x40x128xf32, #tpu.memory_space<vmem>> -> memref<40x128xf32, #tpu.memory_space<vmem>>
          %dma_wait3A_393 = arith.constant 0 : i32
          %dma_wait3A_394 = tpu.memref_slice %arg11[%dma_wait3A_388, %dma_wait3A_393] : memref<5x40xi32, #tpu.memory_space<vmem>> -> memref<1x40xi32, #tpu.memory_space<vmem>>
          %dma_wait3A_395 = tpu.memref_squeeze %dma_wait3A_394 : memref<1x40xi32, #tpu.memory_space<vmem>> -> memref<40xi32, #tpu.memory_space<vmem>>
          %dma_wait3A_396 = arith.constant 0 : i32
          %dma_wait3A_397 = arith.constant 0 : i32
          %dma_wait3A_398 = tpu.memref_slice %arg9[%dma_wait3A_396, %dma_wait3A_397] : memref<10240x128xf32, #tpu.memory_space<vmem_shared>> -> memref<10240x128xf32, #tpu.memory_space<vmem_shared>>
          tpu.wait_indirect_dma semaphore(%arg24 : memref<!tpu.dma_semaphore, #tpu.memory_space<semaphore_mem>>) src(%dma_wait3A_392 : memref<40x128xf32, #tpu.memory_space<vmem>>) dst(%dma_wait3A_398 : memref<10240x128xf32, #tpu.memory_space<vmem_shared>>)
          %add3A_399 = arith.constant 1 : i32
          %add3A_400 = arith.addi %scan3A_186, %add3A_399 : i32
          %mul3A_401 = arith.constant 5 : i32
          %mul3A_402 = arith.muli %add3A_400, %mul3A_401 : i32
          %add3A_403 = arith.constant 1 : i32
          %add3A_404 = arith.addi %mul3A_402, %add3A_403 : i32
          %mul3A_405 = arith.constant 40 : i32
          %mul3A_406 = arith.muli %add3A_404, %mul3A_405 : i32
          %dma_start3A_407 = arith.constant 1 : i32
          %dma_start3A_408 = arith.constant 0 : i32
          %dma_start3A_409 = arith.constant 0 : i32
          %dma_start3A_410 = tpu.memref_slice %arg12[%dma_start3A_407, %dma_start3A_408, %dma_start3A_409] : memref<5x40x128xf32, #tpu.memory_space<vmem>> -> memref<1x40x128xf32, #tpu.memory_space<vmem>>
          %dma_start3A_411 = tpu.memref_squeeze %dma_start3A_410 : memref<1x40x128xf32, #tpu.memory_space<vmem>> -> memref<40x128xf32, #tpu.memory_space<vmem>>
          %dma_start3A_412 = tpu.memref_slice %arg10[%mul3A_406] : memref<10000xi32, #tpu.memory_space<vmem>> -> memref<40xi32, #tpu.memory_space<vmem>>
          %dma_start3A_413 = arith.constant 0 : i32
          %dma_start3A_414 = arith.constant 0 : i32
          %dma_start3A_415 = tpu.memref_slice %arg3[%dma_start3A_413, %dma_start3A_414] : memref<10240x128xf32, #tpu.memory_space<hbm>> -> memref<10240x128xf32, #tpu.memory_space<hbm>>
          tpu.enqueue_indirect_dma source(%dma_start3A_415 : memref<10240x128xf32, #tpu.memory_space<hbm>>) target(%dma_start3A_411 : memref<40x128xf32, #tpu.memory_space<vmem>>) offsets(%dma_start3A_412 : memref<40xi32, #tpu.memory_space<vmem>>) semaphore(%arg14 : memref<!tpu.dma_semaphore, #tpu.memory_space<semaphore_mem>>)
          %mul3A_416 = arith.constant 40 : i32
          %mul3A_417 = arith.muli %add3A_404, %mul3A_416 : i32
          %add3A_418 = arith.addi %mul3A_13, %mul3A_417 : i32
          %dma_start3A_419 = arith.constant 1 : i32
          %dma_start3A_420 = arith.constant 0 : i32
          %dma_start3A_421 = tpu.memref_slice %arg11[%dma_start3A_419, %dma_start3A_420] : memref<5x40xi32, #tpu.memory_space<vmem>> -> memref<1x40xi32, #tpu.memory_space<vmem>>
          %dma_start3A_422 = tpu.memref_squeeze %dma_start3A_421 : memref<1x40xi32, #tpu.memory_space<vmem>> -> memref<40xi32, #tpu.memory_space<vmem>>
          %dma_start3A_423 = tpu.memref_slice %arg5[%add3A_418] : memref<160000xi32, #tpu.memory_space<hbm>> -> memref<40xi32, #tpu.memory_space<hbm>>
          %dma_start3A_424 = arith.constant 0 : i32
          %dma_start3A_425 = tpu.memref_slice %arg11[%dma_start3A_419, %dma_start3A_424] : memref<5x40xi32, #tpu.memory_space<vmem>> -> memref<1x40xi32, #tpu.memory_space<vmem>>
          %dma_start3A_426 = tpu.memref_squeeze %dma_start3A_425 : memref<1x40xi32, #tpu.memory_space<vmem>> -> memref<40xi32, #tpu.memory_space<vmem>>
          %dma_start3A_427 = tpu.memref_slice %arg5[%add3A_418] : memref<160000xi32, #tpu.memory_space<hbm>> -> memref<40xi32, #tpu.memory_space<hbm>>
          tpu.enqueue_dma source(%dma_start3A_427 : memref<40xi32, #tpu.memory_space<hbm>>) target(%dma_start3A_426 : memref<40xi32, #tpu.memory_space<vmem>>) target_semaphore(%arg19 : memref<!tpu.dma_semaphore, #tpu.memory_space<semaphore_mem>>)
          %dma_wait3A_428 = arith.constant 2 : i32
          %dma_wait3A_429 = arith.constant 0 : i32
          %dma_wait3A_430 = arith.constant 0 : i32
          %dma_wait3A_431 = arith.constant 0 : i32
          %dma_wait3A_432 = tpu.memref_slice %arg12[%dma_wait3A_428, %dma_wait3A_430, %dma_wait3A_431] : memref<5x40x128xf32, #tpu.memory_space<vmem>> -> memref<1x40x128xf32, #tpu.memory_space<vmem>>
          %dma_wait3A_433 = tpu.memref_squeeze %dma_wait3A_432 : memref<1x40x128xf32, #tpu.memory_space<vmem>> -> memref<40x128xf32, #tpu.memory_space<vmem>>
          %dma_wait3A_434 = arith.constant 0 : i32
          %dma_wait3A_435 = tpu.memref_slice %arg11[%dma_wait3A_429, %dma_wait3A_434] : memref<5x40xi32, #tpu.memory_space<vmem>> -> memref<1x40xi32, #tpu.memory_space<vmem>>
          %dma_wait3A_436 = tpu.memref_squeeze %dma_wait3A_435 : memref<1x40xi32, #tpu.memory_space<vmem>> -> memref<40xi32, #tpu.memory_space<vmem>>
          %dma_wait3A_437 = arith.constant 0 : i32
          %dma_wait3A_438 = arith.constant 0 : i32
          %dma_wait3A_439 = tpu.memref_slice %arg9[%dma_wait3A_437, %dma_wait3A_438] : memref<10240x128xf32, #tpu.memory_space<vmem_shared>> -> memref<10240x128xf32, #tpu.memory_space<vmem_shared>>
          tpu.wait_indirect_dma semaphore(%arg25 : memref<!tpu.dma_semaphore, #tpu.memory_space<semaphore_mem>>) src(%dma_wait3A_433 : memref<40x128xf32, #tpu.memory_space<vmem>>) dst(%dma_wait3A_439 : memref<10240x128xf32, #tpu.memory_space<vmem_shared>>)
          %add3A_440 = arith.constant 1 : i32
          %add3A_441 = arith.addi %scan3A_186, %add3A_440 : i32
          %mul3A_442 = arith.constant 5 : i32
          %mul3A_443 = arith.muli %add3A_441, %mul3A_442 : i32
          %add3A_444 = arith.constant 2 : i32
          %add3A_445 = arith.addi %mul3A_443, %add3A_444 : i32
          %mul3A_446 = arith.constant 40 : i32
          %mul3A_447 = arith.muli %add3A_445, %mul3A_446 : i32
          %dma_start3A_448 = arith.constant 2 : i32
          %dma_start3A_449 = arith.constant 0 : i32
          %dma_start3A_450 = arith.constant 0 : i32
          %dma_start3A_451 = tpu.memref_slice %arg12[%dma_start3A_448, %dma_start3A_449, %dma_start3A_450] : memref<5x40x128xf32, #tpu.memory_space<vmem>> -> memref<1x40x128xf32, #tpu.memory_space<vmem>>
          %dma_start3A_452 = tpu.memref_squeeze %dma_start3A_451 : memref<1x40x128xf32, #tpu.memory_space<vmem>> -> memref<40x128xf32, #tpu.memory_space<vmem>>
          %dma_start3A_453 = tpu.memref_slice %arg10[%mul3A_447] : memref<10000xi32, #tpu.memory_space<vmem>> -> memref<40xi32, #tpu.memory_space<vmem>>
          %dma_start3A_454 = arith.constant 0 : i32
          %dma_start3A_455 = arith.constant 0 : i32
          %dma_start3A_456 = tpu.memref_slice %arg3[%dma_start3A_454, %dma_start3A_455] : memref<10240x128xf32, #tpu.memory_space<hbm>> -> memref<10240x128xf32, #tpu.memory_space<hbm>>
          tpu.enqueue_indirect_dma source(%dma_start3A_456 : memref<10240x128xf32, #tpu.memory_space<hbm>>) target(%dma_start3A_452 : memref<40x128xf32, #tpu.memory_space<vmem>>) offsets(%dma_start3A_453 : memref<40xi32, #tpu.memory_space<vmem>>) semaphore(%arg15 : memref<!tpu.dma_semaphore, #tpu.memory_space<semaphore_mem>>)
          %mul3A_457 = arith.constant 40 : i32
          %mul3A_458 = arith.muli %add3A_445, %mul3A_457 : i32
          %add3A_459 = arith.addi %mul3A_13, %mul3A_458 : i32
          %dma_start3A_460 = arith.constant 2 : i32
          %dma_start3A_461 = arith.constant 0 : i32
          %dma_start3A_462 = tpu.memref_slice %arg11[%dma_start3A_460, %dma_start3A_461] : memref<5x40xi32, #tpu.memory_space<vmem>> -> memref<1x40xi32, #tpu.memory_space<vmem>>
          %dma_start3A_463 = tpu.memref_squeeze %dma_start3A_462 : memref<1x40xi32, #tpu.memory_space<vmem>> -> memref<40xi32, #tpu.memory_space<vmem>>
          %dma_start3A_464 = tpu.memref_slice %arg5[%add3A_459] : memref<160000xi32, #tpu.memory_space<hbm>> -> memref<40xi32, #tpu.memory_space<hbm>>
          %dma_start3A_465 = arith.constant 0 : i32
          %dma_start3A_466 = tpu.memref_slice %arg11[%dma_start3A_460, %dma_start3A_465] : memref<5x40xi32, #tpu.memory_space<vmem>> -> memref<1x40xi32, #tpu.memory_space<vmem>>
          %dma_start3A_467 = tpu.memref_squeeze %dma_start3A_466 : memref<1x40xi32, #tpu.memory_space<vmem>> -> memref<40xi32, #tpu.memory_space<vmem>>
          %dma_start3A_468 = tpu.memref_slice %arg5[%add3A_459] : memref<160000xi32, #tpu.memory_space<hbm>> -> memref<40xi32, #tpu.memory_space<hbm>>
          tpu.enqueue_dma source(%dma_start3A_468 : memref<40xi32, #tpu.memory_space<hbm>>) target(%dma_start3A_467 : memref<40xi32, #tpu.memory_space<vmem>>) target_semaphore(%arg20 : memref<!tpu.dma_semaphore, #tpu.memory_space<semaphore_mem>>)
          %dma_wait3A_469 = arith.constant 3 : i32
          %dma_wait3A_470 = arith.constant 0 : i32
          %dma_wait3A_471 = arith.constant 0 : i32
          %dma_wait3A_472 = arith.constant 0 : i32
          %dma_wait3A_473 = tpu.memref_slice %arg12[%dma_wait3A_469, %dma_wait3A_471, %dma_wait3A_472] : memref<5x40x128xf32, #tpu.memory_space<vmem>> -> memref<1x40x128xf32, #tpu.memory_space<vmem>>
          %dma_wait3A_474 = tpu.memref_squeeze %dma_wait3A_473 : memref<1x40x128xf32, #tpu.memory_space<vmem>> -> memref<40x128xf32, #tpu.memory_space<vmem>>
          %dma_wait3A_475 = arith.constant 0 : i32
          %dma_wait3A_476 = tpu.memref_slice %arg11[%dma_wait3A_470, %dma_wait3A_475] : memref<5x40xi32, #tpu.memory_space<vmem>> -> memref<1x40xi32, #tpu.memory_space<vmem>>
          %dma_wait3A_477 = tpu.memref_squeeze %dma_wait3A_476 : memref<1x40xi32, #tpu.memory_space<vmem>> -> memref<40xi32, #tpu.memory_space<vmem>>
          %dma_wait3A_478 = arith.constant 0 : i32
          %dma_wait3A_479 = arith.constant 0 : i32
          %dma_wait3A_480 = tpu.memref_slice %arg9[%dma_wait3A_478, %dma_wait3A_479] : memref<10240x128xf32, #tpu.memory_space<vmem_shared>> -> memref<10240x128xf32, #tpu.memory_space<vmem_shared>>
          tpu.wait_indirect_dma semaphore(%arg26 : memref<!tpu.dma_semaphore, #tpu.memory_space<semaphore_mem>>) src(%dma_wait3A_474 : memref<40x128xf32, #tpu.memory_space<vmem>>) dst(%dma_wait3A_480 : memref<10240x128xf32, #tpu.memory_space<vmem_shared>>)
          %add3A_481 = arith.constant 1 : i32
          %add3A_482 = arith.addi %scan3A_186, %add3A_481 : i32
          %mul3A_483 = arith.constant 5 : i32
          %mul3A_484 = arith.muli %add3A_482, %mul3A_483 : i32
          %add3A_485 = arith.constant 3 : i32
          %add3A_486 = arith.addi %mul3A_484, %add3A_485 : i32
          %mul3A_487 = arith.constant 40 : i32
          %mul3A_488 = arith.muli %add3A_486, %mul3A_487 : i32
          %dma_start3A_489 = arith.constant 3 : i32
          %dma_start3A_490 = arith.constant 0 : i32
          %dma_start3A_491 = arith.constant 0 : i32
          %dma_start3A_492 = tpu.memref_slice %arg12[%dma_start3A_489, %dma_start3A_490, %dma_start3A_491] : memref<5x40x128xf32, #tpu.memory_space<vmem>> -> memref<1x40x128xf32, #tpu.memory_space<vmem>>
          %dma_start3A_493 = tpu.memref_squeeze %dma_start3A_492 : memref<1x40x128xf32, #tpu.memory_space<vmem>> -> memref<40x128xf32, #tpu.memory_space<vmem>>
          %dma_start3A_494 = tpu.memref_slice %arg10[%mul3A_488] : memref<10000xi32, #tpu.memory_space<vmem>> -> memref<40xi32, #tpu.memory_space<vmem>>
          %dma_start3A_495 = arith.constant 0 : i32
          %dma_start3A_496 = arith.constant 0 : i32
          %dma_start3A_497 = tpu.memref_slice %arg3[%dma_start3A_495, %dma_start3A_496] : memref<10240x128xf32, #tpu.memory_space<hbm>> -> memref<10240x128xf32, #tpu.memory_space<hbm>>
          tpu.enqueue_indirect_dma source(%dma_start3A_497 : memref<10240x128xf32, #tpu.memory_space<hbm>>) target(%dma_start3A_493 : memref<40x128xf32, #tpu.memory_space<vmem>>) offsets(%dma_start3A_494 : memref<40xi32, #tpu.memory_space<vmem>>) semaphore(%arg16 : memref<!tpu.dma_semaphore, #tpu.memory_space<semaphore_mem>>)
          %mul3A_498 = arith.constant 40 : i32
          %mul3A_499 = arith.muli %add3A_486, %mul3A_498 : i32
          %add3A_500 = arith.addi %mul3A_13, %mul3A_499 : i32
          %dma_start3A_501 = arith.constant 3 : i32
          %dma_start3A_502 = arith.constant 0 : i32
          %dma_start3A_503 = tpu.memref_slice %arg11[%dma_start3A_501, %dma_start3A_502] : memref<5x40xi32, #tpu.memory_space<vmem>> -> memref<1x40xi32, #tpu.memory_space<vmem>>
          %dma_start3A_504 = tpu.memref_squeeze %dma_start3A_503 : memref<1x40xi32, #tpu.memory_space<vmem>> -> memref<40xi32, #tpu.memory_space<vmem>>
          %dma_start3A_505 = tpu.memref_slice %arg5[%add3A_500] : memref<160000xi32, #tpu.memory_space<hbm>> -> memref<40xi32, #tpu.memory_space<hbm>>
          %dma_start3A_506 = arith.constant 0 : i32
          %dma_start3A_507 = tpu.memref_slice %arg11[%dma_start3A_501, %dma_start3A_506] : memref<5x40xi32, #tpu.memory_space<vmem>> -> memref<1x40xi32, #tpu.memory_space<vmem>>
          %dma_start3A_508 = tpu.memref_squeeze %dma_start3A_507 : memref<1x40xi32, #tpu.memory_space<vmem>> -> memref<40xi32, #tpu.memory_space<vmem>>
          %dma_start3A_509 = tpu.memref_slice %arg5[%add3A_500] : memref<160000xi32, #tpu.memory_space<hbm>> -> memref<40xi32, #tpu.memory_space<hbm>>
          tpu.enqueue_dma source(%dma_start3A_509 : memref<40xi32, #tpu.memory_space<hbm>>) target(%dma_start3A_508 : memref<40xi32, #tpu.memory_space<vmem>>) target_semaphore(%arg21 : memref<!tpu.dma_semaphore, #tpu.memory_space<semaphore_mem>>)
          %dma_wait3A_510 = arith.constant 4 : i32
          %dma_wait3A_511 = arith.constant 0 : i32
          %dma_wait3A_512 = arith.constant 0 : i32
          %dma_wait3A_513 = arith.constant 0 : i32
          %dma_wait3A_514 = tpu.memref_slice %arg12[%dma_wait3A_510, %dma_wait3A_512, %dma_wait3A_513] : memref<5x40x128xf32, #tpu.memory_space<vmem>> -> memref<1x40x128xf32, #tpu.memory_space<vmem>>
          %dma_wait3A_515 = tpu.memref_squeeze %dma_wait3A_514 : memref<1x40x128xf32, #tpu.memory_space<vmem>> -> memref<40x128xf32, #tpu.memory_space<vmem>>
          %dma_wait3A_516 = arith.constant 0 : i32
          %dma_wait3A_517 = tpu.memref_slice %arg11[%dma_wait3A_511, %dma_wait3A_516] : memref<5x40xi32, #tpu.memory_space<vmem>> -> memref<1x40xi32, #tpu.memory_space<vmem>>
          %dma_wait3A_518 = tpu.memref_squeeze %dma_wait3A_517 : memref<1x40xi32, #tpu.memory_space<vmem>> -> memref<40xi32, #tpu.memory_space<vmem>>
          %dma_wait3A_519 = arith.constant 0 : i32
          %dma_wait3A_520 = arith.constant 0 : i32
          %dma_wait3A_521 = tpu.memref_slice %arg9[%dma_wait3A_519, %dma_wait3A_520] : memref<10240x128xf32, #tpu.memory_space<vmem_shared>> -> memref<10240x128xf32, #tpu.memory_space<vmem_shared>>
          tpu.wait_indirect_dma semaphore(%arg27 : memref<!tpu.dma_semaphore, #tpu.memory_space<semaphore_mem>>) src(%dma_wait3A_515 : memref<40x128xf32, #tpu.memory_space<vmem>>) dst(%dma_wait3A_521 : memref<10240x128xf32, #tpu.memory_space<vmem_shared>>)
          %add3A_522 = arith.constant 1 : i32
          %add3A_523 = arith.addi %scan3A_186, %add3A_522 : i32
          %mul3A_524 = arith.constant 5 : i32
          %mul3A_525 = arith.muli %add3A_523, %mul3A_524 : i32
          %add3A_526 = arith.constant 4 : i32
          %add3A_527 = arith.addi %mul3A_525, %add3A_526 : i32
          %mul3A_528 = arith.constant 40 : i32
          %mul3A_529 = arith.muli %add3A_527, %mul3A_528 : i32
          %dma_start3A_530 = arith.constant 4 : i32
          %dma_start3A_531 = arith.constant 0 : i32
          %dma_start3A_532 = arith.constant 0 : i32
          %dma_start3A_533 = tpu.memref_slice %arg12[%dma_start3A_530, %dma_start3A_531, %dma_start3A_532] : memref<5x40x128xf32, #tpu.memory_space<vmem>> -> memref<1x40x128xf32, #tpu.memory_space<vmem>>
          %dma_start3A_534 = tpu.memref_squeeze %dma_start3A_533 : memref<1x40x128xf32, #tpu.memory_space<vmem>> -> memref<40x128xf32, #tpu.memory_space<vmem>>
          %dma_start3A_535 = tpu.memref_slice %arg10[%mul3A_529] : memref<10000xi32, #tpu.memory_space<vmem>> -> memref<40xi32, #tpu.memory_space<vmem>>
          %dma_start3A_536 = arith.constant 0 : i32
          %dma_start3A_537 = arith.constant 0 : i32
          %dma_start3A_538 = tpu.memref_slice %arg3[%dma_start3A_536, %dma_start3A_537] : memref<10240x128xf32, #tpu.memory_space<hbm>> -> memref<10240x128xf32, #tpu.memory_space<hbm>>
          tpu.enqueue_indirect_dma source(%dma_start3A_538 : memref<10240x128xf32, #tpu.memory_space<hbm>>) target(%dma_start3A_534 : memref<40x128xf32, #tpu.memory_space<vmem>>) offsets(%dma_start3A_535 : memref<40xi32, #tpu.memory_space<vmem>>) semaphore(%arg17 : memref<!tpu.dma_semaphore, #tpu.memory_space<semaphore_mem>>)
          %mul3A_539 = arith.constant 40 : i32
          %mul3A_540 = arith.muli %add3A_527, %mul3A_539 : i32
          %add3A_541 = arith.addi %mul3A_13, %mul3A_540 : i32
          %dma_start3A_542 = arith.constant 4 : i32
          %dma_start3A_543 = arith.constant 0 : i32
          %dma_start3A_544 = tpu.memref_slice %arg11[%dma_start3A_542, %dma_start3A_543] : memref<5x40xi32, #tpu.memory_space<vmem>> -> memref<1x40xi32, #tpu.memory_space<vmem>>
          %dma_start3A_545 = tpu.memref_squeeze %dma_start3A_544 : memref<1x40xi32, #tpu.memory_space<vmem>> -> memref<40xi32, #tpu.memory_space<vmem>>
          %dma_start3A_546 = tpu.memref_slice %arg5[%add3A_541] : memref<160000xi32, #tpu.memory_space<hbm>> -> memref<40xi32, #tpu.memory_space<hbm>>
          %dma_start3A_547 = arith.constant 0 : i32
          %dma_start3A_548 = tpu.memref_slice %arg11[%dma_start3A_542, %dma_start3A_547] : memref<5x40xi32, #tpu.memory_space<vmem>> -> memref<1x40xi32, #tpu.memory_space<vmem>>
          %dma_start3A_549 = tpu.memref_squeeze %dma_start3A_548 : memref<1x40xi32, #tpu.memory_space<vmem>> -> memref<40xi32, #tpu.memory_space<vmem>>
          %dma_start3A_550 = tpu.memref_slice %arg5[%add3A_541] : memref<160000xi32, #tpu.memory_space<hbm>> -> memref<40xi32, #tpu.memory_space<hbm>>
          tpu.enqueue_dma source(%dma_start3A_550 : memref<40xi32, #tpu.memory_space<hbm>>) target(%dma_start3A_549 : memref<40xi32, #tpu.memory_space<vmem>>) target_semaphore(%arg22 : memref<!tpu.dma_semaphore, #tpu.memory_space<semaphore_mem>>)
        } else {
        }
      }
      %scan3A_121 = arith.constant 50 : i32
      %dma_wait3A = arith.constant 0 : i32
      %dma_wait3A_122 = arith.constant 0 : i32
      %dma_wait3A_123 = arith.constant 0 : i32
      %dma_wait3A_124 = arith.constant 0 : i32
      %dma_wait3A_125 = tpu.memref_slice %arg12[%dma_wait3A, %dma_wait3A_123, %dma_wait3A_124] : memref<5x40x128xf32, #tpu.memory_space<vmem>> -> memref<1x40x128xf32, #tpu.memory_space<vmem>>
      %dma_wait3A_126 = tpu.memref_squeeze %dma_wait3A_125 : memref<1x40x128xf32, #tpu.memory_space<vmem>> -> memref<40x128xf32, #tpu.memory_space<vmem>>
      %dma_wait3A_127 = arith.constant 0 : i32
      %dma_wait3A_128 = tpu.memref_slice %arg11[%dma_wait3A_122, %dma_wait3A_127] : memref<5x40xi32, #tpu.memory_space<vmem>> -> memref<1x40xi32, #tpu.memory_space<vmem>>
      %dma_wait3A_129 = tpu.memref_squeeze %dma_wait3A_128 : memref<1x40xi32, #tpu.memory_space<vmem>> -> memref<40xi32, #tpu.memory_space<vmem>>
      %dma_wait3A_130 = arith.constant 0 : i32
      %dma_wait3A_131 = arith.constant 0 : i32
      %dma_wait3A_132 = tpu.memref_slice %arg9[%dma_wait3A_130, %dma_wait3A_131] : memref<10240x128xf32, #tpu.memory_space<vmem_shared>> -> memref<10240x128xf32, #tpu.memory_space<vmem_shared>>
      tpu.wait_indirect_dma semaphore(%arg23 : memref<!tpu.dma_semaphore, #tpu.memory_space<semaphore_mem>>) src(%dma_wait3A_126 : memref<40x128xf32, #tpu.memory_space<vmem>>) dst(%dma_wait3A_132 : memref<10240x128xf32, #tpu.memory_space<vmem_shared>>)
      %dma_wait3A_133 = arith.constant 1 : i32
      %dma_wait3A_134 = arith.constant 0 : i32
      %dma_wait3A_135 = arith.constant 0 : i32
      %dma_wait3A_136 = arith.constant 0 : i32
      %dma_wait3A_137 = tpu.memref_slice %arg12[%dma_wait3A_133, %dma_wait3A_135, %dma_wait3A_136] : memref<5x40x128xf32, #tpu.memory_space<vmem>> -> memref<1x40x128xf32, #tpu.memory_space<vmem>>
      %dma_wait3A_138 = tpu.memref_squeeze %dma_wait3A_137 : memref<1x40x128xf32, #tpu.memory_space<vmem>> -> memref<40x128xf32, #tpu.memory_space<vmem>>
      %dma_wait3A_139 = arith.constant 0 : i32
      %dma_wait3A_140 = tpu.memref_slice %arg11[%dma_wait3A_134, %dma_wait3A_139] : memref<5x40xi32, #tpu.memory_space<vmem>> -> memref<1x40xi32, #tpu.memory_space<vmem>>
      %dma_wait3A_141 = tpu.memref_squeeze %dma_wait3A_140 : memref<1x40xi32, #tpu.memory_space<vmem>> -> memref<40xi32, #tpu.memory_space<vmem>>
      %dma_wait3A_142 = arith.constant 0 : i32
      %dma_wait3A_143 = arith.constant 0 : i32
      %dma_wait3A_144 = tpu.memref_slice %arg9[%dma_wait3A_142, %dma_wait3A_143] : memref<10240x128xf32, #tpu.memory_space<vmem_shared>> -> memref<10240x128xf32, #tpu.memory_space<vmem_shared>>
      tpu.wait_indirect_dma semaphore(%arg24 : memref<!tpu.dma_semaphore, #tpu.memory_space<semaphore_mem>>) src(%dma_wait3A_138 : memref<40x128xf32, #tpu.memory_space<vmem>>) dst(%dma_wait3A_144 : memref<10240x128xf32, #tpu.memory_space<vmem_shared>>)
      %dma_wait3A_145 = arith.constant 2 : i32
      %dma_wait3A_146 = arith.constant 0 : i32
      %dma_wait3A_147 = arith.constant 0 : i32
      %dma_wait3A_148 = arith.constant 0 : i32
      %dma_wait3A_149 = tpu.memref_slice %arg12[%dma_wait3A_145, %dma_wait3A_147, %dma_wait3A_148] : memref<5x40x128xf32, #tpu.memory_space<vmem>> -> memref<1x40x128xf32, #tpu.memory_space<vmem>>
      %dma_wait3A_150 = tpu.memref_squeeze %dma_wait3A_149 : memref<1x40x128xf32, #tpu.memory_space<vmem>> -> memref<40x128xf32, #tpu.memory_space<vmem>>
      %dma_wait3A_151 = arith.constant 0 : i32
      %dma_wait3A_152 = tpu.memref_slice %arg11[%dma_wait3A_146, %dma_wait3A_151] : memref<5x40xi32, #tpu.memory_space<vmem>> -> memref<1x40xi32, #tpu.memory_space<vmem>>
      %dma_wait3A_153 = tpu.memref_squeeze %dma_wait3A_152 : memref<1x40xi32, #tpu.memory_space<vmem>> -> memref<40xi32, #tpu.memory_space<vmem>>
      %dma_wait3A_154 = arith.constant 0 : i32
      %dma_wait3A_155 = arith.constant 0 : i32
      %dma_wait3A_156 = tpu.memref_slice %arg9[%dma_wait3A_154, %dma_wait3A_155] : memref<10240x128xf32, #tpu.memory_space<vmem_shared>> -> memref<10240x128xf32, #tpu.memory_space<vmem_shared>>
      tpu.wait_indirect_dma semaphore(%arg25 : memref<!tpu.dma_semaphore, #tpu.memory_space<semaphore_mem>>) src(%dma_wait3A_150 : memref<40x128xf32, #tpu.memory_space<vmem>>) dst(%dma_wait3A_156 : memref<10240x128xf32, #tpu.memory_space<vmem_shared>>)
      %dma_wait3A_157 = arith.constant 3 : i32
      %dma_wait3A_158 = arith.constant 0 : i32
      %dma_wait3A_159 = arith.constant 0 : i32
      %dma_wait3A_160 = arith.constant 0 : i32
      %dma_wait3A_161 = tpu.memref_slice %arg12[%dma_wait3A_157, %dma_wait3A_159, %dma_wait3A_160] : memref<5x40x128xf32, #tpu.memory_space<vmem>> -> memref<1x40x128xf32, #tpu.memory_space<vmem>>
      %dma_wait3A_162 = tpu.memref_squeeze %dma_wait3A_161 : memref<1x40x128xf32, #tpu.memory_space<vmem>> -> memref<40x128xf32, #tpu.memory_space<vmem>>
      %dma_wait3A_163 = arith.constant 0 : i32
      %dma_wait3A_164 = tpu.memref_slice %arg11[%dma_wait3A_158, %dma_wait3A_163] : memref<5x40xi32, #tpu.memory_space<vmem>> -> memref<1x40xi32, #tpu.memory_space<vmem>>
      %dma_wait3A_165 = tpu.memref_squeeze %dma_wait3A_164 : memref<1x40xi32, #tpu.memory_space<vmem>> -> memref<40xi32, #tpu.memory_space<vmem>>
      %dma_wait3A_166 = arith.constant 0 : i32
      %dma_wait3A_167 = arith.constant 0 : i32
      %dma_wait3A_168 = tpu.memref_slice %arg9[%dma_wait3A_166, %dma_wait3A_167] : memref<10240x128xf32, #tpu.memory_space<vmem_shared>> -> memref<10240x128xf32, #tpu.memory_space<vmem_shared>>
      tpu.wait_indirect_dma semaphore(%arg26 : memref<!tpu.dma_semaphore, #tpu.memory_space<semaphore_mem>>) src(%dma_wait3A_162 : memref<40x128xf32, #tpu.memory_space<vmem>>) dst(%dma_wait3A_168 : memref<10240x128xf32, #tpu.memory_space<vmem_shared>>)
      %dma_wait3A_169 = arith.constant 4 : i32
      %dma_wait3A_170 = arith.constant 0 : i32
      %dma_wait3A_171 = arith.constant 0 : i32
      %dma_wait3A_172 = arith.constant 0 : i32
      %dma_wait3A_173 = tpu.memref_slice %arg12[%dma_wait3A_169, %dma_wait3A_171, %dma_wait3A_172] : memref<5x40x128xf32, #tpu.memory_space<vmem>> -> memref<1x40x128xf32, #tpu.memory_space<vmem>>
      %dma_wait3A_174 = tpu.memref_squeeze %dma_wait3A_173 : memref<1x40x128xf32, #tpu.memory_space<vmem>> -> memref<40x128xf32, #tpu.memory_space<vmem>>
      %dma_wait3A_175 = arith.constant 0 : i32
      %dma_wait3A_176 = tpu.memref_slice %arg11[%dma_wait3A_170, %dma_wait3A_175] : memref<5x40xi32, #tpu.memory_space<vmem>> -> memref<1x40xi32, #tpu.memory_space<vmem>>
      %dma_wait3A_177 = tpu.memref_squeeze %dma_wait3A_176 : memref<1x40xi32, #tpu.memory_space<vmem>> -> memref<40xi32, #tpu.memory_space<vmem>>
      %dma_wait3A_178 = arith.constant 0 : i32
      %dma_wait3A_179 = arith.constant 0 : i32
      %dma_wait3A_180 = tpu.memref_slice %arg9[%dma_wait3A_178, %dma_wait3A_179] : memref<10240x128xf32, #tpu.memory_space<vmem_shared>> -> memref<10240x128xf32, #tpu.memory_space<vmem_shared>>
      tpu.wait_indirect_dma semaphore(%arg27 : memref<!tpu.dma_semaphore, #tpu.memory_space<semaphore_mem>>) src(%dma_wait3A_174 : memref<40x128xf32, #tpu.memory_space<vmem>>) dst(%dma_wait3A_180 : memref<10240x128xf32, #tpu.memory_space<vmem_shared>>)
      %barrier3A_181 = arith.constant 0 : index
      tpu.barrier barrier_id(%barrier3A_181)
      %mul3A_182 = arith.constant 640 : i32
      %mul3A_183 = arith.muli %arg1, %mul3A_182 : i32
      %mul3A_184 = arith.constant 640 : i32
      %mul3A_185 = arith.muli %arg1, %mul3A_184 : i32
      "tpu.region"() ({
        %run_scoped3A = tpu.sem_alloc : memref<!tpu.dma_semaphore, #tpu.memory_space<semaphore_mem>>
        %dma_start3A_186 = arith.constant 0 : i32
        %dma_start3A_187 = tpu.memref_slice %arg8[%mul3A_185, %dma_start3A_186] : memref<10240x128xf32, #tpu.memory_space<hbm>> -> memref<640x128xf32, #tpu.memory_space<hbm>>
        %dma_start3A_188 = arith.constant 0 : i32
        %dma_start3A_189 = tpu.memref_slice %arg9[%mul3A_183, %dma_start3A_188] : memref<10240x128xf32, #tpu.memory_space<vmem_shared>> -> memref<640x128xf32, #tpu.memory_space<vmem_shared>>
        tpu.enqueue_dma source(%dma_start3A_189 : memref<640x128xf32, #tpu.memory_space<vmem_shared>>) target(%dma_start3A_187 : memref<640x128xf32, #tpu.memory_space<hbm>>) target_semaphore(%run_scoped3A : memref<!tpu.dma_semaphore, #tpu.memory_space<semaphore_mem>>)
        %dma_wait3A_190 = arith.constant 0 : i32
        %dma_wait3A_191 = tpu.memref_slice %arg8[%mul3A_185, %dma_wait3A_190] : memref<10240x128xf32, #tpu.memory_space<hbm>> -> memref<640x128xf32, #tpu.memory_space<hbm>>
        %dma_wait3A_192 = arith.constant 0 : i32
        %dma_wait3A_193 = tpu.memref_slice %arg9[%mul3A_183, %dma_wait3A_192] : memref<10240x128xf32, #tpu.memory_space<vmem_shared>> -> memref<640x128xf32, #tpu.memory_space<vmem_shared>>
        tpu.wait_dma2 semaphore(%run_scoped3A : memref<!tpu.dma_semaphore, #tpu.memory_space<semaphore_mem>>) src(%dma_wait3A_193 : memref<640x128xf32, #tpu.memory_space<vmem_shared>>) dst(%dma_wait3A_191 : memref<640x128xf32, #tpu.memory_space<hbm>>)
        tpu.yield
      }) : () -> ()
    } else {
    }
    return
  }
}

#map = affine_map<(d0, d1) -> (0, 0)>
#map1 = affine_map<(d0, d1) -> (0)>
module attributes {stable_mosaic.version = 14 : i64} {
  func.func @agg_kernel(%arg0: i32, %arg1: i32, %arg2: memref<10240x128xf32, #tpu.memory_space<hbm>>, %arg3: memref<10240x128xf32, #tpu.memory_space<hbm>>, %arg4: memref<160000xi32, #tpu.memory_space<hbm>>, %arg5: memref<160000xi32, #tpu.memory_space<hbm>>, %arg6: memref<10240x128xf32, #tpu.memory_space<hbm>>, %arg7: memref<10240x128xf32, #tpu.memory_space<hbm>>, %arg8: memref<10240x128xf32, #tpu.memory_space<hbm>>, %arg9: memref<10240x128xf32, #tpu.memory_space<vmem_shared>>, %arg10: memref<10000xi32, #tpu.memory_space<vmem>>, %arg11: memref<5x40xi32, #tpu.memory_space<vmem>>, %arg12: memref<5x40x128xf32, #tpu.memory_space<vmem>>, %arg13: memref<!tpu.dma_semaphore, #tpu.memory_space<semaphore_mem>>, %arg14: memref<!tpu.dma_semaphore, #tpu.memory_space<semaphore_mem>>, %arg15: memref<!tpu.dma_semaphore, #tpu.memory_space<semaphore_mem>>, %arg16: memref<!tpu.dma_semaphore, #tpu.memory_space<semaphore_mem>>, %arg17: memref<!tpu.dma_semaphore, #tpu.memory_space<semaphore_mem>>, %arg18: memref<!tpu.dma_semaphore, #tpu.memory_space<semaphore_mem>>, %arg19: memref<!tpu.dma_semaphore, #tpu.memory_space<semaphore_mem>>, %arg20: memref<!tpu.dma_semaphore, #tpu.memory_space<semaphore_mem>>, %arg21: memref<!tpu.dma_semaphore, #tpu.memory_space<semaphore_mem>>, %arg22: memref<!tpu.dma_semaphore, #tpu.memory_space<semaphore_mem>>, %arg23: memref<!tpu.dma_semaphore, #tpu.memory_space<semaphore_mem>>, %arg24: memref<!tpu.dma_semaphore, #tpu.memory_space<semaphore_mem>>, %arg25: memref<!tpu.dma_semaphore, #tpu.memory_space<semaphore_mem>>, %arg26: memref<!tpu.dma_semaphore, #tpu.memory_space<semaphore_mem>>, %arg27: memref<!tpu.dma_semaphore, #tpu.memory_space<semaphore_mem>>) attributes {dimension_semantics = [#tpu.dimension_semantics<core_parallel>, #tpu.dimension_semantics<subcore_parallel>], iteration_bounds = array<i64: 2, 16>, scalar_prefetch = 0 : i64, scratch_operands = 19 : i64, tpu.core_type = #tpu.core_type<sc_vector_subcore>, window_params = [{transform_indices = #map}, {transform_indices = #map}, {transform_indices = #map1}, {transform_indices = #map1}, {transform_indices = #map}, {transform_indices = #map}, {transform_indices = #map}]} {
    %mul3A = arith.constant 10000 : i32
    %mul3A_0 = arith.muli %arg1, %mul3A : i32
    "tpu.region"() ({
      %run_scoped3A = tpu.sem_alloc : memref<!tpu.dma_semaphore, #tpu.memory_space<semaphore_mem>>
      %dma_start3A = tpu.memref_slice %arg4[%mul3A_0] : memref<160000xi32, #tpu.memory_space<hbm>> -> memref<10000xi32, #tpu.memory_space<hbm>>
      %dma_start3A_12 = tpu.memref_slice %arg4[%mul3A_0] : memref<160000xi32, #tpu.memory_space<hbm>> -> memref<10000xi32, #tpu.memory_space<hbm>>
      tpu.enqueue_dma source(%dma_start3A_12 : memref<10000xi32, #tpu.memory_space<hbm>>) target(%arg10 : memref<10000xi32, #tpu.memory_space<vmem>>) target_semaphore(%run_scoped3A : memref<!tpu.dma_semaphore, #tpu.memory_space<semaphore_mem>>)
      %dma_wait3A = tpu.memref_slice %arg4[%mul3A_0] : memref<160000xi32, #tpu.memory_space<hbm>> -> memref<10000xi32, #tpu.memory_space<hbm>>
      %dma_wait3A_13 = tpu.memref_slice %arg4[%mul3A_0] : memref<160000xi32, #tpu.memory_space<hbm>> -> memref<10000xi32, #tpu.memory_space<hbm>>
      tpu.wait_dma2 semaphore(%run_scoped3A : memref<!tpu.dma_semaphore, #tpu.memory_space<semaphore_mem>>) src(%dma_wait3A_13 : memref<10000xi32, #tpu.memory_space<hbm>>) dst(%arg10 : memref<10000xi32, #tpu.memory_space<vmem>>)
      tpu.yield
    }) : () -> ()
    %mul3A_1 = arith.constant 640 : i32
    %mul3A_2 = arith.muli %arg1, %mul3A_1 : i32
    %mul3A_3 = arith.constant 640 : i32
    %mul3A_4 = arith.muli %arg1, %mul3A_3 : i32
    "tpu.region"() ({
      %run_scoped3A = tpu.sem_alloc : memref<!tpu.dma_semaphore, #tpu.memory_space<semaphore_mem>>
      %dma_start3A = arith.constant 0 : i32
      %dma_start3A_12 = tpu.memref_slice %arg9[%mul3A_4, %dma_start3A] : memref<10240x128xf32, #tpu.memory_space<vmem_shared>> -> memref<640x128xf32, #tpu.memory_space<vmem_shared>>
      %dma_start3A_13 = arith.constant 0 : i32
      %dma_start3A_14 = tpu.memref_slice %arg6[%mul3A_2, %dma_start3A_13] : memref<10240x128xf32, #tpu.memory_space<hbm>> -> memref<640x128xf32, #tpu.memory_space<hbm>>
      tpu.enqueue_dma source(%dma_start3A_14 : memref<640x128xf32, #tpu.memory_space<hbm>>) target(%dma_start3A_12 : memref<640x128xf32, #tpu.memory_space<vmem_shared>>) target_semaphore(%run_scoped3A : memref<!tpu.dma_semaphore, #tpu.memory_space<semaphore_mem>>)
      %dma_wait3A = arith.constant 0 : i32
      %dma_wait3A_15 = tpu.memref_slice %arg9[%mul3A_4, %dma_wait3A] : memref<10240x128xf32, #tpu.memory_space<vmem_shared>> -> memref<640x128xf32, #tpu.memory_space<vmem_shared>>
      %dma_wait3A_16 = arith.constant 0 : i32
      %dma_wait3A_17 = tpu.memref_slice %arg6[%mul3A_2, %dma_wait3A_16] : memref<10240x128xf32, #tpu.memory_space<hbm>> -> memref<640x128xf32, #tpu.memory_space<hbm>>
      tpu.wait_dma2 semaphore(%run_scoped3A : memref<!tpu.dma_semaphore, #tpu.memory_space<semaphore_mem>>) src(%dma_wait3A_17 : memref<640x128xf32, #tpu.memory_space<hbm>>) dst(%dma_wait3A_15 : memref<640x128xf32, #tpu.memory_space<vmem_shared>>)
      tpu.yield
    }) : () -> ()
    %barrier3A = arith.constant 0 : index
    tpu.barrier barrier_id(%barrier3A)
    %eq3A = arith.constant 0 : i32
    %eq3A_5 = arith.cmpi eq, %arg0, %eq3A : i32
    %convert_element_type3A = arith.extui %eq3A_5 : i1 to i32
    %cond3A = arith.constant 0 : i32
    %cond3A_6 = arith.cmpi ne, %convert_element_type3A, %cond3A : i32
    scf.if %cond3A_6 {
      %mul3A_12 = arith.constant 10000 : i32
      %mul3A_13 = arith.muli %arg1, %mul3A_12 : i32
      %dma_start3A = arith.constant 0 : i32
      %dma_start3A_14 = arith.constant 0 : i32
      %dma_start3A_15 = arith.constant 0 : i32
      %dma_start3A_16 = tpu.memref_slice %arg12[%dma_start3A, %dma_start3A_14, %dma_start3A_15] : memref<5x40x128xf32, #tpu.memory_space<vmem>> -> memref<1x40x128xf32, #tpu.memory_space<vmem>>
      %dma_start3A_17 = tpu.memref_squeeze %dma_start3A_16 : memref<1x40x128xf32, #tpu.memory_space<vmem>> -> memref<40x128xf32, #tpu.memory_space<vmem>>
      %dma_start3A_18 = arith.constant 0 : i32
      %dma_start3A_19 = tpu.memref_slice %arg10[%dma_start3A_18] : memref<10000xi32, #tpu.memory_space<vmem>> -> memref<40xi32, #tpu.memory_space<vmem>>
      %dma_start3A_20 = arith.constant 0 : i32
      %dma_start3A_21 = arith.constant 0 : i32
      %dma_start3A_22 = tpu.memref_slice %arg2[%dma_start3A_20, %dma_start3A_21] : memref<10240x128xf32, #tpu.memory_space<hbm>> -> memref<10240x128xf32, #tpu.memory_space<hbm>>
      tpu.enqueue_indirect_dma source(%dma_start3A_22 : memref<10240x128xf32, #tpu.memory_space<hbm>>) target(%dma_start3A_17 : memref<40x128xf32, #tpu.memory_space<vmem>>) offsets(%dma_start3A_19 : memref<40xi32, #tpu.memory_space<vmem>>) semaphore(%arg13 : memref<!tpu.dma_semaphore, #tpu.memory_space<semaphore_mem>>)
      %add3A = arith.constant 0 : i32
      %add3A_23 = arith.addi %mul3A_13, %add3A : i32
      %dma_start3A_24 = arith.constant 0 : i32
      %dma_start3A_25 = arith.constant 0 : i32
      %dma_start3A_26 = tpu.memref_slice %arg11[%dma_start3A_24, %dma_start3A_25] : memref<5x40xi32, #tpu.memory_space<vmem>> -> memref<1x40xi32, #tpu.memory_space<vmem>>
      %dma_start3A_27 = tpu.memref_squeeze %dma_start3A_26 : memref<1x40xi32, #tpu.memory_space<vmem>> -> memref<40xi32, #tpu.memory_space<vmem>>
      %dma_start3A_28 = tpu.memref_slice %arg5[%add3A_23] : memref<160000xi32, #tpu.memory_space<hbm>> -> memref<40xi32, #tpu.memory_space<hbm>>
      %dma_start3A_29 = arith.constant 0 : i32
      %dma_start3A_30 = tpu.memref_slice %arg11[%dma_start3A_24, %dma_start3A_29] : memref<5x40xi32, #tpu.memory_space<vmem>> -> memref<1x40xi32, #tpu.memory_space<vmem>>
      %dma_start3A_31 = tpu.memref_squeeze %dma_start3A_30 : memref<1x40xi32, #tpu.memory_space<vmem>> -> memref<40xi32, #tpu.memory_space<vmem>>
      %dma_start3A_32 = tpu.memref_slice %arg5[%add3A_23] : memref<160000xi32, #tpu.memory_space<hbm>> -> memref<40xi32, #tpu.memory_space<hbm>>
      tpu.enqueue_dma source(%dma_start3A_32 : memref<40xi32, #tpu.memory_space<hbm>>) target(%dma_start3A_31 : memref<40xi32, #tpu.memory_space<vmem>>) target_semaphore(%arg18 : memref<!tpu.dma_semaphore, #tpu.memory_space<semaphore_mem>>)
      %dma_start3A_33 = arith.constant 1 : i32
      %dma_start3A_34 = arith.constant 0 : i32
      %dma_start3A_35 = arith.constant 0 : i32
      %dma_start3A_36 = tpu.memref_slice %arg12[%dma_start3A_33, %dma_start3A_34, %dma_start3A_35] : memref<5x40x128xf32, #tpu.memory_space<vmem>> -> memref<1x40x128xf32, #tpu.memory_space<vmem>>
      %dma_start3A_37 = tpu.memref_squeeze %dma_start3A_36 : memref<1x40x128xf32, #tpu.memory_space<vmem>> -> memref<40x128xf32, #tpu.memory_space<vmem>>
      %dma_start3A_38 = arith.constant 40 : i32
      %dma_start3A_39 = tpu.memref_slice %arg10[%dma_start3A_38] : memref<10000xi32, #tpu.memory_space<vmem>> -> memref<40xi32, #tpu.memory_space<vmem>>
      %dma_start3A_40 = arith.constant 0 : i32
      %dma_start3A_41 = arith.constant 0 : i32
      %dma_start3A_42 = tpu.memref_slice %arg2[%dma_start3A_40, %dma_start3A_41] : memref<10240x128xf32, #tpu.memory_space<hbm>> -> memref<10240x128xf32, #tpu.memory_space<hbm>>
      tpu.enqueue_indirect_dma source(%dma_start3A_42 : memref<10240x128xf32, #tpu.memory_space<hbm>>) target(%dma_start3A_37 : memref<40x128xf32, #tpu.memory_space<vmem>>) offsets(%dma_start3A_39 : memref<40xi32, #tpu.memory_space<vmem>>) semaphore(%arg14 : memref<!tpu.dma_semaphore, #tpu.memory_space<semaphore_mem>>)
      %add3A_43 = arith.constant 40 : i32
      %add3A_44 = arith.addi %mul3A_13, %add3A_43 : i32
      %dma_start3A_45 = arith.constant 1 : i32
      %dma_start3A_46 = arith.constant 0 : i32
      %dma_start3A_47 = tpu.memref_slice %arg11[%dma_start3A_45, %dma_start3A_46] : memref<5x40xi32, #tpu.memory_space<vmem>> -> memref<1x40xi32, #tpu.memory_space<vmem>>
      %dma_start3A_48 = tpu.memref_squeeze %dma_start3A_47 : memref<1x40xi32, #tpu.memory_space<vmem>> -> memref<40xi32, #tpu.memory_space<vmem>>
      %dma_start3A_49 = tpu.memref_slice %arg5[%add3A_44] : memref<160000xi32, #tpu.memory_space<hbm>> -> memref<40xi32, #tpu.memory_space<hbm>>
      %dma_start3A_50 = arith.constant 0 : i32
      %dma_start3A_51 = tpu.memref_slice %arg11[%dma_start3A_45, %dma_start3A_50] : memref<5x40xi32, #tpu.memory_space<vmem>> -> memref<1x40xi32, #tpu.memory_space<vmem>>
      %dma_start3A_52 = tpu.memref_squeeze %dma_start3A_51 : memref<1x40xi32, #tpu.memory_space<vmem>> -> memref<40xi32, #tpu.memory_space<vmem>>
      %dma_start3A_53 = tpu.memref_slice %arg5[%add3A_44] : memref<160000xi32, #tpu.memory_space<hbm>> -> memref<40xi32, #tpu.memory_space<hbm>>
      tpu.enqueue_dma source(%dma_start3A_53 : memref<40xi32, #tpu.memory_space<hbm>>) target(%dma_start3A_52 : memref<40xi32, #tpu.memory_space<vmem>>) target_semaphore(%arg19 : memref<!tpu.dma_semaphore, #tpu.memory_space<semaphore_mem>>)
      %dma_start3A_54 = arith.constant 2 : i32
      %dma_start3A_55 = arith.constant 0 : i32
      %dma_start3A_56 = arith.constant 0 : i32
      %dma_start3A_57 = tpu.memref_slice %arg12[%dma_start3A_54, %dma_start3A_55, %dma_start3A_56] : memref<5x40x128xf32, #tpu.memory_space<vmem>> -> memref<1x40x128xf32, #tpu.memory_space<vmem>>
      %dma_start3A_58 = tpu.memref_squeeze %dma_start3A_57 : memref<1x40x128xf32, #tpu.memory_space<vmem>> -> memref<40x128xf32, #tpu.memory_space<vmem>>
      %dma_start3A_59 = arith.constant 80 : i32
      %dma_start3A_60 = tpu.memref_slice %arg10[%dma_start3A_59] : memref<10000xi32, #tpu.memory_space<vmem>> -> memref<40xi32, #tpu.memory_space<vmem>>
      %dma_start3A_61 = arith.constant 0 : i32
      %dma_start3A_62 = arith.constant 0 : i32
      %dma_start3A_63 = tpu.memref_slice %arg2[%dma_start3A_61, %dma_start3A_62] : memref<10240x128xf32, #tpu.memory_space<hbm>> -> memref<10240x128xf32, #tpu.memory_space<hbm>>
      tpu.enqueue_indirect_dma source(%dma_start3A_63 : memref<10240x128xf32, #tpu.memory_space<hbm>>) target(%dma_start3A_58 : memref<40x128xf32, #tpu.memory_space<vmem>>) offsets(%dma_start3A_60 : memref<40xi32, #tpu.memory_space<vmem>>) semaphore(%arg15 : memref<!tpu.dma_semaphore, #tpu.memory_space<semaphore_mem>>)
      %add3A_64 = arith.constant 80 : i32
      %add3A_65 = arith.addi %mul3A_13, %add3A_64 : i32
      %dma_start3A_66 = arith.constant 2 : i32
      %dma_start3A_67 = arith.constant 0 : i32
      %dma_start3A_68 = tpu.memref_slice %arg11[%dma_start3A_66, %dma_start3A_67] : memref<5x40xi32, #tpu.memory_space<vmem>> -> memref<1x40xi32, #tpu.memory_space<vmem>>
      %dma_start3A_69 = tpu.memref_squeeze %dma_start3A_68 : memref<1x40xi32, #tpu.memory_space<vmem>> -> memref<40xi32, #tpu.memory_space<vmem>>
      %dma_start3A_70 = tpu.memref_slice %arg5[%add3A_65] : memref<160000xi32, #tpu.memory_space<hbm>> -> memref<40xi32, #tpu.memory_space<hbm>>
      %dma_start3A_71 = arith.constant 0 : i32
      %dma_start3A_72 = tpu.memref_slice %arg11[%dma_start3A_66, %dma_start3A_71] : memref<5x40xi32, #tpu.memory_space<vmem>> -> memref<1x40xi32, #tpu.memory_space<vmem>>
      %dma_start3A_73 = tpu.memref_squeeze %dma_start3A_72 : memref<1x40xi32, #tpu.memory_space<vmem>> -> memref<40xi32, #tpu.memory_space<vmem>>
      %dma_start3A_74 = tpu.memref_slice %arg5[%add3A_65] : memref<160000xi32, #tpu.memory_space<hbm>> -> memref<40xi32, #tpu.memory_space<hbm>>
      tpu.enqueue_dma source(%dma_start3A_74 : memref<40xi32, #tpu.memory_space<hbm>>) target(%dma_start3A_73 : memref<40xi32, #tpu.memory_space<vmem>>) target_semaphore(%arg20 : memref<!tpu.dma_semaphore, #tpu.memory_space<semaphore_mem>>)
      %dma_start3A_75 = arith.constant 3 : i32
      %dma_start3A_76 = arith.constant 0 : i32
      %dma_start3A_77 = arith.constant 0 : i32
      %dma_start3A_78 = tpu.memref_slice %arg12[%dma_start3A_75, %dma_start3A_76, %dma_start3A_77] : memref<5x40x128xf32, #tpu.memory_space<vmem>> -> memref<1x40x128xf32, #tpu.memory_space<vmem>>
      %dma_start3A_79 = tpu.memref_squeeze %dma_start3A_78 : memref<1x40x128xf32, #tpu.memory_space<vmem>> -> memref<40x128xf32, #tpu.memory_space<vmem>>
      %dma_start3A_80 = arith.constant 120 : i32
      %dma_start3A_81 = tpu.memref_slice %arg10[%dma_start3A_80] : memref<10000xi32, #tpu.memory_space<vmem>> -> memref<40xi32, #tpu.memory_space<vmem>>
      %dma_start3A_82 = arith.constant 0 : i32
      %dma_start3A_83 = arith.constant 0 : i32
      %dma_start3A_84 = tpu.memref_slice %arg2[%dma_start3A_82, %dma_start3A_83] : memref<10240x128xf32, #tpu.memory_space<hbm>> -> memref<10240x128xf32, #tpu.memory_space<hbm>>
      tpu.enqueue_indirect_dma source(%dma_start3A_84 : memref<10240x128xf32, #tpu.memory_space<hbm>>) target(%dma_start3A_79 : memref<40x128xf32, #tpu.memory_space<vmem>>) offsets(%dma_start3A_81 : memref<40xi32, #tpu.memory_space<vmem>>) semaphore(%arg16 : memref<!tpu.dma_semaphore, #tpu.memory_space<semaphore_mem>>)
      %add3A_85 = arith.constant 120 : i32
      %add3A_86 = arith.addi %mul3A_13, %add3A_85 : i32
      %dma_start3A_87 = arith.constant 3 : i32
      %dma_start3A_88 = arith.constant 0 : i32
      %dma_start3A_89 = tpu.memref_slice %arg11[%dma_start3A_87, %dma_start3A_88] : memref<5x40xi32, #tpu.memory_space<vmem>> -> memref<1x40xi32, #tpu.memory_space<vmem>>
      %dma_start3A_90 = tpu.memref_squeeze %dma_start3A_89 : memref<1x40xi32, #tpu.memory_space<vmem>> -> memref<40xi32, #tpu.memory_space<vmem>>
      %dma_start3A_91 = tpu.memref_slice %arg5[%add3A_86] : memref<160000xi32, #tpu.memory_space<hbm>> -> memref<40xi32, #tpu.memory_space<hbm>>
      %dma_start3A_92 = arith.constant 0 : i32
      %dma_start3A_93 = tpu.memref_slice %arg11[%dma_start3A_87, %dma_start3A_92] : memref<5x40xi32, #tpu.memory_space<vmem>> -> memref<1x40xi32, #tpu.memory_space<vmem>>
      %dma_start3A_94 = tpu.memref_squeeze %dma_start3A_93 : memref<1x40xi32, #tpu.memory_space<vmem>> -> memref<40xi32, #tpu.memory_space<vmem>>
      %dma_start3A_95 = tpu.memref_slice %arg5[%add3A_86] : memref<160000xi32, #tpu.memory_space<hbm>> -> memref<40xi32, #tpu.memory_space<hbm>>
      tpu.enqueue_dma source(%dma_start3A_95 : memref<40xi32, #tpu.memory_space<hbm>>) target(%dma_start3A_94 : memref<40xi32, #tpu.memory_space<vmem>>) target_semaphore(%arg21 : memref<!tpu.dma_semaphore, #tpu.memory_space<semaphore_mem>>)
      %dma_start3A_96 = arith.constant 4 : i32
      %dma_start3A_97 = arith.constant 0 : i32
      %dma_start3A_98 = arith.constant 0 : i32
      %dma_start3A_99 = tpu.memref_slice %arg12[%dma_start3A_96, %dma_start3A_97, %dma_start3A_98] : memref<5x40x128xf32, #tpu.memory_space<vmem>> -> memref<1x40x128xf32, #tpu.memory_space<vmem>>
      %dma_start3A_100 = tpu.memref_squeeze %dma_start3A_99 : memref<1x40x128xf32, #tpu.memory_space<vmem>> -> memref<40x128xf32, #tpu.memory_space<vmem>>
      %dma_start3A_101 = arith.constant 160 : i32
      %dma_start3A_102 = tpu.memref_slice %arg10[%dma_start3A_101] : memref<10000xi32, #tpu.memory_space<vmem>> -> memref<40xi32, #tpu.memory_space<vmem>>
      %dma_start3A_103 = arith.constant 0 : i32
      %dma_start3A_104 = arith.constant 0 : i32
      %dma_start3A_105 = tpu.memref_slice %arg2[%dma_start3A_103, %dma_start3A_104] : memref<10240x128xf32, #tpu.memory_space<hbm>> -> memref<10240x128xf32, #tpu.memory_space<hbm>>
      tpu.enqueue_indirect_dma source(%dma_start3A_105 : memref<10240x128xf32, #tpu.memory_space<hbm>>) target(%dma_start3A_100 : memref<40x128xf32, #tpu.memory_space<vmem>>) offsets(%dma_start3A_102 : memref<40xi32, #tpu.memory_space<vmem>>) semaphore(%arg17 : memref<!tpu.dma_semaphore, #tpu.memory_space<semaphore_mem>>)
      %add3A_106 = arith.constant 160 : i32
      %add3A_107 = arith.addi %mul3A_13, %add3A_106 : i32
      %dma_start3A_108 = arith.constant 4 : i32
      %dma_start3A_109 = arith.constant 0 : i32
      %dma_start3A_110 = tpu.memref_slice %arg11[%dma_start3A_108, %dma_start3A_109] : memref<5x40xi32, #tpu.memory_space<vmem>> -> memref<1x40xi32, #tpu.memory_space<vmem>>
      %dma_start3A_111 = tpu.memref_squeeze %dma_start3A_110 : memref<1x40xi32, #tpu.memory_space<vmem>> -> memref<40xi32, #tpu.memory_space<vmem>>
      %dma_start3A_112 = tpu.memref_slice %arg5[%add3A_107] : memref<160000xi32, #tpu.memory_space<hbm>> -> memref<40xi32, #tpu.memory_space<hbm>>
      %dma_start3A_113 = arith.constant 0 : i32
      %dma_start3A_114 = tpu.memref_slice %arg11[%dma_start3A_108, %dma_start3A_113] : memref<5x40xi32, #tpu.memory_space<vmem>> -> memref<1x40xi32, #tpu.memory_space<vmem>>
      %dma_start3A_115 = tpu.memref_squeeze %dma_start3A_114 : memref<1x40xi32, #tpu.memory_space<vmem>> -> memref<40xi32, #tpu.memory_space<vmem>>
      %dma_start3A_116 = tpu.memref_slice %arg5[%add3A_107] : memref<160000xi32, #tpu.memory_space<hbm>> -> memref<40xi32, #tpu.memory_space<hbm>>
      tpu.enqueue_dma source(%dma_start3A_116 : memref<40xi32, #tpu.memory_space<hbm>>) target(%dma_start3A_115 : memref<40xi32, #tpu.memory_space<vmem>>) target_semaphore(%arg22 : memref<!tpu.dma_semaphore, #tpu.memory_space<semaphore_mem>>)
      %scan3A = arith.constant 0 : i32
      %scan3A_117 = arith.constant 0 : i32
      %scan3A_118 = arith.constant 50 : i32
      %scan3A_119 = arith.addi %scan3A_117, %scan3A_118 : i32
      %scan3A_120 = arith.constant 1 : i32
      scf.for %scan3A_186 = %scan3A_117 to %scan3A_119 step %scan3A_120  : i32 {
        %dma_wait3A_187 = arith.constant 0 : i32
        %dma_wait3A_188 = arith.constant 0 : i32
        %dma_wait3A_189 = arith.constant 0 : i32
        %dma_wait3A_190 = tpu.memref_slice %arg12[%dma_wait3A_187, %dma_wait3A_188, %dma_wait3A_189] : memref<5x40x128xf32, #tpu.memory_space<vmem>> -> memref<1x40x128xf32, #tpu.memory_space<vmem>>
        %dma_wait3A_191 = tpu.memref_squeeze %dma_wait3A_190 : memref<1x40x128xf32, #tpu.memory_space<vmem>> -> memref<40x128xf32, #tpu.memory_space<vmem>>
        %dma_wait3A_192 = arith.constant 0 : i32
        %dma_wait3A_193 = tpu.memref_slice %arg10[%dma_wait3A_192] : memref<10000xi32, #tpu.memory_space<vmem>> -> memref<40xi32, #tpu.memory_space<vmem>>
        %dma_wait3A_194 = arith.constant 0 : i32
        %dma_wait3A_195 = arith.constant 0 : i32
        %dma_wait3A_196 = tpu.memref_slice %arg2[%dma_wait3A_194, %dma_wait3A_195] : memref<10240x128xf32, #tpu.memory_space<hbm>> -> memref<10240x128xf32, #tpu.memory_space<hbm>>
        tpu.wait_indirect_dma semaphore(%arg13 : memref<!tpu.dma_semaphore, #tpu.memory_space<semaphore_mem>>) src(%dma_wait3A_196 : memref<10240x128xf32, #tpu.memory_space<hbm>>) dst(%dma_wait3A_191 : memref<40x128xf32, #tpu.memory_space<vmem>>)
        %dma_wait3A_197 = arith.constant 0 : i32
        %dma_wait3A_198 = arith.constant 0 : i32
        %dma_wait3A_199 = tpu.memref_slice %arg11[%dma_wait3A_197, %dma_wait3A_198] : memref<5x40xi32, #tpu.memory_space<vmem>> -> memref<1x40xi32, #tpu.memory_space<vmem>>
        %dma_wait3A_200 = tpu.memref_squeeze %dma_wait3A_199 : memref<1x40xi32, #tpu.memory_space<vmem>> -> memref<40xi32, #tpu.memory_space<vmem>>
        %dma_wait3A_201 = tpu.memref_slice %arg5[%mul3A_13] : memref<160000xi32, #tpu.memory_space<hbm>> -> memref<40xi32, #tpu.memory_space<hbm>>
        %dma_wait3A_202 = arith.constant 0 : i32
        %dma_wait3A_203 = tpu.memref_slice %arg11[%dma_wait3A_197, %dma_wait3A_202] : memref<5x40xi32, #tpu.memory_space<vmem>> -> memref<1x40xi32, #tpu.memory_space<vmem>>
        %dma_wait3A_204 = tpu.memref_squeeze %dma_wait3A_203 : memref<1x40xi32, #tpu.memory_space<vmem>> -> memref<40xi32, #tpu.memory_space<vmem>>
        %dma_wait3A_205 = tpu.memref_slice %arg5[%mul3A_13] : memref<160000xi32, #tpu.memory_space<hbm>> -> memref<40xi32, #tpu.memory_space<hbm>>
        tpu.wait_dma2 semaphore(%arg18 : memref<!tpu.dma_semaphore, #tpu.memory_space<semaphore_mem>>) src(%dma_wait3A_205 : memref<40xi32, #tpu.memory_space<hbm>>) dst(%dma_wait3A_204 : memref<40xi32, #tpu.memory_space<vmem>>)
        %dma_start3A_206 = arith.constant 0 : i32
        %dma_start3A_207 = arith.constant 0 : i32
        %dma_start3A_208 = arith.constant 0 : i32
        %dma_start3A_209 = arith.constant 0 : i32
        %dma_start3A_210 = tpu.memref_slice %arg12[%dma_start3A_206, %dma_start3A_208, %dma_start3A_209] : memref<5x40x128xf32, #tpu.memory_space<vmem>> -> memref<1x40x128xf32, #tpu.memory_space<vmem>>
        %dma_start3A_211 = tpu.memref_squeeze %dma_start3A_210 : memref<1x40x128xf32, #tpu.memory_space<vmem>> -> memref<40x128xf32, #tpu.memory_space<vmem>>
        %dma_start3A_212 = arith.constant 0 : i32
        %dma_start3A_213 = tpu.memref_slice %arg11[%dma_start3A_207, %dma_start3A_212] : memref<5x40xi32, #tpu.memory_space<vmem>> -> memref<1x40xi32, #tpu.memory_space<vmem>>
        %dma_start3A_214 = tpu.memref_squeeze %dma_start3A_213 : memref<1x40xi32, #tpu.memory_space<vmem>> -> memref<40xi32, #tpu.memory_space<vmem>>
        %dma_start3A_215 = arith.constant 0 : i32
        %dma_start3A_216 = arith.constant 0 : i32
        %dma_start3A_217 = tpu.memref_slice %arg9[%dma_start3A_215, %dma_start3A_216] : memref<10240x128xf32, #tpu.memory_space<vmem_shared>> -> memref<10240x128xf32, #tpu.memory_space<vmem_shared>>
        tpu.enqueue_indirect_dma source(%dma_start3A_211 : memref<40x128xf32, #tpu.memory_space<vmem>>) target(%dma_start3A_217 : memref<10240x128xf32, #tpu.memory_space<vmem_shared>>) offsets(%dma_start3A_214 : memref<40xi32, #tpu.memory_space<vmem>>) semaphore(%arg23 : memref<!tpu.dma_semaphore, #tpu.memory_space<semaphore_mem>>) {add = true}
        %dma_wait3A_218 = arith.constant 1 : i32
        %dma_wait3A_219 = arith.constant 0 : i32
        %dma_wait3A_220 = arith.constant 0 : i32
        %dma_wait3A_221 = tpu.memref_slice %arg12[%dma_wait3A_218, %dma_wait3A_219, %dma_wait3A_220] : memref<5x40x128xf32, #tpu.memory_space<vmem>> -> memref<1x40x128xf32, #tpu.memory_space<vmem>>
        %dma_wait3A_222 = tpu.memref_squeeze %dma_wait3A_221 : memref<1x40x128xf32, #tpu.memory_space<vmem>> -> memref<40x128xf32, #tpu.memory_space<vmem>>
        %dma_wait3A_223 = arith.constant 0 : i32
        %dma_wait3A_224 = tpu.memref_slice %arg10[%dma_wait3A_223] : memref<10000xi32, #tpu.memory_space<vmem>> -> memref<40xi32, #tpu.memory_space<vmem>>
        %dma_wait3A_225 = arith.constant 0 : i32
        %dma_wait3A_226 = arith.constant 0 : i32
        %dma_wait3A_227 = tpu.memref_slice %arg2[%dma_wait3A_225, %dma_wait3A_226] : memref<10240x128xf32, #tpu.memory_space<hbm>> -> memref<10240x128xf32, #tpu.memory_space<hbm>>
        tpu.wait_indirect_dma semaphore(%arg14 : memref<!tpu.dma_semaphore, #tpu.memory_space<semaphore_mem>>) src(%dma_wait3A_227 : memref<10240x128xf32, #tpu.memory_space<hbm>>) dst(%dma_wait3A_222 : memref<40x128xf32, #tpu.memory_space<vmem>>)
        %dma_wait3A_228 = arith.constant 1 : i32
        %dma_wait3A_229 = arith.constant 0 : i32
        %dma_wait3A_230 = tpu.memref_slice %arg11[%dma_wait3A_228, %dma_wait3A_229] : memref<5x40xi32, #tpu.memory_space<vmem>> -> memref<1x40xi32, #tpu.memory_space<vmem>>
        %dma_wait3A_231 = tpu.memref_squeeze %dma_wait3A_230 : memref<1x40xi32, #tpu.memory_space<vmem>> -> memref<40xi32, #tpu.memory_space<vmem>>
        %dma_wait3A_232 = tpu.memref_slice %arg5[%mul3A_13] : memref<160000xi32, #tpu.memory_space<hbm>> -> memref<40xi32, #tpu.memory_space<hbm>>
        %dma_wait3A_233 = arith.constant 0 : i32
        %dma_wait3A_234 = tpu.memref_slice %arg11[%dma_wait3A_228, %dma_wait3A_233] : memref<5x40xi32, #tpu.memory_space<vmem>> -> memref<1x40xi32, #tpu.memory_space<vmem>>
        %dma_wait3A_235 = tpu.memref_squeeze %dma_wait3A_234 : memref<1x40xi32, #tpu.memory_space<vmem>> -> memref<40xi32, #tpu.memory_space<vmem>>
        %dma_wait3A_236 = tpu.memref_slice %arg5[%mul3A_13] : memref<160000xi32, #tpu.memory_space<hbm>> -> memref<40xi32, #tpu.memory_space<hbm>>
        tpu.wait_dma2 semaphore(%arg19 : memref<!tpu.dma_semaphore, #tpu.memory_space<semaphore_mem>>) src(%dma_wait3A_236 : memref<40xi32, #tpu.memory_space<hbm>>) dst(%dma_wait3A_235 : memref<40xi32, #tpu.memory_space<vmem>>)
        %dma_start3A_237 = arith.constant 1 : i32
        %dma_start3A_238 = arith.constant 1 : i32
        %dma_start3A_239 = arith.constant 0 : i32
        %dma_start3A_240 = arith.constant 0 : i32
        %dma_start3A_241 = tpu.memref_slice %arg12[%dma_start3A_237, %dma_start3A_239, %dma_start3A_240] : memref<5x40x128xf32, #tpu.memory_space<vmem>> -> memref<1x40x128xf32, #tpu.memory_space<vmem>>
        %dma_start3A_242 = tpu.memref_squeeze %dma_start3A_241 : memref<1x40x128xf32, #tpu.memory_space<vmem>> -> memref<40x128xf32, #tpu.memory_space<vmem>>
        %dma_start3A_243 = arith.constant 0 : i32
        %dma_start3A_244 = tpu.memref_slice %arg11[%dma_start3A_238, %dma_start3A_243] : memref<5x40xi32, #tpu.memory_space<vmem>> -> memref<1x40xi32, #tpu.memory_space<vmem>>
        %dma_start3A_245 = tpu.memref_squeeze %dma_start3A_244 : memref<1x40xi32, #tpu.memory_space<vmem>> -> memref<40xi32, #tpu.memory_space<vmem>>
        %dma_start3A_246 = arith.constant 0 : i32
        %dma_start3A_247 = arith.constant 0 : i32
        %dma_start3A_248 = tpu.memref_slice %arg9[%dma_start3A_246, %dma_start3A_247] : memref<10240x128xf32, #tpu.memory_space<vmem_shared>> -> memref<10240x128xf32, #tpu.memory_space<vmem_shared>>
        tpu.enqueue_indirect_dma source(%dma_start3A_242 : memref<40x128xf32, #tpu.memory_space<vmem>>) target(%dma_start3A_248 : memref<10240x128xf32, #tpu.memory_space<vmem_shared>>) offsets(%dma_start3A_245 : memref<40xi32, #tpu.memory_space<vmem>>) semaphore(%arg24 : memref<!tpu.dma_semaphore, #tpu.memory_space<semaphore_mem>>) {add = true}
        %dma_wait3A_249 = arith.constant 2 : i32
        %dma_wait3A_250 = arith.constant 0 : i32
        %dma_wait3A_251 = arith.constant 0 : i32
        %dma_wait3A_252 = tpu.memref_slice %arg12[%dma_wait3A_249, %dma_wait3A_250, %dma_wait3A_251] : memref<5x40x128xf32, #tpu.memory_space<vmem>> -> memref<1x40x128xf32, #tpu.memory_space<vmem>>
        %dma_wait3A_253 = tpu.memref_squeeze %dma_wait3A_252 : memref<1x40x128xf32, #tpu.memory_space<vmem>> -> memref<40x128xf32, #tpu.memory_space<vmem>>
        %dma_wait3A_254 = arith.constant 0 : i32
        %dma_wait3A_255 = tpu.memref_slice %arg10[%dma_wait3A_254] : memref<10000xi32, #tpu.memory_space<vmem>> -> memref<40xi32, #tpu.memory_space<vmem>>
        %dma_wait3A_256 = arith.constant 0 : i32
        %dma_wait3A_257 = arith.constant 0 : i32
        %dma_wait3A_258 = tpu.memref_slice %arg2[%dma_wait3A_256, %dma_wait3A_257] : memref<10240x128xf32, #tpu.memory_space<hbm>> -> memref<10240x128xf32, #tpu.memory_space<hbm>>
        tpu.wait_indirect_dma semaphore(%arg15 : memref<!tpu.dma_semaphore, #tpu.memory_space<semaphore_mem>>) src(%dma_wait3A_258 : memref<10240x128xf32, #tpu.memory_space<hbm>>) dst(%dma_wait3A_253 : memref<40x128xf32, #tpu.memory_space<vmem>>)
        %dma_wait3A_259 = arith.constant 2 : i32
        %dma_wait3A_260 = arith.constant 0 : i32
        %dma_wait3A_261 = tpu.memref_slice %arg11[%dma_wait3A_259, %dma_wait3A_260] : memref<5x40xi32, #tpu.memory_space<vmem>> -> memref<1x40xi32, #tpu.memory_space<vmem>>
        %dma_wait3A_262 = tpu.memref_squeeze %dma_wait3A_261 : memref<1x40xi32, #tpu.memory_space<vmem>> -> memref<40xi32, #tpu.memory_space<vmem>>
        %dma_wait3A_263 = tpu.memref_slice %arg5[%mul3A_13] : memref<160000xi32, #tpu.memory_space<hbm>> -> memref<40xi32, #tpu.memory_space<hbm>>
        %dma_wait3A_264 = arith.constant 0 : i32
        %dma_wait3A_265 = tpu.memref_slice %arg11[%dma_wait3A_259, %dma_wait3A_264] : memref<5x40xi32, #tpu.memory_space<vmem>> -> memref<1x40xi32, #tpu.memory_space<vmem>>
        %dma_wait3A_266 = tpu.memref_squeeze %dma_wait3A_265 : memref<1x40xi32, #tpu.memory_space<vmem>> -> memref<40xi32, #tpu.memory_space<vmem>>
        %dma_wait3A_267 = tpu.memref_slice %arg5[%mul3A_13] : memref<160000xi32, #tpu.memory_space<hbm>> -> memref<40xi32, #tpu.memory_space<hbm>>
        tpu.wait_dma2 semaphore(%arg20 : memref<!tpu.dma_semaphore, #tpu.memory_space<semaphore_mem>>) src(%dma_wait3A_267 : memref<40xi32, #tpu.memory_space<hbm>>) dst(%dma_wait3A_266 : memref<40xi32, #tpu.memory_space<vmem>>)
        %dma_start3A_268 = arith.constant 2 : i32
        %dma_start3A_269 = arith.constant 2 : i32
        %dma_start3A_270 = arith.constant 0 : i32
        %dma_start3A_271 = arith.constant 0 : i32
        %dma_start3A_272 = tpu.memref_slice %arg12[%dma_start3A_268, %dma_start3A_270, %dma_start3A_271] : memref<5x40x128xf32, #tpu.memory_space<vmem>> -> memref<1x40x128xf32, #tpu.memory_space<vmem>>
        %dma_start3A_273 = tpu.memref_squeeze %dma_start3A_272 : memref<1x40x128xf32, #tpu.memory_space<vmem>> -> memref<40x128xf32, #tpu.memory_space<vmem>>
        %dma_start3A_274 = arith.constant 0 : i32
        %dma_start3A_275 = tpu.memref_slice %arg11[%dma_start3A_269, %dma_start3A_274] : memref<5x40xi32, #tpu.memory_space<vmem>> -> memref<1x40xi32, #tpu.memory_space<vmem>>
        %dma_start3A_276 = tpu.memref_squeeze %dma_start3A_275 : memref<1x40xi32, #tpu.memory_space<vmem>> -> memref<40xi32, #tpu.memory_space<vmem>>
        %dma_start3A_277 = arith.constant 0 : i32
        %dma_start3A_278 = arith.constant 0 : i32
        %dma_start3A_279 = tpu.memref_slice %arg9[%dma_start3A_277, %dma_start3A_278] : memref<10240x128xf32, #tpu.memory_space<vmem_shared>> -> memref<10240x128xf32, #tpu.memory_space<vmem_shared>>
        tpu.enqueue_indirect_dma source(%dma_start3A_273 : memref<40x128xf32, #tpu.memory_space<vmem>>) target(%dma_start3A_279 : memref<10240x128xf32, #tpu.memory_space<vmem_shared>>) offsets(%dma_start3A_276 : memref<40xi32, #tpu.memory_space<vmem>>) semaphore(%arg25 : memref<!tpu.dma_semaphore, #tpu.memory_space<semaphore_mem>>) {add = true}
        %dma_wait3A_280 = arith.constant 3 : i32
        %dma_wait3A_281 = arith.constant 0 : i32
        %dma_wait3A_282 = arith.constant 0 : i32
        %dma_wait3A_283 = tpu.memref_slice %arg12[%dma_wait3A_280, %dma_wait3A_281, %dma_wait3A_282] : memref<5x40x128xf32, #tpu.memory_space<vmem>> -> memref<1x40x128xf32, #tpu.memory_space<vmem>>
        %dma_wait3A_284 = tpu.memref_squeeze %dma_wait3A_283 : memref<1x40x128xf32, #tpu.memory_space<vmem>> -> memref<40x128xf32, #tpu.memory_space<vmem>>
        %dma_wait3A_285 = arith.constant 0 : i32
        %dma_wait3A_286 = tpu.memref_slice %arg10[%dma_wait3A_285] : memref<10000xi32, #tpu.memory_space<vmem>> -> memref<40xi32, #tpu.memory_space<vmem>>
        %dma_wait3A_287 = arith.constant 0 : i32
        %dma_wait3A_288 = arith.constant 0 : i32
        %dma_wait3A_289 = tpu.memref_slice %arg2[%dma_wait3A_287, %dma_wait3A_288] : memref<10240x128xf32, #tpu.memory_space<hbm>> -> memref<10240x128xf32, #tpu.memory_space<hbm>>
        tpu.wait_indirect_dma semaphore(%arg16 : memref<!tpu.dma_semaphore, #tpu.memory_space<semaphore_mem>>) src(%dma_wait3A_289 : memref<10240x128xf32, #tpu.memory_space<hbm>>) dst(%dma_wait3A_284 : memref<40x128xf32, #tpu.memory_space<vmem>>)
        %dma_wait3A_290 = arith.constant 3 : i32
        %dma_wait3A_291 = arith.constant 0 : i32
        %dma_wait3A_292 = tpu.memref_slice %arg11[%dma_wait3A_290, %dma_wait3A_291] : memref<5x40xi32, #tpu.memory_space<vmem>> -> memref<1x40xi32, #tpu.memory_space<vmem>>
        %dma_wait3A_293 = tpu.memref_squeeze %dma_wait3A_292 : memref<1x40xi32, #tpu.memory_space<vmem>> -> memref<40xi32, #tpu.memory_space<vmem>>
        %dma_wait3A_294 = tpu.memref_slice %arg5[%mul3A_13] : memref<160000xi32, #tpu.memory_space<hbm>> -> memref<40xi32, #tpu.memory_space<hbm>>
        %dma_wait3A_295 = arith.constant 0 : i32
        %dma_wait3A_296 = tpu.memref_slice %arg11[%dma_wait3A_290, %dma_wait3A_295] : memref<5x40xi32, #tpu.memory_space<vmem>> -> memref<1x40xi32, #tpu.memory_space<vmem>>
        %dma_wait3A_297 = tpu.memref_squeeze %dma_wait3A_296 : memref<1x40xi32, #tpu.memory_space<vmem>> -> memref<40xi32, #tpu.memory_space<vmem>>
        %dma_wait3A_298 = tpu.memref_slice %arg5[%mul3A_13] : memref<160000xi32, #tpu.memory_space<hbm>> -> memref<40xi32, #tpu.memory_space<hbm>>
        tpu.wait_dma2 semaphore(%arg21 : memref<!tpu.dma_semaphore, #tpu.memory_space<semaphore_mem>>) src(%dma_wait3A_298 : memref<40xi32, #tpu.memory_space<hbm>>) dst(%dma_wait3A_297 : memref<40xi32, #tpu.memory_space<vmem>>)
        %dma_start3A_299 = arith.constant 3 : i32
        %dma_start3A_300 = arith.constant 3 : i32
        %dma_start3A_301 = arith.constant 0 : i32
        %dma_start3A_302 = arith.constant 0 : i32
        %dma_start3A_303 = tpu.memref_slice %arg12[%dma_start3A_299, %dma_start3A_301, %dma_start3A_302] : memref<5x40x128xf32, #tpu.memory_space<vmem>> -> memref<1x40x128xf32, #tpu.memory_space<vmem>>
        %dma_start3A_304 = tpu.memref_squeeze %dma_start3A_303 : memref<1x40x128xf32, #tpu.memory_space<vmem>> -> memref<40x128xf32, #tpu.memory_space<vmem>>
        %dma_start3A_305 = arith.constant 0 : i32
        %dma_start3A_306 = tpu.memref_slice %arg11[%dma_start3A_300, %dma_start3A_305] : memref<5x40xi32, #tpu.memory_space<vmem>> -> memref<1x40xi32, #tpu.memory_space<vmem>>
        %dma_start3A_307 = tpu.memref_squeeze %dma_start3A_306 : memref<1x40xi32, #tpu.memory_space<vmem>> -> memref<40xi32, #tpu.memory_space<vmem>>
        %dma_start3A_308 = arith.constant 0 : i32
        %dma_start3A_309 = arith.constant 0 : i32
        %dma_start3A_310 = tpu.memref_slice %arg9[%dma_start3A_308, %dma_start3A_309] : memref<10240x128xf32, #tpu.memory_space<vmem_shared>> -> memref<10240x128xf32, #tpu.memory_space<vmem_shared>>
        tpu.enqueue_indirect_dma source(%dma_start3A_304 : memref<40x128xf32, #tpu.memory_space<vmem>>) target(%dma_start3A_310 : memref<10240x128xf32, #tpu.memory_space<vmem_shared>>) offsets(%dma_start3A_307 : memref<40xi32, #tpu.memory_space<vmem>>) semaphore(%arg26 : memref<!tpu.dma_semaphore, #tpu.memory_space<semaphore_mem>>) {add = true}
        %dma_wait3A_311 = arith.constant 4 : i32
        %dma_wait3A_312 = arith.constant 0 : i32
        %dma_wait3A_313 = arith.constant 0 : i32
        %dma_wait3A_314 = tpu.memref_slice %arg12[%dma_wait3A_311, %dma_wait3A_312, %dma_wait3A_313] : memref<5x40x128xf32, #tpu.memory_space<vmem>> -> memref<1x40x128xf32, #tpu.memory_space<vmem>>
        %dma_wait3A_315 = tpu.memref_squeeze %dma_wait3A_314 : memref<1x40x128xf32, #tpu.memory_space<vmem>> -> memref<40x128xf32, #tpu.memory_space<vmem>>
        %dma_wait3A_316 = arith.constant 0 : i32
        %dma_wait3A_317 = tpu.memref_slice %arg10[%dma_wait3A_316] : memref<10000xi32, #tpu.memory_space<vmem>> -> memref<40xi32, #tpu.memory_space<vmem>>
        %dma_wait3A_318 = arith.constant 0 : i32
        %dma_wait3A_319 = arith.constant 0 : i32
        %dma_wait3A_320 = tpu.memref_slice %arg2[%dma_wait3A_318, %dma_wait3A_319] : memref<10240x128xf32, #tpu.memory_space<hbm>> -> memref<10240x128xf32, #tpu.memory_space<hbm>>
        tpu.wait_indirect_dma semaphore(%arg17 : memref<!tpu.dma_semaphore, #tpu.memory_space<semaphore_mem>>) src(%dma_wait3A_320 : memref<10240x128xf32, #tpu.memory_space<hbm>>) dst(%dma_wait3A_315 : memref<40x128xf32, #tpu.memory_space<vmem>>)
        %dma_wait3A_321 = arith.constant 4 : i32
        %dma_wait3A_322 = arith.constant 0 : i32
        %dma_wait3A_323 = tpu.memref_slice %arg11[%dma_wait3A_321, %dma_wait3A_322] : memref<5x40xi32, #tpu.memory_space<vmem>> -> memref<1x40xi32, #tpu.memory_space<vmem>>
        %dma_wait3A_324 = tpu.memref_squeeze %dma_wait3A_323 : memref<1x40xi32, #tpu.memory_space<vmem>> -> memref<40xi32, #tpu.memory_space<vmem>>
        %dma_wait3A_325 = tpu.memref_slice %arg5[%mul3A_13] : memref<160000xi32, #tpu.memory_space<hbm>> -> memref<40xi32, #tpu.memory_space<hbm>>
        %dma_wait3A_326 = arith.constant 0 : i32
        %dma_wait3A_327 = tpu.memref_slice %arg11[%dma_wait3A_321, %dma_wait3A_326] : memref<5x40xi32, #tpu.memory_space<vmem>> -> memref<1x40xi32, #tpu.memory_space<vmem>>
        %dma_wait3A_328 = tpu.memref_squeeze %dma_wait3A_327 : memref<1x40xi32, #tpu.memory_space<vmem>> -> memref<40xi32, #tpu.memory_space<vmem>>
        %dma_wait3A_329 = tpu.memref_slice %arg5[%mul3A_13] : memref<160000xi32, #tpu.memory_space<hbm>> -> memref<40xi32, #tpu.memory_space<hbm>>
        tpu.wait_dma2 semaphore(%arg22 : memref<!tpu.dma_semaphore, #tpu.memory_space<semaphore_mem>>) src(%dma_wait3A_329 : memref<40xi32, #tpu.memory_space<hbm>>) dst(%dma_wait3A_328 : memref<40xi32, #tpu.memory_space<vmem>>)
        %dma_start3A_330 = arith.constant 4 : i32
        %dma_start3A_331 = arith.constant 4 : i32
        %dma_start3A_332 = arith.constant 0 : i32
        %dma_start3A_333 = arith.constant 0 : i32
        %dma_start3A_334 = tpu.memref_slice %arg12[%dma_start3A_330, %dma_start3A_332, %dma_start3A_333] : memref<5x40x128xf32, #tpu.memory_space<vmem>> -> memref<1x40x128xf32, #tpu.memory_space<vmem>>
        %dma_start3A_335 = tpu.memref_squeeze %dma_start3A_334 : memref<1x40x128xf32, #tpu.memory_space<vmem>> -> memref<40x128xf32, #tpu.memory_space<vmem>>
        %dma_start3A_336 = arith.constant 0 : i32
        %dma_start3A_337 = tpu.memref_slice %arg11[%dma_start3A_331, %dma_start3A_336] : memref<5x40xi32, #tpu.memory_space<vmem>> -> memref<1x40xi32, #tpu.memory_space<vmem>>
        %dma_start3A_338 = tpu.memref_squeeze %dma_start3A_337 : memref<1x40xi32, #tpu.memory_space<vmem>> -> memref<40xi32, #tpu.memory_space<vmem>>
        %dma_start3A_339 = arith.constant 0 : i32
        %dma_start3A_340 = arith.constant 0 : i32
        %dma_start3A_341 = tpu.memref_slice %arg9[%dma_start3A_339, %dma_start3A_340] : memref<10240x128xf32, #tpu.memory_space<vmem_shared>> -> memref<10240x128xf32, #tpu.memory_space<vmem_shared>>
        tpu.enqueue_indirect_dma source(%dma_start3A_335 : memref<40x128xf32, #tpu.memory_space<vmem>>) target(%dma_start3A_341 : memref<10240x128xf32, #tpu.memory_space<vmem_shared>>) offsets(%dma_start3A_338 : memref<40xi32, #tpu.memory_space<vmem>>) semaphore(%arg27 : memref<!tpu.dma_semaphore, #tpu.memory_space<semaphore_mem>>) {add = true}
        %lt3A = arith.constant 49 : i32
        %lt3A_342 = arith.cmpi slt, %scan3A_186, %lt3A : i32
        %convert_element_type3A_343 = arith.extui %lt3A_342 : i1 to i32
        %cond3A_344 = arith.constant 0 : i32
        %cond3A_345 = arith.cmpi ne, %convert_element_type3A_343, %cond3A_344 : i32
        scf.if %cond3A_345 {
          %dma_wait3A_346 = arith.constant 0 : i32
          %dma_wait3A_347 = arith.constant 0 : i32
          %dma_wait3A_348 = arith.constant 0 : i32
          %dma_wait3A_349 = arith.constant 0 : i32
          %dma_wait3A_350 = tpu.memref_slice %arg12[%dma_wait3A_346, %dma_wait3A_348, %dma_wait3A_349] : memref<5x40x128xf32, #tpu.memory_space<vmem>> -> memref<1x40x128xf32, #tpu.memory_space<vmem>>
          %dma_wait3A_351 = tpu.memref_squeeze %dma_wait3A_350 : memref<1x40x128xf32, #tpu.memory_space<vmem>> -> memref<40x128xf32, #tpu.memory_space<vmem>>
          %dma_wait3A_352 = arith.constant 0 : i32
          %dma_wait3A_353 = tpu.memref_slice %arg11[%dma_wait3A_347, %dma_wait3A_352] : memref<5x40xi32, #tpu.memory_space<vmem>> -> memref<1x40xi32, #tpu.memory_space<vmem>>
          %dma_wait3A_354 = tpu.memref_squeeze %dma_wait3A_353 : memref<1x40xi32, #tpu.memory_space<vmem>> -> memref<40xi32, #tpu.memory_space<vmem>>
          %dma_wait3A_355 = arith.constant 0 : i32
          %dma_wait3A_356 = arith.constant 0 : i32
          %dma_wait3A_357 = tpu.memref_slice %arg9[%dma_wait3A_355, %dma_wait3A_356] : memref<10240x128xf32, #tpu.memory_space<vmem_shared>> -> memref<10240x128xf32, #tpu.memory_space<vmem_shared>>
          tpu.wait_indirect_dma semaphore(%arg23 : memref<!tpu.dma_semaphore, #tpu.memory_space<semaphore_mem>>) src(%dma_wait3A_351 : memref<40x128xf32, #tpu.memory_space<vmem>>) dst(%dma_wait3A_357 : memref<10240x128xf32, #tpu.memory_space<vmem_shared>>)
          %add3A_358 = arith.constant 1 : i32
          %add3A_359 = arith.addi %scan3A_186, %add3A_358 : i32
          %mul3A_360 = arith.constant 5 : i32
          %mul3A_361 = arith.muli %add3A_359, %mul3A_360 : i32
          %add3A_362 = arith.constant 0 : i32
          %add3A_363 = arith.addi %mul3A_361, %add3A_362 : i32
          %mul3A_364 = arith.constant 40 : i32
          %mul3A_365 = arith.muli %add3A_363, %mul3A_364 : i32
          %dma_start3A_366 = arith.constant 0 : i32
          %dma_start3A_367 = arith.constant 0 : i32
          %dma_start3A_368 = arith.constant 0 : i32
          %dma_start3A_369 = tpu.memref_slice %arg12[%dma_start3A_366, %dma_start3A_367, %dma_start3A_368] : memref<5x40x128xf32, #tpu.memory_space<vmem>> -> memref<1x40x128xf32, #tpu.memory_space<vmem>>
          %dma_start3A_370 = tpu.memref_squeeze %dma_start3A_369 : memref<1x40x128xf32, #tpu.memory_space<vmem>> -> memref<40x128xf32, #tpu.memory_space<vmem>>
          %dma_start3A_371 = tpu.memref_slice %arg10[%mul3A_365] : memref<10000xi32, #tpu.memory_space<vmem>> -> memref<40xi32, #tpu.memory_space<vmem>>
          %dma_start3A_372 = arith.constant 0 : i32
          %dma_start3A_373 = arith.constant 0 : i32
          %dma_start3A_374 = tpu.memref_slice %arg2[%dma_start3A_372, %dma_start3A_373] : memref<10240x128xf32, #tpu.memory_space<hbm>> -> memref<10240x128xf32, #tpu.memory_space<hbm>>
          tpu.enqueue_indirect_dma source(%dma_start3A_374 : memref<10240x128xf32, #tpu.memory_space<hbm>>) target(%dma_start3A_370 : memref<40x128xf32, #tpu.memory_space<vmem>>) offsets(%dma_start3A_371 : memref<40xi32, #tpu.memory_space<vmem>>) semaphore(%arg13 : memref<!tpu.dma_semaphore, #tpu.memory_space<semaphore_mem>>)
          %mul3A_375 = arith.constant 40 : i32
          %mul3A_376 = arith.muli %add3A_363, %mul3A_375 : i32
          %add3A_377 = arith.addi %mul3A_13, %mul3A_376 : i32
          %dma_start3A_378 = arith.constant 0 : i32
          %dma_start3A_379 = arith.constant 0 : i32
          %dma_start3A_380 = tpu.memref_slice %arg11[%dma_start3A_378, %dma_start3A_379] : memref<5x40xi32, #tpu.memory_space<vmem>> -> memref<1x40xi32, #tpu.memory_space<vmem>>
          %dma_start3A_381 = tpu.memref_squeeze %dma_start3A_380 : memref<1x40xi32, #tpu.memory_space<vmem>> -> memref<40xi32, #tpu.memory_space<vmem>>
          %dma_start3A_382 = tpu.memref_slice %arg5[%add3A_377] : memref<160000xi32, #tpu.memory_space<hbm>> -> memref<40xi32, #tpu.memory_space<hbm>>
          %dma_start3A_383 = arith.constant 0 : i32
          %dma_start3A_384 = tpu.memref_slice %arg11[%dma_start3A_378, %dma_start3A_383] : memref<5x40xi32, #tpu.memory_space<vmem>> -> memref<1x40xi32, #tpu.memory_space<vmem>>
          %dma_start3A_385 = tpu.memref_squeeze %dma_start3A_384 : memref<1x40xi32, #tpu.memory_space<vmem>> -> memref<40xi32, #tpu.memory_space<vmem>>
          %dma_start3A_386 = tpu.memref_slice %arg5[%add3A_377] : memref<160000xi32, #tpu.memory_space<hbm>> -> memref<40xi32, #tpu.memory_space<hbm>>
          tpu.enqueue_dma source(%dma_start3A_386 : memref<40xi32, #tpu.memory_space<hbm>>) target(%dma_start3A_385 : memref<40xi32, #tpu.memory_space<vmem>>) target_semaphore(%arg18 : memref<!tpu.dma_semaphore, #tpu.memory_space<semaphore_mem>>)
          %dma_wait3A_387 = arith.constant 1 : i32
          %dma_wait3A_388 = arith.constant 0 : i32
          %dma_wait3A_389 = arith.constant 0 : i32
          %dma_wait3A_390 = arith.constant 0 : i32
          %dma_wait3A_391 = tpu.memref_slice %arg12[%dma_wait3A_387, %dma_wait3A_389, %dma_wait3A_390] : memref<5x40x128xf32, #tpu.memory_space<vmem>> -> memref<1x40x128xf32, #tpu.memory_space<vmem>>
          %dma_wait3A_392 = tpu.memref_squeeze %dma_wait3A_391 : memref<1x40x128xf32, #tpu.memory_space<vmem>> -> memref<40x128xf32, #tpu.memory_space<vmem>>
          %dma_wait3A_393 = arith.constant 0 : i32
          %dma_wait3A_394 = tpu.memref_slice %arg11[%dma_wait3A_388, %dma_wait3A_393] : memref<5x40xi32, #tpu.memory_space<vmem>> -> memref<1x40xi32, #tpu.memory_space<vmem>>
          %dma_wait3A_395 = tpu.memref_squeeze %dma_wait3A_394 : memref<1x40xi32, #tpu.memory_space<vmem>> -> memref<40xi32, #tpu.memory_space<vmem>>
          %dma_wait3A_396 = arith.constant 0 : i32
          %dma_wait3A_397 = arith.constant 0 : i32
          %dma_wait3A_398 = tpu.memref_slice %arg9[%dma_wait3A_396, %dma_wait3A_397] : memref<10240x128xf32, #tpu.memory_space<vmem_shared>> -> memref<10240x128xf32, #tpu.memory_space<vmem_shared>>
          tpu.wait_indirect_dma semaphore(%arg24 : memref<!tpu.dma_semaphore, #tpu.memory_space<semaphore_mem>>) src(%dma_wait3A_392 : memref<40x128xf32, #tpu.memory_space<vmem>>) dst(%dma_wait3A_398 : memref<10240x128xf32, #tpu.memory_space<vmem_shared>>)
          %add3A_399 = arith.constant 1 : i32
          %add3A_400 = arith.addi %scan3A_186, %add3A_399 : i32
          %mul3A_401 = arith.constant 5 : i32
          %mul3A_402 = arith.muli %add3A_400, %mul3A_401 : i32
          %add3A_403 = arith.constant 1 : i32
          %add3A_404 = arith.addi %mul3A_402, %add3A_403 : i32
          %mul3A_405 = arith.constant 40 : i32
          %mul3A_406 = arith.muli %add3A_404, %mul3A_405 : i32
          %dma_start3A_407 = arith.constant 1 : i32
          %dma_start3A_408 = arith.constant 0 : i32
          %dma_start3A_409 = arith.constant 0 : i32
          %dma_start3A_410 = tpu.memref_slice %arg12[%dma_start3A_407, %dma_start3A_408, %dma_start3A_409] : memref<5x40x128xf32, #tpu.memory_space<vmem>> -> memref<1x40x128xf32, #tpu.memory_space<vmem>>
          %dma_start3A_411 = tpu.memref_squeeze %dma_start3A_410 : memref<1x40x128xf32, #tpu.memory_space<vmem>> -> memref<40x128xf32, #tpu.memory_space<vmem>>
          %dma_start3A_412 = tpu.memref_slice %arg10[%mul3A_406] : memref<10000xi32, #tpu.memory_space<vmem>> -> memref<40xi32, #tpu.memory_space<vmem>>
          %dma_start3A_413 = arith.constant 0 : i32
          %dma_start3A_414 = arith.constant 0 : i32
          %dma_start3A_415 = tpu.memref_slice %arg2[%dma_start3A_413, %dma_start3A_414] : memref<10240x128xf32, #tpu.memory_space<hbm>> -> memref<10240x128xf32, #tpu.memory_space<hbm>>
          tpu.enqueue_indirect_dma source(%dma_start3A_415 : memref<10240x128xf32, #tpu.memory_space<hbm>>) target(%dma_start3A_411 : memref<40x128xf32, #tpu.memory_space<vmem>>) offsets(%dma_start3A_412 : memref<40xi32, #tpu.memory_space<vmem>>) semaphore(%arg14 : memref<!tpu.dma_semaphore, #tpu.memory_space<semaphore_mem>>)
          %mul3A_416 = arith.constant 40 : i32
          %mul3A_417 = arith.muli %add3A_404, %mul3A_416 : i32
          %add3A_418 = arith.addi %mul3A_13, %mul3A_417 : i32
          %dma_start3A_419 = arith.constant 1 : i32
          %dma_start3A_420 = arith.constant 0 : i32
          %dma_start3A_421 = tpu.memref_slice %arg11[%dma_start3A_419, %dma_start3A_420] : memref<5x40xi32, #tpu.memory_space<vmem>> -> memref<1x40xi32, #tpu.memory_space<vmem>>
          %dma_start3A_422 = tpu.memref_squeeze %dma_start3A_421 : memref<1x40xi32, #tpu.memory_space<vmem>> -> memref<40xi32, #tpu.memory_space<vmem>>
          %dma_start3A_423 = tpu.memref_slice %arg5[%add3A_418] : memref<160000xi32, #tpu.memory_space<hbm>> -> memref<40xi32, #tpu.memory_space<hbm>>
          %dma_start3A_424 = arith.constant 0 : i32
          %dma_start3A_425 = tpu.memref_slice %arg11[%dma_start3A_419, %dma_start3A_424] : memref<5x40xi32, #tpu.memory_space<vmem>> -> memref<1x40xi32, #tpu.memory_space<vmem>>
          %dma_start3A_426 = tpu.memref_squeeze %dma_start3A_425 : memref<1x40xi32, #tpu.memory_space<vmem>> -> memref<40xi32, #tpu.memory_space<vmem>>
          %dma_start3A_427 = tpu.memref_slice %arg5[%add3A_418] : memref<160000xi32, #tpu.memory_space<hbm>> -> memref<40xi32, #tpu.memory_space<hbm>>
          tpu.enqueue_dma source(%dma_start3A_427 : memref<40xi32, #tpu.memory_space<hbm>>) target(%dma_start3A_426 : memref<40xi32, #tpu.memory_space<vmem>>) target_semaphore(%arg19 : memref<!tpu.dma_semaphore, #tpu.memory_space<semaphore_mem>>)
          %dma_wait3A_428 = arith.constant 2 : i32
          %dma_wait3A_429 = arith.constant 0 : i32
          %dma_wait3A_430 = arith.constant 0 : i32
          %dma_wait3A_431 = arith.constant 0 : i32
          %dma_wait3A_432 = tpu.memref_slice %arg12[%dma_wait3A_428, %dma_wait3A_430, %dma_wait3A_431] : memref<5x40x128xf32, #tpu.memory_space<vmem>> -> memref<1x40x128xf32, #tpu.memory_space<vmem>>
          %dma_wait3A_433 = tpu.memref_squeeze %dma_wait3A_432 : memref<1x40x128xf32, #tpu.memory_space<vmem>> -> memref<40x128xf32, #tpu.memory_space<vmem>>
          %dma_wait3A_434 = arith.constant 0 : i32
          %dma_wait3A_435 = tpu.memref_slice %arg11[%dma_wait3A_429, %dma_wait3A_434] : memref<5x40xi32, #tpu.memory_space<vmem>> -> memref<1x40xi32, #tpu.memory_space<vmem>>
          %dma_wait3A_436 = tpu.memref_squeeze %dma_wait3A_435 : memref<1x40xi32, #tpu.memory_space<vmem>> -> memref<40xi32, #tpu.memory_space<vmem>>
          %dma_wait3A_437 = arith.constant 0 : i32
          %dma_wait3A_438 = arith.constant 0 : i32
          %dma_wait3A_439 = tpu.memref_slice %arg9[%dma_wait3A_437, %dma_wait3A_438] : memref<10240x128xf32, #tpu.memory_space<vmem_shared>> -> memref<10240x128xf32, #tpu.memory_space<vmem_shared>>
          tpu.wait_indirect_dma semaphore(%arg25 : memref<!tpu.dma_semaphore, #tpu.memory_space<semaphore_mem>>) src(%dma_wait3A_433 : memref<40x128xf32, #tpu.memory_space<vmem>>) dst(%dma_wait3A_439 : memref<10240x128xf32, #tpu.memory_space<vmem_shared>>)
          %add3A_440 = arith.constant 1 : i32
          %add3A_441 = arith.addi %scan3A_186, %add3A_440 : i32
          %mul3A_442 = arith.constant 5 : i32
          %mul3A_443 = arith.muli %add3A_441, %mul3A_442 : i32
          %add3A_444 = arith.constant 2 : i32
          %add3A_445 = arith.addi %mul3A_443, %add3A_444 : i32
          %mul3A_446 = arith.constant 40 : i32
          %mul3A_447 = arith.muli %add3A_445, %mul3A_446 : i32
          %dma_start3A_448 = arith.constant 2 : i32
          %dma_start3A_449 = arith.constant 0 : i32
          %dma_start3A_450 = arith.constant 0 : i32
          %dma_start3A_451 = tpu.memref_slice %arg12[%dma_start3A_448, %dma_start3A_449, %dma_start3A_450] : memref<5x40x128xf32, #tpu.memory_space<vmem>> -> memref<1x40x128xf32, #tpu.memory_space<vmem>>
          %dma_start3A_452 = tpu.memref_squeeze %dma_start3A_451 : memref<1x40x128xf32, #tpu.memory_space<vmem>> -> memref<40x128xf32, #tpu.memory_space<vmem>>
          %dma_start3A_453 = tpu.memref_slice %arg10[%mul3A_447] : memref<10000xi32, #tpu.memory_space<vmem>> -> memref<40xi32, #tpu.memory_space<vmem>>
          %dma_start3A_454 = arith.constant 0 : i32
          %dma_start3A_455 = arith.constant 0 : i32
          %dma_start3A_456 = tpu.memref_slice %arg2[%dma_start3A_454, %dma_start3A_455] : memref<10240x128xf32, #tpu.memory_space<hbm>> -> memref<10240x128xf32, #tpu.memory_space<hbm>>
          tpu.enqueue_indirect_dma source(%dma_start3A_456 : memref<10240x128xf32, #tpu.memory_space<hbm>>) target(%dma_start3A_452 : memref<40x128xf32, #tpu.memory_space<vmem>>) offsets(%dma_start3A_453 : memref<40xi32, #tpu.memory_space<vmem>>) semaphore(%arg15 : memref<!tpu.dma_semaphore, #tpu.memory_space<semaphore_mem>>)
          %mul3A_457 = arith.constant 40 : i32
          %mul3A_458 = arith.muli %add3A_445, %mul3A_457 : i32
          %add3A_459 = arith.addi %mul3A_13, %mul3A_458 : i32
          %dma_start3A_460 = arith.constant 2 : i32
          %dma_start3A_461 = arith.constant 0 : i32
          %dma_start3A_462 = tpu.memref_slice %arg11[%dma_start3A_460, %dma_start3A_461] : memref<5x40xi32, #tpu.memory_space<vmem>> -> memref<1x40xi32, #tpu.memory_space<vmem>>
          %dma_start3A_463 = tpu.memref_squeeze %dma_start3A_462 : memref<1x40xi32, #tpu.memory_space<vmem>> -> memref<40xi32, #tpu.memory_space<vmem>>
          %dma_start3A_464 = tpu.memref_slice %arg5[%add3A_459] : memref<160000xi32, #tpu.memory_space<hbm>> -> memref<40xi32, #tpu.memory_space<hbm>>
          %dma_start3A_465 = arith.constant 0 : i32
          %dma_start3A_466 = tpu.memref_slice %arg11[%dma_start3A_460, %dma_start3A_465] : memref<5x40xi32, #tpu.memory_space<vmem>> -> memref<1x40xi32, #tpu.memory_space<vmem>>
          %dma_start3A_467 = tpu.memref_squeeze %dma_start3A_466 : memref<1x40xi32, #tpu.memory_space<vmem>> -> memref<40xi32, #tpu.memory_space<vmem>>
          %dma_start3A_468 = tpu.memref_slice %arg5[%add3A_459] : memref<160000xi32, #tpu.memory_space<hbm>> -> memref<40xi32, #tpu.memory_space<hbm>>
          tpu.enqueue_dma source(%dma_start3A_468 : memref<40xi32, #tpu.memory_space<hbm>>) target(%dma_start3A_467 : memref<40xi32, #tpu.memory_space<vmem>>) target_semaphore(%arg20 : memref<!tpu.dma_semaphore, #tpu.memory_space<semaphore_mem>>)
          %dma_wait3A_469 = arith.constant 3 : i32
          %dma_wait3A_470 = arith.constant 0 : i32
          %dma_wait3A_471 = arith.constant 0 : i32
          %dma_wait3A_472 = arith.constant 0 : i32
          %dma_wait3A_473 = tpu.memref_slice %arg12[%dma_wait3A_469, %dma_wait3A_471, %dma_wait3A_472] : memref<5x40x128xf32, #tpu.memory_space<vmem>> -> memref<1x40x128xf32, #tpu.memory_space<vmem>>
          %dma_wait3A_474 = tpu.memref_squeeze %dma_wait3A_473 : memref<1x40x128xf32, #tpu.memory_space<vmem>> -> memref<40x128xf32, #tpu.memory_space<vmem>>
          %dma_wait3A_475 = arith.constant 0 : i32
          %dma_wait3A_476 = tpu.memref_slice %arg11[%dma_wait3A_470, %dma_wait3A_475] : memref<5x40xi32, #tpu.memory_space<vmem>> -> memref<1x40xi32, #tpu.memory_space<vmem>>
          %dma_wait3A_477 = tpu.memref_squeeze %dma_wait3A_476 : memref<1x40xi32, #tpu.memory_space<vmem>> -> memref<40xi32, #tpu.memory_space<vmem>>
          %dma_wait3A_478 = arith.constant 0 : i32
          %dma_wait3A_479 = arith.constant 0 : i32
          %dma_wait3A_480 = tpu.memref_slice %arg9[%dma_wait3A_478, %dma_wait3A_479] : memref<10240x128xf32, #tpu.memory_space<vmem_shared>> -> memref<10240x128xf32, #tpu.memory_space<vmem_shared>>
          tpu.wait_indirect_dma semaphore(%arg26 : memref<!tpu.dma_semaphore, #tpu.memory_space<semaphore_mem>>) src(%dma_wait3A_474 : memref<40x128xf32, #tpu.memory_space<vmem>>) dst(%dma_wait3A_480 : memref<10240x128xf32, #tpu.memory_space<vmem_shared>>)
          %add3A_481 = arith.constant 1 : i32
          %add3A_482 = arith.addi %scan3A_186, %add3A_481 : i32
          %mul3A_483 = arith.constant 5 : i32
          %mul3A_484 = arith.muli %add3A_482, %mul3A_483 : i32
          %add3A_485 = arith.constant 3 : i32
          %add3A_486 = arith.addi %mul3A_484, %add3A_485 : i32
          %mul3A_487 = arith.constant 40 : i32
          %mul3A_488 = arith.muli %add3A_486, %mul3A_487 : i32
          %dma_start3A_489 = arith.constant 3 : i32
          %dma_start3A_490 = arith.constant 0 : i32
          %dma_start3A_491 = arith.constant 0 : i32
          %dma_start3A_492 = tpu.memref_slice %arg12[%dma_start3A_489, %dma_start3A_490, %dma_start3A_491] : memref<5x40x128xf32, #tpu.memory_space<vmem>> -> memref<1x40x128xf32, #tpu.memory_space<vmem>>
          %dma_start3A_493 = tpu.memref_squeeze %dma_start3A_492 : memref<1x40x128xf32, #tpu.memory_space<vmem>> -> memref<40x128xf32, #tpu.memory_space<vmem>>
          %dma_start3A_494 = tpu.memref_slice %arg10[%mul3A_488] : memref<10000xi32, #tpu.memory_space<vmem>> -> memref<40xi32, #tpu.memory_space<vmem>>
          %dma_start3A_495 = arith.constant 0 : i32
          %dma_start3A_496 = arith.constant 0 : i32
          %dma_start3A_497 = tpu.memref_slice %arg2[%dma_start3A_495, %dma_start3A_496] : memref<10240x128xf32, #tpu.memory_space<hbm>> -> memref<10240x128xf32, #tpu.memory_space<hbm>>
          tpu.enqueue_indirect_dma source(%dma_start3A_497 : memref<10240x128xf32, #tpu.memory_space<hbm>>) target(%dma_start3A_493 : memref<40x128xf32, #tpu.memory_space<vmem>>) offsets(%dma_start3A_494 : memref<40xi32, #tpu.memory_space<vmem>>) semaphore(%arg16 : memref<!tpu.dma_semaphore, #tpu.memory_space<semaphore_mem>>)
          %mul3A_498 = arith.constant 40 : i32
          %mul3A_499 = arith.muli %add3A_486, %mul3A_498 : i32
          %add3A_500 = arith.addi %mul3A_13, %mul3A_499 : i32
          %dma_start3A_501 = arith.constant 3 : i32
          %dma_start3A_502 = arith.constant 0 : i32
          %dma_start3A_503 = tpu.memref_slice %arg11[%dma_start3A_501, %dma_start3A_502] : memref<5x40xi32, #tpu.memory_space<vmem>> -> memref<1x40xi32, #tpu.memory_space<vmem>>
          %dma_start3A_504 = tpu.memref_squeeze %dma_start3A_503 : memref<1x40xi32, #tpu.memory_space<vmem>> -> memref<40xi32, #tpu.memory_space<vmem>>
          %dma_start3A_505 = tpu.memref_slice %arg5[%add3A_500] : memref<160000xi32, #tpu.memory_space<hbm>> -> memref<40xi32, #tpu.memory_space<hbm>>
          %dma_start3A_506 = arith.constant 0 : i32
          %dma_start3A_507 = tpu.memref_slice %arg11[%dma_start3A_501, %dma_start3A_506] : memref<5x40xi32, #tpu.memory_space<vmem>> -> memref<1x40xi32, #tpu.memory_space<vmem>>
          %dma_start3A_508 = tpu.memref_squeeze %dma_start3A_507 : memref<1x40xi32, #tpu.memory_space<vmem>> -> memref<40xi32, #tpu.memory_space<vmem>>
          %dma_start3A_509 = tpu.memref_slice %arg5[%add3A_500] : memref<160000xi32, #tpu.memory_space<hbm>> -> memref<40xi32, #tpu.memory_space<hbm>>
          tpu.enqueue_dma source(%dma_start3A_509 : memref<40xi32, #tpu.memory_space<hbm>>) target(%dma_start3A_508 : memref<40xi32, #tpu.memory_space<vmem>>) target_semaphore(%arg21 : memref<!tpu.dma_semaphore, #tpu.memory_space<semaphore_mem>>)
          %dma_wait3A_510 = arith.constant 4 : i32
          %dma_wait3A_511 = arith.constant 0 : i32
          %dma_wait3A_512 = arith.constant 0 : i32
          %dma_wait3A_513 = arith.constant 0 : i32
          %dma_wait3A_514 = tpu.memref_slice %arg12[%dma_wait3A_510, %dma_wait3A_512, %dma_wait3A_513] : memref<5x40x128xf32, #tpu.memory_space<vmem>> -> memref<1x40x128xf32, #tpu.memory_space<vmem>>
          %dma_wait3A_515 = tpu.memref_squeeze %dma_wait3A_514 : memref<1x40x128xf32, #tpu.memory_space<vmem>> -> memref<40x128xf32, #tpu.memory_space<vmem>>
          %dma_wait3A_516 = arith.constant 0 : i32
          %dma_wait3A_517 = tpu.memref_slice %arg11[%dma_wait3A_511, %dma_wait3A_516] : memref<5x40xi32, #tpu.memory_space<vmem>> -> memref<1x40xi32, #tpu.memory_space<vmem>>
          %dma_wait3A_518 = tpu.memref_squeeze %dma_wait3A_517 : memref<1x40xi32, #tpu.memory_space<vmem>> -> memref<40xi32, #tpu.memory_space<vmem>>
          %dma_wait3A_519 = arith.constant 0 : i32
          %dma_wait3A_520 = arith.constant 0 : i32
          %dma_wait3A_521 = tpu.memref_slice %arg9[%dma_wait3A_519, %dma_wait3A_520] : memref<10240x128xf32, #tpu.memory_space<vmem_shared>> -> memref<10240x128xf32, #tpu.memory_space<vmem_shared>>
          tpu.wait_indirect_dma semaphore(%arg27 : memref<!tpu.dma_semaphore, #tpu.memory_space<semaphore_mem>>) src(%dma_wait3A_515 : memref<40x128xf32, #tpu.memory_space<vmem>>) dst(%dma_wait3A_521 : memref<10240x128xf32, #tpu.memory_space<vmem_shared>>)
          %add3A_522 = arith.constant 1 : i32
          %add3A_523 = arith.addi %scan3A_186, %add3A_522 : i32
          %mul3A_524 = arith.constant 5 : i32
          %mul3A_525 = arith.muli %add3A_523, %mul3A_524 : i32
          %add3A_526 = arith.constant 4 : i32
          %add3A_527 = arith.addi %mul3A_525, %add3A_526 : i32
          %mul3A_528 = arith.constant 40 : i32
          %mul3A_529 = arith.muli %add3A_527, %mul3A_528 : i32
          %dma_start3A_530 = arith.constant 4 : i32
          %dma_start3A_531 = arith.constant 0 : i32
          %dma_start3A_532 = arith.constant 0 : i32
          %dma_start3A_533 = tpu.memref_slice %arg12[%dma_start3A_530, %dma_start3A_531, %dma_start3A_532] : memref<5x40x128xf32, #tpu.memory_space<vmem>> -> memref<1x40x128xf32, #tpu.memory_space<vmem>>
          %dma_start3A_534 = tpu.memref_squeeze %dma_start3A_533 : memref<1x40x128xf32, #tpu.memory_space<vmem>> -> memref<40x128xf32, #tpu.memory_space<vmem>>
          %dma_start3A_535 = tpu.memref_slice %arg10[%mul3A_529] : memref<10000xi32, #tpu.memory_space<vmem>> -> memref<40xi32, #tpu.memory_space<vmem>>
          %dma_start3A_536 = arith.constant 0 : i32
          %dma_start3A_537 = arith.constant 0 : i32
          %dma_start3A_538 = tpu.memref_slice %arg2[%dma_start3A_536, %dma_start3A_537] : memref<10240x128xf32, #tpu.memory_space<hbm>> -> memref<10240x128xf32, #tpu.memory_space<hbm>>
          tpu.enqueue_indirect_dma source(%dma_start3A_538 : memref<10240x128xf32, #tpu.memory_space<hbm>>) target(%dma_start3A_534 : memref<40x128xf32, #tpu.memory_space<vmem>>) offsets(%dma_start3A_535 : memref<40xi32, #tpu.memory_space<vmem>>) semaphore(%arg17 : memref<!tpu.dma_semaphore, #tpu.memory_space<semaphore_mem>>)
          %mul3A_539 = arith.constant 40 : i32
          %mul3A_540 = arith.muli %add3A_527, %mul3A_539 : i32
          %add3A_541 = arith.addi %mul3A_13, %mul3A_540 : i32
          %dma_start3A_542 = arith.constant 4 : i32
          %dma_start3A_543 = arith.constant 0 : i32
          %dma_start3A_544 = tpu.memref_slice %arg11[%dma_start3A_542, %dma_start3A_543] : memref<5x40xi32, #tpu.memory_space<vmem>> -> memref<1x40xi32, #tpu.memory_space<vmem>>
          %dma_start3A_545 = tpu.memref_squeeze %dma_start3A_544 : memref<1x40xi32, #tpu.memory_space<vmem>> -> memref<40xi32, #tpu.memory_space<vmem>>
          %dma_start3A_546 = tpu.memref_slice %arg5[%add3A_541] : memref<160000xi32, #tpu.memory_space<hbm>> -> memref<40xi32, #tpu.memory_space<hbm>>
          %dma_start3A_547 = arith.constant 0 : i32
          %dma_start3A_548 = tpu.memref_slice %arg11[%dma_start3A_542, %dma_start3A_547] : memref<5x40xi32, #tpu.memory_space<vmem>> -> memref<1x40xi32, #tpu.memory_space<vmem>>
          %dma_start3A_549 = tpu.memref_squeeze %dma_start3A_548 : memref<1x40xi32, #tpu.memory_space<vmem>> -> memref<40xi32, #tpu.memory_space<vmem>>
          %dma_start3A_550 = tpu.memref_slice %arg5[%add3A_541] : memref<160000xi32, #tpu.memory_space<hbm>> -> memref<40xi32, #tpu.memory_space<hbm>>
          tpu.enqueue_dma source(%dma_start3A_550 : memref<40xi32, #tpu.memory_space<hbm>>) target(%dma_start3A_549 : memref<40xi32, #tpu.memory_space<vmem>>) target_semaphore(%arg22 : memref<!tpu.dma_semaphore, #tpu.memory_space<semaphore_mem>>)
        } else {
        }
      }
      %scan3A_121 = arith.constant 50 : i32
      %dma_wait3A = arith.constant 0 : i32
      %dma_wait3A_122 = arith.constant 0 : i32
      %dma_wait3A_123 = arith.constant 0 : i32
      %dma_wait3A_124 = arith.constant 0 : i32
      %dma_wait3A_125 = tpu.memref_slice %arg12[%dma_wait3A, %dma_wait3A_123, %dma_wait3A_124] : memref<5x40x128xf32, #tpu.memory_space<vmem>> -> memref<1x40x128xf32, #tpu.memory_space<vmem>>
      %dma_wait3A_126 = tpu.memref_squeeze %dma_wait3A_125 : memref<1x40x128xf32, #tpu.memory_space<vmem>> -> memref<40x128xf32, #tpu.memory_space<vmem>>
      %dma_wait3A_127 = arith.constant 0 : i32
      %dma_wait3A_128 = tpu.memref_slice %arg11[%dma_wait3A_122, %dma_wait3A_127] : memref<5x40xi32, #tpu.memory_space<vmem>> -> memref<1x40xi32, #tpu.memory_space<vmem>>
      %dma_wait3A_129 = tpu.memref_squeeze %dma_wait3A_128 : memref<1x40xi32, #tpu.memory_space<vmem>> -> memref<40xi32, #tpu.memory_space<vmem>>
      %dma_wait3A_130 = arith.constant 0 : i32
      %dma_wait3A_131 = arith.constant 0 : i32
      %dma_wait3A_132 = tpu.memref_slice %arg9[%dma_wait3A_130, %dma_wait3A_131] : memref<10240x128xf32, #tpu.memory_space<vmem_shared>> -> memref<10240x128xf32, #tpu.memory_space<vmem_shared>>
      tpu.wait_indirect_dma semaphore(%arg23 : memref<!tpu.dma_semaphore, #tpu.memory_space<semaphore_mem>>) src(%dma_wait3A_126 : memref<40x128xf32, #tpu.memory_space<vmem>>) dst(%dma_wait3A_132 : memref<10240x128xf32, #tpu.memory_space<vmem_shared>>)
      %dma_wait3A_133 = arith.constant 1 : i32
      %dma_wait3A_134 = arith.constant 0 : i32
      %dma_wait3A_135 = arith.constant 0 : i32
      %dma_wait3A_136 = arith.constant 0 : i32
      %dma_wait3A_137 = tpu.memref_slice %arg12[%dma_wait3A_133, %dma_wait3A_135, %dma_wait3A_136] : memref<5x40x128xf32, #tpu.memory_space<vmem>> -> memref<1x40x128xf32, #tpu.memory_space<vmem>>
      %dma_wait3A_138 = tpu.memref_squeeze %dma_wait3A_137 : memref<1x40x128xf32, #tpu.memory_space<vmem>> -> memref<40x128xf32, #tpu.memory_space<vmem>>
      %dma_wait3A_139 = arith.constant 0 : i32
      %dma_wait3A_140 = tpu.memref_slice %arg11[%dma_wait3A_134, %dma_wait3A_139] : memref<5x40xi32, #tpu.memory_space<vmem>> -> memref<1x40xi32, #tpu.memory_space<vmem>>
      %dma_wait3A_141 = tpu.memref_squeeze %dma_wait3A_140 : memref<1x40xi32, #tpu.memory_space<vmem>> -> memref<40xi32, #tpu.memory_space<vmem>>
      %dma_wait3A_142 = arith.constant 0 : i32
      %dma_wait3A_143 = arith.constant 0 : i32
      %dma_wait3A_144 = tpu.memref_slice %arg9[%dma_wait3A_142, %dma_wait3A_143] : memref<10240x128xf32, #tpu.memory_space<vmem_shared>> -> memref<10240x128xf32, #tpu.memory_space<vmem_shared>>
      tpu.wait_indirect_dma semaphore(%arg24 : memref<!tpu.dma_semaphore, #tpu.memory_space<semaphore_mem>>) src(%dma_wait3A_138 : memref<40x128xf32, #tpu.memory_space<vmem>>) dst(%dma_wait3A_144 : memref<10240x128xf32, #tpu.memory_space<vmem_shared>>)
      %dma_wait3A_145 = arith.constant 2 : i32
      %dma_wait3A_146 = arith.constant 0 : i32
      %dma_wait3A_147 = arith.constant 0 : i32
      %dma_wait3A_148 = arith.constant 0 : i32
      %dma_wait3A_149 = tpu.memref_slice %arg12[%dma_wait3A_145, %dma_wait3A_147, %dma_wait3A_148] : memref<5x40x128xf32, #tpu.memory_space<vmem>> -> memref<1x40x128xf32, #tpu.memory_space<vmem>>
      %dma_wait3A_150 = tpu.memref_squeeze %dma_wait3A_149 : memref<1x40x128xf32, #tpu.memory_space<vmem>> -> memref<40x128xf32, #tpu.memory_space<vmem>>
      %dma_wait3A_151 = arith.constant 0 : i32
      %dma_wait3A_152 = tpu.memref_slice %arg11[%dma_wait3A_146, %dma_wait3A_151] : memref<5x40xi32, #tpu.memory_space<vmem>> -> memref<1x40xi32, #tpu.memory_space<vmem>>
      %dma_wait3A_153 = tpu.memref_squeeze %dma_wait3A_152 : memref<1x40xi32, #tpu.memory_space<vmem>> -> memref<40xi32, #tpu.memory_space<vmem>>
      %dma_wait3A_154 = arith.constant 0 : i32
      %dma_wait3A_155 = arith.constant 0 : i32
      %dma_wait3A_156 = tpu.memref_slice %arg9[%dma_wait3A_154, %dma_wait3A_155] : memref<10240x128xf32, #tpu.memory_space<vmem_shared>> -> memref<10240x128xf32, #tpu.memory_space<vmem_shared>>
      tpu.wait_indirect_dma semaphore(%arg25 : memref<!tpu.dma_semaphore, #tpu.memory_space<semaphore_mem>>) src(%dma_wait3A_150 : memref<40x128xf32, #tpu.memory_space<vmem>>) dst(%dma_wait3A_156 : memref<10240x128xf32, #tpu.memory_space<vmem_shared>>)
      %dma_wait3A_157 = arith.constant 3 : i32
      %dma_wait3A_158 = arith.constant 0 : i32
      %dma_wait3A_159 = arith.constant 0 : i32
      %dma_wait3A_160 = arith.constant 0 : i32
      %dma_wait3A_161 = tpu.memref_slice %arg12[%dma_wait3A_157, %dma_wait3A_159, %dma_wait3A_160] : memref<5x40x128xf32, #tpu.memory_space<vmem>> -> memref<1x40x128xf32, #tpu.memory_space<vmem>>
      %dma_wait3A_162 = tpu.memref_squeeze %dma_wait3A_161 : memref<1x40x128xf32, #tpu.memory_space<vmem>> -> memref<40x128xf32, #tpu.memory_space<vmem>>
      %dma_wait3A_163 = arith.constant 0 : i32
      %dma_wait3A_164 = tpu.memref_slice %arg11[%dma_wait3A_158, %dma_wait3A_163] : memref<5x40xi32, #tpu.memory_space<vmem>> -> memref<1x40xi32, #tpu.memory_space<vmem>>
      %dma_wait3A_165 = tpu.memref_squeeze %dma_wait3A_164 : memref<1x40xi32, #tpu.memory_space<vmem>> -> memref<40xi32, #tpu.memory_space<vmem>>
      %dma_wait3A_166 = arith.constant 0 : i32
      %dma_wait3A_167 = arith.constant 0 : i32
      %dma_wait3A_168 = tpu.memref_slice %arg9[%dma_wait3A_166, %dma_wait3A_167] : memref<10240x128xf32, #tpu.memory_space<vmem_shared>> -> memref<10240x128xf32, #tpu.memory_space<vmem_shared>>
      tpu.wait_indirect_dma semaphore(%arg26 : memref<!tpu.dma_semaphore, #tpu.memory_space<semaphore_mem>>) src(%dma_wait3A_162 : memref<40x128xf32, #tpu.memory_space<vmem>>) dst(%dma_wait3A_168 : memref<10240x128xf32, #tpu.memory_space<vmem_shared>>)
      %dma_wait3A_169 = arith.constant 4 : i32
      %dma_wait3A_170 = arith.constant 0 : i32
      %dma_wait3A_171 = arith.constant 0 : i32
      %dma_wait3A_172 = arith.constant 0 : i32
      %dma_wait3A_173 = tpu.memref_slice %arg12[%dma_wait3A_169, %dma_wait3A_171, %dma_wait3A_172] : memref<5x40x128xf32, #tpu.memory_space<vmem>> -> memref<1x40x128xf32, #tpu.memory_space<vmem>>
      %dma_wait3A_174 = tpu.memref_squeeze %dma_wait3A_173 : memref<1x40x128xf32, #tpu.memory_space<vmem>> -> memref<40x128xf32, #tpu.memory_space<vmem>>
      %dma_wait3A_175 = arith.constant 0 : i32
      %dma_wait3A_176 = tpu.memref_slice %arg11[%dma_wait3A_170, %dma_wait3A_175] : memref<5x40xi32, #tpu.memory_space<vmem>> -> memref<1x40xi32, #tpu.memory_space<vmem>>
      %dma_wait3A_177 = tpu.memref_squeeze %dma_wait3A_176 : memref<1x40xi32, #tpu.memory_space<vmem>> -> memref<40xi32, #tpu.memory_space<vmem>>
      %dma_wait3A_178 = arith.constant 0 : i32
      %dma_wait3A_179 = arith.constant 0 : i32
      %dma_wait3A_180 = tpu.memref_slice %arg9[%dma_wait3A_178, %dma_wait3A_179] : memref<10240x128xf32, #tpu.memory_space<vmem_shared>> -> memref<10240x128xf32, #tpu.memory_space<vmem_shared>>
      tpu.wait_indirect_dma semaphore(%arg27 : memref<!tpu.dma_semaphore, #tpu.memory_space<semaphore_mem>>) src(%dma_wait3A_174 : memref<40x128xf32, #tpu.memory_space<vmem>>) dst(%dma_wait3A_180 : memref<10240x128xf32, #tpu.memory_space<vmem_shared>>)
      %barrier3A_181 = arith.constant 0 : index
      tpu.barrier barrier_id(%barrier3A_181)
      %mul3A_182 = arith.constant 640 : i32
      %mul3A_183 = arith.muli %arg1, %mul3A_182 : i32
      %mul3A_184 = arith.constant 640 : i32
      %mul3A_185 = arith.muli %arg1, %mul3A_184 : i32
      "tpu.region"() ({
        %run_scoped3A = tpu.sem_alloc : memref<!tpu.dma_semaphore, #tpu.memory_space<semaphore_mem>>
        %dma_start3A_186 = arith.constant 0 : i32
        %dma_start3A_187 = tpu.memref_slice %arg7[%mul3A_185, %dma_start3A_186] : memref<10240x128xf32, #tpu.memory_space<hbm>> -> memref<640x128xf32, #tpu.memory_space<hbm>>
        %dma_start3A_188 = arith.constant 0 : i32
        %dma_start3A_189 = tpu.memref_slice %arg9[%mul3A_183, %dma_start3A_188] : memref<10240x128xf32, #tpu.memory_space<vmem_shared>> -> memref<640x128xf32, #tpu.memory_space<vmem_shared>>
        tpu.enqueue_dma source(%dma_start3A_189 : memref<640x128xf32, #tpu.memory_space<vmem_shared>>) target(%dma_start3A_187 : memref<640x128xf32, #tpu.memory_space<hbm>>) target_semaphore(%run_scoped3A : memref<!tpu.dma_semaphore, #tpu.memory_space<semaphore_mem>>)
        %dma_wait3A_190 = arith.constant 0 : i32
        %dma_wait3A_191 = tpu.memref_slice %arg7[%mul3A_185, %dma_wait3A_190] : memref<10240x128xf32, #tpu.memory_space<hbm>> -> memref<640x128xf32, #tpu.memory_space<hbm>>
        %dma_wait3A_192 = arith.constant 0 : i32
        %dma_wait3A_193 = tpu.memref_slice %arg9[%mul3A_183, %dma_wait3A_192] : memref<10240x128xf32, #tpu.memory_space<vmem_shared>> -> memref<640x128xf32, #tpu.memory_space<vmem_shared>>
        tpu.wait_dma2 semaphore(%run_scoped3A : memref<!tpu.dma_semaphore, #tpu.memory_space<semaphore_mem>>) src(%dma_wait3A_193 : memref<640x128xf32, #tpu.memory_space<vmem_shared>>) dst(%dma_wait3A_191 : memref<640x128xf32, #tpu.memory_space<hbm>>)
        tpu.yield
      }) : () -> ()
    } else {
    }
    %eq3A_7 = arith.constant 1 : i32
    %eq3A_8 = arith.cmpi eq, %arg0, %eq3A_7 : i32
    %convert_element_type3A_9 = arith.extui %eq3A_8 : i1 to i32
    %cond3A_10 = arith.constant 0 : i32
    %cond3A_11 = arith.cmpi ne, %convert_element_type3A_9, %cond3A_10 : i32
    scf.if %cond3A_11 {
      %mul3A_12 = arith.constant 10000 : i32
      %mul3A_13 = arith.muli %arg1, %mul3A_12 : i32
      %dma_start3A = arith.constant 0 : i32
      %dma_start3A_14 = arith.constant 0 : i32
      %dma_start3A_15 = arith.constant 0 : i32
      %dma_start3A_16 = tpu.memref_slice %arg12[%dma_start3A, %dma_start3A_14, %dma_start3A_15] : memref<5x40x128xf32, #tpu.memory_space<vmem>> -> memref<1x40x128xf32, #tpu.memory_space<vmem>>
      %dma_start3A_17 = tpu.memref_squeeze %dma_start3A_16 : memref<1x40x128xf32, #tpu.memory_space<vmem>> -> memref<40x128xf32, #tpu.memory_space<vmem>>
      %dma_start3A_18 = arith.constant 0 : i32
      %dma_start3A_19 = tpu.memref_slice %arg10[%dma_start3A_18] : memref<10000xi32, #tpu.memory_space<vmem>> -> memref<40xi32, #tpu.memory_space<vmem>>
      %dma_start3A_20 = arith.constant 0 : i32
      %dma_start3A_21 = arith.constant 0 : i32
      %dma_start3A_22 = tpu.memref_slice %arg3[%dma_start3A_20, %dma_start3A_21] : memref<10240x128xf32, #tpu.memory_space<hbm>> -> memref<10240x128xf32, #tpu.memory_space<hbm>>
      tpu.enqueue_indirect_dma source(%dma_start3A_22 : memref<10240x128xf32, #tpu.memory_space<hbm>>) target(%dma_start3A_17 : memref<40x128xf32, #tpu.memory_space<vmem>>) offsets(%dma_start3A_19 : memref<40xi32, #tpu.memory_space<vmem>>) semaphore(%arg13 : memref<!tpu.dma_semaphore, #tpu.memory_space<semaphore_mem>>)
      %add3A = arith.constant 0 : i32
      %add3A_23 = arith.addi %mul3A_13, %add3A : i32
      %dma_start3A_24 = arith.constant 0 : i32
      %dma_start3A_25 = arith.constant 0 : i32
      %dma_start3A_26 = tpu.memref_slice %arg11[%dma_start3A_24, %dma_start3A_25] : memref<5x40xi32, #tpu.memory_space<vmem>> -> memref<1x40xi32, #tpu.memory_space<vmem>>
      %dma_start3A_27 = tpu.memref_squeeze %dma_start3A_26 : memref<1x40xi32, #tpu.memory_space<vmem>> -> memref<40xi32, #tpu.memory_space<vmem>>
      %dma_start3A_28 = tpu.memref_slice %arg5[%add3A_23] : memref<160000xi32, #tpu.memory_space<hbm>> -> memref<40xi32, #tpu.memory_space<hbm>>
      %dma_start3A_29 = arith.constant 0 : i32
      %dma_start3A_30 = tpu.memref_slice %arg11[%dma_start3A_24, %dma_start3A_29] : memref<5x40xi32, #tpu.memory_space<vmem>> -> memref<1x40xi32, #tpu.memory_space<vmem>>
      %dma_start3A_31 = tpu.memref_squeeze %dma_start3A_30 : memref<1x40xi32, #tpu.memory_space<vmem>> -> memref<40xi32, #tpu.memory_space<vmem>>
      %dma_start3A_32 = tpu.memref_slice %arg5[%add3A_23] : memref<160000xi32, #tpu.memory_space<hbm>> -> memref<40xi32, #tpu.memory_space<hbm>>
      tpu.enqueue_dma source(%dma_start3A_32 : memref<40xi32, #tpu.memory_space<hbm>>) target(%dma_start3A_31 : memref<40xi32, #tpu.memory_space<vmem>>) target_semaphore(%arg18 : memref<!tpu.dma_semaphore, #tpu.memory_space<semaphore_mem>>)
      %dma_start3A_33 = arith.constant 1 : i32
      %dma_start3A_34 = arith.constant 0 : i32
      %dma_start3A_35 = arith.constant 0 : i32
      %dma_start3A_36 = tpu.memref_slice %arg12[%dma_start3A_33, %dma_start3A_34, %dma_start3A_35] : memref<5x40x128xf32, #tpu.memory_space<vmem>> -> memref<1x40x128xf32, #tpu.memory_space<vmem>>
      %dma_start3A_37 = tpu.memref_squeeze %dma_start3A_36 : memref<1x40x128xf32, #tpu.memory_space<vmem>> -> memref<40x128xf32, #tpu.memory_space<vmem>>
      %dma_start3A_38 = arith.constant 40 : i32
      %dma_start3A_39 = tpu.memref_slice %arg10[%dma_start3A_38] : memref<10000xi32, #tpu.memory_space<vmem>> -> memref<40xi32, #tpu.memory_space<vmem>>
      %dma_start3A_40 = arith.constant 0 : i32
      %dma_start3A_41 = arith.constant 0 : i32
      %dma_start3A_42 = tpu.memref_slice %arg3[%dma_start3A_40, %dma_start3A_41] : memref<10240x128xf32, #tpu.memory_space<hbm>> -> memref<10240x128xf32, #tpu.memory_space<hbm>>
      tpu.enqueue_indirect_dma source(%dma_start3A_42 : memref<10240x128xf32, #tpu.memory_space<hbm>>) target(%dma_start3A_37 : memref<40x128xf32, #tpu.memory_space<vmem>>) offsets(%dma_start3A_39 : memref<40xi32, #tpu.memory_space<vmem>>) semaphore(%arg14 : memref<!tpu.dma_semaphore, #tpu.memory_space<semaphore_mem>>)
      %add3A_43 = arith.constant 40 : i32
      %add3A_44 = arith.addi %mul3A_13, %add3A_43 : i32
      %dma_start3A_45 = arith.constant 1 : i32
      %dma_start3A_46 = arith.constant 0 : i32
      %dma_start3A_47 = tpu.memref_slice %arg11[%dma_start3A_45, %dma_start3A_46] : memref<5x40xi32, #tpu.memory_space<vmem>> -> memref<1x40xi32, #tpu.memory_space<vmem>>
      %dma_start3A_48 = tpu.memref_squeeze %dma_start3A_47 : memref<1x40xi32, #tpu.memory_space<vmem>> -> memref<40xi32, #tpu.memory_space<vmem>>
      %dma_start3A_49 = tpu.memref_slice %arg5[%add3A_44] : memref<160000xi32, #tpu.memory_space<hbm>> -> memref<40xi32, #tpu.memory_space<hbm>>
      %dma_start3A_50 = arith.constant 0 : i32
      %dma_start3A_51 = tpu.memref_slice %arg11[%dma_start3A_45, %dma_start3A_50] : memref<5x40xi32, #tpu.memory_space<vmem>> -> memref<1x40xi32, #tpu.memory_space<vmem>>
      %dma_start3A_52 = tpu.memref_squeeze %dma_start3A_51 : memref<1x40xi32, #tpu.memory_space<vmem>> -> memref<40xi32, #tpu.memory_space<vmem>>
      %dma_start3A_53 = tpu.memref_slice %arg5[%add3A_44] : memref<160000xi32, #tpu.memory_space<hbm>> -> memref<40xi32, #tpu.memory_space<hbm>>
      tpu.enqueue_dma source(%dma_start3A_53 : memref<40xi32, #tpu.memory_space<hbm>>) target(%dma_start3A_52 : memref<40xi32, #tpu.memory_space<vmem>>) target_semaphore(%arg19 : memref<!tpu.dma_semaphore, #tpu.memory_space<semaphore_mem>>)
      %dma_start3A_54 = arith.constant 2 : i32
      %dma_start3A_55 = arith.constant 0 : i32
      %dma_start3A_56 = arith.constant 0 : i32
      %dma_start3A_57 = tpu.memref_slice %arg12[%dma_start3A_54, %dma_start3A_55, %dma_start3A_56] : memref<5x40x128xf32, #tpu.memory_space<vmem>> -> memref<1x40x128xf32, #tpu.memory_space<vmem>>
      %dma_start3A_58 = tpu.memref_squeeze %dma_start3A_57 : memref<1x40x128xf32, #tpu.memory_space<vmem>> -> memref<40x128xf32, #tpu.memory_space<vmem>>
      %dma_start3A_59 = arith.constant 80 : i32
      %dma_start3A_60 = tpu.memref_slice %arg10[%dma_start3A_59] : memref<10000xi32, #tpu.memory_space<vmem>> -> memref<40xi32, #tpu.memory_space<vmem>>
      %dma_start3A_61 = arith.constant 0 : i32
      %dma_start3A_62 = arith.constant 0 : i32
      %dma_start3A_63 = tpu.memref_slice %arg3[%dma_start3A_61, %dma_start3A_62] : memref<10240x128xf32, #tpu.memory_space<hbm>> -> memref<10240x128xf32, #tpu.memory_space<hbm>>
      tpu.enqueue_indirect_dma source(%dma_start3A_63 : memref<10240x128xf32, #tpu.memory_space<hbm>>) target(%dma_start3A_58 : memref<40x128xf32, #tpu.memory_space<vmem>>) offsets(%dma_start3A_60 : memref<40xi32, #tpu.memory_space<vmem>>) semaphore(%arg15 : memref<!tpu.dma_semaphore, #tpu.memory_space<semaphore_mem>>)
      %add3A_64 = arith.constant 80 : i32
      %add3A_65 = arith.addi %mul3A_13, %add3A_64 : i32
      %dma_start3A_66 = arith.constant 2 : i32
      %dma_start3A_67 = arith.constant 0 : i32
      %dma_start3A_68 = tpu.memref_slice %arg11[%dma_start3A_66, %dma_start3A_67] : memref<5x40xi32, #tpu.memory_space<vmem>> -> memref<1x40xi32, #tpu.memory_space<vmem>>
      %dma_start3A_69 = tpu.memref_squeeze %dma_start3A_68 : memref<1x40xi32, #tpu.memory_space<vmem>> -> memref<40xi32, #tpu.memory_space<vmem>>
      %dma_start3A_70 = tpu.memref_slice %arg5[%add3A_65] : memref<160000xi32, #tpu.memory_space<hbm>> -> memref<40xi32, #tpu.memory_space<hbm>>
      %dma_start3A_71 = arith.constant 0 : i32
      %dma_start3A_72 = tpu.memref_slice %arg11[%dma_start3A_66, %dma_start3A_71] : memref<5x40xi32, #tpu.memory_space<vmem>> -> memref<1x40xi32, #tpu.memory_space<vmem>>
      %dma_start3A_73 = tpu.memref_squeeze %dma_start3A_72 : memref<1x40xi32, #tpu.memory_space<vmem>> -> memref<40xi32, #tpu.memory_space<vmem>>
      %dma_start3A_74 = tpu.memref_slice %arg5[%add3A_65] : memref<160000xi32, #tpu.memory_space<hbm>> -> memref<40xi32, #tpu.memory_space<hbm>>
      tpu.enqueue_dma source(%dma_start3A_74 : memref<40xi32, #tpu.memory_space<hbm>>) target(%dma_start3A_73 : memref<40xi32, #tpu.memory_space<vmem>>) target_semaphore(%arg20 : memref<!tpu.dma_semaphore, #tpu.memory_space<semaphore_mem>>)
      %dma_start3A_75 = arith.constant 3 : i32
      %dma_start3A_76 = arith.constant 0 : i32
      %dma_start3A_77 = arith.constant 0 : i32
      %dma_start3A_78 = tpu.memref_slice %arg12[%dma_start3A_75, %dma_start3A_76, %dma_start3A_77] : memref<5x40x128xf32, #tpu.memory_space<vmem>> -> memref<1x40x128xf32, #tpu.memory_space<vmem>>
      %dma_start3A_79 = tpu.memref_squeeze %dma_start3A_78 : memref<1x40x128xf32, #tpu.memory_space<vmem>> -> memref<40x128xf32, #tpu.memory_space<vmem>>
      %dma_start3A_80 = arith.constant 120 : i32
      %dma_start3A_81 = tpu.memref_slice %arg10[%dma_start3A_80] : memref<10000xi32, #tpu.memory_space<vmem>> -> memref<40xi32, #tpu.memory_space<vmem>>
      %dma_start3A_82 = arith.constant 0 : i32
      %dma_start3A_83 = arith.constant 0 : i32
      %dma_start3A_84 = tpu.memref_slice %arg3[%dma_start3A_82, %dma_start3A_83] : memref<10240x128xf32, #tpu.memory_space<hbm>> -> memref<10240x128xf32, #tpu.memory_space<hbm>>
      tpu.enqueue_indirect_dma source(%dma_start3A_84 : memref<10240x128xf32, #tpu.memory_space<hbm>>) target(%dma_start3A_79 : memref<40x128xf32, #tpu.memory_space<vmem>>) offsets(%dma_start3A_81 : memref<40xi32, #tpu.memory_space<vmem>>) semaphore(%arg16 : memref<!tpu.dma_semaphore, #tpu.memory_space<semaphore_mem>>)
      %add3A_85 = arith.constant 120 : i32
      %add3A_86 = arith.addi %mul3A_13, %add3A_85 : i32
      %dma_start3A_87 = arith.constant 3 : i32
      %dma_start3A_88 = arith.constant 0 : i32
      %dma_start3A_89 = tpu.memref_slice %arg11[%dma_start3A_87, %dma_start3A_88] : memref<5x40xi32, #tpu.memory_space<vmem>> -> memref<1x40xi32, #tpu.memory_space<vmem>>
      %dma_start3A_90 = tpu.memref_squeeze %dma_start3A_89 : memref<1x40xi32, #tpu.memory_space<vmem>> -> memref<40xi32, #tpu.memory_space<vmem>>
      %dma_start3A_91 = tpu.memref_slice %arg5[%add3A_86] : memref<160000xi32, #tpu.memory_space<hbm>> -> memref<40xi32, #tpu.memory_space<hbm>>
      %dma_start3A_92 = arith.constant 0 : i32
      %dma_start3A_93 = tpu.memref_slice %arg11[%dma_start3A_87, %dma_start3A_92] : memref<5x40xi32, #tpu.memory_space<vmem>> -> memref<1x40xi32, #tpu.memory_space<vmem>>
      %dma_start3A_94 = tpu.memref_squeeze %dma_start3A_93 : memref<1x40xi32, #tpu.memory_space<vmem>> -> memref<40xi32, #tpu.memory_space<vmem>>
      %dma_start3A_95 = tpu.memref_slice %arg5[%add3A_86] : memref<160000xi32, #tpu.memory_space<hbm>> -> memref<40xi32, #tpu.memory_space<hbm>>
      tpu.enqueue_dma source(%dma_start3A_95 : memref<40xi32, #tpu.memory_space<hbm>>) target(%dma_start3A_94 : memref<40xi32, #tpu.memory_space<vmem>>) target_semaphore(%arg21 : memref<!tpu.dma_semaphore, #tpu.memory_space<semaphore_mem>>)
      %dma_start3A_96 = arith.constant 4 : i32
      %dma_start3A_97 = arith.constant 0 : i32
      %dma_start3A_98 = arith.constant 0 : i32
      %dma_start3A_99 = tpu.memref_slice %arg12[%dma_start3A_96, %dma_start3A_97, %dma_start3A_98] : memref<5x40x128xf32, #tpu.memory_space<vmem>> -> memref<1x40x128xf32, #tpu.memory_space<vmem>>
      %dma_start3A_100 = tpu.memref_squeeze %dma_start3A_99 : memref<1x40x128xf32, #tpu.memory_space<vmem>> -> memref<40x128xf32, #tpu.memory_space<vmem>>
      %dma_start3A_101 = arith.constant 160 : i32
      %dma_start3A_102 = tpu.memref_slice %arg10[%dma_start3A_101] : memref<10000xi32, #tpu.memory_space<vmem>> -> memref<40xi32, #tpu.memory_space<vmem>>
      %dma_start3A_103 = arith.constant 0 : i32
      %dma_start3A_104 = arith.constant 0 : i32
      %dma_start3A_105 = tpu.memref_slice %arg3[%dma_start3A_103, %dma_start3A_104] : memref<10240x128xf32, #tpu.memory_space<hbm>> -> memref<10240x128xf32, #tpu.memory_space<hbm>>
      tpu.enqueue_indirect_dma source(%dma_start3A_105 : memref<10240x128xf32, #tpu.memory_space<hbm>>) target(%dma_start3A_100 : memref<40x128xf32, #tpu.memory_space<vmem>>) offsets(%dma_start3A_102 : memref<40xi32, #tpu.memory_space<vmem>>) semaphore(%arg17 : memref<!tpu.dma_semaphore, #tpu.memory_space<semaphore_mem>>)
      %add3A_106 = arith.constant 160 : i32
      %add3A_107 = arith.addi %mul3A_13, %add3A_106 : i32
      %dma_start3A_108 = arith.constant 4 : i32
      %dma_start3A_109 = arith.constant 0 : i32
      %dma_start3A_110 = tpu.memref_slice %arg11[%dma_start3A_108, %dma_start3A_109] : memref<5x40xi32, #tpu.memory_space<vmem>> -> memref<1x40xi32, #tpu.memory_space<vmem>>
      %dma_start3A_111 = tpu.memref_squeeze %dma_start3A_110 : memref<1x40xi32, #tpu.memory_space<vmem>> -> memref<40xi32, #tpu.memory_space<vmem>>
      %dma_start3A_112 = tpu.memref_slice %arg5[%add3A_107] : memref<160000xi32, #tpu.memory_space<hbm>> -> memref<40xi32, #tpu.memory_space<hbm>>
      %dma_start3A_113 = arith.constant 0 : i32
      %dma_start3A_114 = tpu.memref_slice %arg11[%dma_start3A_108, %dma_start3A_113] : memref<5x40xi32, #tpu.memory_space<vmem>> -> memref<1x40xi32, #tpu.memory_space<vmem>>
      %dma_start3A_115 = tpu.memref_squeeze %dma_start3A_114 : memref<1x40xi32, #tpu.memory_space<vmem>> -> memref<40xi32, #tpu.memory_space<vmem>>
      %dma_start3A_116 = tpu.memref_slice %arg5[%add3A_107] : memref<160000xi32, #tpu.memory_space<hbm>> -> memref<40xi32, #tpu.memory_space<hbm>>
      tpu.enqueue_dma source(%dma_start3A_116 : memref<40xi32, #tpu.memory_space<hbm>>) target(%dma_start3A_115 : memref<40xi32, #tpu.memory_space<vmem>>) target_semaphore(%arg22 : memref<!tpu.dma_semaphore, #tpu.memory_space<semaphore_mem>>)
      %scan3A = arith.constant 0 : i32
      %scan3A_117 = arith.constant 0 : i32
      %scan3A_118 = arith.constant 50 : i32
      %scan3A_119 = arith.addi %scan3A_117, %scan3A_118 : i32
      %scan3A_120 = arith.constant 1 : i32
      scf.for %scan3A_186 = %scan3A_117 to %scan3A_119 step %scan3A_120  : i32 {
        %dma_wait3A_187 = arith.constant 0 : i32
        %dma_wait3A_188 = arith.constant 0 : i32
        %dma_wait3A_189 = arith.constant 0 : i32
        %dma_wait3A_190 = tpu.memref_slice %arg12[%dma_wait3A_187, %dma_wait3A_188, %dma_wait3A_189] : memref<5x40x128xf32, #tpu.memory_space<vmem>> -> memref<1x40x128xf32, #tpu.memory_space<vmem>>
        %dma_wait3A_191 = tpu.memref_squeeze %dma_wait3A_190 : memref<1x40x128xf32, #tpu.memory_space<vmem>> -> memref<40x128xf32, #tpu.memory_space<vmem>>
        %dma_wait3A_192 = arith.constant 0 : i32
        %dma_wait3A_193 = tpu.memref_slice %arg10[%dma_wait3A_192] : memref<10000xi32, #tpu.memory_space<vmem>> -> memref<40xi32, #tpu.memory_space<vmem>>
        %dma_wait3A_194 = arith.constant 0 : i32
        %dma_wait3A_195 = arith.constant 0 : i32
        %dma_wait3A_196 = tpu.memref_slice %arg3[%dma_wait3A_194, %dma_wait3A_195] : memref<10240x128xf32, #tpu.memory_space<hbm>> -> memref<10240x128xf32, #tpu.memory_space<hbm>>
        tpu.wait_indirect_dma semaphore(%arg13 : memref<!tpu.dma_semaphore, #tpu.memory_space<semaphore_mem>>) src(%dma_wait3A_196 : memref<10240x128xf32, #tpu.memory_space<hbm>>) dst(%dma_wait3A_191 : memref<40x128xf32, #tpu.memory_space<vmem>>)
        %dma_wait3A_197 = arith.constant 0 : i32
        %dma_wait3A_198 = arith.constant 0 : i32
        %dma_wait3A_199 = tpu.memref_slice %arg11[%dma_wait3A_197, %dma_wait3A_198] : memref<5x40xi32, #tpu.memory_space<vmem>> -> memref<1x40xi32, #tpu.memory_space<vmem>>
        %dma_wait3A_200 = tpu.memref_squeeze %dma_wait3A_199 : memref<1x40xi32, #tpu.memory_space<vmem>> -> memref<40xi32, #tpu.memory_space<vmem>>
        %dma_wait3A_201 = tpu.memref_slice %arg5[%mul3A_13] : memref<160000xi32, #tpu.memory_space<hbm>> -> memref<40xi32, #tpu.memory_space<hbm>>
        %dma_wait3A_202 = arith.constant 0 : i32
        %dma_wait3A_203 = tpu.memref_slice %arg11[%dma_wait3A_197, %dma_wait3A_202] : memref<5x40xi32, #tpu.memory_space<vmem>> -> memref<1x40xi32, #tpu.memory_space<vmem>>
        %dma_wait3A_204 = tpu.memref_squeeze %dma_wait3A_203 : memref<1x40xi32, #tpu.memory_space<vmem>> -> memref<40xi32, #tpu.memory_space<vmem>>
        %dma_wait3A_205 = tpu.memref_slice %arg5[%mul3A_13] : memref<160000xi32, #tpu.memory_space<hbm>> -> memref<40xi32, #tpu.memory_space<hbm>>
        tpu.wait_dma2 semaphore(%arg18 : memref<!tpu.dma_semaphore, #tpu.memory_space<semaphore_mem>>) src(%dma_wait3A_205 : memref<40xi32, #tpu.memory_space<hbm>>) dst(%dma_wait3A_204 : memref<40xi32, #tpu.memory_space<vmem>>)
        %dma_start3A_206 = arith.constant 0 : i32
        %dma_start3A_207 = arith.constant 0 : i32
        %dma_start3A_208 = arith.constant 0 : i32
        %dma_start3A_209 = arith.constant 0 : i32
        %dma_start3A_210 = tpu.memref_slice %arg12[%dma_start3A_206, %dma_start3A_208, %dma_start3A_209] : memref<5x40x128xf32, #tpu.memory_space<vmem>> -> memref<1x40x128xf32, #tpu.memory_space<vmem>>
        %dma_start3A_211 = tpu.memref_squeeze %dma_start3A_210 : memref<1x40x128xf32, #tpu.memory_space<vmem>> -> memref<40x128xf32, #tpu.memory_space<vmem>>
        %dma_start3A_212 = arith.constant 0 : i32
        %dma_start3A_213 = tpu.memref_slice %arg11[%dma_start3A_207, %dma_start3A_212] : memref<5x40xi32, #tpu.memory_space<vmem>> -> memref<1x40xi32, #tpu.memory_space<vmem>>
        %dma_start3A_214 = tpu.memref_squeeze %dma_start3A_213 : memref<1x40xi32, #tpu.memory_space<vmem>> -> memref<40xi32, #tpu.memory_space<vmem>>
        %dma_start3A_215 = arith.constant 0 : i32
        %dma_start3A_216 = arith.constant 0 : i32
        %dma_start3A_217 = tpu.memref_slice %arg9[%dma_start3A_215, %dma_start3A_216] : memref<10240x128xf32, #tpu.memory_space<vmem_shared>> -> memref<10240x128xf32, #tpu.memory_space<vmem_shared>>
        tpu.enqueue_indirect_dma source(%dma_start3A_211 : memref<40x128xf32, #tpu.memory_space<vmem>>) target(%dma_start3A_217 : memref<10240x128xf32, #tpu.memory_space<vmem_shared>>) offsets(%dma_start3A_214 : memref<40xi32, #tpu.memory_space<vmem>>) semaphore(%arg23 : memref<!tpu.dma_semaphore, #tpu.memory_space<semaphore_mem>>) {add = true}
        %dma_wait3A_218 = arith.constant 1 : i32
        %dma_wait3A_219 = arith.constant 0 : i32
        %dma_wait3A_220 = arith.constant 0 : i32
        %dma_wait3A_221 = tpu.memref_slice %arg12[%dma_wait3A_218, %dma_wait3A_219, %dma_wait3A_220] : memref<5x40x128xf32, #tpu.memory_space<vmem>> -> memref<1x40x128xf32, #tpu.memory_space<vmem>>
        %dma_wait3A_222 = tpu.memref_squeeze %dma_wait3A_221 : memref<1x40x128xf32, #tpu.memory_space<vmem>> -> memref<40x128xf32, #tpu.memory_space<vmem>>
        %dma_wait3A_223 = arith.constant 0 : i32
        %dma_wait3A_224 = tpu.memref_slice %arg10[%dma_wait3A_223] : memref<10000xi32, #tpu.memory_space<vmem>> -> memref<40xi32, #tpu.memory_space<vmem>>
        %dma_wait3A_225 = arith.constant 0 : i32
        %dma_wait3A_226 = arith.constant 0 : i32
        %dma_wait3A_227 = tpu.memref_slice %arg3[%dma_wait3A_225, %dma_wait3A_226] : memref<10240x128xf32, #tpu.memory_space<hbm>> -> memref<10240x128xf32, #tpu.memory_space<hbm>>
        tpu.wait_indirect_dma semaphore(%arg14 : memref<!tpu.dma_semaphore, #tpu.memory_space<semaphore_mem>>) src(%dma_wait3A_227 : memref<10240x128xf32, #tpu.memory_space<hbm>>) dst(%dma_wait3A_222 : memref<40x128xf32, #tpu.memory_space<vmem>>)
        %dma_wait3A_228 = arith.constant 1 : i32
        %dma_wait3A_229 = arith.constant 0 : i32
        %dma_wait3A_230 = tpu.memref_slice %arg11[%dma_wait3A_228, %dma_wait3A_229] : memref<5x40xi32, #tpu.memory_space<vmem>> -> memref<1x40xi32, #tpu.memory_space<vmem>>
        %dma_wait3A_231 = tpu.memref_squeeze %dma_wait3A_230 : memref<1x40xi32, #tpu.memory_space<vmem>> -> memref<40xi32, #tpu.memory_space<vmem>>
        %dma_wait3A_232 = tpu.memref_slice %arg5[%mul3A_13] : memref<160000xi32, #tpu.memory_space<hbm>> -> memref<40xi32, #tpu.memory_space<hbm>>
        %dma_wait3A_233 = arith.constant 0 : i32
        %dma_wait3A_234 = tpu.memref_slice %arg11[%dma_wait3A_228, %dma_wait3A_233] : memref<5x40xi32, #tpu.memory_space<vmem>> -> memref<1x40xi32, #tpu.memory_space<vmem>>
        %dma_wait3A_235 = tpu.memref_squeeze %dma_wait3A_234 : memref<1x40xi32, #tpu.memory_space<vmem>> -> memref<40xi32, #tpu.memory_space<vmem>>
        %dma_wait3A_236 = tpu.memref_slice %arg5[%mul3A_13] : memref<160000xi32, #tpu.memory_space<hbm>> -> memref<40xi32, #tpu.memory_space<hbm>>
        tpu.wait_dma2 semaphore(%arg19 : memref<!tpu.dma_semaphore, #tpu.memory_space<semaphore_mem>>) src(%dma_wait3A_236 : memref<40xi32, #tpu.memory_space<hbm>>) dst(%dma_wait3A_235 : memref<40xi32, #tpu.memory_space<vmem>>)
        %dma_start3A_237 = arith.constant 1 : i32
        %dma_start3A_238 = arith.constant 1 : i32
        %dma_start3A_239 = arith.constant 0 : i32
        %dma_start3A_240 = arith.constant 0 : i32
        %dma_start3A_241 = tpu.memref_slice %arg12[%dma_start3A_237, %dma_start3A_239, %dma_start3A_240] : memref<5x40x128xf32, #tpu.memory_space<vmem>> -> memref<1x40x128xf32, #tpu.memory_space<vmem>>
        %dma_start3A_242 = tpu.memref_squeeze %dma_start3A_241 : memref<1x40x128xf32, #tpu.memory_space<vmem>> -> memref<40x128xf32, #tpu.memory_space<vmem>>
        %dma_start3A_243 = arith.constant 0 : i32
        %dma_start3A_244 = tpu.memref_slice %arg11[%dma_start3A_238, %dma_start3A_243] : memref<5x40xi32, #tpu.memory_space<vmem>> -> memref<1x40xi32, #tpu.memory_space<vmem>>
        %dma_start3A_245 = tpu.memref_squeeze %dma_start3A_244 : memref<1x40xi32, #tpu.memory_space<vmem>> -> memref<40xi32, #tpu.memory_space<vmem>>
        %dma_start3A_246 = arith.constant 0 : i32
        %dma_start3A_247 = arith.constant 0 : i32
        %dma_start3A_248 = tpu.memref_slice %arg9[%dma_start3A_246, %dma_start3A_247] : memref<10240x128xf32, #tpu.memory_space<vmem_shared>> -> memref<10240x128xf32, #tpu.memory_space<vmem_shared>>
        tpu.enqueue_indirect_dma source(%dma_start3A_242 : memref<40x128xf32, #tpu.memory_space<vmem>>) target(%dma_start3A_248 : memref<10240x128xf32, #tpu.memory_space<vmem_shared>>) offsets(%dma_start3A_245 : memref<40xi32, #tpu.memory_space<vmem>>) semaphore(%arg24 : memref<!tpu.dma_semaphore, #tpu.memory_space<semaphore_mem>>) {add = true}
        %dma_wait3A_249 = arith.constant 2 : i32
        %dma_wait3A_250 = arith.constant 0 : i32
        %dma_wait3A_251 = arith.constant 0 : i32
        %dma_wait3A_252 = tpu.memref_slice %arg12[%dma_wait3A_249, %dma_wait3A_250, %dma_wait3A_251] : memref<5x40x128xf32, #tpu.memory_space<vmem>> -> memref<1x40x128xf32, #tpu.memory_space<vmem>>
        %dma_wait3A_253 = tpu.memref_squeeze %dma_wait3A_252 : memref<1x40x128xf32, #tpu.memory_space<vmem>> -> memref<40x128xf32, #tpu.memory_space<vmem>>
        %dma_wait3A_254 = arith.constant 0 : i32
        %dma_wait3A_255 = tpu.memref_slice %arg10[%dma_wait3A_254] : memref<10000xi32, #tpu.memory_space<vmem>> -> memref<40xi32, #tpu.memory_space<vmem>>
        %dma_wait3A_256 = arith.constant 0 : i32
        %dma_wait3A_257 = arith.constant 0 : i32
        %dma_wait3A_258 = tpu.memref_slice %arg3[%dma_wait3A_256, %dma_wait3A_257] : memref<10240x128xf32, #tpu.memory_space<hbm>> -> memref<10240x128xf32, #tpu.memory_space<hbm>>
        tpu.wait_indirect_dma semaphore(%arg15 : memref<!tpu.dma_semaphore, #tpu.memory_space<semaphore_mem>>) src(%dma_wait3A_258 : memref<10240x128xf32, #tpu.memory_space<hbm>>) dst(%dma_wait3A_253 : memref<40x128xf32, #tpu.memory_space<vmem>>)
        %dma_wait3A_259 = arith.constant 2 : i32
        %dma_wait3A_260 = arith.constant 0 : i32
        %dma_wait3A_261 = tpu.memref_slice %arg11[%dma_wait3A_259, %dma_wait3A_260] : memref<5x40xi32, #tpu.memory_space<vmem>> -> memref<1x40xi32, #tpu.memory_space<vmem>>
        %dma_wait3A_262 = tpu.memref_squeeze %dma_wait3A_261 : memref<1x40xi32, #tpu.memory_space<vmem>> -> memref<40xi32, #tpu.memory_space<vmem>>
        %dma_wait3A_263 = tpu.memref_slice %arg5[%mul3A_13] : memref<160000xi32, #tpu.memory_space<hbm>> -> memref<40xi32, #tpu.memory_space<hbm>>
        %dma_wait3A_264 = arith.constant 0 : i32
        %dma_wait3A_265 = tpu.memref_slice %arg11[%dma_wait3A_259, %dma_wait3A_264] : memref<5x40xi32, #tpu.memory_space<vmem>> -> memref<1x40xi32, #tpu.memory_space<vmem>>
        %dma_wait3A_266 = tpu.memref_squeeze %dma_wait3A_265 : memref<1x40xi32, #tpu.memory_space<vmem>> -> memref<40xi32, #tpu.memory_space<vmem>>
        %dma_wait3A_267 = tpu.memref_slice %arg5[%mul3A_13] : memref<160000xi32, #tpu.memory_space<hbm>> -> memref<40xi32, #tpu.memory_space<hbm>>
        tpu.wait_dma2 semaphore(%arg20 : memref<!tpu.dma_semaphore, #tpu.memory_space<semaphore_mem>>) src(%dma_wait3A_267 : memref<40xi32, #tpu.memory_space<hbm>>) dst(%dma_wait3A_266 : memref<40xi32, #tpu.memory_space<vmem>>)
        %dma_start3A_268 = arith.constant 2 : i32
        %dma_start3A_269 = arith.constant 2 : i32
        %dma_start3A_270 = arith.constant 0 : i32
        %dma_start3A_271 = arith.constant 0 : i32
        %dma_start3A_272 = tpu.memref_slice %arg12[%dma_start3A_268, %dma_start3A_270, %dma_start3A_271] : memref<5x40x128xf32, #tpu.memory_space<vmem>> -> memref<1x40x128xf32, #tpu.memory_space<vmem>>
        %dma_start3A_273 = tpu.memref_squeeze %dma_start3A_272 : memref<1x40x128xf32, #tpu.memory_space<vmem>> -> memref<40x128xf32, #tpu.memory_space<vmem>>
        %dma_start3A_274 = arith.constant 0 : i32
        %dma_start3A_275 = tpu.memref_slice %arg11[%dma_start3A_269, %dma_start3A_274] : memref<5x40xi32, #tpu.memory_space<vmem>> -> memref<1x40xi32, #tpu.memory_space<vmem>>
        %dma_start3A_276 = tpu.memref_squeeze %dma_start3A_275 : memref<1x40xi32, #tpu.memory_space<vmem>> -> memref<40xi32, #tpu.memory_space<vmem>>
        %dma_start3A_277 = arith.constant 0 : i32
        %dma_start3A_278 = arith.constant 0 : i32
        %dma_start3A_279 = tpu.memref_slice %arg9[%dma_start3A_277, %dma_start3A_278] : memref<10240x128xf32, #tpu.memory_space<vmem_shared>> -> memref<10240x128xf32, #tpu.memory_space<vmem_shared>>
        tpu.enqueue_indirect_dma source(%dma_start3A_273 : memref<40x128xf32, #tpu.memory_space<vmem>>) target(%dma_start3A_279 : memref<10240x128xf32, #tpu.memory_space<vmem_shared>>) offsets(%dma_start3A_276 : memref<40xi32, #tpu.memory_space<vmem>>) semaphore(%arg25 : memref<!tpu.dma_semaphore, #tpu.memory_space<semaphore_mem>>) {add = true}
        %dma_wait3A_280 = arith.constant 3 : i32
        %dma_wait3A_281 = arith.constant 0 : i32
        %dma_wait3A_282 = arith.constant 0 : i32
        %dma_wait3A_283 = tpu.memref_slice %arg12[%dma_wait3A_280, %dma_wait3A_281, %dma_wait3A_282] : memref<5x40x128xf32, #tpu.memory_space<vmem>> -> memref<1x40x128xf32, #tpu.memory_space<vmem>>
        %dma_wait3A_284 = tpu.memref_squeeze %dma_wait3A_283 : memref<1x40x128xf32, #tpu.memory_space<vmem>> -> memref<40x128xf32, #tpu.memory_space<vmem>>
        %dma_wait3A_285 = arith.constant 0 : i32
        %dma_wait3A_286 = tpu.memref_slice %arg10[%dma_wait3A_285] : memref<10000xi32, #tpu.memory_space<vmem>> -> memref<40xi32, #tpu.memory_space<vmem>>
        %dma_wait3A_287 = arith.constant 0 : i32
        %dma_wait3A_288 = arith.constant 0 : i32
        %dma_wait3A_289 = tpu.memref_slice %arg3[%dma_wait3A_287, %dma_wait3A_288] : memref<10240x128xf32, #tpu.memory_space<hbm>> -> memref<10240x128xf32, #tpu.memory_space<hbm>>
        tpu.wait_indirect_dma semaphore(%arg16 : memref<!tpu.dma_semaphore, #tpu.memory_space<semaphore_mem>>) src(%dma_wait3A_289 : memref<10240x128xf32, #tpu.memory_space<hbm>>) dst(%dma_wait3A_284 : memref<40x128xf32, #tpu.memory_space<vmem>>)
        %dma_wait3A_290 = arith.constant 3 : i32
        %dma_wait3A_291 = arith.constant 0 : i32
        %dma_wait3A_292 = tpu.memref_slice %arg11[%dma_wait3A_290, %dma_wait3A_291] : memref<5x40xi32, #tpu.memory_space<vmem>> -> memref<1x40xi32, #tpu.memory_space<vmem>>
        %dma_wait3A_293 = tpu.memref_squeeze %dma_wait3A_292 : memref<1x40xi32, #tpu.memory_space<vmem>> -> memref<40xi32, #tpu.memory_space<vmem>>
        %dma_wait3A_294 = tpu.memref_slice %arg5[%mul3A_13] : memref<160000xi32, #tpu.memory_space<hbm>> -> memref<40xi32, #tpu.memory_space<hbm>>
        %dma_wait3A_295 = arith.constant 0 : i32
        %dma_wait3A_296 = tpu.memref_slice %arg11[%dma_wait3A_290, %dma_wait3A_295] : memref<5x40xi32, #tpu.memory_space<vmem>> -> memref<1x40xi32, #tpu.memory_space<vmem>>
        %dma_wait3A_297 = tpu.memref_squeeze %dma_wait3A_296 : memref<1x40xi32, #tpu.memory_space<vmem>> -> memref<40xi32, #tpu.memory_space<vmem>>
        %dma_wait3A_298 = tpu.memref_slice %arg5[%mul3A_13] : memref<160000xi32, #tpu.memory_space<hbm>> -> memref<40xi32, #tpu.memory_space<hbm>>
        tpu.wait_dma2 semaphore(%arg21 : memref<!tpu.dma_semaphore, #tpu.memory_space<semaphore_mem>>) src(%dma_wait3A_298 : memref<40xi32, #tpu.memory_space<hbm>>) dst(%dma_wait3A_297 : memref<40xi32, #tpu.memory_space<vmem>>)
        %dma_start3A_299 = arith.constant 3 : i32
        %dma_start3A_300 = arith.constant 3 : i32
        %dma_start3A_301 = arith.constant 0 : i32
        %dma_start3A_302 = arith.constant 0 : i32
        %dma_start3A_303 = tpu.memref_slice %arg12[%dma_start3A_299, %dma_start3A_301, %dma_start3A_302] : memref<5x40x128xf32, #tpu.memory_space<vmem>> -> memref<1x40x128xf32, #tpu.memory_space<vmem>>
        %dma_start3A_304 = tpu.memref_squeeze %dma_start3A_303 : memref<1x40x128xf32, #tpu.memory_space<vmem>> -> memref<40x128xf32, #tpu.memory_space<vmem>>
        %dma_start3A_305 = arith.constant 0 : i32
        %dma_start3A_306 = tpu.memref_slice %arg11[%dma_start3A_300, %dma_start3A_305] : memref<5x40xi32, #tpu.memory_space<vmem>> -> memref<1x40xi32, #tpu.memory_space<vmem>>
        %dma_start3A_307 = tpu.memref_squeeze %dma_start3A_306 : memref<1x40xi32, #tpu.memory_space<vmem>> -> memref<40xi32, #tpu.memory_space<vmem>>
        %dma_start3A_308 = arith.constant 0 : i32
        %dma_start3A_309 = arith.constant 0 : i32
        %dma_start3A_310 = tpu.memref_slice %arg9[%dma_start3A_308, %dma_start3A_309] : memref<10240x128xf32, #tpu.memory_space<vmem_shared>> -> memref<10240x128xf32, #tpu.memory_space<vmem_shared>>
        tpu.enqueue_indirect_dma source(%dma_start3A_304 : memref<40x128xf32, #tpu.memory_space<vmem>>) target(%dma_start3A_310 : memref<10240x128xf32, #tpu.memory_space<vmem_shared>>) offsets(%dma_start3A_307 : memref<40xi32, #tpu.memory_space<vmem>>) semaphore(%arg26 : memref<!tpu.dma_semaphore, #tpu.memory_space<semaphore_mem>>) {add = true}
        %dma_wait3A_311 = arith.constant 4 : i32
        %dma_wait3A_312 = arith.constant 0 : i32
        %dma_wait3A_313 = arith.constant 0 : i32
        %dma_wait3A_314 = tpu.memref_slice %arg12[%dma_wait3A_311, %dma_wait3A_312, %dma_wait3A_313] : memref<5x40x128xf32, #tpu.memory_space<vmem>> -> memref<1x40x128xf32, #tpu.memory_space<vmem>>
        %dma_wait3A_315 = tpu.memref_squeeze %dma_wait3A_314 : memref<1x40x128xf32, #tpu.memory_space<vmem>> -> memref<40x128xf32, #tpu.memory_space<vmem>>
        %dma_wait3A_316 = arith.constant 0 : i32
        %dma_wait3A_317 = tpu.memref_slice %arg10[%dma_wait3A_316] : memref<10000xi32, #tpu.memory_space<vmem>> -> memref<40xi32, #tpu.memory_space<vmem>>
        %dma_wait3A_318 = arith.constant 0 : i32
        %dma_wait3A_319 = arith.constant 0 : i32
        %dma_wait3A_320 = tpu.memref_slice %arg3[%dma_wait3A_318, %dma_wait3A_319] : memref<10240x128xf32, #tpu.memory_space<hbm>> -> memref<10240x128xf32, #tpu.memory_space<hbm>>
        tpu.wait_indirect_dma semaphore(%arg17 : memref<!tpu.dma_semaphore, #tpu.memory_space<semaphore_mem>>) src(%dma_wait3A_320 : memref<10240x128xf32, #tpu.memory_space<hbm>>) dst(%dma_wait3A_315 : memref<40x128xf32, #tpu.memory_space<vmem>>)
        %dma_wait3A_321 = arith.constant 4 : i32
        %dma_wait3A_322 = arith.constant 0 : i32
        %dma_wait3A_323 = tpu.memref_slice %arg11[%dma_wait3A_321, %dma_wait3A_322] : memref<5x40xi32, #tpu.memory_space<vmem>> -> memref<1x40xi32, #tpu.memory_space<vmem>>
        %dma_wait3A_324 = tpu.memref_squeeze %dma_wait3A_323 : memref<1x40xi32, #tpu.memory_space<vmem>> -> memref<40xi32, #tpu.memory_space<vmem>>
        %dma_wait3A_325 = tpu.memref_slice %arg5[%mul3A_13] : memref<160000xi32, #tpu.memory_space<hbm>> -> memref<40xi32, #tpu.memory_space<hbm>>
        %dma_wait3A_326 = arith.constant 0 : i32
        %dma_wait3A_327 = tpu.memref_slice %arg11[%dma_wait3A_321, %dma_wait3A_326] : memref<5x40xi32, #tpu.memory_space<vmem>> -> memref<1x40xi32, #tpu.memory_space<vmem>>
        %dma_wait3A_328 = tpu.memref_squeeze %dma_wait3A_327 : memref<1x40xi32, #tpu.memory_space<vmem>> -> memref<40xi32, #tpu.memory_space<vmem>>
        %dma_wait3A_329 = tpu.memref_slice %arg5[%mul3A_13] : memref<160000xi32, #tpu.memory_space<hbm>> -> memref<40xi32, #tpu.memory_space<hbm>>
        tpu.wait_dma2 semaphore(%arg22 : memref<!tpu.dma_semaphore, #tpu.memory_space<semaphore_mem>>) src(%dma_wait3A_329 : memref<40xi32, #tpu.memory_space<hbm>>) dst(%dma_wait3A_328 : memref<40xi32, #tpu.memory_space<vmem>>)
        %dma_start3A_330 = arith.constant 4 : i32
        %dma_start3A_331 = arith.constant 4 : i32
        %dma_start3A_332 = arith.constant 0 : i32
        %dma_start3A_333 = arith.constant 0 : i32
        %dma_start3A_334 = tpu.memref_slice %arg12[%dma_start3A_330, %dma_start3A_332, %dma_start3A_333] : memref<5x40x128xf32, #tpu.memory_space<vmem>> -> memref<1x40x128xf32, #tpu.memory_space<vmem>>
        %dma_start3A_335 = tpu.memref_squeeze %dma_start3A_334 : memref<1x40x128xf32, #tpu.memory_space<vmem>> -> memref<40x128xf32, #tpu.memory_space<vmem>>
        %dma_start3A_336 = arith.constant 0 : i32
        %dma_start3A_337 = tpu.memref_slice %arg11[%dma_start3A_331, %dma_start3A_336] : memref<5x40xi32, #tpu.memory_space<vmem>> -> memref<1x40xi32, #tpu.memory_space<vmem>>
        %dma_start3A_338 = tpu.memref_squeeze %dma_start3A_337 : memref<1x40xi32, #tpu.memory_space<vmem>> -> memref<40xi32, #tpu.memory_space<vmem>>
        %dma_start3A_339 = arith.constant 0 : i32
        %dma_start3A_340 = arith.constant 0 : i32
        %dma_start3A_341 = tpu.memref_slice %arg9[%dma_start3A_339, %dma_start3A_340] : memref<10240x128xf32, #tpu.memory_space<vmem_shared>> -> memref<10240x128xf32, #tpu.memory_space<vmem_shared>>
        tpu.enqueue_indirect_dma source(%dma_start3A_335 : memref<40x128xf32, #tpu.memory_space<vmem>>) target(%dma_start3A_341 : memref<10240x128xf32, #tpu.memory_space<vmem_shared>>) offsets(%dma_start3A_338 : memref<40xi32, #tpu.memory_space<vmem>>) semaphore(%arg27 : memref<!tpu.dma_semaphore, #tpu.memory_space<semaphore_mem>>) {add = true}
        %lt3A = arith.constant 49 : i32
        %lt3A_342 = arith.cmpi slt, %scan3A_186, %lt3A : i32
        %convert_element_type3A_343 = arith.extui %lt3A_342 : i1 to i32
        %cond3A_344 = arith.constant 0 : i32
        %cond3A_345 = arith.cmpi ne, %convert_element_type3A_343, %cond3A_344 : i32
        scf.if %cond3A_345 {
          %dma_wait3A_346 = arith.constant 0 : i32
          %dma_wait3A_347 = arith.constant 0 : i32
          %dma_wait3A_348 = arith.constant 0 : i32
          %dma_wait3A_349 = arith.constant 0 : i32
          %dma_wait3A_350 = tpu.memref_slice %arg12[%dma_wait3A_346, %dma_wait3A_348, %dma_wait3A_349] : memref<5x40x128xf32, #tpu.memory_space<vmem>> -> memref<1x40x128xf32, #tpu.memory_space<vmem>>
          %dma_wait3A_351 = tpu.memref_squeeze %dma_wait3A_350 : memref<1x40x128xf32, #tpu.memory_space<vmem>> -> memref<40x128xf32, #tpu.memory_space<vmem>>
          %dma_wait3A_352 = arith.constant 0 : i32
          %dma_wait3A_353 = tpu.memref_slice %arg11[%dma_wait3A_347, %dma_wait3A_352] : memref<5x40xi32, #tpu.memory_space<vmem>> -> memref<1x40xi32, #tpu.memory_space<vmem>>
          %dma_wait3A_354 = tpu.memref_squeeze %dma_wait3A_353 : memref<1x40xi32, #tpu.memory_space<vmem>> -> memref<40xi32, #tpu.memory_space<vmem>>
          %dma_wait3A_355 = arith.constant 0 : i32
          %dma_wait3A_356 = arith.constant 0 : i32
          %dma_wait3A_357 = tpu.memref_slice %arg9[%dma_wait3A_355, %dma_wait3A_356] : memref<10240x128xf32, #tpu.memory_space<vmem_shared>> -> memref<10240x128xf32, #tpu.memory_space<vmem_shared>>
          tpu.wait_indirect_dma semaphore(%arg23 : memref<!tpu.dma_semaphore, #tpu.memory_space<semaphore_mem>>) src(%dma_wait3A_351 : memref<40x128xf32, #tpu.memory_space<vmem>>) dst(%dma_wait3A_357 : memref<10240x128xf32, #tpu.memory_space<vmem_shared>>)
          %add3A_358 = arith.constant 1 : i32
          %add3A_359 = arith.addi %scan3A_186, %add3A_358 : i32
          %mul3A_360 = arith.constant 5 : i32
          %mul3A_361 = arith.muli %add3A_359, %mul3A_360 : i32
          %add3A_362 = arith.constant 0 : i32
          %add3A_363 = arith.addi %mul3A_361, %add3A_362 : i32
          %mul3A_364 = arith.constant 40 : i32
          %mul3A_365 = arith.muli %add3A_363, %mul3A_364 : i32
          %dma_start3A_366 = arith.constant 0 : i32
          %dma_start3A_367 = arith.constant 0 : i32
          %dma_start3A_368 = arith.constant 0 : i32
          %dma_start3A_369 = tpu.memref_slice %arg12[%dma_start3A_366, %dma_start3A_367, %dma_start3A_368] : memref<5x40x128xf32, #tpu.memory_space<vmem>> -> memref<1x40x128xf32, #tpu.memory_space<vmem>>
          %dma_start3A_370 = tpu.memref_squeeze %dma_start3A_369 : memref<1x40x128xf32, #tpu.memory_space<vmem>> -> memref<40x128xf32, #tpu.memory_space<vmem>>
          %dma_start3A_371 = tpu.memref_slice %arg10[%mul3A_365] : memref<10000xi32, #tpu.memory_space<vmem>> -> memref<40xi32, #tpu.memory_space<vmem>>
          %dma_start3A_372 = arith.constant 0 : i32
          %dma_start3A_373 = arith.constant 0 : i32
          %dma_start3A_374 = tpu.memref_slice %arg3[%dma_start3A_372, %dma_start3A_373] : memref<10240x128xf32, #tpu.memory_space<hbm>> -> memref<10240x128xf32, #tpu.memory_space<hbm>>
          tpu.enqueue_indirect_dma source(%dma_start3A_374 : memref<10240x128xf32, #tpu.memory_space<hbm>>) target(%dma_start3A_370 : memref<40x128xf32, #tpu.memory_space<vmem>>) offsets(%dma_start3A_371 : memref<40xi32, #tpu.memory_space<vmem>>) semaphore(%arg13 : memref<!tpu.dma_semaphore, #tpu.memory_space<semaphore_mem>>)
          %mul3A_375 = arith.constant 40 : i32
          %mul3A_376 = arith.muli %add3A_363, %mul3A_375 : i32
          %add3A_377 = arith.addi %mul3A_13, %mul3A_376 : i32
          %dma_start3A_378 = arith.constant 0 : i32
          %dma_start3A_379 = arith.constant 0 : i32
          %dma_start3A_380 = tpu.memref_slice %arg11[%dma_start3A_378, %dma_start3A_379] : memref<5x40xi32, #tpu.memory_space<vmem>> -> memref<1x40xi32, #tpu.memory_space<vmem>>
          %dma_start3A_381 = tpu.memref_squeeze %dma_start3A_380 : memref<1x40xi32, #tpu.memory_space<vmem>> -> memref<40xi32, #tpu.memory_space<vmem>>
          %dma_start3A_382 = tpu.memref_slice %arg5[%add3A_377] : memref<160000xi32, #tpu.memory_space<hbm>> -> memref<40xi32, #tpu.memory_space<hbm>>
          %dma_start3A_383 = arith.constant 0 : i32
          %dma_start3A_384 = tpu.memref_slice %arg11[%dma_start3A_378, %dma_start3A_383] : memref<5x40xi32, #tpu.memory_space<vmem>> -> memref<1x40xi32, #tpu.memory_space<vmem>>
          %dma_start3A_385 = tpu.memref_squeeze %dma_start3A_384 : memref<1x40xi32, #tpu.memory_space<vmem>> -> memref<40xi32, #tpu.memory_space<vmem>>
          %dma_start3A_386 = tpu.memref_slice %arg5[%add3A_377] : memref<160000xi32, #tpu.memory_space<hbm>> -> memref<40xi32, #tpu.memory_space<hbm>>
          tpu.enqueue_dma source(%dma_start3A_386 : memref<40xi32, #tpu.memory_space<hbm>>) target(%dma_start3A_385 : memref<40xi32, #tpu.memory_space<vmem>>) target_semaphore(%arg18 : memref<!tpu.dma_semaphore, #tpu.memory_space<semaphore_mem>>)
          %dma_wait3A_387 = arith.constant 1 : i32
          %dma_wait3A_388 = arith.constant 0 : i32
          %dma_wait3A_389 = arith.constant 0 : i32
          %dma_wait3A_390 = arith.constant 0 : i32
          %dma_wait3A_391 = tpu.memref_slice %arg12[%dma_wait3A_387, %dma_wait3A_389, %dma_wait3A_390] : memref<5x40x128xf32, #tpu.memory_space<vmem>> -> memref<1x40x128xf32, #tpu.memory_space<vmem>>
          %dma_wait3A_392 = tpu.memref_squeeze %dma_wait3A_391 : memref<1x40x128xf32, #tpu.memory_space<vmem>> -> memref<40x128xf32, #tpu.memory_space<vmem>>
          %dma_wait3A_393 = arith.constant 0 : i32
          %dma_wait3A_394 = tpu.memref_slice %arg11[%dma_wait3A_388, %dma_wait3A_393] : memref<5x40xi32, #tpu.memory_space<vmem>> -> memref<1x40xi32, #tpu.memory_space<vmem>>
          %dma_wait3A_395 = tpu.memref_squeeze %dma_wait3A_394 : memref<1x40xi32, #tpu.memory_space<vmem>> -> memref<40xi32, #tpu.memory_space<vmem>>
          %dma_wait3A_396 = arith.constant 0 : i32
          %dma_wait3A_397 = arith.constant 0 : i32
          %dma_wait3A_398 = tpu.memref_slice %arg9[%dma_wait3A_396, %dma_wait3A_397] : memref<10240x128xf32, #tpu.memory_space<vmem_shared>> -> memref<10240x128xf32, #tpu.memory_space<vmem_shared>>
          tpu.wait_indirect_dma semaphore(%arg24 : memref<!tpu.dma_semaphore, #tpu.memory_space<semaphore_mem>>) src(%dma_wait3A_392 : memref<40x128xf32, #tpu.memory_space<vmem>>) dst(%dma_wait3A_398 : memref<10240x128xf32, #tpu.memory_space<vmem_shared>>)
          %add3A_399 = arith.constant 1 : i32
          %add3A_400 = arith.addi %scan3A_186, %add3A_399 : i32
          %mul3A_401 = arith.constant 5 : i32
          %mul3A_402 = arith.muli %add3A_400, %mul3A_401 : i32
          %add3A_403 = arith.constant 1 : i32
          %add3A_404 = arith.addi %mul3A_402, %add3A_403 : i32
          %mul3A_405 = arith.constant 40 : i32
          %mul3A_406 = arith.muli %add3A_404, %mul3A_405 : i32
          %dma_start3A_407 = arith.constant 1 : i32
          %dma_start3A_408 = arith.constant 0 : i32
          %dma_start3A_409 = arith.constant 0 : i32
          %dma_start3A_410 = tpu.memref_slice %arg12[%dma_start3A_407, %dma_start3A_408, %dma_start3A_409] : memref<5x40x128xf32, #tpu.memory_space<vmem>> -> memref<1x40x128xf32, #tpu.memory_space<vmem>>
          %dma_start3A_411 = tpu.memref_squeeze %dma_start3A_410 : memref<1x40x128xf32, #tpu.memory_space<vmem>> -> memref<40x128xf32, #tpu.memory_space<vmem>>
          %dma_start3A_412 = tpu.memref_slice %arg10[%mul3A_406] : memref<10000xi32, #tpu.memory_space<vmem>> -> memref<40xi32, #tpu.memory_space<vmem>>
          %dma_start3A_413 = arith.constant 0 : i32
          %dma_start3A_414 = arith.constant 0 : i32
          %dma_start3A_415 = tpu.memref_slice %arg3[%dma_start3A_413, %dma_start3A_414] : memref<10240x128xf32, #tpu.memory_space<hbm>> -> memref<10240x128xf32, #tpu.memory_space<hbm>>
          tpu.enqueue_indirect_dma source(%dma_start3A_415 : memref<10240x128xf32, #tpu.memory_space<hbm>>) target(%dma_start3A_411 : memref<40x128xf32, #tpu.memory_space<vmem>>) offsets(%dma_start3A_412 : memref<40xi32, #tpu.memory_space<vmem>>) semaphore(%arg14 : memref<!tpu.dma_semaphore, #tpu.memory_space<semaphore_mem>>)
          %mul3A_416 = arith.constant 40 : i32
          %mul3A_417 = arith.muli %add3A_404, %mul3A_416 : i32
          %add3A_418 = arith.addi %mul3A_13, %mul3A_417 : i32
          %dma_start3A_419 = arith.constant 1 : i32
          %dma_start3A_420 = arith.constant 0 : i32
          %dma_start3A_421 = tpu.memref_slice %arg11[%dma_start3A_419, %dma_start3A_420] : memref<5x40xi32, #tpu.memory_space<vmem>> -> memref<1x40xi32, #tpu.memory_space<vmem>>
          %dma_start3A_422 = tpu.memref_squeeze %dma_start3A_421 : memref<1x40xi32, #tpu.memory_space<vmem>> -> memref<40xi32, #tpu.memory_space<vmem>>
          %dma_start3A_423 = tpu.memref_slice %arg5[%add3A_418] : memref<160000xi32, #tpu.memory_space<hbm>> -> memref<40xi32, #tpu.memory_space<hbm>>
          %dma_start3A_424 = arith.constant 0 : i32
          %dma_start3A_425 = tpu.memref_slice %arg11[%dma_start3A_419, %dma_start3A_424] : memref<5x40xi32, #tpu.memory_space<vmem>> -> memref<1x40xi32, #tpu.memory_space<vmem>>
          %dma_start3A_426 = tpu.memref_squeeze %dma_start3A_425 : memref<1x40xi32, #tpu.memory_space<vmem>> -> memref<40xi32, #tpu.memory_space<vmem>>
          %dma_start3A_427 = tpu.memref_slice %arg5[%add3A_418] : memref<160000xi32, #tpu.memory_space<hbm>> -> memref<40xi32, #tpu.memory_space<hbm>>
          tpu.enqueue_dma source(%dma_start3A_427 : memref<40xi32, #tpu.memory_space<hbm>>) target(%dma_start3A_426 : memref<40xi32, #tpu.memory_space<vmem>>) target_semaphore(%arg19 : memref<!tpu.dma_semaphore, #tpu.memory_space<semaphore_mem>>)
          %dma_wait3A_428 = arith.constant 2 : i32
          %dma_wait3A_429 = arith.constant 0 : i32
          %dma_wait3A_430 = arith.constant 0 : i32
          %dma_wait3A_431 = arith.constant 0 : i32
          %dma_wait3A_432 = tpu.memref_slice %arg12[%dma_wait3A_428, %dma_wait3A_430, %dma_wait3A_431] : memref<5x40x128xf32, #tpu.memory_space<vmem>> -> memref<1x40x128xf32, #tpu.memory_space<vmem>>
          %dma_wait3A_433 = tpu.memref_squeeze %dma_wait3A_432 : memref<1x40x128xf32, #tpu.memory_space<vmem>> -> memref<40x128xf32, #tpu.memory_space<vmem>>
          %dma_wait3A_434 = arith.constant 0 : i32
          %dma_wait3A_435 = tpu.memref_slice %arg11[%dma_wait3A_429, %dma_wait3A_434] : memref<5x40xi32, #tpu.memory_space<vmem>> -> memref<1x40xi32, #tpu.memory_space<vmem>>
          %dma_wait3A_436 = tpu.memref_squeeze %dma_wait3A_435 : memref<1x40xi32, #tpu.memory_space<vmem>> -> memref<40xi32, #tpu.memory_space<vmem>>
          %dma_wait3A_437 = arith.constant 0 : i32
          %dma_wait3A_438 = arith.constant 0 : i32
          %dma_wait3A_439 = tpu.memref_slice %arg9[%dma_wait3A_437, %dma_wait3A_438] : memref<10240x128xf32, #tpu.memory_space<vmem_shared>> -> memref<10240x128xf32, #tpu.memory_space<vmem_shared>>
          tpu.wait_indirect_dma semaphore(%arg25 : memref<!tpu.dma_semaphore, #tpu.memory_space<semaphore_mem>>) src(%dma_wait3A_433 : memref<40x128xf32, #tpu.memory_space<vmem>>) dst(%dma_wait3A_439 : memref<10240x128xf32, #tpu.memory_space<vmem_shared>>)
          %add3A_440 = arith.constant 1 : i32
          %add3A_441 = arith.addi %scan3A_186, %add3A_440 : i32
          %mul3A_442 = arith.constant 5 : i32
          %mul3A_443 = arith.muli %add3A_441, %mul3A_442 : i32
          %add3A_444 = arith.constant 2 : i32
          %add3A_445 = arith.addi %mul3A_443, %add3A_444 : i32
          %mul3A_446 = arith.constant 40 : i32
          %mul3A_447 = arith.muli %add3A_445, %mul3A_446 : i32
          %dma_start3A_448 = arith.constant 2 : i32
          %dma_start3A_449 = arith.constant 0 : i32
          %dma_start3A_450 = arith.constant 0 : i32
          %dma_start3A_451 = tpu.memref_slice %arg12[%dma_start3A_448, %dma_start3A_449, %dma_start3A_450] : memref<5x40x128xf32, #tpu.memory_space<vmem>> -> memref<1x40x128xf32, #tpu.memory_space<vmem>>
          %dma_start3A_452 = tpu.memref_squeeze %dma_start3A_451 : memref<1x40x128xf32, #tpu.memory_space<vmem>> -> memref<40x128xf32, #tpu.memory_space<vmem>>
          %dma_start3A_453 = tpu.memref_slice %arg10[%mul3A_447] : memref<10000xi32, #tpu.memory_space<vmem>> -> memref<40xi32, #tpu.memory_space<vmem>>
          %dma_start3A_454 = arith.constant 0 : i32
          %dma_start3A_455 = arith.constant 0 : i32
          %dma_start3A_456 = tpu.memref_slice %arg3[%dma_start3A_454, %dma_start3A_455] : memref<10240x128xf32, #tpu.memory_space<hbm>> -> memref<10240x128xf32, #tpu.memory_space<hbm>>
          tpu.enqueue_indirect_dma source(%dma_start3A_456 : memref<10240x128xf32, #tpu.memory_space<hbm>>) target(%dma_start3A_452 : memref<40x128xf32, #tpu.memory_space<vmem>>) offsets(%dma_start3A_453 : memref<40xi32, #tpu.memory_space<vmem>>) semaphore(%arg15 : memref<!tpu.dma_semaphore, #tpu.memory_space<semaphore_mem>>)
          %mul3A_457 = arith.constant 40 : i32
          %mul3A_458 = arith.muli %add3A_445, %mul3A_457 : i32
          %add3A_459 = arith.addi %mul3A_13, %mul3A_458 : i32
          %dma_start3A_460 = arith.constant 2 : i32
          %dma_start3A_461 = arith.constant 0 : i32
          %dma_start3A_462 = tpu.memref_slice %arg11[%dma_start3A_460, %dma_start3A_461] : memref<5x40xi32, #tpu.memory_space<vmem>> -> memref<1x40xi32, #tpu.memory_space<vmem>>
          %dma_start3A_463 = tpu.memref_squeeze %dma_start3A_462 : memref<1x40xi32, #tpu.memory_space<vmem>> -> memref<40xi32, #tpu.memory_space<vmem>>
          %dma_start3A_464 = tpu.memref_slice %arg5[%add3A_459] : memref<160000xi32, #tpu.memory_space<hbm>> -> memref<40xi32, #tpu.memory_space<hbm>>
          %dma_start3A_465 = arith.constant 0 : i32
          %dma_start3A_466 = tpu.memref_slice %arg11[%dma_start3A_460, %dma_start3A_465] : memref<5x40xi32, #tpu.memory_space<vmem>> -> memref<1x40xi32, #tpu.memory_space<vmem>>
          %dma_start3A_467 = tpu.memref_squeeze %dma_start3A_466 : memref<1x40xi32, #tpu.memory_space<vmem>> -> memref<40xi32, #tpu.memory_space<vmem>>
          %dma_start3A_468 = tpu.memref_slice %arg5[%add3A_459] : memref<160000xi32, #tpu.memory_space<hbm>> -> memref<40xi32, #tpu.memory_space<hbm>>
          tpu.enqueue_dma source(%dma_start3A_468 : memref<40xi32, #tpu.memory_space<hbm>>) target(%dma_start3A_467 : memref<40xi32, #tpu.memory_space<vmem>>) target_semaphore(%arg20 : memref<!tpu.dma_semaphore, #tpu.memory_space<semaphore_mem>>)
          %dma_wait3A_469 = arith.constant 3 : i32
          %dma_wait3A_470 = arith.constant 0 : i32
          %dma_wait3A_471 = arith.constant 0 : i32
          %dma_wait3A_472 = arith.constant 0 : i32
          %dma_wait3A_473 = tpu.memref_slice %arg12[%dma_wait3A_469, %dma_wait3A_471, %dma_wait3A_472] : memref<5x40x128xf32, #tpu.memory_space<vmem>> -> memref<1x40x128xf32, #tpu.memory_space<vmem>>
          %dma_wait3A_474 = tpu.memref_squeeze %dma_wait3A_473 : memref<1x40x128xf32, #tpu.memory_space<vmem>> -> memref<40x128xf32, #tpu.memory_space<vmem>>
          %dma_wait3A_475 = arith.constant 0 : i32
          %dma_wait3A_476 = tpu.memref_slice %arg11[%dma_wait3A_470, %dma_wait3A_475] : memref<5x40xi32, #tpu.memory_space<vmem>> -> memref<1x40xi32, #tpu.memory_space<vmem>>
          %dma_wait3A_477 = tpu.memref_squeeze %dma_wait3A_476 : memref<1x40xi32, #tpu.memory_space<vmem>> -> memref<40xi32, #tpu.memory_space<vmem>>
          %dma_wait3A_478 = arith.constant 0 : i32
          %dma_wait3A_479 = arith.constant 0 : i32
          %dma_wait3A_480 = tpu.memref_slice %arg9[%dma_wait3A_478, %dma_wait3A_479] : memref<10240x128xf32, #tpu.memory_space<vmem_shared>> -> memref<10240x128xf32, #tpu.memory_space<vmem_shared>>
          tpu.wait_indirect_dma semaphore(%arg26 : memref<!tpu.dma_semaphore, #tpu.memory_space<semaphore_mem>>) src(%dma_wait3A_474 : memref<40x128xf32, #tpu.memory_space<vmem>>) dst(%dma_wait3A_480 : memref<10240x128xf32, #tpu.memory_space<vmem_shared>>)
          %add3A_481 = arith.constant 1 : i32
          %add3A_482 = arith.addi %scan3A_186, %add3A_481 : i32
          %mul3A_483 = arith.constant 5 : i32
          %mul3A_484 = arith.muli %add3A_482, %mul3A_483 : i32
          %add3A_485 = arith.constant 3 : i32
          %add3A_486 = arith.addi %mul3A_484, %add3A_485 : i32
          %mul3A_487 = arith.constant 40 : i32
          %mul3A_488 = arith.muli %add3A_486, %mul3A_487 : i32
          %dma_start3A_489 = arith.constant 3 : i32
          %dma_start3A_490 = arith.constant 0 : i32
          %dma_start3A_491 = arith.constant 0 : i32
          %dma_start3A_492 = tpu.memref_slice %arg12[%dma_start3A_489, %dma_start3A_490, %dma_start3A_491] : memref<5x40x128xf32, #tpu.memory_space<vmem>> -> memref<1x40x128xf32, #tpu.memory_space<vmem>>
          %dma_start3A_493 = tpu.memref_squeeze %dma_start3A_492 : memref<1x40x128xf32, #tpu.memory_space<vmem>> -> memref<40x128xf32, #tpu.memory_space<vmem>>
          %dma_start3A_494 = tpu.memref_slice %arg10[%mul3A_488] : memref<10000xi32, #tpu.memory_space<vmem>> -> memref<40xi32, #tpu.memory_space<vmem>>
          %dma_start3A_495 = arith.constant 0 : i32
          %dma_start3A_496 = arith.constant 0 : i32
          %dma_start3A_497 = tpu.memref_slice %arg3[%dma_start3A_495, %dma_start3A_496] : memref<10240x128xf32, #tpu.memory_space<hbm>> -> memref<10240x128xf32, #tpu.memory_space<hbm>>
          tpu.enqueue_indirect_dma source(%dma_start3A_497 : memref<10240x128xf32, #tpu.memory_space<hbm>>) target(%dma_start3A_493 : memref<40x128xf32, #tpu.memory_space<vmem>>) offsets(%dma_start3A_494 : memref<40xi32, #tpu.memory_space<vmem>>) semaphore(%arg16 : memref<!tpu.dma_semaphore, #tpu.memory_space<semaphore_mem>>)
          %mul3A_498 = arith.constant 40 : i32
          %mul3A_499 = arith.muli %add3A_486, %mul3A_498 : i32
          %add3A_500 = arith.addi %mul3A_13, %mul3A_499 : i32
          %dma_start3A_501 = arith.constant 3 : i32
          %dma_start3A_502 = arith.constant 0 : i32
          %dma_start3A_503 = tpu.memref_slice %arg11[%dma_start3A_501, %dma_start3A_502] : memref<5x40xi32, #tpu.memory_space<vmem>> -> memref<1x40xi32, #tpu.memory_space<vmem>>
          %dma_start3A_504 = tpu.memref_squeeze %dma_start3A_503 : memref<1x40xi32, #tpu.memory_space<vmem>> -> memref<40xi32, #tpu.memory_space<vmem>>
          %dma_start3A_505 = tpu.memref_slice %arg5[%add3A_500] : memref<160000xi32, #tpu.memory_space<hbm>> -> memref<40xi32, #tpu.memory_space<hbm>>
          %dma_start3A_506 = arith.constant 0 : i32
          %dma_start3A_507 = tpu.memref_slice %arg11[%dma_start3A_501, %dma_start3A_506] : memref<5x40xi32, #tpu.memory_space<vmem>> -> memref<1x40xi32, #tpu.memory_space<vmem>>
          %dma_start3A_508 = tpu.memref_squeeze %dma_start3A_507 : memref<1x40xi32, #tpu.memory_space<vmem>> -> memref<40xi32, #tpu.memory_space<vmem>>
          %dma_start3A_509 = tpu.memref_slice %arg5[%add3A_500] : memref<160000xi32, #tpu.memory_space<hbm>> -> memref<40xi32, #tpu.memory_space<hbm>>
          tpu.enqueue_dma source(%dma_start3A_509 : memref<40xi32, #tpu.memory_space<hbm>>) target(%dma_start3A_508 : memref<40xi32, #tpu.memory_space<vmem>>) target_semaphore(%arg21 : memref<!tpu.dma_semaphore, #tpu.memory_space<semaphore_mem>>)
          %dma_wait3A_510 = arith.constant 4 : i32
          %dma_wait3A_511 = arith.constant 0 : i32
          %dma_wait3A_512 = arith.constant 0 : i32
          %dma_wait3A_513 = arith.constant 0 : i32
          %dma_wait3A_514 = tpu.memref_slice %arg12[%dma_wait3A_510, %dma_wait3A_512, %dma_wait3A_513] : memref<5x40x128xf32, #tpu.memory_space<vmem>> -> memref<1x40x128xf32, #tpu.memory_space<vmem>>
          %dma_wait3A_515 = tpu.memref_squeeze %dma_wait3A_514 : memref<1x40x128xf32, #tpu.memory_space<vmem>> -> memref<40x128xf32, #tpu.memory_space<vmem>>
          %dma_wait3A_516 = arith.constant 0 : i32
          %dma_wait3A_517 = tpu.memref_slice %arg11[%dma_wait3A_511, %dma_wait3A_516] : memref<5x40xi32, #tpu.memory_space<vmem>> -> memref<1x40xi32, #tpu.memory_space<vmem>>
          %dma_wait3A_518 = tpu.memref_squeeze %dma_wait3A_517 : memref<1x40xi32, #tpu.memory_space<vmem>> -> memref<40xi32, #tpu.memory_space<vmem>>
          %dma_wait3A_519 = arith.constant 0 : i32
          %dma_wait3A_520 = arith.constant 0 : i32
          %dma_wait3A_521 = tpu.memref_slice %arg9[%dma_wait3A_519, %dma_wait3A_520] : memref<10240x128xf32, #tpu.memory_space<vmem_shared>> -> memref<10240x128xf32, #tpu.memory_space<vmem_shared>>
          tpu.wait_indirect_dma semaphore(%arg27 : memref<!tpu.dma_semaphore, #tpu.memory_space<semaphore_mem>>) src(%dma_wait3A_515 : memref<40x128xf32, #tpu.memory_space<vmem>>) dst(%dma_wait3A_521 : memref<10240x128xf32, #tpu.memory_space<vmem_shared>>)
          %add3A_522 = arith.constant 1 : i32
          %add3A_523 = arith.addi %scan3A_186, %add3A_522 : i32
          %mul3A_524 = arith.constant 5 : i32
          %mul3A_525 = arith.muli %add3A_523, %mul3A_524 : i32
          %add3A_526 = arith.constant 4 : i32
          %add3A_527 = arith.addi %mul3A_525, %add3A_526 : i32
          %mul3A_528 = arith.constant 40 : i32
          %mul3A_529 = arith.muli %add3A_527, %mul3A_528 : i32
          %dma_start3A_530 = arith.constant 4 : i32
          %dma_start3A_531 = arith.constant 0 : i32
          %dma_start3A_532 = arith.constant 0 : i32
          %dma_start3A_533 = tpu.memref_slice %arg12[%dma_start3A_530, %dma_start3A_531, %dma_start3A_532] : memref<5x40x128xf32, #tpu.memory_space<vmem>> -> memref<1x40x128xf32, #tpu.memory_space<vmem>>
          %dma_start3A_534 = tpu.memref_squeeze %dma_start3A_533 : memref<1x40x128xf32, #tpu.memory_space<vmem>> -> memref<40x128xf32, #tpu.memory_space<vmem>>
          %dma_start3A_535 = tpu.memref_slice %arg10[%mul3A_529] : memref<10000xi32, #tpu.memory_space<vmem>> -> memref<40xi32, #tpu.memory_space<vmem>>
          %dma_start3A_536 = arith.constant 0 : i32
          %dma_start3A_537 = arith.constant 0 : i32
          %dma_start3A_538 = tpu.memref_slice %arg3[%dma_start3A_536, %dma_start3A_537] : memref<10240x128xf32, #tpu.memory_space<hbm>> -> memref<10240x128xf32, #tpu.memory_space<hbm>>
          tpu.enqueue_indirect_dma source(%dma_start3A_538 : memref<10240x128xf32, #tpu.memory_space<hbm>>) target(%dma_start3A_534 : memref<40x128xf32, #tpu.memory_space<vmem>>) offsets(%dma_start3A_535 : memref<40xi32, #tpu.memory_space<vmem>>) semaphore(%arg17 : memref<!tpu.dma_semaphore, #tpu.memory_space<semaphore_mem>>)
          %mul3A_539 = arith.constant 40 : i32
          %mul3A_540 = arith.muli %add3A_527, %mul3A_539 : i32
          %add3A_541 = arith.addi %mul3A_13, %mul3A_540 : i32
          %dma_start3A_542 = arith.constant 4 : i32
          %dma_start3A_543 = arith.constant 0 : i32
          %dma_start3A_544 = tpu.memref_slice %arg11[%dma_start3A_542, %dma_start3A_543] : memref<5x40xi32, #tpu.memory_space<vmem>> -> memref<1x40xi32, #tpu.memory_space<vmem>>
          %dma_start3A_545 = tpu.memref_squeeze %dma_start3A_544 : memref<1x40xi32, #tpu.memory_space<vmem>> -> memref<40xi32, #tpu.memory_space<vmem>>
          %dma_start3A_546 = tpu.memref_slice %arg5[%add3A_541] : memref<160000xi32, #tpu.memory_space<hbm>> -> memref<40xi32, #tpu.memory_space<hbm>>
          %dma_start3A_547 = arith.constant 0 : i32
          %dma_start3A_548 = tpu.memref_slice %arg11[%dma_start3A_542, %dma_start3A_547] : memref<5x40xi32, #tpu.memory_space<vmem>> -> memref<1x40xi32, #tpu.memory_space<vmem>>
          %dma_start3A_549 = tpu.memref_squeeze %dma_start3A_548 : memref<1x40xi32, #tpu.memory_space<vmem>> -> memref<40xi32, #tpu.memory_space<vmem>>
          %dma_start3A_550 = tpu.memref_slice %arg5[%add3A_541] : memref<160000xi32, #tpu.memory_space<hbm>> -> memref<40xi32, #tpu.memory_space<hbm>>
          tpu.enqueue_dma source(%dma_start3A_550 : memref<40xi32, #tpu.memory_space<hbm>>) target(%dma_start3A_549 : memref<40xi32, #tpu.memory_space<vmem>>) target_semaphore(%arg22 : memref<!tpu.dma_semaphore, #tpu.memory_space<semaphore_mem>>)
        } else {
        }
      }
      %scan3A_121 = arith.constant 50 : i32
      %dma_wait3A = arith.constant 0 : i32
      %dma_wait3A_122 = arith.constant 0 : i32
      %dma_wait3A_123 = arith.constant 0 : i32
      %dma_wait3A_124 = arith.constant 0 : i32
      %dma_wait3A_125 = tpu.memref_slice %arg12[%dma_wait3A, %dma_wait3A_123, %dma_wait3A_124] : memref<5x40x128xf32, #tpu.memory_space<vmem>> -> memref<1x40x128xf32, #tpu.memory_space<vmem>>
      %dma_wait3A_126 = tpu.memref_squeeze %dma_wait3A_125 : memref<1x40x128xf32, #tpu.memory_space<vmem>> -> memref<40x128xf32, #tpu.memory_space<vmem>>
      %dma_wait3A_127 = arith.constant 0 : i32
      %dma_wait3A_128 = tpu.memref_slice %arg11[%dma_wait3A_122, %dma_wait3A_127] : memref<5x40xi32, #tpu.memory_space<vmem>> -> memref<1x40xi32, #tpu.memory_space<vmem>>
      %dma_wait3A_129 = tpu.memref_squeeze %dma_wait3A_128 : memref<1x40xi32, #tpu.memory_space<vmem>> -> memref<40xi32, #tpu.memory_space<vmem>>
      %dma_wait3A_130 = arith.constant 0 : i32
      %dma_wait3A_131 = arith.constant 0 : i32
      %dma_wait3A_132 = tpu.memref_slice %arg9[%dma_wait3A_130, %dma_wait3A_131] : memref<10240x128xf32, #tpu.memory_space<vmem_shared>> -> memref<10240x128xf32, #tpu.memory_space<vmem_shared>>
      tpu.wait_indirect_dma semaphore(%arg23 : memref<!tpu.dma_semaphore, #tpu.memory_space<semaphore_mem>>) src(%dma_wait3A_126 : memref<40x128xf32, #tpu.memory_space<vmem>>) dst(%dma_wait3A_132 : memref<10240x128xf32, #tpu.memory_space<vmem_shared>>)
      %dma_wait3A_133 = arith.constant 1 : i32
      %dma_wait3A_134 = arith.constant 0 : i32
      %dma_wait3A_135 = arith.constant 0 : i32
      %dma_wait3A_136 = arith.constant 0 : i32
      %dma_wait3A_137 = tpu.memref_slice %arg12[%dma_wait3A_133, %dma_wait3A_135, %dma_wait3A_136] : memref<5x40x128xf32, #tpu.memory_space<vmem>> -> memref<1x40x128xf32, #tpu.memory_space<vmem>>
      %dma_wait3A_138 = tpu.memref_squeeze %dma_wait3A_137 : memref<1x40x128xf32, #tpu.memory_space<vmem>> -> memref<40x128xf32, #tpu.memory_space<vmem>>
      %dma_wait3A_139 = arith.constant 0 : i32
      %dma_wait3A_140 = tpu.memref_slice %arg11[%dma_wait3A_134, %dma_wait3A_139] : memref<5x40xi32, #tpu.memory_space<vmem>> -> memref<1x40xi32, #tpu.memory_space<vmem>>
      %dma_wait3A_141 = tpu.memref_squeeze %dma_wait3A_140 : memref<1x40xi32, #tpu.memory_space<vmem>> -> memref<40xi32, #tpu.memory_space<vmem>>
      %dma_wait3A_142 = arith.constant 0 : i32
      %dma_wait3A_143 = arith.constant 0 : i32
      %dma_wait3A_144 = tpu.memref_slice %arg9[%dma_wait3A_142, %dma_wait3A_143] : memref<10240x128xf32, #tpu.memory_space<vmem_shared>> -> memref<10240x128xf32, #tpu.memory_space<vmem_shared>>
      tpu.wait_indirect_dma semaphore(%arg24 : memref<!tpu.dma_semaphore, #tpu.memory_space<semaphore_mem>>) src(%dma_wait3A_138 : memref<40x128xf32, #tpu.memory_space<vmem>>) dst(%dma_wait3A_144 : memref<10240x128xf32, #tpu.memory_space<vmem_shared>>)
      %dma_wait3A_145 = arith.constant 2 : i32
      %dma_wait3A_146 = arith.constant 0 : i32
      %dma_wait3A_147 = arith.constant 0 : i32
      %dma_wait3A_148 = arith.constant 0 : i32
      %dma_wait3A_149 = tpu.memref_slice %arg12[%dma_wait3A_145, %dma_wait3A_147, %dma_wait3A_148] : memref<5x40x128xf32, #tpu.memory_space<vmem>> -> memref<1x40x128xf32, #tpu.memory_space<vmem>>
      %dma_wait3A_150 = tpu.memref_squeeze %dma_wait3A_149 : memref<1x40x128xf32, #tpu.memory_space<vmem>> -> memref<40x128xf32, #tpu.memory_space<vmem>>
      %dma_wait3A_151 = arith.constant 0 : i32
      %dma_wait3A_152 = tpu.memref_slice %arg11[%dma_wait3A_146, %dma_wait3A_151] : memref<5x40xi32, #tpu.memory_space<vmem>> -> memref<1x40xi32, #tpu.memory_space<vmem>>
      %dma_wait3A_153 = tpu.memref_squeeze %dma_wait3A_152 : memref<1x40xi32, #tpu.memory_space<vmem>> -> memref<40xi32, #tpu.memory_space<vmem>>
      %dma_wait3A_154 = arith.constant 0 : i32
      %dma_wait3A_155 = arith.constant 0 : i32
      %dma_wait3A_156 = tpu.memref_slice %arg9[%dma_wait3A_154, %dma_wait3A_155] : memref<10240x128xf32, #tpu.memory_space<vmem_shared>> -> memref<10240x128xf32, #tpu.memory_space<vmem_shared>>
      tpu.wait_indirect_dma semaphore(%arg25 : memref<!tpu.dma_semaphore, #tpu.memory_space<semaphore_mem>>) src(%dma_wait3A_150 : memref<40x128xf32, #tpu.memory_space<vmem>>) dst(%dma_wait3A_156 : memref<10240x128xf32, #tpu.memory_space<vmem_shared>>)
      %dma_wait3A_157 = arith.constant 3 : i32
      %dma_wait3A_158 = arith.constant 0 : i32
      %dma_wait3A_159 = arith.constant 0 : i32
      %dma_wait3A_160 = arith.constant 0 : i32
      %dma_wait3A_161 = tpu.memref_slice %arg12[%dma_wait3A_157, %dma_wait3A_159, %dma_wait3A_160] : memref<5x40x128xf32, #tpu.memory_space<vmem>> -> memref<1x40x128xf32, #tpu.memory_space<vmem>>
      %dma_wait3A_162 = tpu.memref_squeeze %dma_wait3A_161 : memref<1x40x128xf32, #tpu.memory_space<vmem>> -> memref<40x128xf32, #tpu.memory_space<vmem>>
      %dma_wait3A_163 = arith.constant 0 : i32
      %dma_wait3A_164 = tpu.memref_slice %arg11[%dma_wait3A_158, %dma_wait3A_163] : memref<5x40xi32, #tpu.memory_space<vmem>> -> memref<1x40xi32, #tpu.memory_space<vmem>>
      %dma_wait3A_165 = tpu.memref_squeeze %dma_wait3A_164 : memref<1x40xi32, #tpu.memory_space<vmem>> -> memref<40xi32, #tpu.memory_space<vmem>>
      %dma_wait3A_166 = arith.constant 0 : i32
      %dma_wait3A_167 = arith.constant 0 : i32
      %dma_wait3A_168 = tpu.memref_slice %arg9[%dma_wait3A_166, %dma_wait3A_167] : memref<10240x128xf32, #tpu.memory_space<vmem_shared>> -> memref<10240x128xf32, #tpu.memory_space<vmem_shared>>
      tpu.wait_indirect_dma semaphore(%arg26 : memref<!tpu.dma_semaphore, #tpu.memory_space<semaphore_mem>>) src(%dma_wait3A_162 : memref<40x128xf32, #tpu.memory_space<vmem>>) dst(%dma_wait3A_168 : memref<10240x128xf32, #tpu.memory_space<vmem_shared>>)
      %dma_wait3A_169 = arith.constant 4 : i32
      %dma_wait3A_170 = arith.constant 0 : i32
      %dma_wait3A_171 = arith.constant 0 : i32
      %dma_wait3A_172 = arith.constant 0 : i32
      %dma_wait3A_173 = tpu.memref_slice %arg12[%dma_wait3A_169, %dma_wait3A_171, %dma_wait3A_172] : memref<5x40x128xf32, #tpu.memory_space<vmem>> -> memref<1x40x128xf32, #tpu.memory_space<vmem>>
      %dma_wait3A_174 = tpu.memref_squeeze %dma_wait3A_173 : memref<1x40x128xf32, #tpu.memory_space<vmem>> -> memref<40x128xf32, #tpu.memory_space<vmem>>
      %dma_wait3A_175 = arith.constant 0 : i32
      %dma_wait3A_176 = tpu.memref_slice %arg11[%dma_wait3A_170, %dma_wait3A_175] : memref<5x40xi32, #tpu.memory_space<vmem>> -> memref<1x40xi32, #tpu.memory_space<vmem>>
      %dma_wait3A_177 = tpu.memref_squeeze %dma_wait3A_176 : memref<1x40xi32, #tpu.memory_space<vmem>> -> memref<40xi32, #tpu.memory_space<vmem>>
      %dma_wait3A_178 = arith.constant 0 : i32
      %dma_wait3A_179 = arith.constant 0 : i32
      %dma_wait3A_180 = tpu.memref_slice %arg9[%dma_wait3A_178, %dma_wait3A_179] : memref<10240x128xf32, #tpu.memory_space<vmem_shared>> -> memref<10240x128xf32, #tpu.memory_space<vmem_shared>>
      tpu.wait_indirect_dma semaphore(%arg27 : memref<!tpu.dma_semaphore, #tpu.memory_space<semaphore_mem>>) src(%dma_wait3A_174 : memref<40x128xf32, #tpu.memory_space<vmem>>) dst(%dma_wait3A_180 : memref<10240x128xf32, #tpu.memory_space<vmem_shared>>)
      %barrier3A_181 = arith.constant 0 : index
      tpu.barrier barrier_id(%barrier3A_181)
      %mul3A_182 = arith.constant 640 : i32
      %mul3A_183 = arith.muli %arg1, %mul3A_182 : i32
      %mul3A_184 = arith.constant 640 : i32
      %mul3A_185 = arith.muli %arg1, %mul3A_184 : i32
      "tpu.region"() ({
        %run_scoped3A = tpu.sem_alloc : memref<!tpu.dma_semaphore, #tpu.memory_space<semaphore_mem>>
        %dma_start3A_186 = arith.constant 0 : i32
        %dma_start3A_187 = tpu.memref_slice %arg8[%mul3A_185, %dma_start3A_186] : memref<10240x128xf32, #tpu.memory_space<hbm>> -> memref<640x128xf32, #tpu.memory_space<hbm>>
        %dma_start3A_188 = arith.constant 0 : i32
        %dma_start3A_189 = tpu.memref_slice %arg9[%mul3A_183, %dma_start3A_188] : memref<10240x128xf32, #tpu.memory_space<vmem_shared>> -> memref<640x128xf32, #tpu.memory_space<vmem_shared>>
        tpu.enqueue_dma source(%dma_start3A_189 : memref<640x128xf32, #tpu.memory_space<vmem_shared>>) target(%dma_start3A_187 : memref<640x128xf32, #tpu.memory_space<hbm>>) target_semaphore(%run_scoped3A : memref<!tpu.dma_semaphore, #tpu.memory_space<semaphore_mem>>)
        %dma_wait3A_190 = arith.constant 0 : i32
        %dma_wait3A_191 = tpu.memref_slice %arg8[%mul3A_185, %dma_wait3A_190] : memref<10240x128xf32, #tpu.memory_space<hbm>> -> memref<640x128xf32, #tpu.memory_space<hbm>>
        %dma_wait3A_192 = arith.constant 0 : i32
        %dma_wait3A_193 = tpu.memref_slice %arg9[%mul3A_183, %dma_wait3A_192] : memref<10240x128xf32, #tpu.memory_space<vmem_shared>> -> memref<640x128xf32, #tpu.memory_space<vmem_shared>>
        tpu.wait_dma2 semaphore(%run_scoped3A : memref<!tpu.dma_semaphore, #tpu.memory_space<semaphore_mem>>) src(%dma_wait3A_193 : memref<640x128xf32, #tpu.memory_space<vmem_shared>>) dst(%dma_wait3A_191 : memref<640x128xf32, #tpu.memory_space<hbm>>)
        tpu.yield
      }) : () -> ()
    } else {
    }
    return
  }
}

module attributes {stable_mosaic.version = 14 : i64} {
  func.func @_b1_body(%arg0: i32, %arg1: memref<512x256xf32, #tpu.memory_space<vmem>>, %arg2: memref<256x256xf32, #tpu.memory_space<vmem>>, %arg3: memref<512x128xf32, #tpu.memory_space<vmem>>, %arg4: memref<512x128xf32, #tpu.memory_space<vmem>>, %arg5: memref<512x128xf32, #tpu.memory_space<vmem>>, %arg6: memref<512x128xf32, #tpu.memory_space<vmem>>) attributes {dimension_semantics = [#tpu.dimension_semantics<arbitrary>], iteration_bounds = array<i64: 20>, scalar_prefetch = 0 : i64, scratch_operands = 0 : i64, tpu.core_type = #tpu.core_type<tc>, window_params = [{transform_indices = @transform_0, window_bounds = array<i64: 512, 256>}, {pipeline_mode = #tpu.pipeline_mode<synchronous>, transform_indices = @transform_1, window_bounds = array<i64: 256, 256>}, {transform_indices = @transform_2, window_bounds = array<i64: 512, 128>}, {transform_indices = @transform_3, window_bounds = array<i64: 512, 128>}, {transform_indices = @transform_4, window_bounds = array<i64: 512, 128>}, {transform_indices = @transform_5, window_bounds = array<i64: 512, 128>}]} {
    %get3A = arith.constant 0 : index
    %get3A_0 = arith.constant 0 : index
    %get3A_1 = vector.load %arg3[%get3A, %get3A_0] : memref<512x128xf32, #tpu.memory_space<vmem>>, vector<512x128xf32>
    %get3A_2 = arith.constant 0 : index
    %get3A_3 = arith.constant 0 : index
    %get3A_4 = vector.load %arg4[%get3A_2, %get3A_3] : memref<512x128xf32, #tpu.memory_space<vmem>>, vector<512x128xf32>
    %slice3A = vector.extract_strided_slice %get3A_1 {offsets = [0, 0], sizes = [512, 1], strides = [1, 1]} : vector<512x128xf32> to vector<512x1xf32>
    %slice3A_5 = vector.extract_strided_slice %get3A_4 {offsets = [0, 0], sizes = [512, 1], strides = [1, 1]} : vector<512x128xf32> to vector<512x1xf32>
    %add3A = arith.addf %slice3A, %slice3A_5 : vector<512x1xf32>
    %add3A_6 = arith.constant 1.000000e+00 : f32
    %add3A_7 = vector.broadcast %add3A_6 : f32 to vector<512x1xf32>
    %add3A_8 = arith.addf %add3A, %add3A_7 : vector<512x1xf32>
    %rsqrt3A = math.rsqrt %add3A_8 : vector<512x1xf32>
    %get3A_9 = arith.constant 0 : index
    %get3A_10 = arith.constant 0 : index
    %get3A_11 = vector.load %arg1[%get3A_9, %get3A_10] : memref<512x256xf32, #tpu.memory_space<vmem>>, vector<512x256xf32>
    %get3A_12 = arith.constant 0 : index
    %get3A_13 = arith.constant 0 : index
    %get3A_14 = vector.load %arg2[%get3A_12, %get3A_13] : memref<256x256xf32, #tpu.memory_space<vmem>>, vector<256x256xf32>
    %dot_general3A = arith.constant dense<0.000000e+00> : vector<512x256xf32>
    %dot_general3A_15 = tpu.matmul %get3A_11, %get3A_14, %dot_general3A {dimension_numbers = #tpu.dot_dimension_numbers<[1], [0], [0], [1], [0, 0, 1, 1], [], []>, transpose_lhs_hint = false} : vector<512x256xf32>, vector<256x256xf32>, vector<512x256xf32> -> vector<512x256xf32>
    %mul3A = vector.broadcast %rsqrt3A : vector<512x1xf32> to vector<512x256xf32>
    %mul3A_16 = arith.mulf %dot_general3A_15, %mul3A : vector<512x256xf32>
    %slice3A_17 = vector.extract_strided_slice %mul3A_16 {offsets = [0, 0], sizes = [512, 128], strides = [1, 1]} : vector<512x256xf32> to vector<512x128xf32>
    %swap3A = arith.constant 0 : index
    %swap3A_18 = arith.constant 0 : index
    %swap3A_19 = vector.load %arg5[%swap3A, %swap3A_18] : memref<512x128xf32, #tpu.memory_space<vmem>>, vector<512x128xf32>
    tpu.vector_store %arg5[%swap3A, %swap3A_18], %slice3A_17 {strides = array<i32>} : memref<512x128xf32, #tpu.memory_space<vmem>>, vector<512x128xf32>,
    %slice3A_20 = vector.extract_strided_slice %mul3A_16 {offsets = [0, 128], sizes = [512, 128], strides = [1, 1]} : vector<512x256xf32> to vector<512x128xf32>
    %swap3A_21 = arith.constant 0 : index
    %swap3A_22 = arith.constant 0 : index
    %swap3A_23 = vector.load %arg6[%swap3A_21, %swap3A_22] : memref<512x128xf32, #tpu.memory_space<vmem>>, vector<512x128xf32>
    tpu.vector_store %arg6[%swap3A_21, %swap3A_22], %slice3A_20 {strides = array<i32>} : memref<512x128xf32, #tpu.memory_space<vmem>>, vector<512x128xf32>,
    return
  }
  func.func @transform_0(%arg0: i32) -> (i32, i32) {
    %c0_i32 = arith.constant 0 : i32
    %c0_i32_0 = arith.constant 0 : i32
    return %arg0, %c0_i32 : i32, i32
  }
  func.func @transform_1(%arg0: i32) -> (i32, i32) {
    %c0_i32 = arith.constant 0 : i32
    %c0_i32_0 = arith.constant 0 : i32
    %c0_i32_1 = arith.constant 0 : i32
    return %c0_i32, %c0_i32_0 : i32, i32
  }
  func.func @transform_2(%arg0: i32) -> (i32, i32) {
    %c0_i32 = arith.constant 0 : i32
    %c0_i32_0 = arith.constant 0 : i32
    return %arg0, %c0_i32 : i32, i32
  }
  func.func @transform_3(%arg0: i32) -> (i32, i32) {
    %c0_i32 = arith.constant 0 : i32
    %c0_i32_0 = arith.constant 0 : i32
    return %arg0, %c0_i32 : i32, i32
  }
  func.func @transform_4(%arg0: i32) -> (i32, i32) {
    %c0_i32 = arith.constant 0 : i32
    %c0_i32_0 = arith.constant 0 : i32
    return %arg0, %c0_i32 : i32, i32
  }
  func.func @transform_5(%arg0: i32) -> (i32, i32) {
    %c0_i32 = arith.constant 0 : i32
    %c0_i32_0 = arith.constant 0 : i32
    return %arg0, %c0_i32 : i32, i32
  }
}

module attributes {stable_mosaic.version = 14 : i64} {
  func.func @_b2_body(%arg0: i32, %arg1: memref<512x128xf32, #tpu.memory_space<vmem>>, %arg2: memref<512x128xf32, #tpu.memory_space<vmem>>, %arg3: memref<512x128xf32, #tpu.memory_space<vmem>>, %arg4: memref<512x128xf32, #tpu.memory_space<vmem>>, %arg5: memref<512x128xf32, #tpu.memory_space<vmem>>, %arg6: memref<512x128xf32, #tpu.memory_space<vmem>>, %arg7: memref<8x256xf32, #tpu.memory_space<vmem>>, %arg8: memref<256x256xf32, #tpu.memory_space<vmem>>, %arg9: memref<512x128xf32, #tpu.memory_space<vmem>>, %arg10: memref<512x128xf32, #tpu.memory_space<vmem>>) attributes {dimension_semantics = [#tpu.dimension_semantics<arbitrary>], iteration_bounds = array<i64: 20>, scalar_prefetch = 0 : i64, scratch_operands = 0 : i64, tpu.core_type = #tpu.core_type<tc>, window_params = [{transform_indices = @transform_0, window_bounds = array<i64: 512, 128>}, {transform_indices = @transform_1, window_bounds = array<i64: 512, 128>}, {transform_indices = @transform_2, window_bounds = array<i64: 512, 128>}, {transform_indices = @transform_3, window_bounds = array<i64: 512, 128>}, {transform_indices = @transform_4, window_bounds = array<i64: 512, 128>}, {transform_indices = @transform_5, window_bounds = array<i64: 512, 128>}, {pipeline_mode = #tpu.pipeline_mode<synchronous>, transform_indices = @transform_6, window_bounds = array<i64: 8, 256>}, {pipeline_mode = #tpu.pipeline_mode<synchronous>, transform_indices = @transform_7, window_bounds = array<i64: 256, 256>}, {transform_indices = @transform_8, window_bounds = array<i64: 512, 128>}, {transform_indices = @transform_9, window_bounds = array<i64: 512, 128>}]} {
    %get3A = arith.constant 0 : index
    %get3A_0 = arith.constant 0 : index
    %get3A_1 = vector.load %arg5[%get3A, %get3A_0] : memref<512x128xf32, #tpu.memory_space<vmem>>, vector<512x128xf32>
    %get3A_2 = arith.constant 0 : index
    %get3A_3 = arith.constant 0 : index
    %get3A_4 = vector.load %arg6[%get3A_2, %get3A_3] : memref<512x128xf32, #tpu.memory_space<vmem>>, vector<512x128xf32>
    %slice3A = vector.extract_strided_slice %get3A_1 {offsets = [0, 0], sizes = [512, 1], strides = [1, 1]} : vector<512x128xf32> to vector<512x1xf32>
    %slice3A_5 = vector.extract_strided_slice %get3A_4 {offsets = [0, 0], sizes = [512, 1], strides = [1, 1]} : vector<512x128xf32> to vector<512x1xf32>
    %add3A = arith.addf %slice3A, %slice3A_5 : vector<512x1xf32>
    %add3A_6 = arith.constant 1.000000e+00 : f32
    %add3A_7 = vector.broadcast %add3A_6 : f32 to vector<512x1xf32>
    %add3A_8 = arith.addf %add3A, %add3A_7 : vector<512x1xf32>
    %rsqrt3A = math.rsqrt %add3A_8 : vector<512x1xf32>
    %get3A_9 = arith.constant 0 : index
    %get3A_10 = arith.constant 0 : index
    %get3A_11 = vector.load %arg1[%get3A_9, %get3A_10] : memref<512x128xf32, #tpu.memory_space<vmem>>, vector<512x128xf32>
    %get3A_12 = arith.constant 0 : index
    %get3A_13 = arith.constant 0 : index
    %get3A_14 = vector.load %arg3[%get3A_12, %get3A_13] : memref<512x128xf32, #tpu.memory_space<vmem>>, vector<512x128xf32>
    %add3A_15 = arith.addf %get3A_11, %get3A_14 : vector<512x128xf32>
    %get3A_16 = arith.constant 0 : index
    %get3A_17 = arith.constant 0 : index
    %get3A_18 = vector.load %arg2[%get3A_16, %get3A_17] : memref<512x128xf32, #tpu.memory_space<vmem>>, vector<512x128xf32>
    %get3A_19 = arith.constant 0 : index
    %get3A_20 = arith.constant 0 : index
    %get3A_21 = vector.load %arg4[%get3A_19, %get3A_20] : memref<512x128xf32, #tpu.memory_space<vmem>>, vector<512x128xf32>
    %add3A_22 = arith.addf %get3A_18, %get3A_21 : vector<512x128xf32>
    %concatenate3A = tpu.concatenate %add3A_15, %add3A_22 in 1 : vector<512x128xf32>, vector<512x128xf32> -> vector<512x256xf32>
    %mul3A = vector.broadcast %rsqrt3A : vector<512x1xf32> to vector<512x256xf32>
    %mul3A_23 = arith.mulf %concatenate3A, %mul3A : vector<512x256xf32>
    %get3A_24 = arith.constant 0 : index
    %get3A_25 = arith.constant 0 : index
    %get3A_26 = vector.load %arg7[%get3A_24, %get3A_25] : memref<8x256xf32, #tpu.memory_space<vmem>>, vector<1x256xf32>
    %add3A_27 = vector.broadcast %get3A_26 : vector<1x256xf32> to vector<512x256xf32>
    %add3A_28 = arith.addf %mul3A_23, %add3A_27 : vector<512x256xf32>
    %max3A = arith.constant 0.000000e+00 : f32
    %max3A_29 = vector.broadcast %max3A : f32 to vector<512x256xf32>
    %max3A_30 = arith.maximumf %add3A_28, %max3A_29 : vector<512x256xf32>
    %get3A_31 = arith.constant 0 : index
    %get3A_32 = arith.constant 0 : index
    %get3A_33 = vector.load %arg8[%get3A_31, %get3A_32] : memref<256x256xf32, #tpu.memory_space<vmem>>, vector<256x256xf32>
    %dot_general3A = arith.constant dense<0.000000e+00> : vector<512x256xf32>
    %dot_general3A_34 = tpu.matmul %max3A_30, %get3A_33, %dot_general3A {dimension_numbers = #tpu.dot_dimension_numbers<[1], [0], [0], [1], [0, 0, 1, 1], [], []>, transpose_lhs_hint = false} : vector<512x256xf32>, vector<256x256xf32>, vector<512x256xf32> -> vector<512x256xf32>
    %mul3A_35 = vector.broadcast %rsqrt3A : vector<512x1xf32> to vector<512x256xf32>
    %mul3A_36 = arith.mulf %dot_general3A_34, %mul3A_35 : vector<512x256xf32>
    %slice3A_37 = vector.extract_strided_slice %mul3A_36 {offsets = [0, 0], sizes = [512, 128], strides = [1, 1]} : vector<512x256xf32> to vector<512x128xf32>
    %swap3A = arith.constant 0 : index
    %swap3A_38 = arith.constant 0 : index
    %swap3A_39 = vector.load %arg9[%swap3A, %swap3A_38] : memref<512x128xf32, #tpu.memory_space<vmem>>, vector<512x128xf32>
    tpu.vector_store %arg9[%swap3A, %swap3A_38], %slice3A_37 {strides = array<i32>} : memref<512x128xf32, #tpu.memory_space<vmem>>, vector<512x128xf32>,
    %slice3A_40 = vector.extract_strided_slice %mul3A_36 {offsets = [0, 128], sizes = [512, 128], strides = [1, 1]} : vector<512x256xf32> to vector<512x128xf32>
    %swap3A_41 = arith.constant 0 : index
    %swap3A_42 = arith.constant 0 : index
    %swap3A_43 = vector.load %arg10[%swap3A_41, %swap3A_42] : memref<512x128xf32, #tpu.memory_space<vmem>>, vector<512x128xf32>
    tpu.vector_store %arg10[%swap3A_41, %swap3A_42], %slice3A_40 {strides = array<i32>} : memref<512x128xf32, #tpu.memory_space<vmem>>, vector<512x128xf32>,
    return
  }
  func.func @transform_0(%arg0: i32) -> (i32, i32) {
    %c0_i32 = arith.constant 0 : i32
    %c0_i32_0 = arith.constant 0 : i32
    return %arg0, %c0_i32 : i32, i32
  }
  func.func @transform_1(%arg0: i32) -> (i32, i32) {
    %c0_i32 = arith.constant 0 : i32
    %c0_i32_0 = arith.constant 0 : i32
    return %arg0, %c0_i32 : i32, i32
  }
  func.func @transform_2(%arg0: i32) -> (i32, i32) {
    %c0_i32 = arith.constant 0 : i32
    %c0_i32_0 = arith.constant 0 : i32
    return %arg0, %c0_i32 : i32, i32
  }
  func.func @transform_3(%arg0: i32) -> (i32, i32) {
    %c0_i32 = arith.constant 0 : i32
    %c0_i32_0 = arith.constant 0 : i32
    return %arg0, %c0_i32 : i32, i32
  }
  func.func @transform_4(%arg0: i32) -> (i32, i32) {
    %c0_i32 = arith.constant 0 : i32
    %c0_i32_0 = arith.constant 0 : i32
    return %arg0, %c0_i32 : i32, i32
  }
  func.func @transform_5(%arg0: i32) -> (i32, i32) {
    %c0_i32 = arith.constant 0 : i32
    %c0_i32_0 = arith.constant 0 : i32
    return %arg0, %c0_i32 : i32, i32
  }
  func.func @transform_6(%arg0: i32) -> (i32, i32) {
    %c0_i32 = arith.constant 0 : i32
    %c0_i32_0 = arith.constant 0 : i32
    %c0_i32_1 = arith.constant 0 : i32
    return %c0_i32, %c0_i32_0 : i32, i32
  }
  func.func @transform_7(%arg0: i32) -> (i32, i32) {
    %c0_i32 = arith.constant 0 : i32
    %c0_i32_0 = arith.constant 0 : i32
    %c0_i32_1 = arith.constant 0 : i32
    return %c0_i32, %c0_i32_0 : i32, i32
  }
  func.func @transform_8(%arg0: i32) -> (i32, i32) {
    %c0_i32 = arith.constant 0 : i32
    %c0_i32_0 = arith.constant 0 : i32
    return %arg0, %c0_i32 : i32, i32
  }
  func.func @transform_9(%arg0: i32) -> (i32, i32) {
    %c0_i32 = arith.constant 0 : i32
    %c0_i32_0 = arith.constant 0 : i32
    return %arg0, %c0_i32 : i32, i32
  }
}

module attributes {stable_mosaic.version = 14 : i64} {
  func.func @_b3_body(%arg0: i32, %arg1: memref<512x128xf32, #tpu.memory_space<vmem>>, %arg2: memref<512x128xf32, #tpu.memory_space<vmem>>, %arg3: memref<512x128xf32, #tpu.memory_space<vmem>>, %arg4: memref<512x128xf32, #tpu.memory_space<vmem>>, %arg5: memref<512x128xf32, #tpu.memory_space<vmem>>, %arg6: memref<512x128xf32, #tpu.memory_space<vmem>>, %arg7: memref<8x256xf32, #tpu.memory_space<vmem>>, %arg8: memref<256x64xf32, #tpu.memory_space<vmem>>, %arg9: memref<512x128xf32, #tpu.memory_space<vmem>>) attributes {dimension_semantics = [#tpu.dimension_semantics<arbitrary>], iteration_bounds = array<i64: 20>, scalar_prefetch = 0 : i64, scratch_operands = 0 : i64, tpu.core_type = #tpu.core_type<tc>, window_params = [{transform_indices = @transform_0, window_bounds = array<i64: 512, 128>}, {transform_indices = @transform_1, window_bounds = array<i64: 512, 128>}, {transform_indices = @transform_2, window_bounds = array<i64: 512, 128>}, {transform_indices = @transform_3, window_bounds = array<i64: 512, 128>}, {transform_indices = @transform_4, window_bounds = array<i64: 512, 128>}, {transform_indices = @transform_5, window_bounds = array<i64: 512, 128>}, {pipeline_mode = #tpu.pipeline_mode<synchronous>, transform_indices = @transform_6, window_bounds = array<i64: 8, 256>}, {pipeline_mode = #tpu.pipeline_mode<synchronous>, transform_indices = @transform_7, window_bounds = array<i64: 256, 64>}, {transform_indices = @transform_8, window_bounds = array<i64: 512, 128>}]} {
    %get3A = arith.constant 0 : index
    %get3A_0 = arith.constant 0 : index
    %get3A_1 = vector.load %arg5[%get3A, %get3A_0] : memref<512x128xf32, #tpu.memory_space<vmem>>, vector<512x128xf32>
    %get3A_2 = arith.constant 0 : index
    %get3A_3 = arith.constant 0 : index
    %get3A_4 = vector.load %arg6[%get3A_2, %get3A_3] : memref<512x128xf32, #tpu.memory_space<vmem>>, vector<512x128xf32>
    %slice3A = vector.extract_strided_slice %get3A_1 {offsets = [0, 0], sizes = [512, 1], strides = [1, 1]} : vector<512x128xf32> to vector<512x1xf32>
    %slice3A_5 = vector.extract_strided_slice %get3A_4 {offsets = [0, 0], sizes = [512, 1], strides = [1, 1]} : vector<512x128xf32> to vector<512x1xf32>
    %add3A = arith.addf %slice3A, %slice3A_5 : vector<512x1xf32>
    %add3A_6 = arith.constant 1.000000e+00 : f32
    %add3A_7 = vector.broadcast %add3A_6 : f32 to vector<512x1xf32>
    %add3A_8 = arith.addf %add3A, %add3A_7 : vector<512x1xf32>
    %rsqrt3A = math.rsqrt %add3A_8 : vector<512x1xf32>
    %get3A_9 = arith.constant 0 : index
    %get3A_10 = arith.constant 0 : index
    %get3A_11 = vector.load %arg1[%get3A_9, %get3A_10] : memref<512x128xf32, #tpu.memory_space<vmem>>, vector<512x128xf32>
    %get3A_12 = arith.constant 0 : index
    %get3A_13 = arith.constant 0 : index
    %get3A_14 = vector.load %arg3[%get3A_12, %get3A_13] : memref<512x128xf32, #tpu.memory_space<vmem>>, vector<512x128xf32>
    %add3A_15 = arith.addf %get3A_11, %get3A_14 : vector<512x128xf32>
    %get3A_16 = arith.constant 0 : index
    %get3A_17 = arith.constant 0 : index
    %get3A_18 = vector.load %arg2[%get3A_16, %get3A_17] : memref<512x128xf32, #tpu.memory_space<vmem>>, vector<512x128xf32>
    %get3A_19 = arith.constant 0 : index
    %get3A_20 = arith.constant 0 : index
    %get3A_21 = vector.load %arg4[%get3A_19, %get3A_20] : memref<512x128xf32, #tpu.memory_space<vmem>>, vector<512x128xf32>
    %add3A_22 = arith.addf %get3A_18, %get3A_21 : vector<512x128xf32>
    %concatenate3A = tpu.concatenate %add3A_15, %add3A_22 in 1 : vector<512x128xf32>, vector<512x128xf32> -> vector<512x256xf32>
    %mul3A = vector.broadcast %rsqrt3A : vector<512x1xf32> to vector<512x256xf32>
    %mul3A_23 = arith.mulf %concatenate3A, %mul3A : vector<512x256xf32>
    %get3A_24 = arith.constant 0 : index
    %get3A_25 = arith.constant 0 : index
    %get3A_26 = vector.load %arg7[%get3A_24, %get3A_25] : memref<8x256xf32, #tpu.memory_space<vmem>>, vector<1x256xf32>
    %add3A_27 = vector.broadcast %get3A_26 : vector<1x256xf32> to vector<512x256xf32>
    %add3A_28 = arith.addf %mul3A_23, %add3A_27 : vector<512x256xf32>
    %max3A = arith.constant 0.000000e+00 : f32
    %max3A_29 = vector.broadcast %max3A : f32 to vector<512x256xf32>
    %max3A_30 = arith.maximumf %add3A_28, %max3A_29 : vector<512x256xf32>
    %get3A_31 = arith.constant 0 : index
    %get3A_32 = arith.constant 0 : index
    %get3A_33 = vector.load %arg8[%get3A_31, %get3A_32] : memref<256x64xf32, #tpu.memory_space<vmem>>, vector<256x64xf32>
    %dot_general3A = arith.constant dense<0.000000e+00> : vector<512x64xf32>
    %dot_general3A_34 = tpu.matmul %max3A_30, %get3A_33, %dot_general3A {dimension_numbers = #tpu.dot_dimension_numbers<[1], [0], [0], [1], [0, 0, 1, 1], [], []>, transpose_lhs_hint = false} : vector<512x256xf32>, vector<256x64xf32>, vector<512x64xf32> -> vector<512x64xf32>
    %mul3A_35 = vector.broadcast %rsqrt3A : vector<512x1xf32> to vector<512x64xf32>
    %mul3A_36 = arith.mulf %dot_general3A_34, %mul3A_35 : vector<512x64xf32>
    %broadcast_in_dim3A = arith.constant 0.000000e+00 : f32
    %broadcast_in_dim3A_37 = vector.broadcast %broadcast_in_dim3A : f32 to vector<512x64xf32>
    %concatenate3A_38 = tpu.concatenate %mul3A_36, %broadcast_in_dim3A_37 in 1 : vector<512x64xf32>, vector<512x64xf32> -> vector<512x128xf32>
    %swap3A = arith.constant 0 : index
    %swap3A_39 = arith.constant 0 : index
    %swap3A_40 = vector.load %arg9[%swap3A, %swap3A_39] : memref<512x128xf32, #tpu.memory_space<vmem>>, vector<512x128xf32>
    tpu.vector_store %arg9[%swap3A, %swap3A_39], %concatenate3A_38 {strides = array<i32>} : memref<512x128xf32, #tpu.memory_space<vmem>>, vector<512x128xf32>,
    return
  }
  func.func @transform_0(%arg0: i32) -> (i32, i32) {
    %c0_i32 = arith.constant 0 : i32
    %c0_i32_0 = arith.constant 0 : i32
    return %arg0, %c0_i32 : i32, i32
  }
  func.func @transform_1(%arg0: i32) -> (i32, i32) {
    %c0_i32 = arith.constant 0 : i32
    %c0_i32_0 = arith.constant 0 : i32
    return %arg0, %c0_i32 : i32, i32
  }
  func.func @transform_2(%arg0: i32) -> (i32, i32) {
    %c0_i32 = arith.constant 0 : i32
    %c0_i32_0 = arith.constant 0 : i32
    return %arg0, %c0_i32 : i32, i32
  }
  func.func @transform_3(%arg0: i32) -> (i32, i32) {
    %c0_i32 = arith.constant 0 : i32
    %c0_i32_0 = arith.constant 0 : i32
    return %arg0, %c0_i32 : i32, i32
  }
  func.func @transform_4(%arg0: i32) -> (i32, i32) {
    %c0_i32 = arith.constant 0 : i32
    %c0_i32_0 = arith.constant 0 : i32
    return %arg0, %c0_i32 : i32, i32
  }
  func.func @transform_5(%arg0: i32) -> (i32, i32) {
    %c0_i32 = arith.constant 0 : i32
    %c0_i32_0 = arith.constant 0 : i32
    return %arg0, %c0_i32 : i32, i32
  }
  func.func @transform_6(%arg0: i32) -> (i32, i32) {
    %c0_i32 = arith.constant 0 : i32
    %c0_i32_0 = arith.constant 0 : i32
    %c0_i32_1 = arith.constant 0 : i32
    return %c0_i32, %c0_i32_0 : i32, i32
  }
  func.func @transform_7(%arg0: i32) -> (i32, i32) {
    %c0_i32 = arith.constant 0 : i32
    %c0_i32_0 = arith.constant 0 : i32
    %c0_i32_1 = arith.constant 0 : i32
    return %c0_i32, %c0_i32_0 : i32, i32
  }
  func.func @transform_8(%arg0: i32) -> (i32, i32) {
    %c0_i32 = arith.constant 0 : i32
    %c0_i32_0 = arith.constant 0 : i32
    return %arg0, %c0_i32 : i32, i32
  }
}

module attributes {stable_mosaic.version = 14 : i64} {
  func.func @_b4_body(%arg0: i32, %arg1: memref<512x128xf32, #tpu.memory_space<vmem>>, %arg2: memref<512x128xf32, #tpu.memory_space<vmem>>, %arg3: memref<512x128xf32, #tpu.memory_space<vmem>>, %arg4: memref<512x128xf32, #tpu.memory_space<vmem>>, %arg5: memref<512x128xf32, #tpu.memory_space<vmem>>, %arg6: memref<8x64xf32, #tpu.memory_space<vmem>>, %arg7: memref<512x64xf32, #tpu.memory_space<vmem>>) attributes {dimension_semantics = [#tpu.dimension_semantics<arbitrary>], iteration_bounds = array<i64: 20>, scalar_prefetch = 0 : i64, scratch_operands = 0 : i64, tpu.core_type = #tpu.core_type<tc>, window_params = [{transform_indices = @transform_0, window_bounds = array<i64: 512, 128>}, {transform_indices = @transform_1, window_bounds = array<i64: 512, 128>}, {transform_indices = @transform_2, window_bounds = array<i64: 512, 128>}, {transform_indices = @transform_3, window_bounds = array<i64: 512, 128>}, {transform_indices = @transform_4, window_bounds = array<i64: 512, 128>}, {pipeline_mode = #tpu.pipeline_mode<synchronous>, transform_indices = @transform_5, window_bounds = array<i64: 8, 64>}, {transform_indices = @transform_6, window_bounds = array<i64: 512, 64>}]} {
    %get3A = arith.constant 0 : index
    %get3A_0 = arith.constant 0 : index
    %get3A_1 = vector.load %arg4[%get3A, %get3A_0] : memref<512x128xf32, #tpu.memory_space<vmem>>, vector<512x128xf32>
    %get3A_2 = arith.constant 0 : index
    %get3A_3 = arith.constant 0 : index
    %get3A_4 = vector.load %arg5[%get3A_2, %get3A_3] : memref<512x128xf32, #tpu.memory_space<vmem>>, vector<512x128xf32>
    %slice3A = vector.extract_strided_slice %get3A_1 {offsets = [0, 0], sizes = [512, 1], strides = [1, 1]} : vector<512x128xf32> to vector<512x1xf32>
    %slice3A_5 = vector.extract_strided_slice %get3A_4 {offsets = [0, 0], sizes = [512, 1], strides = [1, 1]} : vector<512x128xf32> to vector<512x1xf32>
    %add3A = arith.addf %slice3A, %slice3A_5 : vector<512x1xf32>
    %add3A_6 = arith.constant 1.000000e+00 : f32
    %add3A_7 = vector.broadcast %add3A_6 : f32 to vector<512x1xf32>
    %add3A_8 = arith.addf %add3A, %add3A_7 : vector<512x1xf32>
    %rsqrt3A = math.rsqrt %add3A_8 : vector<512x1xf32>
    %get3A_9 = arith.constant 0 : index
    %get3A_10 = arith.constant 0 : index
    %get3A_11 = vector.load %arg1[%get3A_9, %get3A_10] : memref<512x128xf32, #tpu.memory_space<vmem>>, vector<512x128xf32>
    %get3A_12 = arith.constant 0 : index
    %get3A_13 = arith.constant 0 : index
    %get3A_14 = vector.load %arg2[%get3A_12, %get3A_13] : memref<512x128xf32, #tpu.memory_space<vmem>>, vector<512x128xf32>
    %add3A_15 = arith.addf %get3A_11, %get3A_14 : vector<512x128xf32>
    %get3A_16 = arith.constant 0 : index
    %get3A_17 = arith.constant 0 : index
    %get3A_18 = vector.load %arg3[%get3A_16, %get3A_17] : memref<512x128xf32, #tpu.memory_space<vmem>>, vector<512x128xf32>
    %add3A_19 = arith.addf %add3A_15, %get3A_18 : vector<512x128xf32>
    %slice3A_20 = vector.extract_strided_slice %add3A_19 {offsets = [0, 0], sizes = [512, 64], strides = [1, 1]} : vector<512x128xf32> to vector<512x64xf32>
    %mul3A = vector.broadcast %rsqrt3A : vector<512x1xf32> to vector<512x64xf32>
    %mul3A_21 = arith.mulf %slice3A_20, %mul3A : vector<512x64xf32>
    %get3A_22 = arith.constant 0 : index
    %get3A_23 = arith.constant 0 : index
    %get3A_24 = vector.load %arg6[%get3A_22, %get3A_23] : memref<8x64xf32, #tpu.memory_space<vmem>>, vector<1x64xf32>
    %add3A_25 = vector.broadcast %get3A_24 : vector<1x64xf32> to vector<512x64xf32>
    %add3A_26 = arith.addf %mul3A_21, %add3A_25 : vector<512x64xf32>
    %swap3A = arith.constant 0 : index
    %swap3A_27 = arith.constant 0 : index
    %swap3A_28 = vector.load %arg7[%swap3A, %swap3A_27] : memref<512x64xf32, #tpu.memory_space<vmem>>, vector<512x64xf32>
    tpu.vector_store %arg7[%swap3A, %swap3A_27], %add3A_26 {strides = array<i32>} : memref<512x64xf32, #tpu.memory_space<vmem>>, vector<512x64xf32>,
    return
  }
  func.func @transform_0(%arg0: i32) -> (i32, i32) {
    %c0_i32 = arith.constant 0 : i32
    %c0_i32_0 = arith.constant 0 : i32
    return %arg0, %c0_i32 : i32, i32
  }
  func.func @transform_1(%arg0: i32) -> (i32, i32) {
    %c0_i32 = arith.constant 0 : i32
    %c0_i32_0 = arith.constant 0 : i32
    return %arg0, %c0_i32 : i32, i32
  }
  func.func @transform_2(%arg0: i32) -> (i32, i32) {
    %c0_i32 = arith.constant 0 : i32
    %c0_i32_0 = arith.constant 0 : i32
    return %arg0, %c0_i32 : i32, i32
  }
  func.func @transform_3(%arg0: i32) -> (i32, i32) {
    %c0_i32 = arith.constant 0 : i32
    %c0_i32_0 = arith.constant 0 : i32
    return %arg0, %c0_i32 : i32, i32
  }
  func.func @transform_4(%arg0: i32) -> (i32, i32) {
    %c0_i32 = arith.constant 0 : i32
    %c0_i32_0 = arith.constant 0 : i32
    return %arg0, %c0_i32 : i32, i32
  }
  func.func @transform_5(%arg0: i32) -> (i32, i32) {
    %c0_i32 = arith.constant 0 : i32
    %c0_i32_0 = arith.constant 0 : i32
    %c0_i32_1 = arith.constant 0 : i32
    return %c0_i32, %c0_i32_0 : i32, i32
  }
  func.func @transform_6(%arg0: i32) -> (i32, i32) {
    %c0_i32 = arith.constant 0 : i32
    %c0_i32_0 = arith.constant 0 : i32
    return %arg0, %c0_i32 : i32, i32
  }
}

</mosaic_0001>

<sc_bundles>
// kernel: kernel.10.cloned.1.call-start
scs
__scs_entry_jumppad:
0x0: {  	(pc) =	sbr.rel $0x88, $3  }
0x1: {  	(tag) =	ssettag $0x0;
	lr =	simm.s32 $0x1  }
0x2: {  	[smem:$0x3F99] =	sst lr;
	_ =	strace $0xD0000000  }
0x3: {  	_ = 	snop  }
0x4: {  	_ = 	snop  }
0x5: {  	_ = 	snop  }
0x6: {  	_ = 	snop  }
0x7: {  	_ = 	snop  }
__scs_overlays_trampoline_lowered:
0x8: {  	[smem:$0x3FA8] =	sst s0  }
0x9: {  	[smem:$0x3FA9] =	sst s1  }
0xa: {  	[smem:$0x3FAA] =	sst s2  }
0xb: {  	[smem:$0x3FAB] =	sst s3  }
0xc: {  	[smem:$0x3FAC] =	sst s4  }
0xd: {  	[smem:$0x3FAD] =	sst s5  }
0xe: {  	[smem:$0x3FAE] =	sst s6  }
0xf: {  	[smem:$0x3FAF] =	sst s7  }
0x10: {  	[smem:$0x3FB0] =	sst s8  }
0x11: {  	[smem:$0x3FB1] =	sst s9;
	s0 =	simm.s32 @!p0 $0x0  }
0x12: {  	s1 =	sld [smem:$0x3F97];
	s0 =	simm.s32 @p0 $0x1  }
0x13: {  	[smem:$0x3FB2] =	sst s0;
	s0 =	simm.s32 @!p1 $0x0  }
0x14: {  	s2 =	sld [smem:$0x3F96];
	s0 =	simm.s32 @p1 $0x1  }
0x15: {  	[smem:$0x3FB3] =	sst s0;
	s0 =	simm.s32 @!p2 $0x0  }
0x16: {  	s3 =	sld [smem:$0x3FDB];
	s0 =	simm.s32 @p2 $0x1  }
0x17: {  	s4 =	simm.s32 $0x1BF5;
	[smem:$0x3FB5] =	sst s0  }
0x18: {  	s0 =	sld [smem:$0x3F98];
	_ =	swait.ge [sflag:s4], $0x0  }
0x19: {  	s7 =	sld [smem:$0x3F99]  }
0x1a: {  	s8 =	sadd.s32 $0xFFFFE003, lr  }
0x1b: {  	s9 =	sadd.s32 $0xFFFFFEF7, lr;
	s5 =	simm.s32 $0xFFFFFFFF;
	p2 =	slt.u32 s8, $0xFFFFF086  }
0x1c: {  	p1 =	slt.u32 s9, $0xF7A;
	s5 =	simm.s32 @!p2 $0x0  }
0x1d: {  	s5 =	simm.s32 @p1 $0x1;
	p0 =	seq.s32 s7, s2  }
0x1e: {  	s7 =	smul.u32 @!p0 $0xF7A, s2;
	p2 =	seq.s32 @!p0 s5, $0x0  }
0x1f: {  	s9 =	smul.u32 $0xF7A, s1;
	s8 =	simm.s32 @!p0 $0x1BF5;
	p2 =	por !p2, p0  }
0x20: {  	[sflag:s8] =	ssyncset.s32 @!p0 $0xFFFFF086;
	s6 =	sadd.s32 @!p0 s3, s7;
	s7 =	simm.s32 @!p0 $0x108  }
0x21: {  	s3 =	sadd.s32 s3, s9;
	s6 =	sadd.s32 @!p0 $0x88, s6;
	s7 =	simm.s32 @p2 $0x1082  }
0x22: {  	[simem:s7], [sflag:s8] =	dma.local @!p0 [hbm:s6], $0xF7A  }
0x23: {  	s9 =	sor.u32 $0xD0000000, s2;
	s6 =	simm.s32 $0x108;
	_ =	swait.ge @!p0 [sflag:s8], $0x0  }
0x24: {  	s3 =	sadd.s32 $0x88, s3;
	s6 =	simm.s32 @!p1 $0x1082;
	[sflag:s4] =	ssyncset.s32 $0xFFFFF086  }
0x25: {  	[simem:s6], [sflag:s4] =	dma.local [hbm:s3], $0xF7A  }
0x26: {  	[smem:$0x3F99] =	sst s1;
	(tag) =	ssettag s2;
	_ =	strace s9  }
0x27: {  	s1 =	sld [smem:$0x3FA9]  }
0x28: {  	s2 =	sld [smem:$0x3FAA]  }
0x29: {  	s4 =	sld [smem:$0x3FAC]  }
0x2a: {  	p0 =	seq.s32 s5, $0x0;
	s5 =	sld [smem:$0x3FAD]  }
0x2b: {  	s6 =	sld [smem:$0x3FAE]  }
0x2c: {  	s7 =	sld [smem:$0x3FAF]  }
0x2d: {  	s3 =	simm.s32 $0x108;
	s8 =	sld [smem:$0x3FB0]  }
0x2e: {  	s3 =	simm.s32 @!p0 $0x1082;
	s9 =	sld [smem:$0x3FB1]  }
0x2f: {  	lr =	sadd.s32 s0, s3;
	s0 =	sld [smem:$0x3FA8]  }
0x30: {  	s3 =	sld [smem:$0x3FAB]  }
0x31: {  	[smem:$0x3FB4] =	sst s10  }
0x32: {  	s10 =	sld [smem:$0x3FB2];
	_ =	sdelay $0x3  }
0x33: {  	p0 =	seq.s32 s10, $0x1;
	s10 =	sld [smem:$0x3FB4];
	_ =	sdelay $0x3  }
0x34: {  	[smem:$0x3FB4] =	sst s10  }
0x35: {  	s10 =	sld [smem:$0x3FB3];
	_ =	sdelay $0x3  }
0x36: {  	p1 =	seq.s32 s10, $0x1;
	s10 =	sld [smem:$0x3FB4];
	_ =	sdelay $0x3  }
0x37: {  	[smem:$0x3FB4] =	sst s10  }
0x38: {  	s10 =	sld [smem:$0x3FB5]  }
0x39: {  	_ = 	snop;
	(pc) =	sbr.ind lr, $3  }
0x3a: {  	_ = 	snop  }
0x3b: {  	_ = 	snop  }
0x3c: {  	p2 =	seq.s32 s10, $0x1;
	s10 =	sld [smem:$0x3FB4]  }
0x3d: {  	_ =	shalt  }
0x3e: {  	_ =	shalt  }
0x3f: {  	_ =	shalt  }
0x40: {  	_ =	shalt  }
0x41: {  	_ =	shalt  }
0x42: {  	_ =	shalt  }
0x43: {  	_ =	shalt  }
0x44: {  	_ =	shalt  }
0x45: {  	_ =	shalt  }
0x46: {  	_ =	shalt  }
0x47: {  	_ =	shalt  }
0x48: {  	_ =	shalt  }
0x49: {  	_ =	shalt  }
0x4a: {  	_ =	shalt  }
0x4b: {  	_ =	shalt  }
0x4c: {  	_ =	shalt  }
0x4d: {  	_ =	shalt  }
0x4e: {  	_ =	shalt  }
0x4f: {  	_ =	shalt  }
0x50: {  	_ =	shalt  }
0x51: {  	_ =	shalt  }
0x52: {  	_ =	shalt  }
0x53: {  	_ =	shalt  }
0x54: {  	_ =	shalt  }
0x55: {  	_ =	shalt  }
0x56: {  	_ =	shalt  }
0x57: {  	_ =	shalt  }
0x58: {  	_ =	shalt  }
0x59: {  	_ =	shalt  }
0x5a: {  	_ =	shalt  }
0x5b: {  	_ =	shalt  }
0x5c: {  	_ =	shalt  }
0x5d: {  	_ =	shalt  }
0x5e: {  	_ =	shalt  }
0x5f: {  	_ =	shalt  }
0x60: {  	_ =	shalt  }
0x61: {  	_ =	shalt  }
0x62: {  	_ =	shalt  }
0x63: {  	_ =	shalt  }
0x64: {  	_ =	shalt  }
0x65: {  	_ =	shalt  }
0x66: {  	_ =	shalt  }
0x67: {  	_ =	shalt  }
0x68: {  	_ =	shalt  }
0x69: {  	_ =	shalt  }
0x6a: {  	_ =	shalt  }
0x6b: {  	_ =	shalt  }
0x6c: {  	_ =	shalt  }
0x6d: {  	_ =	shalt  }
0x6e: {  	_ =	shalt  }
0x6f: {  	_ =	shalt  }
0x70: {  	_ =	shalt  }
0x71: {  	_ =	shalt  }
0x72: {  	_ =	shalt  }
0x73: {  	_ =	shalt  }
0x74: {  	_ =	shalt  }
0x75: {  	_ =	shalt  }
0x76: {  	_ =	shalt  }
0x77: {  	_ =	shalt  }
0x78: {  	_ =	shalt  }
0x79: {  	_ =	shalt  }
0x7a: {  	_ =	shalt  }
0x7b: {  	_ =	shalt  }
0x7c: {  	_ =	shalt  }
0x7d: {  	_ =	shalt  }
0x7e: {  	_ =	shalt  }
0x7f: {  	_ =	shalt  }
0x80: {  	_ =	shalt  }
0x81: {  	_ =	shalt  }
0x82: {  	_ =	shalt  }
0x83: {  	_ =	shalt  }
0x84: {  	_ =	shalt  }
0x85: {  	_ =	shalt  }
0x86: {  	_ =	shalt  }
0x87: {  	_ =	shalt  }
.Lfunc_end0:
.L_simem_size_0:
called_computation_lowered:
.L_overlay_start_0:
0x88: {  	s2 =	sld [smem:$0x3FD9]  }
0x89: {  	s3 =	sld [smem:$0x3FFE];
	_ =	sdelay $0x1  }
0x8a: {  	s1 =	srdreg.scid  }
0x8b: {  	s0 =	sand.u32 $0x1, s1  }
0x8c: {  	s16 =	sshll.u32 s0, $0xA;
	s2 =	sadd.s32 s3, s2  }
0x8d: {  	s2 =	sadd.s32 s2, s16  }
0x8e: {  	[smem:$0x3FC0] =	sst s2  }
0x8f: {  	_ = 	snop  }
0x90: {  	(tm) =	ssettm $0x1  }
0x91: {  	s17 =	sld [smem:$0x3FFB];
	_ =	sdelay $0x3  }
0x92: {  	_ =	strace s17  }
0x93: {  	s2 =	sld [smem:$0x3FFC];
	_ =	sdelay $0x3  }
0x94: {  	_ =	strace s2  }
0x95: {  	s2 =	sld [smem:$0x3FFD];
	_ =	sdelay $0x3  }
0x96: {  	_ =	strace s2  }
0x97: {  	_ =	strace $0x8FFFFFFF  }
0x98: {  	s18 =	sld [smem:$0x3FDB];
	_ =	sdelay $0x1  }
0x99: {  	s19 =	simm.s32 $_scs_section_size  }
0x9a: {  	s4 =	simm.s32 $_size__tile_overlayer_lowered;
	s5 =	simm.s32 $_tile_overlayer_lowered  }
0x9b: {  	s22 =	simm.s32 $0x1BFF;
	s21 =	sshll.u32 s5, $0x1;
	s2 =	sadd.s32 s19, s18  }
0x9c: {  	s6 =	simm.s32 $0x0;
	s20 =	sshll.u32 s4, $0x1;
	s4 =	sadd.s32 s21, s2  }
0x9d: {  	[timem:s6], [sflag:s22] =	dma.local [hbm:s4], s20  }
0x9e: {  	_ =	swait.ge [sflag:s22], s20  }
0x9f: {  	s3 =	ssub.s32 $0x0, s20;
	[sflag:s22] =	ssyncset.done $0x0  }
0xa0: {  	[sflag:s22] =	ssyncadd.s32 s3;
	_ =	sdelay $0x1  }
0xa1: {  	s23 =	simm.s32 $0x1B8B  }
0xa2: {  	_ =	swait.ge [sflag:s23], $0x1  }
0xa3: {  	[sflag:s23] =	ssyncset.done $0x0  }
0xa4: {  	s25 =	simm.s32 $0x1B8E;
	s24 =	sld [smem:$0x3FFE];
	[sflag:s23] =	ssyncadd.s32 $0xFFFFFFFF  }
0xa5: {  	s26 =	simm.s32 $execute0_lowered;
	[smem:$0x3FD2] =	sst s25  }
0xa6: {  	s4 =	sshll.u32 s26, $0x1;
	_ =	strace $0x80000046;
	[dreg:$0x1] =	wrdreg $0xFFFFFFFF  }
0xa7: {  	s28 =	simm.s32 $_size_execute0_lowered;
	s2 =	sadd.s32 s2, s4;
	[dreg:$0x0] =	wrdreg $0x0  }
0xa8: {  	s4 =	sshll.u32 s28, $0x1;
	[dreg:$0x2] =	wrdreg s2  }
0xa9: {  	[dreg:$0x3] =	wrdreg s4  }
0xaa: {  	[dreg:$0x4] =	wrdreg $0xC0  }
0xab: {  	_ =	task [dreg:s6], $0x5FFFF  }
0xac: {  	[dreg:$0x1] =	wrdreg $0xFFFFFFFF  }
0xad: {  	[dreg:$0x0] =	wrdreg $0x60  }
0xae: {  	[dreg:$0x2] =	wrdreg s24  }
0xaf: {  	[dreg:$0x3] =	wrdreg $0x0  }
0xb0: {  	[dreg:$0x4] =	wrdreg $0x9  }
0xb1: {  	_ =	task.clear_ibuf [dreg:s6], $0x5FFFF;
	_ =	strace $0x90000046  }
0xb2: {  	s29 =	simm.s32 $0x9;
	_ =	strace $0x80000048  }
0xb3: {  	_ =	swait.ge [sflag:s29], $0x1  }
0xb4: {  	[sflag:s29] =	ssyncadd.s32 $0xFFFFFFFF  }
0xb5: {  	_ =	strace $0x90000048  }
0xb6: {  	_ =	sfence  }
0xb7: {  	s30 =	sld [smem:$0x0];
	_ =	sdelay $0x2  }
0xb8: {  	s31 =	sshll.u32 s1, $0xD;
	s1 =	sshrl.u32 s1, $0x2  }
0xb9: {  	s3 =	sand.u32 $0x4000, s31;
	s1 =	sadd.s32 s1, s30  }
0xba: {  	s0 =	sor.u32 s3, s0;
	s1 =	sshll.u32 s1, $0x11  }
0xbb: {  	s0 =	sor.u32 s1, s0  }
0xbc: {  	s0 =	sadd.s32 $0x8F2B, s0  }
0xbd: {  	[sflag:s0] =	ssyncadd.remote.s32 $0x1  }
0xbe: {  	_ =	sfence.sel $0xFFFF  }
0xbf: {  	[dreg:$0x0] =	wrdreg $0xFFFFFFFF;
	(pc) =	sbr.abs _section_cstart, $3  }
0xc0: {  	[dreg:$0x1] =	wrdreg $0xFFFFFFFF  }
0xc1: {  	_ =	task.clear_ibuf [dreg:s6], $0x2FFFF;
	_ =	strace $0x9FFFFFFF  }
0xc2: {  	(tm) =	ssettm $0x7FFFFFFF  }
0xc3: {  	_ =	shalt  }
tec
execute0_lowered:
.L_overlay_start_1:
0x0: {  	(tag) =	ssettag $0x1  }
0x1: {  	s4 =	rddreg [dreg:$0x0]  }
0x2: {  	s0 =	srdreg.scid;
	s2 =	rddreg [dreg:$0x1]  }
0x3: {  	s1 =	rddreg [dreg:$0x2];
	s5 =	sand.u32 $0x1, s0  }
0x4: {  	s3 =	simm.s32 $0x0;
	s0 =	stileid.u32;
	s6 =	smul.u32 $0x13880, s5  }
0x5: {  	s12 =	simm.s32 $0x14000;
	s13 =	simm.s32 $0x15400;
	s7 =	smul.u32 $0x1388, s0  }
0x6: {  	s14 =	simm.s32 $0x28;
	[smem:$0x7FF] =	sst s3;
	s28 =	smul.u32 $0x2800, s0  }
0x7: {  	s15 =	simm.s32 $0x0;
	s8 =	smul.u32 $0x50000, s0;
	_ =	strace $0x80000047  }
0x8: {  	s29 =	ssub.s32 $0x2, s5;
	s31 =	sshll.u32 s0, $0x6;
	p0 =	seq.s32 s5, $0x1  }
0x9: {  	s30 =	sshrl.u32 s29, $0x1;
	s6 =	sadd.s32 s7, s6;
	s10 =	sadd.s32 s28, s4  }
0xa: {  	s8 =	sshrl.u32 s8, $0x2;
	s7 =	ssub.s32 s29, s30;
	s6 =	sshrl.u32 s6, $0x3  }
0xb: {  	s11 =	sadd.s32 s8, s2;
	s8 =	simm.s32 $0x5A600;
	s5 =	sadd.s32 $0xA200, s10  }
0xc: {  	s7 =	smax.u32 s7, $0x1;
	s9 =	sadd.s32 s6, s4;
	s8 =	simm.s32 @!p0 $0x32600  }
0xd: {  	s4 =	sadd.s32 $0x32200, s4;
	s6 =	sor.u32 $0x1C01, s31;
	s8 =	sadd.s32 s8, s10  }
0xe: {  	s9 =	sadd.s32 $0x5200, s9;
	s10 =	sshrl.u32 s11, $0x3;
	s11 =	simm.s32 $0x1  }
.LBB2_1:
0xf: {  	[spmem:s10], [sflag:s6] =	dma.local [hbm:s5], $0x2800  }
0x10: {  	_ =	swait.ge [sflag:s11], $0x2800  }
0x11: {  	[sflag:s11] =	ssyncset.done $0x0  }
0x12: {  	[sflag:s11] =	ssyncadd.s32 $0xFFFFD800  }
0x13: {  	[tilespmem:s12], [sflag:$0x1] =	stream.linear.gather [hbm4b:s4+s3], $0x1400, $0x38;
	[tilespmem:$0x15480] =	vst v63  }
0x14: {  	_ =	swait.ge [sflag:s11], $0x1400  }
0x15: {  	[sflag:s11] =	ssyncset.done $0x0  }
0x16: {  	[sflag:s11] =	ssyncadd.s32 $0xFFFFEC00  }
0x17: {  	s16 =	sadd.s32 $0x0, s9;
	[bflag:$0x0] =	sbarrier.arrive $0xFFFF  }
0x18: {  	[tilespmem:s13], [sflag:$0x1] =	stream.linear.gather [hbm4b:s16+s3], $0x28, $0x38;
	[tilespmem:$0x15480] =	vst v63  }
0x19: {  	_ =	swait.ge [sflag:s11], $0x28  }
0x1a: {  	[sflag:s11] =	ssyncset.done $0x0  }
0x1b: {  	[sflag:s11] =	ssyncadd.s32 $0xFFFFFFD8  }
0x1c: {  	[spmem:s2] =	stream.indirect.scatter.add.f32 [tilespmem:s12], [sflag:$0x1], $0x80, s13, s14, $0xb8;
	[tilespmem:$0x15480] =	vst v63  }
0x1d: {  	_ =	swait.ge [sflag:s11], $0x1400  }
0x1e: {  	s17 =	simm.s32 $0xA;
	s16 =	simm.s32 $0x5;
	[sflag:s11] =	ssyncset.done $0x0  }
.LBB2_2:
0x1f: {  	s18 =	sadd.s32 s16, s9  }
0x20: {  	[sflag:s11] =	ssyncadd.s32 $0xFFFFEC00;
	s16 =	smov.u32 s17;
	s19 =	sadd.s32 $0x5, s17  }
0x21: {  	[tilespmem:s13], [sflag:$0x1] =	stream.linear.gather [hbm4b:s18+s3], $0x28, $0x38;
	[tilespmem:$0x15480] =	vst v63  }
0x22: {  	p0 =	sne.s32 s17, $0x26C;
	_ =	swait.ge [sflag:s11], $0x28  }
.Ltmp0:
0x23: {  	[sflag:s11] =	ssyncset.done $0x0;
	(pc) =	sbr.rel @p0 .LBB2_2-.Ltmp0, $4  }
0x24: {  	[sflag:s11] =	ssyncadd.s32 $0xFFFFFFD8  }
0x25: {  	[spmem:s2] =	stream.indirect.scatter.add.f32 [tilespmem:s12], [sflag:$0x1], $0x80, s13, s14, $0xb8;
	[tilespmem:$0x15480] =	vst v63  }
0x26: {  	_ =	swait.ge [sflag:s11], $0x1400  }
0x27: {  	s17 =	smov.u32 s19;
	[sflag:s11] =	ssyncset.done $0x0  }
0x28: {  	s16 =	sadd.s32 s16, s9;
	[sflag:s11] =	ssyncadd.s32 $0xFFFFEC00  }
0x29: {  	[tilespmem:s13], [sflag:$0x1] =	stream.linear.gather [hbm4b:s16+s3], $0x28, $0x38;
	[tilespmem:$0x15480] =	vst v63  }
0x2a: {  	_ =	swait.ge [sflag:s11], $0x28  }
0x2b: {  	[sflag:s11] =	ssyncset.done $0x0  }
0x2c: {  	[sflag:s11] =	ssyncadd.s32 $0xFFFFFFD8  }
0x2d: {  	[spmem:s2] =	stream.indirect.scatter.add.f32 [tilespmem:s12], [sflag:$0x1], $0x80, s13, s14, $0xb8;
	[tilespmem:$0x15480] =	vst v63  }
0x2e: {  	_ =	swait.ge [sflag:s11], $0x1400  }
0x2f: {  	s15 =	sadd.s32 $0x1, s15;
	[sflag:s11] =	ssyncset.done $0x0  }
0x30: {  	p0 =	sne.s32 s15, s7;
	[sflag:s11] =	ssyncadd.s32 $0xFFFFEC00  }
.Ltmp1:
0x31: {  	[bflag:$0x0] =	sbarrier.arrive $0xFFFF;
	(pc) =	sbr.rel @p0 .LBB2_1-.Ltmp1, $4  }
0x32: {  	[hbm:s8], [sflag:s6] =	dma.local [spmem:s10], $0x2800  }
0x33: {  	_ =	swait.ge [sflag:s11], $0x2800  }
0x34: {  	[sflag:s11] =	ssyncset.done $0x0  }
0x35: {  	[sflag:s11] =	ssyncadd.s32 $0xFFFFD800  }
0x36: {  	_ =	sfence.sel $0x180000  }
0x37: {  	[bflag:$0x0] =	sbarrier.arrive $0xFFFF  }
0x38: {  	p0 =	sne.s32 s0, $0x0;
	_ =	strace $0x90000047  }
0x39: {  	s0 =	sadd.s32 @!p0 $0x100000, s1;
	[bflag:$0x2] =	sbarrier.arrive $0xFFFF  }
0x3a: {  	[sflag:s0] =	ssyncadd.tile.s32 @!p0 $0x1;
	_ =	shalt  }
.Lfunc_end2:
_tile_overlayer_lowered:
.L_overlay_start_2:
0x3b: {  	(tag) =	ssettag $0x2  }
0x3c: {  	s0 =	rddreg [dreg:$0x0];
	s2 =	stileid.u32  }
0x3d: {  	s1 =	rddreg [dreg:$0x1];
	p0 =	sne.s32 s2, $0x0  }
0x3e: {  	s3 =	rddreg [dreg:$0x2];
	[bflag:$0x3] =	sbarrier.arrive $0xFFFF;
	s2 =	simm.s32 @!p0 $0x1C01  }
0x3f: {  	[timem:s3], [sflag:s2] =	dma.local @!p0 [hbm:s0], s1  }
0x40: {  	s0 =	simm.s32 @!p0 $0x1  }
0x41: {  	_ =	swait.ge @!p0 [sflag:s0], s1  }
0x42: {  	s1 =	ssub.s32 @!p0 $0x0, s1;
	[sflag:s0] =	ssyncset.done @!p0 $0x0  }
0x43: {  	[sflag:s0] =	ssyncadd.s32 @!p0 s1  }
0x44: {  	[bflag:$0x3] =	sbarrier.arrive $0xFFFF  }
0x45: {  	_ =	shalt  }

// kernel: kernel.13.cloned.1.call-start
scs
__scs_entry_jumppad:
0x0: {  	(pc) =	sbr.rel $0x88, $3  }
0x1: {  	(tag) =	ssettag $0x0;
	lr =	simm.s32 $0x1  }
0x2: {  	[smem:$0x3F99] =	sst lr;
	_ =	strace $0xD0000000  }
0x3: {  	_ = 	snop  }
0x4: {  	_ = 	snop  }
0x5: {  	_ = 	snop  }
0x6: {  	_ = 	snop  }
0x7: {  	_ = 	snop  }
__scs_overlays_trampoline_lowered:
0x8: {  	[smem:$0x3FA8] =	sst s0  }
0x9: {  	[smem:$0x3FA9] =	sst s1  }
0xa: {  	[smem:$0x3FAA] =	sst s2  }
0xb: {  	[smem:$0x3FAB] =	sst s3  }
0xc: {  	[smem:$0x3FAC] =	sst s4  }
0xd: {  	[smem:$0x3FAD] =	sst s5  }
0xe: {  	[smem:$0x3FAE] =	sst s6  }
0xf: {  	[smem:$0x3FAF] =	sst s7  }
0x10: {  	[smem:$0x3FB0] =	sst s8  }
0x11: {  	[smem:$0x3FB1] =	sst s9;
	s0 =	simm.s32 @!p0 $0x0  }
0x12: {  	s1 =	sld [smem:$0x3F97];
	s0 =	simm.s32 @p0 $0x1  }
0x13: {  	[smem:$0x3FB2] =	sst s0;
	s0 =	simm.s32 @!p1 $0x0  }
0x14: {  	s2 =	sld [smem:$0x3F96];
	s0 =	simm.s32 @p1 $0x1  }
0x15: {  	[smem:$0x3FB3] =	sst s0;
	s0 =	simm.s32 @!p2 $0x0  }
0x16: {  	s3 =	sld [smem:$0x3FDB];
	s0 =	simm.s32 @p2 $0x1  }
0x17: {  	s4 =	simm.s32 $0x1BF5;
	[smem:$0x3FB5] =	sst s0  }
0x18: {  	s0 =	sld [smem:$0x3F98];
	_ =	swait.ge [sflag:s4], $0x0  }
0x19: {  	s7 =	sld [smem:$0x3F99]  }
0x1a: {  	s8 =	sadd.s32 $0xFFFFE003, lr  }
0x1b: {  	s9 =	sadd.s32 $0xFFFFFEF7, lr;
	s5 =	simm.s32 $0xFFFFFFFF;
	p2 =	slt.u32 s8, $0xFFFFF086  }
0x1c: {  	p1 =	slt.u32 s9, $0xF7A;
	s5 =	simm.s32 @!p2 $0x0  }
0x1d: {  	s5 =	simm.s32 @p1 $0x1;
	p0 =	seq.s32 s7, s2  }
0x1e: {  	s7 =	smul.u32 @!p0 $0xF7A, s2;
	p2 =	seq.s32 @!p0 s5, $0x0  }
0x1f: {  	s9 =	smul.u32 $0xF7A, s1;
	s8 =	simm.s32 @!p0 $0x1BF5;
	p2 =	por !p2, p0  }
0x20: {  	[sflag:s8] =	ssyncset.s32 @!p0 $0xFFFFF086;
	s6 =	sadd.s32 @!p0 s3, s7;
	s7 =	simm.s32 @!p0 $0x108  }
0x21: {  	s3 =	sadd.s32 s3, s9;
	s6 =	sadd.s32 @!p0 $0x88, s6;
	s7 =	simm.s32 @p2 $0x1082  }
0x22: {  	[simem:s7], [sflag:s8] =	dma.local @!p0 [hbm:s6], $0xF7A  }
0x23: {  	s9 =	sor.u32 $0xD0000000, s2;
	s6 =	simm.s32 $0x108;
	_ =	swait.ge @!p0 [sflag:s8], $0x0  }
0x24: {  	s3 =	sadd.s32 $0x88, s3;
	s6 =	simm.s32 @!p1 $0x1082;
	[sflag:s4] =	ssyncset.s32 $0xFFFFF086  }
0x25: {  	[simem:s6], [sflag:s4] =	dma.local [hbm:s3], $0xF7A  }
0x26: {  	[smem:$0x3F99] =	sst s1;
	(tag) =	ssettag s2;
	_ =	strace s9  }
0x27: {  	s1 =	sld [smem:$0x3FA9]  }
0x28: {  	s2 =	sld [smem:$0x3FAA]  }
0x29: {  	s4 =	sld [smem:$0x3FAC]  }
0x2a: {  	p0 =	seq.s32 s5, $0x0;
	s5 =	sld [smem:$0x3FAD]  }
0x2b: {  	s6 =	sld [smem:$0x3FAE]  }
0x2c: {  	s7 =	sld [smem:$0x3FAF]  }
0x2d: {  	s3 =	simm.s32 $0x108;
	s8 =	sld [smem:$0x3FB0]  }
0x2e: {  	s3 =	simm.s32 @!p0 $0x1082;
	s9 =	sld [smem:$0x3FB1]  }
0x2f: {  	lr =	sadd.s32 s0, s3;
	s0 =	sld [smem:$0x3FA8]  }
0x30: {  	s3 =	sld [smem:$0x3FAB]  }
0x31: {  	[smem:$0x3FB4] =	sst s10  }
0x32: {  	s10 =	sld [smem:$0x3FB2];
	_ =	sdelay $0x3  }
0x33: {  	p0 =	seq.s32 s10, $0x1;
	s10 =	sld [smem:$0x3FB4];
	_ =	sdelay $0x3  }
0x34: {  	[smem:$0x3FB4] =	sst s10  }
0x35: {  	s10 =	sld [smem:$0x3FB3];
	_ =	sdelay $0x3  }
0x36: {  	p1 =	seq.s32 s10, $0x1;
	s10 =	sld [smem:$0x3FB4];
	_ =	sdelay $0x3  }
0x37: {  	[smem:$0x3FB4] =	sst s10  }
0x38: {  	s10 =	sld [smem:$0x3FB5]  }
0x39: {  	_ = 	snop;
	(pc) =	sbr.ind lr, $3  }
0x3a: {  	_ = 	snop  }
0x3b: {  	_ = 	snop  }
0x3c: {  	p2 =	seq.s32 s10, $0x1;
	s10 =	sld [smem:$0x3FB4]  }
0x3d: {  	_ =	shalt  }
0x3e: {  	_ =	shalt  }
0x3f: {  	_ =	shalt  }
0x40: {  	_ =	shalt  }
0x41: {  	_ =	shalt  }
0x42: {  	_ =	shalt  }
0x43: {  	_ =	shalt  }
0x44: {  	_ =	shalt  }
0x45: {  	_ =	shalt  }
0x46: {  	_ =	shalt  }
0x47: {  	_ =	shalt  }
0x48: {  	_ =	shalt  }
0x49: {  	_ =	shalt  }
0x4a: {  	_ =	shalt  }
0x4b: {  	_ =	shalt  }
0x4c: {  	_ =	shalt  }
0x4d: {  	_ =	shalt  }
0x4e: {  	_ =	shalt  }
0x4f: {  	_ =	shalt  }
0x50: {  	_ =	shalt  }
0x51: {  	_ =	shalt  }
0x52: {  	_ =	shalt  }
0x53: {  	_ =	shalt  }
0x54: {  	_ =	shalt  }
0x55: {  	_ =	shalt  }
0x56: {  	_ =	shalt  }
0x57: {  	_ =	shalt  }
0x58: {  	_ =	shalt  }
0x59: {  	_ =	shalt  }
0x5a: {  	_ =	shalt  }
0x5b: {  	_ =	shalt  }
0x5c: {  	_ =	shalt  }
0x5d: {  	_ =	shalt  }
0x5e: {  	_ =	shalt  }
0x5f: {  	_ =	shalt  }
0x60: {  	_ =	shalt  }
0x61: {  	_ =	shalt  }
0x62: {  	_ =	shalt  }
0x63: {  	_ =	shalt  }
0x64: {  	_ =	shalt  }
0x65: {  	_ =	shalt  }
0x66: {  	_ =	shalt  }
0x67: {  	_ =	shalt  }
0x68: {  	_ =	shalt  }
0x69: {  	_ =	shalt  }
0x6a: {  	_ =	shalt  }
0x6b: {  	_ =	shalt  }
0x6c: {  	_ =	shalt  }
0x6d: {  	_ =	shalt  }
0x6e: {  	_ =	shalt  }
0x6f: {  	_ =	shalt  }
0x70: {  	_ =	shalt  }
0x71: {  	_ =	shalt  }
0x72: {  	_ =	shalt  }
0x73: {  	_ =	shalt  }
0x74: {  	_ =	shalt  }
0x75: {  	_ =	shalt  }
0x76: {  	_ =	shalt  }
0x77: {  	_ =	shalt  }
0x78: {  	_ =	shalt  }
0x79: {  	_ =	shalt  }
0x7a: {  	_ =	shalt  }
0x7b: {  	_ =	shalt  }
0x7c: {  	_ =	shalt  }
0x7d: {  	_ =	shalt  }
0x7e: {  	_ =	shalt  }
0x7f: {  	_ =	shalt  }
0x80: {  	_ =	shalt  }
0x81: {  	_ =	shalt  }
0x82: {  	_ =	shalt  }
0x83: {  	_ =	shalt  }
0x84: {  	_ =	shalt  }
0x85: {  	_ =	shalt  }
0x86: {  	_ =	shalt  }
0x87: {  	_ =	shalt  }
.Lfunc_end0:
.L_simem_size_0:
called_computation.1_lowered:
.L_overlay_start_0:
0x88: {  	s2 =	sld [smem:$0x3FD9]  }
0x89: {  	s3 =	sld [smem:$0x3FFE];
	_ =	sdelay $0x1  }
0x8a: {  	s1 =	srdreg.scid  }
0x8b: {  	s0 =	sand.u32 $0x1, s1  }
0x8c: {  	s17 =	sshll.u32 s0, $0xA;
	s2 =	sadd.s32 s3, s2  }
0x8d: {  	s2 =	sadd.s32 s2, s17  }
0x8e: {  	[smem:$0x3FC0] =	sst s2  }
0x8f: {  	_ = 	snop  }
0x90: {  	s2 =	sld [smem:$0x3FD0];
	(tm) =	ssettm $0x1  }
0x91: {  	s18 =	sld [smem:$0x3FFB];
	_ =	sdelay $0x3  }
0x92: {  	_ =	strace s18  }
0x93: {  	s3 =	sld [smem:$0x3FFC];
	_ =	sdelay $0x3  }
0x94: {  	_ =	strace s3  }
0x95: {  	s3 =	sld [smem:$0x3FFD];
	_ =	sdelay $0x3  }
0x96: {  	_ =	strace s3  }
0x97: {  	_ =	strace $0x8FFFFFFF  }
0x98: {  	s19 =	sld [smem:$0x3FDB];
	_ =	sdelay $0x1  }
0x99: {  	s4 =	simm.s32 $_scs_section_size  }
0x9a: {  	s5 =	simm.s32 $_size__tile_overlayer_lowered;
	s6 =	simm.s32 $_tile_overlayer_lowered  }
0x9b: {  	s22 =	simm.s32 $0x1BFF;
	s21 =	sshll.u32 s6, $0x1;
	s3 =	sadd.s32 s4, s19  }
0x9c: {  	s7 =	simm.s32 $0x0;
	s20 =	sshll.u32 s5, $0x1;
	s5 =	sadd.s32 s21, s3  }
0x9d: {  	[timem:s7], [sflag:s22] =	dma.local [hbm:s5], s20  }
0x9e: {  	_ =	swait.ge [sflag:s22], s20  }
0x9f: {  	s4 =	ssub.s32 $0x0, s20;
	[sflag:s22] =	ssyncset.done $0x0  }
0xa0: {  	[sflag:s22] =	ssyncadd.s32 s4;
	_ =	sdelay $0x1  }
0xa1: {  	s23 =	simm.s32 $0x1B8B  }
0xa2: {  	_ =	swait.ge [sflag:s23], $0x1  }
0xa3: {  	[sflag:s23] =	ssyncset.done $0x0  }
0xa4: {  	s25 =	simm.s32 $0x1B8E;
	s24 =	sld [smem:$0x3FFE];
	[sflag:s23] =	ssyncadd.s32 $0xFFFFFFFF  }
0xa5: {  	s26 =	simm.s32 $execute0_lowered;
	[smem:$0x3FD2] =	sst s25  }
0xa6: {  	s5 =	sshll.u32 s26, $0x1;
	_ =	strace $0x80000049;
	[dreg:$0x1] =	wrdreg $0xFFFFFFFF  }
0xa7: {  	s28 =	simm.s32 $_size_execute0_lowered;
	s3 =	sadd.s32 s3, s5;
	[dreg:$0x0] =	wrdreg $0x0  }
0xa8: {  	s5 =	sshll.u32 s28, $0x1;
	[dreg:$0x2] =	wrdreg s3  }
0xa9: {  	[dreg:$0x3] =	wrdreg s5  }
0xaa: {  	[dreg:$0x4] =	wrdreg $0xC0  }
0xab: {  	_ =	task [dreg:s7], $0x5FFFF  }
0xac: {  	[dreg:$0x1] =	wrdreg $0xFFFFFFFF  }
0xad: {  	[dreg:$0x0] =	wrdreg $0x60  }
0xae: {  	[dreg:$0x2] =	wrdreg s24  }
0xaf: {  	[dreg:$0x3] =	wrdreg s2  }
0xb0: {  	[dreg:$0x4] =	wrdreg $0x0  }
0xb1: {  	[dreg:$0x5] =	wrdreg $0x9  }
0xb2: {  	_ =	task.clear_ibuf [dreg:s7], $0x6FFFF;
	_ =	strace $0x90000049  }
0xb3: {  	s29 =	simm.s32 $0x9;
	_ =	strace $0x8000004B  }
0xb4: {  	_ =	swait.ge [sflag:s29], $0x1  }
0xb5: {  	[sflag:s29] =	ssyncadd.s32 $0xFFFFFFFF  }
0xb6: {  	_ =	strace $0x9000004B  }
0xb7: {  	_ =	sfence  }
0xb8: {  	s30 =	sld [smem:$0x0];
	_ =	sdelay $0x2  }
0xb9: {  	s31 =	sshll.u32 s1, $0xD;
	s1 =	sshrl.u32 s1, $0x2  }
0xba: {  	s3 =	sand.u32 $0x4000, s31;
	s1 =	sadd.s32 s1, s30  }
0xbb: {  	s0 =	sor.u32 s3, s0;
	s1 =	sshll.u32 s1, $0x11  }
0xbc: {  	s0 =	sor.u32 s1, s0  }
0xbd: {  	s0 =	sadd.s32 $0x8F2B, s0  }
0xbe: {  	[sflag:s0] =	ssyncadd.remote.s32 $0x1  }
0xbf: {  	_ =	sfence.sel $0xFFFF  }
0xc0: {  	[dreg:$0x0] =	wrdreg $0xFFFFFFFF;
	(pc) =	sbr.abs _section_cstart, $3  }
0xc1: {  	[dreg:$0x1] =	wrdreg $0xFFFFFFFF  }
0xc2: {  	_ =	task.clear_ibuf [dreg:s7], $0x2FFFF;
	_ =	strace $0x9FFFFFFF  }
0xc3: {  	(tm) =	ssettm $0x7FFFFFFF  }
tec
execute0_lowered:
.L_overlay_start_1:
0x0: {  	(tag) =	ssettag $0x1  }
0x1: {  	s0 =	rddreg [dreg:$0x0]  }
0x2: {  	s1 =	rddreg [dreg:$0x1]  }
0x3: {  	s2 =	rddreg [dreg:$0x2];
	s3 =	simm.s32 $0x0  }
0x4: {  	s13 =	stileid.u32;
	s7 =	srdreg.scid;
	s14 =	simm.s32 $0x5  }
0x5: {  	s15 =	simm.s32 $0xA;
	s16 =	simm.s32 $0xB;
	s8 =	smul.u32 $0x2800, s13  }
0x6: {  	[smem:$0x7FF] =	sst s3;
	s4 =	sadd.s32 $0x82600, s0;
	s9 =	smul.u32 $0x2710, s13  }
0x7: {  	s6 =	sadd.s32 $0xAA600, s0;
	s5 =	sadd.s32 $0x5200, s0;
	s11 =	smul.u32 $0x50000, s13  }
0x8: {  	s7 =	sand.u32 $0x1, s7;
	s10 =	sadd.s32 $0xD2600, s0;
	s24 =	smul.u32 $0x4E2, s13  }
0x9: {  	s30 =	sshll.u32 s13, $0x6;
	s13 =	simm.s32 $0x4;
	_ =	strace $0x8000004A  }
0xa: {  	[dreg:$0x5] =	wrdreg s10;
	s18 =	ssub.s32 $0x2, s7;
	p0 =	seq.s32 s7, $0x1  }
0xb: {  	s10 =	simm.s32 $0x3;
	[dreg:$0x4] =	wrdreg s8;
	s8 =	sadd.s32 s8, s0  }
0xc: {  	s0 =	sadd.s32 $0xFA600, s0;
	s19 =	sshrl.u32 s18, $0x1;
	s12 =	sshrl.u32 s9, $0x3  }
0xd: {  	s20 =	sshrl.u32 s11, $0x2;
	s22 =	sadd.s32 $0x28, s9;
	s23 =	sadd.s32 $0x78, s9  }
0xe: {  	s29 =	sadd.s32 s24, s5;
	s24 =	sor.u32 $0x1C10, s30;
	s9 =	simm.s32 $0x7  }
0xf: {  	s11 =	simm.s32 $0xC;
	[dreg:$0x6] =	wrdreg s0;
	s0 =	ssub.s32 s18, s19  }
0x10: {  	s1 =	sadd.s32 s1, s12;
	s8 =	sadd.s32 $0xA200, s8;
	[dreg:$0xf] =	wrdreg s29  }
0x11: {  	s21 =	sadd.s32 s5, s12;
	s7 =	sshrl.u32 s22, $0x3;
	[dreg:$0x10] =	wrdreg s24  }
0x12: {  	s22 =	simm.s32 $0x28;
	s12 =	simm.s32 $0x8;
	[dreg:$0x7] =	wrdreg s1  }
0x13: {  	s18 =	simm.s32 $0x9;
	s19 =	simm.s32 $0xF;
	[dreg:$0x8] =	wrdreg s8  }
0x14: {  	s1 =	sadd.s32 s20, s2;
	s7 =	sadd.s32 s5, s7;
	[dreg:$0x9] =	wrdreg s21  }
0x15: {  	s8 =	sshrl.u32 s23, $0x3;
	s25 =	sadd.s32 $0xA, s21;
	[dreg:$0xa] =	wrdreg s7  }
.Ltmp0:
0x16: {  	s28 =	sadd.s32 $0x14, s21;
	[dreg:$0xb] =	wrdreg s25;
	(pc) =	sbr.rel .LBB2_1-.Ltmp0, $4  }
0x17: {  	s0 =	smax.u32 s0, $0x1;
	s23 =	simm.s32 $0x14000;
	[dreg:$0xd] =	wrdreg s28  }
0x18: {  	s20 =	simm.s32 $0xD;
	s26 =	sadd.s32 s5, s8;
	[dreg:$0xe] =	wrdreg s0  }
0x19: {  	s21 =	simm.s32 $0xE;
	s31 =	sshrl.u32 s1, $0x3;
	[dreg:$0xc] =	wrdreg s26  }
0x1a: {  	s5 =	simm.s32 $0x2;
	s1 =	simm.s32 $0x0;
	[dreg:$0x11] =	wrdreg s31  }
.LBB2_8:
0x1b: {  	s17 =	rddreg [dreg:$0x6]  }
0x1c: {  	s1 =	rddreg [dreg:$0x12]  }
.LBB2_9:
0x1d: {  	_ =	swait.ge [sflag:s11], $0x1400  }
0x1e: {  	[sflag:s11] =	ssyncset.done $0x0  }
0x1f: {  	[sflag:s11] =	ssyncadd.s32 $0xFFFFEC00  }
0x20: {  	_ =	swait.ge [sflag:s20], $0x1400  }
0x21: {  	[sflag:s20] =	ssyncset.done $0x0  }
0x22: {  	[sflag:s20] =	ssyncadd.s32 $0xFFFFEC00  }
0x23: {  	_ =	swait.ge [sflag:s21], $0x1400  }
0x24: {  	[sflag:s21] =	ssyncset.done $0x0  }
0x25: {  	[sflag:s21] =	ssyncadd.s32 $0xFFFFEC00  }
0x26: {  	_ =	swait.ge [sflag:s19], $0x1400  }
0x27: {  	[sflag:s19] =	ssyncset.done $0x0  }
0x28: {  	[sflag:s19] =	ssyncadd.s32 $0xFFFFEC00  }
0x29: {  	s23 =	rddreg [dreg:$0x4];
	[bflag:$0x0] =	sbarrier.arrive $0xFFFF  }
0x2a: {  	s24 =	rddreg [dreg:$0x10]  }
0x2b: {  	s29 =	simm.s32 $0x10;
	s17 =	sadd.s32 s17, s23;
	s0 =	rddreg [dreg:$0x11]  }
0x2c: {  	[hbm:s17], [sflag:s24] =	dma.local [spmem:s0], $0x2800  }
0x2d: {  	_ =	swait.ge [sflag:s29], $0x2800  }
0x2e: {  	s1 =	sadd.s32 $0x1, s1;
	s30 =	rddreg [dreg:$0xe]  }
0x2f: {  	p1 =	sne.s32 s1, s30  }
.Ltmp1:
0x30: {  	_ = 	snop;
	(pc) =	sbr.rel @!p1 .LBB2_10-.Ltmp1, $3  }
0x31: {  	_ =	sdelay $0x1  }
0x32: {  	s31 =	simm.s32 $0x10;
	[sflag:s29] =	ssyncset.done $0x0  }
0x33: {  	s23 =	simm.s32 $0x14000;
	[sflag:s31] =	ssyncadd.s32 $0xFFFFD800  }
.LBB2_1:
0x34: {  	[dreg:$0x12] =	wrdreg s1  }
0x35: {  	s29 =	simm.s32 $0x10;
	s17 =	rddreg [dreg:$0x7]  }
0x36: {  	[tilespmem:s23], [sflag:$0x10] =	stream.linear.gather [hbm4b:s17+s3], $0x2710, $0x38;
	[tilespmem:$0x1CF80] =	vst v63  }
0x37: {  	_ =	swait.ge [sflag:s29], $0x2710  }
0x38: {  	[sflag:s29] =	ssyncset.done $0x0;
	s30 =	rddreg [dreg:$0x8]  }
0x39: {  	s26 =	smov.u32 s24;
	s31 =	rddreg [dreg:$0x11];
	[sflag:s29] =	ssyncadd.s32 $0xFFFFD8F0  }
0x3a: {  	[spmem:s31], [sflag:s26] =	dma.local [hbm:s30], $0x2800  }
.Ltmp2:
0x3b: {  	_ =	swait.ge [sflag:s29], $0x2800;
	(pc) =	sbr.rel @!p0 .LBB2_2-.Ltmp2, $4  }
0x3c: {  	[sflag:s29] =	ssyncset.done $0x0  }
0x3d: {  	[sflag:s29] =	ssyncadd.s32 $0xFFFFD800  }
0x3e: {  	[bflag:$0x0] =	sbarrier.arrive $0xFFFF  }
0x3f: {  	s24 =	simm.s32 $0x16B80  }
0x40: {  	[tilespmem:s24], [sflag:$0x1] =	stream.indirect.gather [hbm4b:s6+s22], $0x80, s23, s22, $0xb8;
	[tilespmem:$0x1CF80] =	vst v63  }
0x41: {  	s17 =	simm.s32 $0x0;
	s8 =	rddreg [dreg:$0x9];
	s30 =	simm.s32 $0x16780  }
0x42: {  	[tilespmem:s30], [sflag:$0x6] =	stream.linear.gather [hbm4b:s8+s17], $0x28, $0x38;
	[tilespmem:$0x1CF80] =	vst v63  }
0x43: {  	s25 =	simm.s32 $0x14028;
	s31 =	simm.s32 $0x17F80  }
0x44: {  	[tilespmem:s31], [sflag:$0x2] =	stream.indirect.gather [hbm4b:s6+s22], $0x80, s25, s22, $0xb8;
	[tilespmem:$0x1CF80] =	vst v63  }
0x45: {  	s26 =	rddreg [dreg:$0xa];
	s1 =	simm.s32 $0x16800  }
0x46: {  	[tilespmem:s1], [sflag:$0x7] =	stream.linear.gather [hbm4b:s26+s17], $0x28, $0x38;
	[tilespmem:$0x1CF80] =	vst v63  }
0x47: {  	s0 =	simm.s32 $0x14050;
	s7 =	simm.s32 $0x19380  }
0x48: {  	[tilespmem:s7], [sflag:$0x3] =	stream.indirect.gather [hbm4b:s6+s22], $0x80, s0, s22, $0xb8;
	[tilespmem:$0x1CF80] =	vst v63  }
0x49: {  	s8 =	rddreg [dreg:$0xb];
	s25 =	simm.s32 $0x16880  }
0x4a: {  	[tilespmem:s25], [sflag:$0x8] =	stream.linear.gather [hbm4b:s8+s17], $0x28, $0x38;
	[tilespmem:$0x1CF80] =	vst v63  }
0x4b: {  	s29 =	simm.s32 $0x1A780;
	s26 =	simm.s32 $0x14078  }
0x4c: {  	[tilespmem:s29], [sflag:$0x4] =	stream.indirect.gather [hbm4b:s6+s22], $0x80, s26, s22, $0xb8;
	[tilespmem:$0x1CF80] =	vst v63  }
0x4d: {  	s28 =	simm.s32 $0x16900;
	s0 =	rddreg [dreg:$0xc]  }
0x4e: {  	[tilespmem:s28], [sflag:$0x9] =	stream.linear.gather [hbm4b:s0+s17], $0x28, $0x38;
	[tilespmem:$0x1CF80] =	vst v63  }
0x4f: {  	s8 =	simm.s32 $0x140A0;
	s0 =	simm.s32 $0x1BB80  }
0x50: {  	[tilespmem:s0], [sflag:$0x5] =	stream.indirect.gather [hbm4b:s6+s22], $0x80, s8, s22, $0xb8;
	[tilespmem:$0x1CF80] =	vst v63  }
0x51: {  	s23 =	simm.s32 $0x14168;
	s26 =	rddreg [dreg:$0xd];
	s8 =	simm.s32 $0x16980  }
0x52: {  	[tilespmem:s8], [sflag:$0xA] =	stream.linear.gather [hbm4b:s26+s17], $0x28, $0x38;
	[tilespmem:$0x1CF80] =	vst v63  }
.LBB2_7:
0x53: {  	s26 =	simm.s32 $0x1  }
0x54: {  	_ =	swait.ge [sflag:s26], $0x1400  }
0x55: {  	[sflag:s26] =	ssyncset.done $0x0  }
0x56: {  	[sflag:s26] =	ssyncadd.s32 $0xFFFFEC00;
	s26 =	simm.s32 $0x6  }
0x57: {  	_ =	swait.ge [sflag:s26], $0x28  }
0x58: {  	[sflag:s26] =	ssyncset.done $0x0  }
0x59: {  	[sflag:s26] =	ssyncadd.s32 $0xFFFFFFD8  }
0x5a: {  	[spmem:s2] =	stream.indirect.scatter.add.f32 [tilespmem:s24], [sflag:$0xB], $0x80, s30, s22, $0xb8;
	[tilespmem:$0x1CF80] =	vst v63  }
0x5b: {  	_ =	swait.ge [sflag:s5], $0x1400  }
0x5c: {  	[sflag:s5] =	ssyncset.done $0x0  }
0x5d: {  	[sflag:s5] =	ssyncadd.s32 $0xFFFFEC00  }
0x5e: {  	_ =	swait.ge [sflag:s9], $0x28  }
0x5f: {  	[sflag:s9] =	ssyncset.done $0x0  }
0x60: {  	[sflag:s9] =	ssyncadd.s32 $0xFFFFFFD8  }
0x61: {  	[spmem:s2] =	stream.indirect.scatter.add.f32 [tilespmem:s31], [sflag:$0xC], $0x80, s1, s22, $0xb8;
	[tilespmem:$0x1CF80] =	vst v63  }
0x62: {  	_ =	swait.ge [sflag:s10], $0x1400  }
0x63: {  	[sflag:s10] =	ssyncset.done $0x0  }
0x64: {  	[sflag:s10] =	ssyncadd.s32 $0xFFFFEC00  }
0x65: {  	_ =	swait.ge [sflag:s12], $0x28  }
0x66: {  	[sflag:s12] =	ssyncset.done $0x0  }
0x67: {  	[sflag:s12] =	ssyncadd.s32 $0xFFFFFFD8  }
0x68: {  	[spmem:s2] =	stream.indirect.scatter.add.f32 [tilespmem:s7], [sflag:$0xD], $0x80, s25, s22, $0xb8;
	[tilespmem:$0x1CF80] =	vst v63  }
0x69: {  	_ =	swait.ge [sflag:s13], $0x1400  }
0x6a: {  	[sflag:s13] =	ssyncset.done $0x0  }
0x6b: {  	[sflag:s13] =	ssyncadd.s32 $0xFFFFEC00  }
0x6c: {  	_ =	swait.ge [sflag:s18], $0x28  }
0x6d: {  	[sflag:s18] =	ssyncset.done $0x0  }
0x6e: {  	[sflag:s18] =	ssyncadd.s32 $0xFFFFFFD8  }
0x6f: {  	[spmem:s2] =	stream.indirect.scatter.add.f32 [tilespmem:s29], [sflag:$0xE], $0x80, s28, s22, $0xb8;
	[tilespmem:$0x1CF80] =	vst v63  }
0x70: {  	_ =	swait.ge [sflag:s14], $0x1400  }
0x71: {  	[sflag:s14] =	ssyncset.done $0x0  }
0x72: {  	[sflag:s14] =	ssyncadd.s32 $0xFFFFEC00  }
0x73: {  	_ =	swait.ge [sflag:s15], $0x28  }
0x74: {  	p1 =	seq.s32 s17, $0x4C9;
	[sflag:s15] =	ssyncset.done $0x0  }
.Ltmp3:
0x75: {  	[sflag:s15] =	ssyncadd.s32 $0xFFFFFFD8;
	(pc) =	sbr.rel @p1 .LBB2_8-.Ltmp3, $4  }
0x76: {  	[spmem:s2] =	stream.indirect.scatter.add.f32 [tilespmem:s0], [sflag:$0xF], $0x80, s8, s22, $0xb8;
	[tilespmem:$0x1CF80] =	vst v63  }
0x77: {  	_ =	swait.ge [sflag:s16], $0x1400  }
0x78: {  	[sflag:s16] =	ssyncset.done $0x0  }
0x79: {  	[sflag:s16] =	ssyncadd.s32 $0xFFFFEC00  }
0x7a: {  	s26 =	simm.s32 $0x16B80;
	s24 =	sadd.s32 $0xFFFFFF60, s23  }
0x7b: {  	[tilespmem:s26], [sflag:$0x1] =	stream.indirect.gather [hbm4b:s6+s22], $0x80, s24, s22, $0xb8;
	[tilespmem:$0x1CF80] =	vst v63  }
0x7c: {  	s26 =	rddreg [dreg:$0xf]  }
0x7d: {  	s24 =	sadd.s32 s17, s26  }
0x7e: {  	s30 =	simm.s32 $0x16780;
	s26 =	sadd.s32 $0x19, s24  }
0x7f: {  	[tilespmem:s30], [sflag:$0x6] =	stream.linear.gather [hbm4b:s26+s3], $0x28, $0x38;
	[tilespmem:$0x1CF80] =	vst v63  }
0x80: {  	_ =	swait.ge [sflag:s11], $0x1400  }
0x81: {  	[sflag:s11] =	ssyncset.done $0x0  }
0x82: {  	s31 =	simm.s32 $0x17F80;
	s26 =	sadd.s32 $0xFFFFFF88, s23;
	[sflag:s11] =	ssyncadd.s32 $0xFFFFEC00  }
0x83: {  	[tilespmem:s31], [sflag:$0x2] =	stream.indirect.gather [hbm4b:s6+s22], $0x80, s26, s22, $0xb8;
	[tilespmem:$0x1CF80] =	vst v63  }
0x84: {  	s1 =	simm.s32 $0x16800;
	s26 =	sadd.s32 $0x1E, s24  }
0x85: {  	[tilespmem:s1], [sflag:$0x7] =	stream.linear.gather [hbm4b:s26+s3], $0x28, $0x38;
	[tilespmem:$0x1CF80] =	vst v63  }
0x86: {  	_ =	swait.ge [sflag:s20], $0x1400  }
0x87: {  	[sflag:s20] =	ssyncset.done $0x0  }
0x88: {  	s7 =	simm.s32 $0x19380;
	s26 =	sadd.s32 $0xFFFFFFB0, s23;
	[sflag:s20] =	ssyncadd.s32 $0xFFFFEC00  }
0x89: {  	[tilespmem:s7], [sflag:$0x3] =	stream.indirect.gather [hbm4b:s6+s22], $0x80, s26, s22, $0xb8;
	[tilespmem:$0x1CF80] =	vst v63  }
0x8a: {  	s25 =	simm.s32 $0x16880;
	s26 =	sadd.s32 $0x23, s24  }
0x8b: {  	[tilespmem:s25], [sflag:$0x8] =	stream.linear.gather [hbm4b:s26+s3], $0x28, $0x38;
	[tilespmem:$0x1CF80] =	vst v63  }
0x8c: {  	_ =	swait.ge [sflag:s21], $0x1400  }
0x8d: {  	[sflag:s21] =	ssyncset.done $0x0  }
0x8e: {  	s29 =	simm.s32 $0x1A780;
	s26 =	sadd.s32 $0xFFFFFFD8, s23;
	[sflag:s21] =	ssyncadd.s32 $0xFFFFEC00  }
0x8f: {  	[tilespmem:s29], [sflag:$0x4] =	stream.indirect.gather [hbm4b:s6+s22], $0x80, s26, s22, $0xb8;
	[tilespmem:$0x1CF80] =	vst v63  }
0x90: {  	s28 =	simm.s32 $0x16900;
	s26 =	sadd.s32 $0x28, s24  }
0x91: {  	[tilespmem:s28], [sflag:$0x9] =	stream.linear.gather [hbm4b:s26+s3], $0x28, $0x38;
	[tilespmem:$0x1CF80] =	vst v63  }
0x92: {  	_ =	swait.ge [sflag:s19], $0x1400  }
0x93: {  	[sflag:s19] =	ssyncset.done $0x0  }
.Ltmp4:
0x94: {  	s0 =	simm.s32 $0x1BB80;
	[sflag:s19] =	ssyncadd.s32 $0xFFFFEC00;
	(pc) =	sbr.rel .LBB2_7-.Ltmp4, $4  }
0x95: {  	[tilespmem:s0], [sflag:$0x5] =	stream.indirect.gather [hbm4b:s6+s22], $0x80, s23, s22, $0xb8;
	[tilespmem:$0x1CF80] =	vst v63  }
0x96: {  	s8 =	simm.s32 $0x16980;
	s24 =	sadd.s32 $0x2D, s24  }
0x97: {  	[tilespmem:s8], [sflag:$0xA] =	stream.linear.gather [hbm4b:s24+s3], $0x28, $0x38;
	[tilespmem:$0x1CF80] =	vst v63  }
0x98: {  	s17 =	sadd.s32 $0x19, s17;
	s23 =	sadd.s32 $0xC8, s23;
	s24 =	simm.s32 $0x16B80  }
.LBB2_2:
0x99: {  	[tilespmem:s24], [sflag:$0x1] =	stream.indirect.gather [hbm4b:s4+s22], $0x80, s23, s22, $0xb8;
	[tilespmem:$0x1CF80] =	vst v63  }
0x9a: {  	s17 =	simm.s32 $0x0;
	s8 =	rddreg [dreg:$0x9];
	s30 =	simm.s32 $0x16780  }
0x9b: {  	[tilespmem:s30], [sflag:$0x6] =	stream.linear.gather [hbm4b:s8+s17], $0x28, $0x38;
	[tilespmem:$0x1CF80] =	vst v63  }
0x9c: {  	s25 =	simm.s32 $0x14028;
	s31 =	simm.s32 $0x17F80  }
0x9d: {  	[tilespmem:s31], [sflag:$0x2] =	stream.indirect.gather [hbm4b:s4+s22], $0x80, s25, s22, $0xb8;
	[tilespmem:$0x1CF80] =	vst v63  }
0x9e: {  	s26 =	rddreg [dreg:$0xa];
	s1 =	simm.s32 $0x16800  }
0x9f: {  	[tilespmem:s1], [sflag:$0x7] =	stream.linear.gather [hbm4b:s26+s17], $0x28, $0x38;
	[tilespmem:$0x1CF80] =	vst v63  }
0xa0: {  	s0 =	simm.s32 $0x14050;
	s7 =	simm.s32 $0x19380  }
0xa1: {  	[tilespmem:s7], [sflag:$0x3] =	stream.indirect.gather [hbm4b:s4+s22], $0x80, s0, s22, $0xb8;
	[tilespmem:$0x1CF80] =	vst v63  }
0xa2: {  	s8 =	rddreg [dreg:$0xb];
	s25 =	simm.s32 $0x16880  }
0xa3: {  	[tilespmem:s25], [sflag:$0x8] =	stream.linear.gather [hbm4b:s8+s17], $0x28, $0x38;
	[tilespmem:$0x1CF80] =	vst v63  }
0xa4: {  	s29 =	simm.s32 $0x1A780;
	s26 =	simm.s32 $0x14078  }
0xa5: {  	[tilespmem:s29], [sflag:$0x4] =	stream.indirect.gather [hbm4b:s4+s22], $0x80, s26, s22, $0xb8;
	[tilespmem:$0x1CF80] =	vst v63  }
0xa6: {  	s28 =	simm.s32 $0x16900;
	s0 =	rddreg [dreg:$0xc]  }
0xa7: {  	[tilespmem:s28], [sflag:$0x9] =	stream.linear.gather [hbm4b:s0+s17], $0x28, $0x38;
	[tilespmem:$0x1CF80] =	vst v63  }
0xa8: {  	s8 =	simm.s32 $0x140A0;
	s0 =	simm.s32 $0x1BB80  }
0xa9: {  	[tilespmem:s0], [sflag:$0x5] =	stream.indirect.gather [hbm4b:s4+s22], $0x80, s8, s22, $0xb8;
	[tilespmem:$0x1CF80] =	vst v63  }
0xaa: {  	s23 =	simm.s32 $0x14168;
	s26 =	rddreg [dreg:$0xd];
	s8 =	simm.s32 $0x16980  }
0xab: {  	[tilespmem:s8], [sflag:$0xA] =	stream.linear.gather [hbm4b:s26+s17], $0x28, $0x38;
	[tilespmem:$0x1CF80] =	vst v63  }
.LBB2_3:
0xac: {  	s26 =	simm.s32 $0x1  }
0xad: {  	_ =	swait.ge [sflag:s26], $0x1400  }
0xae: {  	[sflag:s26] =	ssyncset.done $0x0  }
0xaf: {  	[sflag:s26] =	ssyncadd.s32 $0xFFFFEC00;
	s26 =	simm.s32 $0x6  }
0xb0: {  	_ =	swait.ge [sflag:s26], $0x28  }
0xb1: {  	[sflag:s26] =	ssyncset.done $0x0  }
0xb2: {  	[sflag:s26] =	ssyncadd.s32 $0xFFFFFFD8  }
0xb3: {  	[spmem:s2] =	stream.indirect.scatter.add.f32 [tilespmem:s24], [sflag:$0xB], $0x80, s30, s22, $0xb8;
	[tilespmem:$0x1CF80] =	vst v63  }
0xb4: {  	_ =	swait.ge [sflag:s5], $0x1400  }
0xb5: {  	[sflag:s5] =	ssyncset.done $0x0  }
0xb6: {  	[sflag:s5] =	ssyncadd.s32 $0xFFFFEC00  }
0xb7: {  	_ =	swait.ge [sflag:s9], $0x28  }
0xb8: {  	[sflag:s9] =	ssyncset.done $0x0  }
0xb9: {  	[sflag:s9] =	ssyncadd.s32 $0xFFFFFFD8  }
0xba: {  	[spmem:s2] =	stream.indirect.scatter.add.f32 [tilespmem:s31], [sflag:$0xC], $0x80, s1, s22, $0xb8;
	[tilespmem:$0x1CF80] =	vst v63  }
0xbb: {  	_ =	swait.ge [sflag:s10], $0x1400  }
0xbc: {  	[sflag:s10] =	ssyncset.done $0x0  }
0xbd: {  	[sflag:s10] =	ssyncadd.s32 $0xFFFFEC00  }
0xbe: {  	_ =	swait.ge [sflag:s12], $0x28  }
0xbf: {  	[sflag:s12] =	ssyncset.done $0x0  }
0xc0: {  	[sflag:s12] =	ssyncadd.s32 $0xFFFFFFD8  }
0xc1: {  	[spmem:s2] =	stream.indirect.scatter.add.f32 [tilespmem:s7], [sflag:$0xD], $0x80, s25, s22, $0xb8;
	[tilespmem:$0x1CF80] =	vst v63  }
0xc2: {  	_ =	swait.ge [sflag:s13], $0x1400  }
0xc3: {  	[sflag:s13] =	ssyncset.done $0x0  }
0xc4: {  	[sflag:s13] =	ssyncadd.s32 $0xFFFFEC00  }
0xc5: {  	_ =	swait.ge [sflag:s18], $0x28  }
0xc6: {  	[sflag:s18] =	ssyncset.done $0x0  }
0xc7: {  	[sflag:s18] =	ssyncadd.s32 $0xFFFFFFD8  }
0xc8: {  	[spmem:s2] =	stream.indirect.scatter.add.f32 [tilespmem:s29], [sflag:$0xE], $0x80, s28, s22, $0xb8;
	[tilespmem:$0x1CF80] =	vst v63  }
0xc9: {  	_ =	swait.ge [sflag:s14], $0x1400  }
0xca: {  	[sflag:s14] =	ssyncset.done $0x0  }
0xcb: {  	[sflag:s14] =	ssyncadd.s32 $0xFFFFEC00  }
0xcc: {  	_ =	swait.ge [sflag:s15], $0x28  }
0xcd: {  	p1 =	seq.s32 s17, $0x4C9;
	[sflag:s15] =	ssyncset.done $0x0  }
.Ltmp5:
0xce: {  	[sflag:s15] =	ssyncadd.s32 $0xFFFFFFD8;
	(pc) =	sbr.rel @p1 .LBB2_4-.Ltmp5, $4  }
0xcf: {  	[spmem:s2] =	stream.indirect.scatter.add.f32 [tilespmem:s0], [sflag:$0xF], $0x80, s8, s22, $0xb8;
	[tilespmem:$0x1CF80] =	vst v63  }
0xd0: {  	_ =	swait.ge [sflag:s16], $0x1400  }
0xd1: {  	[sflag:s16] =	ssyncset.done $0x0  }
0xd2: {  	[sflag:s16] =	ssyncadd.s32 $0xFFFFEC00  }
0xd3: {  	s26 =	simm.s32 $0x16B80;
	s24 =	sadd.s32 $0xFFFFFF60, s23  }
0xd4: {  	[tilespmem:s26], [sflag:$0x1] =	stream.indirect.gather [hbm4b:s4+s22], $0x80, s24, s22, $0xb8;
	[tilespmem:$0x1CF80] =	vst v63  }
0xd5: {  	s26 =	rddreg [dreg:$0xf]  }
0xd6: {  	s24 =	sadd.s32 s17, s26  }
0xd7: {  	s30 =	simm.s32 $0x16780;
	s26 =	sadd.s32 $0x19, s24  }
0xd8: {  	[tilespmem:s30], [sflag:$0x6] =	stream.linear.gather [hbm4b:s26+s3], $0x28, $0x38;
	[tilespmem:$0x1CF80] =	vst v63  }
0xd9: {  	_ =	swait.ge [sflag:s11], $0x1400  }
0xda: {  	[sflag:s11] =	ssyncset.done $0x0  }
0xdb: {  	s31 =	simm.s32 $0x17F80;
	s26 =	sadd.s32 $0xFFFFFF88, s23;
	[sflag:s11] =	ssyncadd.s32 $0xFFFFEC00  }
0xdc: {  	[tilespmem:s31], [sflag:$0x2] =	stream.indirect.gather [hbm4b:s4+s22], $0x80, s26, s22, $0xb8;
	[tilespmem:$0x1CF80] =	vst v63  }
0xdd: {  	s1 =	simm.s32 $0x16800;
	s26 =	sadd.s32 $0x1E, s24  }
0xde: {  	[tilespmem:s1], [sflag:$0x7] =	stream.linear.gather [hbm4b:s26+s3], $0x28, $0x38;
	[tilespmem:$0x1CF80] =	vst v63  }
0xdf: {  	_ =	swait.ge [sflag:s20], $0x1400  }
0xe0: {  	[sflag:s20] =	ssyncset.done $0x0  }
0xe1: {  	s7 =	simm.s32 $0x19380;
	s26 =	sadd.s32 $0xFFFFFFB0, s23;
	[sflag:s20] =	ssyncadd.s32 $0xFFFFEC00  }
0xe2: {  	[tilespmem:s7], [sflag:$0x3] =	stream.indirect.gather [hbm4b:s4+s22], $0x80, s26, s22, $0xb8;
	[tilespmem:$0x1CF80] =	vst v63  }
0xe3: {  	s25 =	simm.s32 $0x16880;
	s26 =	sadd.s32 $0x23, s24  }
0xe4: {  	[tilespmem:s25], [sflag:$0x8] =	stream.linear.gather [hbm4b:s26+s3], $0x28, $0x38;
	[tilespmem:$0x1CF80] =	vst v63  }
0xe5: {  	_ =	swait.ge [sflag:s21], $0x1400  }
0xe6: {  	[sflag:s21] =	ssyncset.done $0x0  }
0xe7: {  	s29 =	simm.s32 $0x1A780;
	s26 =	sadd.s32 $0xFFFFFFD8, s23;
	[sflag:s21] =	ssyncadd.s32 $0xFFFFEC00  }
0xe8: {  	[tilespmem:s29], [sflag:$0x4] =	stream.indirect.gather [hbm4b:s4+s22], $0x80, s26, s22, $0xb8;
	[tilespmem:$0x1CF80] =	vst v63  }
0xe9: {  	s28 =	simm.s32 $0x16900;
	s26 =	sadd.s32 $0x28, s24  }
0xea: {  	[tilespmem:s28], [sflag:$0x9] =	stream.linear.gather [hbm4b:s26+s3], $0x28, $0x38;
	[tilespmem:$0x1CF80] =	vst v63  }
0xeb: {  	_ =	swait.ge [sflag:s19], $0x1400  }
0xec: {  	[sflag:s19] =	ssyncset.done $0x0  }
.Ltmp6:
0xed: {  	s0 =	simm.s32 $0x1BB80;
	[sflag:s19] =	ssyncadd.s32 $0xFFFFEC00;
	(pc) =	sbr.rel .LBB2_3-.Ltmp6, $4  }
0xee: {  	[tilespmem:s0], [sflag:$0x5] =	stream.indirect.gather [hbm4b:s4+s22], $0x80, s23, s22, $0xb8;
	[tilespmem:$0x1CF80] =	vst v63  }
0xef: {  	s8 =	simm.s32 $0x16980;
	s24 =	sadd.s32 $0x2D, s24  }
0xf0: {  	[tilespmem:s8], [sflag:$0xA] =	stream.linear.gather [hbm4b:s24+s3], $0x28, $0x38;
	[tilespmem:$0x1CF80] =	vst v63  }
0xf1: {  	s17 =	sadd.s32 $0x19, s17;
	s23 =	sadd.s32 $0xC8, s23;
	s24 =	simm.s32 $0x16B80  }
.LBB2_4:
.Ltmp7:
0xf2: {  	(pc) =	sbr.rel .LBB2_9-.Ltmp7, $3  }
0xf3: {  	_ =	sdelay $0x1  }
0xf4: {  	s17 =	rddreg [dreg:$0x5]  }
0xf5: {  	s1 =	rddreg [dreg:$0x12]  }
.LBB2_10:
0xf6: {  	_ =	sfence.sel $0x180000  }
0xf7: {  	[bflag:$0x0] =	sbarrier.arrive $0xFFFF  }
0xf8: {  	_ =	strace $0x9000004A  }
0xf9: {  	s0 =	stileid.u32;
	[bflag:$0x2] =	sbarrier.arrive $0xFFFF  }
0xfa: {  	p0 =	sne.s32 s0, $0x0;
	s0 =	rddreg [dreg:$0x3]  }
0xfb: {  	s0 =	sadd.s32 @!p0 $0x100000, s0  }
0xfc: {  	[sflag:s0] =	ssyncadd.tile.s32 @!p0 $0x1;
	_ =	shalt  }
.Lfunc_end2:
_tile_overlayer_lowered:
.L_overlay_start_2:
0xfd: {  	(tag) =	ssettag $0x2  }
0xfe: {  	s0 =	rddreg [dreg:$0x0];
	s2 =	stileid.u32  }
0xff: {  	s1 =	rddreg [dreg:$0x1];
	p0 =	sne.s32 s2, $0x0  }
0x100: {  	s3 =	rddreg [dreg:$0x2];
	[bflag:$0x3] =	sbarrier.arrive $0xFFFF;
	s2 =	simm.s32 @!p0 $0x1C10  }
0x101: {  	[timem:s3], [sflag:s2] =	dma.local @!p0 [hbm:s0], s1  }
0x102: {  	s0 =	simm.s32 @!p0 $0x10  }
0x103: {  	_ =	swait.ge @!p0 [sflag:s0], s1  }
0x104: {  	s1 =	ssub.s32 @!p0 $0x0, s1;
	[sflag:s0] =	ssyncset.done @!p0 $0x0  }
0x105: {  	[sflag:s0] =	ssyncadd.s32 @!p0 s1  }
0x106: {  	[bflag:$0x3] =	sbarrier.arrive $0xFFFF  }
0x107: {  	_ =	shalt  }

// kernel: kernel.16.cloned.1.call-start
scs
__scs_entry_jumppad:
0x0: {  	(pc) =	sbr.rel $0x88, $3  }
0x1: {  	(tag) =	ssettag $0x0;
	lr =	simm.s32 $0x1  }
0x2: {  	[smem:$0x3F99] =	sst lr;
	_ =	strace $0xD0000000  }
0x3: {  	_ = 	snop  }
0x4: {  	_ = 	snop  }
0x5: {  	_ = 	snop  }
0x6: {  	_ = 	snop  }
0x7: {  	_ = 	snop  }
__scs_overlays_trampoline_lowered:
0x8: {  	[smem:$0x3FA8] =	sst s0  }
0x9: {  	[smem:$0x3FA9] =	sst s1  }
0xa: {  	[smem:$0x3FAA] =	sst s2  }
0xb: {  	[smem:$0x3FAB] =	sst s3  }
0xc: {  	[smem:$0x3FAC] =	sst s4  }
0xd: {  	[smem:$0x3FAD] =	sst s5  }
0xe: {  	[smem:$0x3FAE] =	sst s6  }
0xf: {  	[smem:$0x3FAF] =	sst s7  }
0x10: {  	[smem:$0x3FB0] =	sst s8  }
0x11: {  	[smem:$0x3FB1] =	sst s9;
	s0 =	simm.s32 @!p0 $0x0  }
0x12: {  	s1 =	sld [smem:$0x3F97];
	s0 =	simm.s32 @p0 $0x1  }
0x13: {  	[smem:$0x3FB2] =	sst s0;
	s0 =	simm.s32 @!p1 $0x0  }
0x14: {  	s2 =	sld [smem:$0x3F96];
	s0 =	simm.s32 @p1 $0x1  }
0x15: {  	[smem:$0x3FB3] =	sst s0;
	s0 =	simm.s32 @!p2 $0x0  }
0x16: {  	s3 =	sld [smem:$0x3FDB];
	s0 =	simm.s32 @p2 $0x1  }
0x17: {  	s4 =	simm.s32 $0x1BF5;
	[smem:$0x3FB5] =	sst s0  }
0x18: {  	s0 =	sld [smem:$0x3F98];
	_ =	swait.ge [sflag:s4], $0x0  }
0x19: {  	s7 =	sld [smem:$0x3F99]  }
0x1a: {  	s8 =	sadd.s32 $0xFFFFE003, lr  }
0x1b: {  	s9 =	sadd.s32 $0xFFFFFEF7, lr;
	s5 =	simm.s32 $0xFFFFFFFF;
	p2 =	slt.u32 s8, $0xFFFFF086  }
0x1c: {  	p1 =	slt.u32 s9, $0xF7A;
	s5 =	simm.s32 @!p2 $0x0  }
0x1d: {  	s5 =	simm.s32 @p1 $0x1;
	p0 =	seq.s32 s7, s2  }
0x1e: {  	s7 =	smul.u32 @!p0 $0xF7A, s2;
	p2 =	seq.s32 @!p0 s5, $0x0  }
0x1f: {  	s9 =	smul.u32 $0xF7A, s1;
	s8 =	simm.s32 @!p0 $0x1BF5;
	p2 =	por !p2, p0  }
0x20: {  	[sflag:s8] =	ssyncset.s32 @!p0 $0xFFFFF086;
	s6 =	sadd.s32 @!p0 s3, s7;
	s7 =	simm.s32 @!p0 $0x108  }
0x21: {  	s3 =	sadd.s32 s3, s9;
	s6 =	sadd.s32 @!p0 $0x88, s6;
	s7 =	simm.s32 @p2 $0x1082  }
0x22: {  	[simem:s7], [sflag:s8] =	dma.local @!p0 [hbm:s6], $0xF7A  }
0x23: {  	s9 =	sor.u32 $0xD0000000, s2;
	s6 =	simm.s32 $0x108;
	_ =	swait.ge @!p0 [sflag:s8], $0x0  }
0x24: {  	s3 =	sadd.s32 $0x88, s3;
	s6 =	simm.s32 @!p1 $0x1082;
	[sflag:s4] =	ssyncset.s32 $0xFFFFF086  }
0x25: {  	[simem:s6], [sflag:s4] =	dma.local [hbm:s3], $0xF7A  }
0x26: {  	[smem:$0x3F99] =	sst s1;
	(tag) =	ssettag s2;
	_ =	strace s9  }
0x27: {  	s1 =	sld [smem:$0x3FA9]  }
0x28: {  	s2 =	sld [smem:$0x3FAA]  }
0x29: {  	s4 =	sld [smem:$0x3FAC]  }
0x2a: {  	p0 =	seq.s32 s5, $0x0;
	s5 =	sld [smem:$0x3FAD]  }
0x2b: {  	s6 =	sld [smem:$0x3FAE]  }
0x2c: {  	s7 =	sld [smem:$0x3FAF]  }
0x2d: {  	s3 =	simm.s32 $0x108;
	s8 =	sld [smem:$0x3FB0]  }
0x2e: {  	s3 =	simm.s32 @!p0 $0x1082;
	s9 =	sld [smem:$0x3FB1]  }
0x2f: {  	lr =	sadd.s32 s0, s3;
	s0 =	sld [smem:$0x3FA8]  }
0x30: {  	s3 =	sld [smem:$0x3FAB]  }
0x31: {  	[smem:$0x3FB4] =	sst s10  }
0x32: {  	s10 =	sld [smem:$0x3FB2];
	_ =	sdelay $0x3  }
0x33: {  	p0 =	seq.s32 s10, $0x1;
	s10 =	sld [smem:$0x3FB4];
	_ =	sdelay $0x3  }
0x34: {  	[smem:$0x3FB4] =	sst s10  }
0x35: {  	s10 =	sld [smem:$0x3FB3];
	_ =	sdelay $0x3  }
0x36: {  	p1 =	seq.s32 s10, $0x1;
	s10 =	sld [smem:$0x3FB4];
	_ =	sdelay $0x3  }
0x37: {  	[smem:$0x3FB4] =	sst s10  }
0x38: {  	s10 =	sld [smem:$0x3FB5]  }
0x39: {  	_ = 	snop;
	(pc) =	sbr.ind lr, $3  }
0x3a: {  	_ = 	snop  }
0x3b: {  	_ = 	snop  }
0x3c: {  	p2 =	seq.s32 s10, $0x1;
	s10 =	sld [smem:$0x3FB4]  }
0x3d: {  	_ =	shalt  }
0x3e: {  	_ =	shalt  }
0x3f: {  	_ =	shalt  }
0x40: {  	_ =	shalt  }
0x41: {  	_ =	shalt  }
0x42: {  	_ =	shalt  }
0x43: {  	_ =	shalt  }
0x44: {  	_ =	shalt  }
0x45: {  	_ =	shalt  }
0x46: {  	_ =	shalt  }
0x47: {  	_ =	shalt  }
0x48: {  	_ =	shalt  }
0x49: {  	_ =	shalt  }
0x4a: {  	_ =	shalt  }
0x4b: {  	_ =	shalt  }
0x4c: {  	_ =	shalt  }
0x4d: {  	_ =	shalt  }
0x4e: {  	_ =	shalt  }
0x4f: {  	_ =	shalt  }
0x50: {  	_ =	shalt  }
0x51: {  	_ =	shalt  }
0x52: {  	_ =	shalt  }
0x53: {  	_ =	shalt  }
0x54: {  	_ =	shalt  }
0x55: {  	_ =	shalt  }
0x56: {  	_ =	shalt  }
0x57: {  	_ =	shalt  }
0x58: {  	_ =	shalt  }
0x59: {  	_ =	shalt  }
0x5a: {  	_ =	shalt  }
0x5b: {  	_ =	shalt  }
0x5c: {  	_ =	shalt  }
0x5d: {  	_ =	shalt  }
0x5e: {  	_ =	shalt  }
0x5f: {  	_ =	shalt  }
0x60: {  	_ =	shalt  }
0x61: {  	_ =	shalt  }
0x62: {  	_ =	shalt  }
0x63: {  	_ =	shalt  }
0x64: {  	_ =	shalt  }
0x65: {  	_ =	shalt  }
0x66: {  	_ =	shalt  }
0x67: {  	_ =	shalt  }
0x68: {  	_ =	shalt  }
0x69: {  	_ =	shalt  }
0x6a: {  	_ =	shalt  }
0x6b: {  	_ =	shalt  }
0x6c: {  	_ =	shalt  }
0x6d: {  	_ =	shalt  }
0x6e: {  	_ =	shalt  }
0x6f: {  	_ =	shalt  }
0x70: {  	_ =	shalt  }
0x71: {  	_ =	shalt  }
0x72: {  	_ =	shalt  }
0x73: {  	_ =	shalt  }
0x74: {  	_ =	shalt  }
0x75: {  	_ =	shalt  }
0x76: {  	_ =	shalt  }
0x77: {  	_ =	shalt  }
0x78: {  	_ =	shalt  }
0x79: {  	_ =	shalt  }
0x7a: {  	_ =	shalt  }
0x7b: {  	_ =	shalt  }
0x7c: {  	_ =	shalt  }
0x7d: {  	_ =	shalt  }
0x7e: {  	_ =	shalt  }
0x7f: {  	_ =	shalt  }
0x80: {  	_ =	shalt  }
0x81: {  	_ =	shalt  }
0x82: {  	_ =	shalt  }
0x83: {  	_ =	shalt  }
0x84: {  	_ =	shalt  }
0x85: {  	_ =	shalt  }
0x86: {  	_ =	shalt  }
0x87: {  	_ =	shalt  }
.Lfunc_end0:
.L_simem_size_0:
called_computation.2_lowered:
.L_overlay_start_0:
0x88: {  	s2 =	sld [smem:$0x3FD9]  }
0x89: {  	s3 =	sld [smem:$0x3FFE];
	_ =	sdelay $0x1  }
0x8a: {  	s1 =	srdreg.scid  }
0x8b: {  	s0 =	sand.u32 $0x1, s1  }
0x8c: {  	s17 =	sshll.u32 s0, $0xA;
	s2 =	sadd.s32 s3, s2  }
0x8d: {  	s2 =	sadd.s32 s2, s17  }
0x8e: {  	[smem:$0x3FC0] =	sst s2  }
0x8f: {  	_ = 	snop  }
0x90: {  	s2 =	sld [smem:$0x3FD0];
	(tm) =	ssettm $0x1  }
0x91: {  	s18 =	sld [smem:$0x3FFB];
	_ =	sdelay $0x3  }
0x92: {  	_ =	strace s18  }
0x93: {  	s3 =	sld [smem:$0x3FFC];
	_ =	sdelay $0x3  }
0x94: {  	_ =	strace s3  }
0x95: {  	s3 =	sld [smem:$0x3FFD];
	_ =	sdelay $0x3  }
0x96: {  	_ =	strace s3  }
0x97: {  	_ =	strace $0x8FFFFFFF  }
0x98: {  	s19 =	sld [smem:$0x3FDB];
	_ =	sdelay $0x1  }
0x99: {  	s4 =	simm.s32 $_scs_section_size  }
0x9a: {  	s5 =	simm.s32 $_size__tile_overlayer_lowered;
	s6 =	simm.s32 $_tile_overlayer_lowered  }
0x9b: {  	s22 =	simm.s32 $0x1BFF;
	s21 =	sshll.u32 s6, $0x1;
	s3 =	sadd.s32 s4, s19  }
0x9c: {  	s7 =	simm.s32 $0x0;
	s20 =	sshll.u32 s5, $0x1;
	s5 =	sadd.s32 s21, s3  }
0x9d: {  	[timem:s7], [sflag:s22] =	dma.local [hbm:s5], s20  }
0x9e: {  	_ =	swait.ge [sflag:s22], s20  }
0x9f: {  	s4 =	ssub.s32 $0x0, s20;
	[sflag:s22] =	ssyncset.done $0x0  }
0xa0: {  	[sflag:s22] =	ssyncadd.s32 s4;
	_ =	sdelay $0x1  }
0xa1: {  	s23 =	simm.s32 $0x1B8B  }
0xa2: {  	_ =	swait.ge [sflag:s23], $0x1  }
0xa3: {  	[sflag:s23] =	ssyncset.done $0x0  }
0xa4: {  	s25 =	simm.s32 $0x1B8E;
	s24 =	sld [smem:$0x3FFE];
	[sflag:s23] =	ssyncadd.s32 $0xFFFFFFFF  }
0xa5: {  	s26 =	simm.s32 $execute0_lowered;
	[smem:$0x3FD2] =	sst s25  }
0xa6: {  	s5 =	sshll.u32 s26, $0x1;
	_ =	strace $0x8000004C;
	[dreg:$0x1] =	wrdreg $0xFFFFFFFF  }
0xa7: {  	s28 =	simm.s32 $_size_execute0_lowered;
	s3 =	sadd.s32 s3, s5;
	[dreg:$0x0] =	wrdreg $0x0  }
0xa8: {  	s5 =	sshll.u32 s28, $0x1;
	[dreg:$0x2] =	wrdreg s3  }
0xa9: {  	[dreg:$0x3] =	wrdreg s5  }
0xaa: {  	[dreg:$0x4] =	wrdreg $0xC0  }
0xab: {  	_ =	task [dreg:s7], $0x5FFFF  }
0xac: {  	[dreg:$0x1] =	wrdreg $0xFFFFFFFF  }
0xad: {  	[dreg:$0x0] =	wrdreg $0x60  }
0xae: {  	[dreg:$0x2] =	wrdreg s24  }
0xaf: {  	[dreg:$0x3] =	wrdreg s2  }
0xb0: {  	[dreg:$0x4] =	wrdreg $0x0  }
0xb1: {  	[dreg:$0x5] =	wrdreg $0x9  }
0xb2: {  	_ =	task.clear_ibuf [dreg:s7], $0x6FFFF;
	_ =	strace $0x9000004C  }
0xb3: {  	s29 =	simm.s32 $0x9;
	_ =	strace $0x8000004E  }
0xb4: {  	_ =	swait.ge [sflag:s29], $0x1  }
0xb5: {  	[sflag:s29] =	ssyncadd.s32 $0xFFFFFFFF  }
0xb6: {  	_ =	strace $0x9000004E  }
0xb7: {  	_ =	sfence  }
0xb8: {  	s30 =	sld [smem:$0x0];
	_ =	sdelay $0x2  }
0xb9: {  	s31 =	sshll.u32 s1, $0xD;
	s1 =	sshrl.u32 s1, $0x2  }
0xba: {  	s3 =	sand.u32 $0x4000, s31;
	s1 =	sadd.s32 s1, s30  }
0xbb: {  	s0 =	sor.u32 s3, s0;
	s1 =	sshll.u32 s1, $0x11  }
0xbc: {  	s0 =	sor.u32 s1, s0  }
0xbd: {  	s0 =	sadd.s32 $0x8F2B, s0  }
0xbe: {  	[sflag:s0] =	ssyncadd.remote.s32 $0x1  }
0xbf: {  	_ =	sfence.sel $0xFFFF  }
0xc0: {  	[dreg:$0x0] =	wrdreg $0xFFFFFFFF;
	(pc) =	sbr.abs _section_cstart, $3  }
0xc1: {  	[dreg:$0x1] =	wrdreg $0xFFFFFFFF  }
0xc2: {  	_ =	task.clear_ibuf [dreg:s7], $0x2FFFF;
	_ =	strace $0x9FFFFFFF  }
0xc3: {  	(tm) =	ssettm $0x7FFFFFFF  }
tec
execute0_lowered:
.L_overlay_start_1:
0x0: {  	(tag) =	ssettag $0x1  }
0x1: {  	s0 =	rddreg [dreg:$0x0]  }
0x2: {  	s1 =	rddreg [dreg:$0x1]  }
0x3: {  	s2 =	rddreg [dreg:$0x2];
	s3 =	simm.s32 $0x0  }
0x4: {  	s13 =	stileid.u32;
	s7 =	srdreg.scid;
	s14 =	simm.s32 $0x5  }
0x5: {  	s15 =	simm.s32 $0xA;
	s16 =	simm.s32 $0xB;
	s8 =	smul.u32 $0x2800, s13  }
0x6: {  	[smem:$0x7FF] =	sst s3;
	s4 =	sadd.s32 $0x82600, s0;
	s9 =	smul.u32 $0x2710, s13  }
0x7: {  	s6 =	sadd.s32 $0xAA600, s0;
	s5 =	sadd.s32 $0x5200, s0;
	s11 =	smul.u32 $0x50000, s13  }
0x8: {  	s7 =	sand.u32 $0x1, s7;
	s10 =	sadd.s32 $0xD2600, s0;
	s24 =	smul.u32 $0x4E2, s13  }
0x9: {  	s30 =	sshll.u32 s13, $0x6;
	s13 =	simm.s32 $0x4;
	_ =	strace $0x8000004D  }
0xa: {  	[dreg:$0x5] =	wrdreg s10;
	s18 =	ssub.s32 $0x2, s7;
	p0 =	seq.s32 s7, $0x1  }
0xb: {  	s10 =	simm.s32 $0x3;
	[dreg:$0x4] =	wrdreg s8;
	s8 =	sadd.s32 s8, s0  }
0xc: {  	s0 =	sadd.s32 $0xFA600, s0;
	s19 =	sshrl.u32 s18, $0x1;
	s12 =	sshrl.u32 s9, $0x3  }
0xd: {  	s20 =	sshrl.u32 s11, $0x2;
	s22 =	sadd.s32 $0x28, s9;
	s23 =	sadd.s32 $0x78, s9  }
0xe: {  	s29 =	sadd.s32 s24, s5;
	s24 =	sor.u32 $0x1C10, s30;
	s9 =	simm.s32 $0x7  }
0xf: {  	s11 =	simm.s32 $0xC;
	[dreg:$0x6] =	wrdreg s0;
	s0 =	ssub.s32 s18, s19  }
0x10: {  	s1 =	sadd.s32 s1, s12;
	s8 =	sadd.s32 $0xA200, s8;
	[dreg:$0xf] =	wrdreg s29  }
0x11: {  	s21 =	sadd.s32 s5, s12;
	s7 =	sshrl.u32 s22, $0x3;
	[dreg:$0x10] =	wrdreg s24  }
0x12: {  	s22 =	simm.s32 $0x28;
	s12 =	simm.s32 $0x8;
	[dreg:$0x7] =	wrdreg s1  }
0x13: {  	s18 =	simm.s32 $0x9;
	s19 =	simm.s32 $0xF;
	[dreg:$0x8] =	wrdreg s8  }
0x14: {  	s1 =	sadd.s32 s20, s2;
	s7 =	sadd.s32 s5, s7;
	[dreg:$0x9] =	wrdreg s21  }
0x15: {  	s8 =	sshrl.u32 s23, $0x3;
	s25 =	sadd.s32 $0xA, s21;
	[dreg:$0xa] =	wrdreg s7  }
.Ltmp0:
0x16: {  	s28 =	sadd.s32 $0x14, s21;
	[dreg:$0xb] =	wrdreg s25;
	(pc) =	sbr.rel .LBB2_1-.Ltmp0, $4  }
0x17: {  	s0 =	smax.u32 s0, $0x1;
	s23 =	simm.s32 $0x14000;
	[dreg:$0xd] =	wrdreg s28  }
0x18: {  	s20 =	simm.s32 $0xD;
	s26 =	sadd.s32 s5, s8;
	[dreg:$0xe] =	wrdreg s0  }
0x19: {  	s21 =	simm.s32 $0xE;
	s31 =	sshrl.u32 s1, $0x3;
	[dreg:$0xc] =	wrdreg s26  }
0x1a: {  	s5 =	simm.s32 $0x2;
	s1 =	simm.s32 $0x0;
	[dreg:$0x11] =	wrdreg s31  }
.LBB2_8:
0x1b: {  	s17 =	rddreg [dreg:$0x6]  }
0x1c: {  	s1 =	rddreg [dreg:$0x12]  }
.LBB2_9:
0x1d: {  	_ =	swait.ge [sflag:s11], $0x1400  }
0x1e: {  	[sflag:s11] =	ssyncset.done $0x0  }
0x1f: {  	[sflag:s11] =	ssyncadd.s32 $0xFFFFEC00  }
0x20: {  	_ =	swait.ge [sflag:s20], $0x1400  }
0x21: {  	[sflag:s20] =	ssyncset.done $0x0  }
0x22: {  	[sflag:s20] =	ssyncadd.s32 $0xFFFFEC00  }
0x23: {  	_ =	swait.ge [sflag:s21], $0x1400  }
0x24: {  	[sflag:s21] =	ssyncset.done $0x0  }
0x25: {  	[sflag:s21] =	ssyncadd.s32 $0xFFFFEC00  }
0x26: {  	_ =	swait.ge [sflag:s19], $0x1400  }
0x27: {  	[sflag:s19] =	ssyncset.done $0x0  }
0x28: {  	[sflag:s19] =	ssyncadd.s32 $0xFFFFEC00  }
0x29: {  	s23 =	rddreg [dreg:$0x4];
	[bflag:$0x0] =	sbarrier.arrive $0xFFFF  }
0x2a: {  	s24 =	rddreg [dreg:$0x10]  }
0x2b: {  	s29 =	simm.s32 $0x10;
	s17 =	sadd.s32 s17, s23;
	s0 =	rddreg [dreg:$0x11]  }
0x2c: {  	[hbm:s17], [sflag:s24] =	dma.local [spmem:s0], $0x2800  }
0x2d: {  	_ =	swait.ge [sflag:s29], $0x2800  }
0x2e: {  	s1 =	sadd.s32 $0x1, s1;
	s30 =	rddreg [dreg:$0xe]  }
0x2f: {  	p1 =	sne.s32 s1, s30  }
.Ltmp1:
0x30: {  	_ = 	snop;
	(pc) =	sbr.rel @!p1 .LBB2_10-.Ltmp1, $3  }
0x31: {  	_ =	sdelay $0x1  }
0x32: {  	s31 =	simm.s32 $0x10;
	[sflag:s29] =	ssyncset.done $0x0  }
0x33: {  	s23 =	simm.s32 $0x14000;
	[sflag:s31] =	ssyncadd.s32 $0xFFFFD800  }
.LBB2_1:
0x34: {  	[dreg:$0x12] =	wrdreg s1  }
0x35: {  	s29 =	simm.s32 $0x10;
	s17 =	rddreg [dreg:$0x7]  }
0x36: {  	[tilespmem:s23], [sflag:$0x10] =	stream.linear.gather [hbm4b:s17+s3], $0x2710, $0x38;
	[tilespmem:$0x1CF80] =	vst v63  }
0x37: {  	_ =	swait.ge [sflag:s29], $0x2710  }
0x38: {  	[sflag:s29] =	ssyncset.done $0x0;
	s30 =	rddreg [dreg:$0x8]  }
0x39: {  	s26 =	smov.u32 s24;
	s31 =	rddreg [dreg:$0x11];
	[sflag:s29] =	ssyncadd.s32 $0xFFFFD8F0  }
0x3a: {  	[spmem:s31], [sflag:s26] =	dma.local [hbm:s30], $0x2800  }
.Ltmp2:
0x3b: {  	_ =	swait.ge [sflag:s29], $0x2800;
	(pc) =	sbr.rel @!p0 .LBB2_2-.Ltmp2, $4  }
0x3c: {  	[sflag:s29] =	ssyncset.done $0x0  }
0x3d: {  	[sflag:s29] =	ssyncadd.s32 $0xFFFFD800  }
0x3e: {  	[bflag:$0x0] =	sbarrier.arrive $0xFFFF  }
0x3f: {  	s24 =	simm.s32 $0x16B80  }
0x40: {  	[tilespmem:s24], [sflag:$0x1] =	stream.indirect.gather [hbm4b:s6+s22], $0x80, s23, s22, $0xb8;
	[tilespmem:$0x1CF80] =	vst v63  }
0x41: {  	s17 =	simm.s32 $0x0;
	s8 =	rddreg [dreg:$0x9];
	s30 =	simm.s32 $0x16780  }
0x42: {  	[tilespmem:s30], [sflag:$0x6] =	stream.linear.gather [hbm4b:s8+s17], $0x28, $0x38;
	[tilespmem:$0x1CF80] =	vst v63  }
0x43: {  	s25 =	simm.s32 $0x14028;
	s31 =	simm.s32 $0x17F80  }
0x44: {  	[tilespmem:s31], [sflag:$0x2] =	stream.indirect.gather [hbm4b:s6+s22], $0x80, s25, s22, $0xb8;
	[tilespmem:$0x1CF80] =	vst v63  }
0x45: {  	s26 =	rddreg [dreg:$0xa];
	s1 =	simm.s32 $0x16800  }
0x46: {  	[tilespmem:s1], [sflag:$0x7] =	stream.linear.gather [hbm4b:s26+s17], $0x28, $0x38;
	[tilespmem:$0x1CF80] =	vst v63  }
0x47: {  	s0 =	simm.s32 $0x14050;
	s7 =	simm.s32 $0x19380  }
0x48: {  	[tilespmem:s7], [sflag:$0x3] =	stream.indirect.gather [hbm4b:s6+s22], $0x80, s0, s22, $0xb8;
	[tilespmem:$0x1CF80] =	vst v63  }
0x49: {  	s8 =	rddreg [dreg:$0xb];
	s25 =	simm.s32 $0x16880  }
0x4a: {  	[tilespmem:s25], [sflag:$0x8] =	stream.linear.gather [hbm4b:s8+s17], $0x28, $0x38;
	[tilespmem:$0x1CF80] =	vst v63  }
0x4b: {  	s29 =	simm.s32 $0x1A780;
	s26 =	simm.s32 $0x14078  }
0x4c: {  	[tilespmem:s29], [sflag:$0x4] =	stream.indirect.gather [hbm4b:s6+s22], $0x80, s26, s22, $0xb8;
	[tilespmem:$0x1CF80] =	vst v63  }
0x4d: {  	s28 =	simm.s32 $0x16900;
	s0 =	rddreg [dreg:$0xc]  }
0x4e: {  	[tilespmem:s28], [sflag:$0x9] =	stream.linear.gather [hbm4b:s0+s17], $0x28, $0x38;
	[tilespmem:$0x1CF80] =	vst v63  }
0x4f: {  	s8 =	simm.s32 $0x140A0;
	s0 =	simm.s32 $0x1BB80  }
0x50: {  	[tilespmem:s0], [sflag:$0x5] =	stream.indirect.gather [hbm4b:s6+s22], $0x80, s8, s22, $0xb8;
	[tilespmem:$0x1CF80] =	vst v63  }
0x51: {  	s23 =	simm.s32 $0x14168;
	s26 =	rddreg [dreg:$0xd];
	s8 =	simm.s32 $0x16980  }
0x52: {  	[tilespmem:s8], [sflag:$0xA] =	stream.linear.gather [hbm4b:s26+s17], $0x28, $0x38;
	[tilespmem:$0x1CF80] =	vst v63  }
.LBB2_7:
0x53: {  	s26 =	simm.s32 $0x1  }
0x54: {  	_ =	swait.ge [sflag:s26], $0x1400  }
0x55: {  	[sflag:s26] =	ssyncset.done $0x0  }
0x56: {  	[sflag:s26] =	ssyncadd.s32 $0xFFFFEC00;
	s26 =	simm.s32 $0x6  }
0x57: {  	_ =	swait.ge [sflag:s26], $0x28  }
0x58: {  	[sflag:s26] =	ssyncset.done $0x0  }
0x59: {  	[sflag:s26] =	ssyncadd.s32 $0xFFFFFFD8  }
0x5a: {  	[spmem:s2] =	stream.indirect.scatter.add.f32 [tilespmem:s24], [sflag:$0xB], $0x80, s30, s22, $0xb8;
	[tilespmem:$0x1CF80] =	vst v63  }
0x5b: {  	_ =	swait.ge [sflag:s5], $0x1400  }
0x5c: {  	[sflag:s5] =	ssyncset.done $0x0  }
0x5d: {  	[sflag:s5] =	ssyncadd.s32 $0xFFFFEC00  }
0x5e: {  	_ =	swait.ge [sflag:s9], $0x28  }
0x5f: {  	[sflag:s9] =	ssyncset.done $0x0  }
0x60: {  	[sflag:s9] =	ssyncadd.s32 $0xFFFFFFD8  }
0x61: {  	[spmem:s2] =	stream.indirect.scatter.add.f32 [tilespmem:s31], [sflag:$0xC], $0x80, s1, s22, $0xb8;
	[tilespmem:$0x1CF80] =	vst v63  }
0x62: {  	_ =	swait.ge [sflag:s10], $0x1400  }
0x63: {  	[sflag:s10] =	ssyncset.done $0x0  }
0x64: {  	[sflag:s10] =	ssyncadd.s32 $0xFFFFEC00  }
0x65: {  	_ =	swait.ge [sflag:s12], $0x28  }
0x66: {  	[sflag:s12] =	ssyncset.done $0x0  }
0x67: {  	[sflag:s12] =	ssyncadd.s32 $0xFFFFFFD8  }
0x68: {  	[spmem:s2] =	stream.indirect.scatter.add.f32 [tilespmem:s7], [sflag:$0xD], $0x80, s25, s22, $0xb8;
	[tilespmem:$0x1CF80] =	vst v63  }
0x69: {  	_ =	swait.ge [sflag:s13], $0x1400  }
0x6a: {  	[sflag:s13] =	ssyncset.done $0x0  }
0x6b: {  	[sflag:s13] =	ssyncadd.s32 $0xFFFFEC00  }
0x6c: {  	_ =	swait.ge [sflag:s18], $0x28  }
0x6d: {  	[sflag:s18] =	ssyncset.done $0x0  }
0x6e: {  	[sflag:s18] =	ssyncadd.s32 $0xFFFFFFD8  }
0x6f: {  	[spmem:s2] =	stream.indirect.scatter.add.f32 [tilespmem:s29], [sflag:$0xE], $0x80, s28, s22, $0xb8;
	[tilespmem:$0x1CF80] =	vst v63  }
0x70: {  	_ =	swait.ge [sflag:s14], $0x1400  }
0x71: {  	[sflag:s14] =	ssyncset.done $0x0  }
0x72: {  	[sflag:s14] =	ssyncadd.s32 $0xFFFFEC00  }
0x73: {  	_ =	swait.ge [sflag:s15], $0x28  }
0x74: {  	p1 =	seq.s32 s17, $0x4C9;
	[sflag:s15] =	ssyncset.done $0x0  }
.Ltmp3:
0x75: {  	[sflag:s15] =	ssyncadd.s32 $0xFFFFFFD8;
	(pc) =	sbr.rel @p1 .LBB2_8-.Ltmp3, $4  }
0x76: {  	[spmem:s2] =	stream.indirect.scatter.add.f32 [tilespmem:s0], [sflag:$0xF], $0x80, s8, s22, $0xb8;
	[tilespmem:$0x1CF80] =	vst v63  }
0x77: {  	_ =	swait.ge [sflag:s16], $0x1400  }
0x78: {  	[sflag:s16] =	ssyncset.done $0x0  }
0x79: {  	[sflag:s16] =	ssyncadd.s32 $0xFFFFEC00  }
0x7a: {  	s26 =	simm.s32 $0x16B80;
	s24 =	sadd.s32 $0xFFFFFF60, s23  }
0x7b: {  	[tilespmem:s26], [sflag:$0x1] =	stream.indirect.gather [hbm4b:s6+s22], $0x80, s24, s22, $0xb8;
	[tilespmem:$0x1CF80] =	vst v63  }
0x7c: {  	s26 =	rddreg [dreg:$0xf]  }
0x7d: {  	s24 =	sadd.s32 s17, s26  }
0x7e: {  	s30 =	simm.s32 $0x16780;
	s26 =	sadd.s32 $0x19, s24  }
0x7f: {  	[tilespmem:s30], [sflag:$0x6] =	stream.linear.gather [hbm4b:s26+s3], $0x28, $0x38;
	[tilespmem:$0x1CF80] =	vst v63  }
0x80: {  	_ =	swait.ge [sflag:s11], $0x1400  }
0x81: {  	[sflag:s11] =	ssyncset.done $0x0  }
0x82: {  	s31 =	simm.s32 $0x17F80;
	s26 =	sadd.s32 $0xFFFFFF88, s23;
	[sflag:s11] =	ssyncadd.s32 $0xFFFFEC00  }
0x83: {  	[tilespmem:s31], [sflag:$0x2] =	stream.indirect.gather [hbm4b:s6+s22], $0x80, s26, s22, $0xb8;
	[tilespmem:$0x1CF80] =	vst v63  }
0x84: {  	s1 =	simm.s32 $0x16800;
	s26 =	sadd.s32 $0x1E, s24  }
0x85: {  	[tilespmem:s1], [sflag:$0x7] =	stream.linear.gather [hbm4b:s26+s3], $0x28, $0x38;
	[tilespmem:$0x1CF80] =	vst v63  }
0x86: {  	_ =	swait.ge [sflag:s20], $0x1400  }
0x87: {  	[sflag:s20] =	ssyncset.done $0x0  }
0x88: {  	s7 =	simm.s32 $0x19380;
	s26 =	sadd.s32 $0xFFFFFFB0, s23;
	[sflag:s20] =	ssyncadd.s32 $0xFFFFEC00  }
0x89: {  	[tilespmem:s7], [sflag:$0x3] =	stream.indirect.gather [hbm4b:s6+s22], $0x80, s26, s22, $0xb8;
	[tilespmem:$0x1CF80] =	vst v63  }
0x8a: {  	s25 =	simm.s32 $0x16880;
	s26 =	sadd.s32 $0x23, s24  }
0x8b: {  	[tilespmem:s25], [sflag:$0x8] =	stream.linear.gather [hbm4b:s26+s3], $0x28, $0x38;
	[tilespmem:$0x1CF80] =	vst v63  }
0x8c: {  	_ =	swait.ge [sflag:s21], $0x1400  }
0x8d: {  	[sflag:s21] =	ssyncset.done $0x0  }
0x8e: {  	s29 =	simm.s32 $0x1A780;
	s26 =	sadd.s32 $0xFFFFFFD8, s23;
	[sflag:s21] =	ssyncadd.s32 $0xFFFFEC00  }
0x8f: {  	[tilespmem:s29], [sflag:$0x4] =	stream.indirect.gather [hbm4b:s6+s22], $0x80, s26, s22, $0xb8;
	[tilespmem:$0x1CF80] =	vst v63  }
0x90: {  	s28 =	simm.s32 $0x16900;
	s26 =	sadd.s32 $0x28, s24  }
0x91: {  	[tilespmem:s28], [sflag:$0x9] =	stream.linear.gather [hbm4b:s26+s3], $0x28, $0x38;
	[tilespmem:$0x1CF80] =	vst v63  }
0x92: {  	_ =	swait.ge [sflag:s19], $0x1400  }
0x93: {  	[sflag:s19] =	ssyncset.done $0x0  }
.Ltmp4:
0x94: {  	s0 =	simm.s32 $0x1BB80;
	[sflag:s19] =	ssyncadd.s32 $0xFFFFEC00;
	(pc) =	sbr.rel .LBB2_7-.Ltmp4, $4  }
0x95: {  	[tilespmem:s0], [sflag:$0x5] =	stream.indirect.gather [hbm4b:s6+s22], $0x80, s23, s22, $0xb8;
	[tilespmem:$0x1CF80] =	vst v63  }
0x96: {  	s8 =	simm.s32 $0x16980;
	s24 =	sadd.s32 $0x2D, s24  }
0x97: {  	[tilespmem:s8], [sflag:$0xA] =	stream.linear.gather [hbm4b:s24+s3], $0x28, $0x38;
	[tilespmem:$0x1CF80] =	vst v63  }
0x98: {  	s17 =	sadd.s32 $0x19, s17;
	s23 =	sadd.s32 $0xC8, s23;
	s24 =	simm.s32 $0x16B80  }
.LBB2_2:
0x99: {  	[tilespmem:s24], [sflag:$0x1] =	stream.indirect.gather [hbm4b:s4+s22], $0x80, s23, s22, $0xb8;
	[tilespmem:$0x1CF80] =	vst v63  }
0x9a: {  	s17 =	simm.s32 $0x0;
	s8 =	rddreg [dreg:$0x9];
	s30 =	simm.s32 $0x16780  }
0x9b: {  	[tilespmem:s30], [sflag:$0x6] =	stream.linear.gather [hbm4b:s8+s17], $0x28, $0x38;
	[tilespmem:$0x1CF80] =	vst v63  }
0x9c: {  	s25 =	simm.s32 $0x14028;
	s31 =	simm.s32 $0x17F80  }
0x9d: {  	[tilespmem:s31], [sflag:$0x2] =	stream.indirect.gather [hbm4b:s4+s22], $0x80, s25, s22, $0xb8;
	[tilespmem:$0x1CF80] =	vst v63  }
0x9e: {  	s26 =	rddreg [dreg:$0xa];
	s1 =	simm.s32 $0x16800  }
0x9f: {  	[tilespmem:s1], [sflag:$0x7] =	stream.linear.gather [hbm4b:s26+s17], $0x28, $0x38;
	[tilespmem:$0x1CF80] =	vst v63  }
0xa0: {  	s0 =	simm.s32 $0x14050;
	s7 =	simm.s32 $0x19380  }
0xa1: {  	[tilespmem:s7], [sflag:$0x3] =	stream.indirect.gather [hbm4b:s4+s22], $0x80, s0, s22, $0xb8;
	[tilespmem:$0x1CF80] =	vst v63  }
0xa2: {  	s8 =	rddreg [dreg:$0xb];
	s25 =	simm.s32 $0x16880  }
0xa3: {  	[tilespmem:s25], [sflag:$0x8] =	stream.linear.gather [hbm4b:s8+s17], $0x28, $0x38;
	[tilespmem:$0x1CF80] =	vst v63  }
0xa4: {  	s29 =	simm.s32 $0x1A780;
	s26 =	simm.s32 $0x14078  }
0xa5: {  	[tilespmem:s29], [sflag:$0x4] =	stream.indirect.gather [hbm4b:s4+s22], $0x80, s26, s22, $0xb8;
	[tilespmem:$0x1CF80] =	vst v63  }
0xa6: {  	s28 =	simm.s32 $0x16900;
	s0 =	rddreg [dreg:$0xc]  }
0xa7: {  	[tilespmem:s28], [sflag:$0x9] =	stream.linear.gather [hbm4b:s0+s17], $0x28, $0x38;
	[tilespmem:$0x1CF80] =	vst v63  }
0xa8: {  	s8 =	simm.s32 $0x140A0;
	s0 =	simm.s32 $0x1BB80  }
0xa9: {  	[tilespmem:s0], [sflag:$0x5] =	stream.indirect.gather [hbm4b:s4+s22], $0x80, s8, s22, $0xb8;
	[tilespmem:$0x1CF80] =	vst v63  }
0xaa: {  	s23 =	simm.s32 $0x14168;
	s26 =	rddreg [dreg:$0xd];
	s8 =	simm.s32 $0x16980  }
0xab: {  	[tilespmem:s8], [sflag:$0xA] =	stream.linear.gather [hbm4b:s26+s17], $0x28, $0x38;
	[tilespmem:$0x1CF80] =	vst v63  }
.LBB2_3:
0xac: {  	s26 =	simm.s32 $0x1  }
0xad: {  	_ =	swait.ge [sflag:s26], $0x1400  }
0xae: {  	[sflag:s26] =	ssyncset.done $0x0  }
0xaf: {  	[sflag:s26] =	ssyncadd.s32 $0xFFFFEC00;
	s26 =	simm.s32 $0x6  }
0xb0: {  	_ =	swait.ge [sflag:s26], $0x28  }
0xb1: {  	[sflag:s26] =	ssyncset.done $0x0  }
0xb2: {  	[sflag:s26] =	ssyncadd.s32 $0xFFFFFFD8  }
0xb3: {  	[spmem:s2] =	stream.indirect.scatter.add.f32 [tilespmem:s24], [sflag:$0xB], $0x80, s30, s22, $0xb8;
	[tilespmem:$0x1CF80] =	vst v63  }
0xb4: {  	_ =	swait.ge [sflag:s5], $0x1400  }
0xb5: {  	[sflag:s5] =	ssyncset.done $0x0  }
0xb6: {  	[sflag:s5] =	ssyncadd.s32 $0xFFFFEC00  }
0xb7: {  	_ =	swait.ge [sflag:s9], $0x28  }
0xb8: {  	[sflag:s9] =	ssyncset.done $0x0  }
0xb9: {  	[sflag:s9] =	ssyncadd.s32 $0xFFFFFFD8  }
0xba: {  	[spmem:s2] =	stream.indirect.scatter.add.f32 [tilespmem:s31], [sflag:$0xC], $0x80, s1, s22, $0xb8;
	[tilespmem:$0x1CF80] =	vst v63  }
0xbb: {  	_ =	swait.ge [sflag:s10], $0x1400  }
0xbc: {  	[sflag:s10] =	ssyncset.done $0x0  }
0xbd: {  	[sflag:s10] =	ssyncadd.s32 $0xFFFFEC00  }
0xbe: {  	_ =	swait.ge [sflag:s12], $0x28  }
0xbf: {  	[sflag:s12] =	ssyncset.done $0x0  }
0xc0: {  	[sflag:s12] =	ssyncadd.s32 $0xFFFFFFD8  }
0xc1: {  	[spmem:s2] =	stream.indirect.scatter.add.f32 [tilespmem:s7], [sflag:$0xD], $0x80, s25, s22, $0xb8;
	[tilespmem:$0x1CF80] =	vst v63  }
0xc2: {  	_ =	swait.ge [sflag:s13], $0x1400  }
0xc3: {  	[sflag:s13] =	ssyncset.done $0x0  }
0xc4: {  	[sflag:s13] =	ssyncadd.s32 $0xFFFFEC00  }
0xc5: {  	_ =	swait.ge [sflag:s18], $0x28  }
0xc6: {  	[sflag:s18] =	ssyncset.done $0x0  }
0xc7: {  	[sflag:s18] =	ssyncadd.s32 $0xFFFFFFD8  }
0xc8: {  	[spmem:s2] =	stream.indirect.scatter.add.f32 [tilespmem:s29], [sflag:$0xE], $0x80, s28, s22, $0xb8;
	[tilespmem:$0x1CF80] =	vst v63  }
0xc9: {  	_ =	swait.ge [sflag:s14], $0x1400  }
0xca: {  	[sflag:s14] =	ssyncset.done $0x0  }
0xcb: {  	[sflag:s14] =	ssyncadd.s32 $0xFFFFEC00  }
0xcc: {  	_ =	swait.ge [sflag:s15], $0x28  }
0xcd: {  	p1 =	seq.s32 s17, $0x4C9;
	[sflag:s15] =	ssyncset.done $0x0  }
.Ltmp5:
0xce: {  	[sflag:s15] =	ssyncadd.s32 $0xFFFFFFD8;
	(pc) =	sbr.rel @p1 .LBB2_4-.Ltmp5, $4  }
0xcf: {  	[spmem:s2] =	stream.indirect.scatter.add.f32 [tilespmem:s0], [sflag:$0xF], $0x80, s8, s22, $0xb8;
	[tilespmem:$0x1CF80] =	vst v63  }
0xd0: {  	_ =	swait.ge [sflag:s16], $0x1400  }
0xd1: {  	[sflag:s16] =	ssyncset.done $0x0  }
0xd2: {  	[sflag:s16] =	ssyncadd.s32 $0xFFFFEC00  }
0xd3: {  	s26 =	simm.s32 $0x16B80;
	s24 =	sadd.s32 $0xFFFFFF60, s23  }
0xd4: {  	[tilespmem:s26], [sflag:$0x1] =	stream.indirect.gather [hbm4b:s4+s22], $0x80, s24, s22, $0xb8;
	[tilespmem:$0x1CF80] =	vst v63  }
0xd5: {  	s26 =	rddreg [dreg:$0xf]  }
0xd6: {  	s24 =	sadd.s32 s17, s26  }
0xd7: {  	s30 =	simm.s32 $0x16780;
	s26 =	sadd.s32 $0x19, s24  }
0xd8: {  	[tilespmem:s30], [sflag:$0x6] =	stream.linear.gather [hbm4b:s26+s3], $0x28, $0x38;
	[tilespmem:$0x1CF80] =	vst v63  }
0xd9: {  	_ =	swait.ge [sflag:s11], $0x1400  }
0xda: {  	[sflag:s11] =	ssyncset.done $0x0  }
0xdb: {  	s31 =	simm.s32 $0x17F80;
	s26 =	sadd.s32 $0xFFFFFF88, s23;
	[sflag:s11] =	ssyncadd.s32 $0xFFFFEC00  }
0xdc: {  	[tilespmem:s31], [sflag:$0x2] =	stream.indirect.gather [hbm4b:s4+s22], $0x80, s26, s22, $0xb8;
	[tilespmem:$0x1CF80] =	vst v63  }
0xdd: {  	s1 =	simm.s32 $0x16800;
	s26 =	sadd.s32 $0x1E, s24  }
0xde: {  	[tilespmem:s1], [sflag:$0x7] =	stream.linear.gather [hbm4b:s26+s3], $0x28, $0x38;
	[tilespmem:$0x1CF80] =	vst v63  }
0xdf: {  	_ =	swait.ge [sflag:s20], $0x1400  }
0xe0: {  	[sflag:s20] =	ssyncset.done $0x0  }
0xe1: {  	s7 =	simm.s32 $0x19380;
	s26 =	sadd.s32 $0xFFFFFFB0, s23;
	[sflag:s20] =	ssyncadd.s32 $0xFFFFEC00  }
0xe2: {  	[tilespmem:s7], [sflag:$0x3] =	stream.indirect.gather [hbm4b:s4+s22], $0x80, s26, s22, $0xb8;
	[tilespmem:$0x1CF80] =	vst v63  }
0xe3: {  	s25 =	simm.s32 $0x16880;
	s26 =	sadd.s32 $0x23, s24  }
0xe4: {  	[tilespmem:s25], [sflag:$0x8] =	stream.linear.gather [hbm4b:s26+s3], $0x28, $0x38;
	[tilespmem:$0x1CF80] =	vst v63  }
0xe5: {  	_ =	swait.ge [sflag:s21], $0x1400  }
0xe6: {  	[sflag:s21] =	ssyncset.done $0x0  }
0xe7: {  	s29 =	simm.s32 $0x1A780;
	s26 =	sadd.s32 $0xFFFFFFD8, s23;
	[sflag:s21] =	ssyncadd.s32 $0xFFFFEC00  }
0xe8: {  	[tilespmem:s29], [sflag:$0x4] =	stream.indirect.gather [hbm4b:s4+s22], $0x80, s26, s22, $0xb8;
	[tilespmem:$0x1CF80] =	vst v63  }
0xe9: {  	s28 =	simm.s32 $0x16900;
	s26 =	sadd.s32 $0x28, s24  }
0xea: {  	[tilespmem:s28], [sflag:$0x9] =	stream.linear.gather [hbm4b:s26+s3], $0x28, $0x38;
	[tilespmem:$0x1CF80] =	vst v63  }
0xeb: {  	_ =	swait.ge [sflag:s19], $0x1400  }
0xec: {  	[sflag:s19] =	ssyncset.done $0x0  }
.Ltmp6:
0xed: {  	s0 =	simm.s32 $0x1BB80;
	[sflag:s19] =	ssyncadd.s32 $0xFFFFEC00;
	(pc) =	sbr.rel .LBB2_3-.Ltmp6, $4  }
0xee: {  	[tilespmem:s0], [sflag:$0x5] =	stream.indirect.gather [hbm4b:s4+s22], $0x80, s23, s22, $0xb8;
	[tilespmem:$0x1CF80] =	vst v63  }
0xef: {  	s8 =	simm.s32 $0x16980;
	s24 =	sadd.s32 $0x2D, s24  }
0xf0: {  	[tilespmem:s8], [sflag:$0xA] =	stream.linear.gather [hbm4b:s24+s3], $0x28, $0x38;
	[tilespmem:$0x1CF80] =	vst v63  }
0xf1: {  	s17 =	sadd.s32 $0x19, s17;
	s23 =	sadd.s32 $0xC8, s23;
	s24 =	simm.s32 $0x16B80  }
.LBB2_4:
.Ltmp7:
0xf2: {  	(pc) =	sbr.rel .LBB2_9-.Ltmp7, $3  }
0xf3: {  	_ =	sdelay $0x1  }
0xf4: {  	s17 =	rddreg [dreg:$0x5]  }
0xf5: {  	s1 =	rddreg [dreg:$0x12]  }
.LBB2_10:
0xf6: {  	_ =	sfence.sel $0x180000  }
0xf7: {  	[bflag:$0x0] =	sbarrier.arrive $0xFFFF  }
0xf8: {  	_ =	strace $0x9000004D  }
0xf9: {  	s0 =	stileid.u32;
	[bflag:$0x2] =	sbarrier.arrive $0xFFFF  }
0xfa: {  	p0 =	sne.s32 s0, $0x0;
	s0 =	rddreg [dreg:$0x3]  }
0xfb: {  	s0 =	sadd.s32 @!p0 $0x100000, s0  }
0xfc: {  	[sflag:s0] =	ssyncadd.tile.s32 @!p0 $0x1;
	_ =	shalt  }
.Lfunc_end2:
_tile_overlayer_lowered:
.L_overlay_start_2:
0xfd: {  	(tag) =	ssettag $0x2  }
0xfe: {  	s0 =	rddreg [dreg:$0x0];
	s2 =	stileid.u32  }
0xff: {  	s1 =	rddreg [dreg:$0x1];
	p0 =	sne.s32 s2, $0x0  }
0x100: {  	s3 =	rddreg [dreg:$0x2];
	[bflag:$0x3] =	sbarrier.arrive $0xFFFF;
	s2 =	simm.s32 @!p0 $0x1C10  }
0x101: {  	[timem:s3], [sflag:s2] =	dma.local @!p0 [hbm:s0], s1  }
0x102: {  	s0 =	simm.s32 @!p0 $0x10  }
0x103: {  	_ =	swait.ge @!p0 [sflag:s0], s1  }
0x104: {  	s1 =	ssub.s32 @!p0 $0x0, s1;
	[sflag:s0] =	ssyncset.done @!p0 $0x0  }
0x105: {  	[sflag:s0] =	ssyncadd.s32 @!p0 s1  }
0x106: {  	[bflag:$0x3] =	sbarrier.arrive $0xFFFF  }
0x107: {  	_ =	shalt  }

// kernel: kernel.19.cloned.1.call-start
scs
__scs_entry_jumppad:
0x0: {  	(pc) =	sbr.rel $0x88, $3  }
0x1: {  	(tag) =	ssettag $0x0;
	lr =	simm.s32 $0x1  }
0x2: {  	[smem:$0x3F99] =	sst lr;
	_ =	strace $0xD0000000  }
0x3: {  	_ = 	snop  }
0x4: {  	_ = 	snop  }
0x5: {  	_ = 	snop  }
0x6: {  	_ = 	snop  }
0x7: {  	_ = 	snop  }
__scs_overlays_trampoline_lowered:
0x8: {  	[smem:$0x3FA8] =	sst s0  }
0x9: {  	[smem:$0x3FA9] =	sst s1  }
0xa: {  	[smem:$0x3FAA] =	sst s2  }
0xb: {  	[smem:$0x3FAB] =	sst s3  }
0xc: {  	[smem:$0x3FAC] =	sst s4  }
0xd: {  	[smem:$0x3FAD] =	sst s5  }
0xe: {  	[smem:$0x3FAE] =	sst s6  }
0xf: {  	[smem:$0x3FAF] =	sst s7  }
0x10: {  	[smem:$0x3FB0] =	sst s8  }
0x11: {  	[smem:$0x3FB1] =	sst s9;
	s0 =	simm.s32 @!p0 $0x0  }
0x12: {  	s1 =	sld [smem:$0x3F97];
	s0 =	simm.s32 @p0 $0x1  }
0x13: {  	[smem:$0x3FB2] =	sst s0;
	s0 =	simm.s32 @!p1 $0x0  }
0x14: {  	s2 =	sld [smem:$0x3F96];
	s0 =	simm.s32 @p1 $0x1  }
0x15: {  	[smem:$0x3FB3] =	sst s0;
	s0 =	simm.s32 @!p2 $0x0  }
0x16: {  	s3 =	sld [smem:$0x3FDB];
	s0 =	simm.s32 @p2 $0x1  }
0x17: {  	s4 =	simm.s32 $0x1BF5;
	[smem:$0x3FB5] =	sst s0  }
0x18: {  	s0 =	sld [smem:$0x3F98];
	_ =	swait.ge [sflag:s4], $0x0  }
0x19: {  	s7 =	sld [smem:$0x3F99]  }
0x1a: {  	s8 =	sadd.s32 $0xFFFFE003, lr  }
0x1b: {  	s9 =	sadd.s32 $0xFFFFFEF7, lr;
	s5 =	simm.s32 $0xFFFFFFFF;
	p2 =	slt.u32 s8, $0xFFFFF086  }
0x1c: {  	p1 =	slt.u32 s9, $0xF7A;
	s5 =	simm.s32 @!p2 $0x0  }
0x1d: {  	s5 =	simm.s32 @p1 $0x1;
	p0 =	seq.s32 s7, s2  }
0x1e: {  	s7 =	smul.u32 @!p0 $0xF7A, s2;
	p2 =	seq.s32 @!p0 s5, $0x0  }
0x1f: {  	s9 =	smul.u32 $0xF7A, s1;
	s8 =	simm.s32 @!p0 $0x1BF5;
	p2 =	por !p2, p0  }
0x20: {  	[sflag:s8] =	ssyncset.s32 @!p0 $0xFFFFF086;
	s6 =	sadd.s32 @!p0 s3, s7;
	s7 =	simm.s32 @!p0 $0x108  }
0x21: {  	s3 =	sadd.s32 s3, s9;
	s6 =	sadd.s32 @!p0 $0x88, s6;
	s7 =	simm.s32 @p2 $0x1082  }
0x22: {  	[simem:s7], [sflag:s8] =	dma.local @!p0 [hbm:s6], $0xF7A  }
0x23: {  	s9 =	sor.u32 $0xD0000000, s2;
	s6 =	simm.s32 $0x108;
	_ =	swait.ge @!p0 [sflag:s8], $0x0  }
0x24: {  	s3 =	sadd.s32 $0x88, s3;
	s6 =	simm.s32 @!p1 $0x1082;
	[sflag:s4] =	ssyncset.s32 $0xFFFFF086  }
0x25: {  	[simem:s6], [sflag:s4] =	dma.local [hbm:s3], $0xF7A  }
0x26: {  	[smem:$0x3F99] =	sst s1;
	(tag) =	ssettag s2;
	_ =	strace s9  }
0x27: {  	s1 =	sld [smem:$0x3FA9]  }
0x28: {  	s2 =	sld [smem:$0x3FAA]  }
0x29: {  	s4 =	sld [smem:$0x3FAC]  }
0x2a: {  	p0 =	seq.s32 s5, $0x0;
	s5 =	sld [smem:$0x3FAD]  }
0x2b: {  	s6 =	sld [smem:$0x3FAE]  }
0x2c: {  	s7 =	sld [smem:$0x3FAF]  }
0x2d: {  	s3 =	simm.s32 $0x108;
	s8 =	sld [smem:$0x3FB0]  }
0x2e: {  	s3 =	simm.s32 @!p0 $0x1082;
	s9 =	sld [smem:$0x3FB1]  }
0x2f: {  	lr =	sadd.s32 s0, s3;
	s0 =	sld [smem:$0x3FA8]  }
0x30: {  	s3 =	sld [smem:$0x3FAB]  }
0x31: {  	[smem:$0x3FB4] =	sst s10  }
0x32: {  	s10 =	sld [smem:$0x3FB2];
	_ =	sdelay $0x3  }
0x33: {  	p0 =	seq.s32 s10, $0x1;
	s10 =	sld [smem:$0x3FB4];
	_ =	sdelay $0x3  }
0x34: {  	[smem:$0x3FB4] =	sst s10  }
0x35: {  	s10 =	sld [smem:$0x3FB3];
	_ =	sdelay $0x3  }
0x36: {  	p1 =	seq.s32 s10, $0x1;
	s10 =	sld [smem:$0x3FB4];
	_ =	sdelay $0x3  }
0x37: {  	[smem:$0x3FB4] =	sst s10  }
0x38: {  	s10 =	sld [smem:$0x3FB5]  }
0x39: {  	_ = 	snop;
	(pc) =	sbr.ind lr, $3  }
0x3a: {  	_ = 	snop  }
0x3b: {  	_ = 	snop  }
0x3c: {  	p2 =	seq.s32 s10, $0x1;
	s10 =	sld [smem:$0x3FB4]  }
0x3d: {  	_ =	shalt  }
0x3e: {  	_ =	shalt  }
0x3f: {  	_ =	shalt  }
0x40: {  	_ =	shalt  }
0x41: {  	_ =	shalt  }
0x42: {  	_ =	shalt  }
0x43: {  	_ =	shalt  }
0x44: {  	_ =	shalt  }
0x45: {  	_ =	shalt  }
0x46: {  	_ =	shalt  }
0x47: {  	_ =	shalt  }
0x48: {  	_ =	shalt  }
0x49: {  	_ =	shalt  }
0x4a: {  	_ =	shalt  }
0x4b: {  	_ =	shalt  }
0x4c: {  	_ =	shalt  }
0x4d: {  	_ =	shalt  }
0x4e: {  	_ =	shalt  }
0x4f: {  	_ =	shalt  }
0x50: {  	_ =	shalt  }
0x51: {  	_ =	shalt  }
0x52: {  	_ =	shalt  }
0x53: {  	_ =	shalt  }
0x54: {  	_ =	shalt  }
0x55: {  	_ =	shalt  }
0x56: {  	_ =	shalt  }
0x57: {  	_ =	shalt  }
0x58: {  	_ =	shalt  }
0x59: {  	_ =	shalt  }
0x5a: {  	_ =	shalt  }
0x5b: {  	_ =	shalt  }
0x5c: {  	_ =	shalt  }
0x5d: {  	_ =	shalt  }
0x5e: {  	_ =	shalt  }
0x5f: {  	_ =	shalt  }
0x60: {  	_ =	shalt  }
0x61: {  	_ =	shalt  }
0x62: {  	_ =	shalt  }
0x63: {  	_ =	shalt  }
0x64: {  	_ =	shalt  }
0x65: {  	_ =	shalt  }
0x66: {  	_ =	shalt  }
0x67: {  	_ =	shalt  }
0x68: {  	_ =	shalt  }
0x69: {  	_ =	shalt  }
0x6a: {  	_ =	shalt  }
0x6b: {  	_ =	shalt  }
0x6c: {  	_ =	shalt  }
0x6d: {  	_ =	shalt  }
0x6e: {  	_ =	shalt  }
0x6f: {  	_ =	shalt  }
0x70: {  	_ =	shalt  }
0x71: {  	_ =	shalt  }
0x72: {  	_ =	shalt  }
0x73: {  	_ =	shalt  }
0x74: {  	_ =	shalt  }
0x75: {  	_ =	shalt  }
0x76: {  	_ =	shalt  }
0x77: {  	_ =	shalt  }
0x78: {  	_ =	shalt  }
0x79: {  	_ =	shalt  }
0x7a: {  	_ =	shalt  }
0x7b: {  	_ =	shalt  }
0x7c: {  	_ =	shalt  }
0x7d: {  	_ =	shalt  }
0x7e: {  	_ =	shalt  }
0x7f: {  	_ =	shalt  }
0x80: {  	_ =	shalt  }
0x81: {  	_ =	shalt  }
0x82: {  	_ =	shalt  }
0x83: {  	_ =	shalt  }
0x84: {  	_ =	shalt  }
0x85: {  	_ =	shalt  }
0x86: {  	_ =	shalt  }
0x87: {  	_ =	shalt  }
.Lfunc_end0:
.L_simem_size_0:
called_computation.3_lowered:
.L_overlay_start_0:
0x88: {  	s2 =	sld [smem:$0x3FD9]  }
0x89: {  	s3 =	sld [smem:$0x3FFE];
	_ =	sdelay $0x1  }
0x8a: {  	s1 =	srdreg.scid  }
0x8b: {  	s0 =	sand.u32 $0x1, s1  }
0x8c: {  	s17 =	sshll.u32 s0, $0xA;
	s2 =	sadd.s32 s3, s2  }
0x8d: {  	s2 =	sadd.s32 s2, s17  }
0x8e: {  	[smem:$0x3FC0] =	sst s2  }
0x8f: {  	_ = 	snop  }
0x90: {  	s2 =	sld [smem:$0x3FD0];
	(tm) =	ssettm $0x1  }
0x91: {  	s18 =	sld [smem:$0x3FFB];
	_ =	sdelay $0x3  }
0x92: {  	_ =	strace s18  }
0x93: {  	s3 =	sld [smem:$0x3FFC];
	_ =	sdelay $0x3  }
0x94: {  	_ =	strace s3  }
0x95: {  	s3 =	sld [smem:$0x3FFD];
	_ =	sdelay $0x3  }
0x96: {  	_ =	strace s3  }
0x97: {  	_ =	strace $0x8FFFFFFF  }
0x98: {  	s19 =	sld [smem:$0x3FDB];
	_ =	sdelay $0x1  }
0x99: {  	s4 =	simm.s32 $_scs_section_size  }
0x9a: {  	s5 =	simm.s32 $_size__tile_overlayer_lowered;
	s6 =	simm.s32 $_tile_overlayer_lowered  }
0x9b: {  	s22 =	simm.s32 $0x1BFF;
	s21 =	sshll.u32 s6, $0x1;
	s3 =	sadd.s32 s4, s19  }
0x9c: {  	s7 =	simm.s32 $0x0;
	s20 =	sshll.u32 s5, $0x1;
	s5 =	sadd.s32 s21, s3  }
0x9d: {  	[timem:s7], [sflag:s22] =	dma.local [hbm:s5], s20  }
0x9e: {  	_ =	swait.ge [sflag:s22], s20  }
0x9f: {  	s4 =	ssub.s32 $0x0, s20;
	[sflag:s22] =	ssyncset.done $0x0  }
0xa0: {  	[sflag:s22] =	ssyncadd.s32 s4;
	_ =	sdelay $0x1  }
0xa1: {  	s23 =	simm.s32 $0x1B8B  }
0xa2: {  	_ =	swait.ge [sflag:s23], $0x1  }
0xa3: {  	[sflag:s23] =	ssyncset.done $0x0  }
0xa4: {  	s25 =	simm.s32 $0x1B8E;
	s24 =	sld [smem:$0x3FFE];
	[sflag:s23] =	ssyncadd.s32 $0xFFFFFFFF  }
0xa5: {  	s26 =	simm.s32 $execute0_lowered;
	[smem:$0x3FD2] =	sst s25  }
0xa6: {  	s5 =	sshll.u32 s26, $0x1;
	_ =	strace $0x8000004F;
	[dreg:$0x1] =	wrdreg $0xFFFFFFFF  }
0xa7: {  	s28 =	simm.s32 $_size_execute0_lowered;
	s3 =	sadd.s32 s3, s5;
	[dreg:$0x0] =	wrdreg $0x0  }
0xa8: {  	s5 =	sshll.u32 s28, $0x1;
	[dreg:$0x2] =	wrdreg s3  }
0xa9: {  	[dreg:$0x3] =	wrdreg s5  }
0xaa: {  	[dreg:$0x4] =	wrdreg $0xC0  }
0xab: {  	_ =	task [dreg:s7], $0x5FFFF  }
0xac: {  	[dreg:$0x1] =	wrdreg $0xFFFFFFFF  }
0xad: {  	[dreg:$0x0] =	wrdreg $0x60  }
0xae: {  	[dreg:$0x2] =	wrdreg s24  }
0xaf: {  	[dreg:$0x3] =	wrdreg s2  }
0xb0: {  	[dreg:$0x4] =	wrdreg $0x0  }
0xb1: {  	[dreg:$0x5] =	wrdreg $0x9  }
0xb2: {  	_ =	task.clear_ibuf [dreg:s7], $0x6FFFF;
	_ =	strace $0x9000004F  }
0xb3: {  	s29 =	simm.s32 $0x9;
	_ =	strace $0x80000051  }
0xb4: {  	_ =	swait.ge [sflag:s29], $0x1  }
0xb5: {  	[sflag:s29] =	ssyncadd.s32 $0xFFFFFFFF  }
0xb6: {  	_ =	strace $0x90000051  }
0xb7: {  	_ =	sfence  }
0xb8: {  	s30 =	sld [smem:$0x0];
	_ =	sdelay $0x2  }
0xb9: {  	s31 =	sshll.u32 s1, $0xD;
	s1 =	sshrl.u32 s1, $0x2  }
0xba: {  	s3 =	sand.u32 $0x4000, s31;
	s1 =	sadd.s32 s1, s30  }
0xbb: {  	s0 =	sor.u32 s3, s0;
	s1 =	sshll.u32 s1, $0x11  }
0xbc: {  	s0 =	sor.u32 s1, s0  }
0xbd: {  	s0 =	sadd.s32 $0x8F2B, s0  }
0xbe: {  	[sflag:s0] =	ssyncadd.remote.s32 $0x1  }
0xbf: {  	_ =	sfence.sel $0xFFFF  }
0xc0: {  	[dreg:$0x0] =	wrdreg $0xFFFFFFFF;
	(pc) =	sbr.abs _section_cstart, $3  }
0xc1: {  	[dreg:$0x1] =	wrdreg $0xFFFFFFFF  }
0xc2: {  	_ =	task.clear_ibuf [dreg:s7], $0x2FFFF;
	_ =	strace $0x9FFFFFFF  }
0xc3: {  	(tm) =	ssettm $0x7FFFFFFF  }
tec
execute0_lowered:
.L_overlay_start_1:
0x0: {  	(tag) =	ssettag $0x1  }
0x1: {  	s0 =	rddreg [dreg:$0x0]  }
0x2: {  	s2 =	rddreg [dreg:$0x1]  }
0x3: {  	s1 =	rddreg [dreg:$0x2];
	s10 =	stileid.u32  }
0x4: {  	s3 =	srdreg.scid;
	s31 =	simm.s32 $0x15400;
	s6 =	smul.u32 $0x2800, s10  }
0x5: {  	s30 =	simm.s32 $0x16C00;
	s5 =	sand.u32 $0x1, s3;
	s9 =	smul.u32 $0x50000, s10  }
0x6: {  	s3 =	simm.s32 $0x0;
	s11 =	sadd.s32 $0x5200, s0;
	s14 =	smul.u32 $0x1388, s10  }
0x7: {  	s4 =	sshll.u32 s5, $0x4;
	[smem:$0x7FF] =	sst s3;
	s8 =	ssub.s32 $0x2, s5  }
0x8: {  	s13 =	smul.u32 $0x13880, s5;
	p0 =	seq.s32 s5, $0x1;
	s5 =	simm.s32 $0xD2600  }
0x9: {  	s4 =	sor.u32 s10, s4;
	_ =	strace $0x80000050;
	s25 =	sshrl.u32 s8, $0x1  }
0xa: {  	s9 =	sshrl.u32 s9, $0x2;
	s5 =	simm.s32 @!p0 $0xAA600;
	[dreg:$0x4] =	wrdreg s11  }
0xb: {  	s10 =	simm.s32 $0x15580;
	s7 =	smul.u32 $0x1388, s4;
	s4 =	sadd.s32 $0x82600, s0  }
0xc: {  	s0 =	sadd.s32 s6, s0;
	s6 =	ssub.s32 s8, s25;
	s28 =	sadd.s32 s9, s1  }
0xd: {  	s18 =	sadd.s32 s14, s13;
	s8 =	simm.s32 $0x19400;
	s13 =	simm.s32 $0x8  }
0xe: {  	s14 =	simm.s32 $0x9;
	[dreg:$0x6] =	wrdreg s28;
	s29 =	sadd.s32 $0xA200, s0  }
0xf: {  	s19 =	sadd.s32 $0x168, s18;
	s6 =	smax.u32 s6, $0x1;
	s0 =	sadd.s32 s5, s0  }
0x10: {  	s22 =	sadd.s32 $0x140, s18;
	s23 =	sadd.s32 $0x118, s18;
	s24 =	sadd.s32 $0xF0, s18  }
0x11: {  	s5 =	simm.s32 $0x0;
	s26 =	sshrl.u32 s7, $0x3;
	[dreg:$0x7] =	wrdreg s29  }
0x12: {  	s9 =	sadd.s32 $0x28, s7;
	s7 =	sadd.s32 $0x78, s7;
	[dreg:$0xd] =	wrdreg s6  }
0x13: {  	s20 =	sshrl.u32 s19, $0x3;
	[dreg:$0xe] =	wrdreg s0;
	s0 =	sshrl.u32 s22, $0x3  }
0x14: {  	s25 =	sshrl.u32 s23, $0x3;
	s29 =	sadd.s32 $0xC8, s18;
	s23 =	simm.s32 $0x28  }
0x15: {  	s6 =	simm.s32 $0x18000;
	s18 =	simm.s32 $0xD;
	s19 =	simm.s32 $0xE  }
0x16: {  	s2 =	sadd.s32 s2, s26;
	s12 =	sadd.s32 s11, s26;
	s16 =	sshrl.u32 s7, $0x3  }
0x17: {  	s21 =	sadd.s32 s20, s11;
	s0 =	sadd.s32 s0, s11;
	[dreg:$0x13] =	wrdreg s29  }
0x18: {  	s26 =	sshrl.u32 s24, $0x3;
	s24 =	simm.s32 $0x10;
	[dreg:$0x5] =	wrdreg s2  }
0x19: {  	s7 =	simm.s32 $0x15500;
	s20 =	simm.s32 $0xF;
	[dreg:$0x8] =	wrdreg s12  }
0x1a: {  	s2 =	sshrl.u32 s9, $0x3;
	s15 =	sadd.s32 $0xA, s12;
	[dreg:$0xf] =	wrdreg s21  }
0x1b: {  	s17 =	sadd.s32 $0x14, s12;
	[dreg:$0x10] =	wrdreg s0;
	s0 =	sadd.s32 s25, s11  }
0x1c: {  	s28 =	sadd.s32 s26, s11;
	s26 =	simm.s32 $0x15800;
	[dreg:$0xa] =	wrdreg s15  }
.Ltmp0:
0x1d: {  	s9 =	simm.s32 $0x4;
	[dreg:$0xc] =	wrdreg s17;
	(pc) =	sbr.rel .LBB2_1-.Ltmp0, $4  }
0x1e: {  	s21 =	simm.s32 $0xC;
	s2 =	sadd.s32 s11, s2;
	[dreg:$0x11] =	wrdreg s0  }
0x1f: {  	[dreg:$0x12] =	wrdreg s28;
	s15 =	simm.s32 $0x5;
	s17 =	simm.s32 $0xB  }
0x20: {  	[dreg:$0x9] =	wrdreg s2;
	s2 =	sadd.s32 s11, s16;
	s11 =	simm.s32 $0x15600  }
0x21: {  	s16 =	simm.s32 $0xA;
	[dreg:$0xb] =	wrdreg s2;
	s2 =	simm.s32 $0x15480  }
.LBB2_4:
0x22: {  	_ =	swait.ge [sflag:s21], $0x1400  }
0x23: {  	[sflag:s21] =	ssyncset.done $0x0  }
0x24: {  	[sflag:s21] =	ssyncadd.s32 $0xFFFFEC00  }
0x25: {  	_ =	swait.ge [sflag:s18], $0x1400  }
0x26: {  	[sflag:s18] =	ssyncset.done $0x0  }
0x27: {  	[sflag:s18] =	ssyncadd.s32 $0xFFFFEC00  }
0x28: {  	_ =	swait.ge [sflag:s19], $0x1400  }
0x29: {  	[sflag:s19] =	ssyncset.done $0x0  }
0x2a: {  	[sflag:s19] =	ssyncadd.s32 $0xFFFFEC00  }
0x2b: {  	_ =	swait.ge [sflag:s20], $0x1400  }
0x2c: {  	[sflag:s20] =	ssyncset.done $0x0  }
0x2d: {  	[sflag:s20] =	ssyncadd.s32 $0xFFFFEC00  }
0x2e: {  	[bflag:$0x0] =	sbarrier.arrive $0xFFFF  }
0x2f: {  	s0 =	rddreg [dreg:$0xe]  }
0x30: {  	s2 =	rddreg [dreg:$0x15]  }
0x31: {  	s24 =	simm.s32 $0x10;
	s5 =	rddreg [dreg:$0x16]  }
0x32: {  	[hbm:s0], [sflag:s2] =	dma.local [spmem:s5], $0x2800  }
0x33: {  	_ =	swait.ge [sflag:s24], $0x2800  }
0x34: {  	s28 =	rddreg [dreg:$0x14]  }
0x35: {  	s29 =	rddreg [dreg:$0xd];
	s5 =	sadd.s32 $0x1, s28  }
0x36: {  	p0 =	sne.s32 s5, s29  }
.Ltmp1:
0x37: {  	_ = 	snop;
	(pc) =	sbr.rel @!p0 .LBB2_5-.Ltmp1, $4  }
0x38: {  	_ = 	snop  }
0x39: {  	s6 =	simm.s32 $0x18000;
	s7 =	simm.s32 $0x15500  }
0x3a: {  	s8 =	simm.s32 $0x19400;
	s10 =	simm.s32 $0x15580;
	[sflag:s24] =	ssyncset.done $0x0  }
0x3b: {  	s11 =	simm.s32 $0x15600;
	s2 =	simm.s32 $0x15480;
	[sflag:s24] =	ssyncadd.s32 $0xFFFFD800  }
.LBB2_1:
0x3c: {  	[dreg:$0x14] =	wrdreg s5  }
0x3d: {  	s0 =	rddreg [dreg:$0x5];
	s22 =	simm.s32 $0x14000  }
0x3e: {  	[tilespmem:s22], [sflag:$0x10] =	stream.linear.gather [hbm4b:s0+s3], $0x1388, $0x38;
	[tilespmem:$0x1BC00] =	vst v63  }
0x3f: {  	s25 =	stileid.u32;
	_ =	swait.ge [sflag:s24], $0x1388  }
0x40: {  	s0 =	sshll.u32 s25, $0x6;
	s12 =	rddreg [dreg:$0x6]  }
0x41: {  	s5 =	sor.u32 $0x1C10, s0;
	s25 =	rddreg [dreg:$0x7]  }
0x42: {  	[sflag:s24] =	ssyncset.done $0x0;
	[dreg:$0x15] =	wrdreg s5;
	s12 =	sshrl.u32 s12, $0x3  }
0x43: {  	[sflag:s24] =	ssyncadd.s32 $0xFFFFEC78;
	[dreg:$0x16] =	wrdreg s12  }
0x44: {  	[spmem:s12], [sflag:s5] =	dma.local [hbm:s25], $0x2800  }
0x45: {  	_ =	swait.ge [sflag:s24], $0x2800  }
0x46: {  	[sflag:s24] =	ssyncset.done $0x0  }
0x47: {  	[sflag:s24] =	ssyncadd.s32 $0xFFFFD800  }
0x48: {  	[bflag:$0x0] =	sbarrier.arrive $0xFFFF  }
0x49: {  	[tilespmem:s26], [sflag:$0x1] =	stream.indirect.gather [hbm4b:s4+s23], $0x80, s22, s23, $0xb8;
	[tilespmem:$0x1BC00] =	vst v63  }
0x4a: {  	s22 =	rddreg [dreg:$0x8]  }
0x4b: {  	[tilespmem:s31], [sflag:$0x6] =	stream.linear.gather [hbm4b:s22+s3], $0x28, $0x38;
	[tilespmem:$0x1BC00] =	vst v63  }
0x4c: {  	s24 =	simm.s32 $0x14028  }
0x4d: {  	[tilespmem:s30], [sflag:$0x2] =	stream.indirect.gather [hbm4b:s4+s23], $0x80, s24, s23, $0xb8;
	[tilespmem:$0x1BC00] =	vst v63  }
0x4e: {  	s25 =	rddreg [dreg:$0x9]  }
0x4f: {  	[tilespmem:s2], [sflag:$0x7] =	stream.linear.gather [hbm4b:s25+s3], $0x28, $0x38;
	[tilespmem:$0x1BC00] =	vst v63  }
0x50: {  	s5 =	simm.s32 $0x14050;
	s12 =	rddreg [dreg:$0xb]  }
0x51: {  	[tilespmem:s6], [sflag:$0x3] =	stream.indirect.gather [hbm4b:s4+s23], $0x80, s5, s23, $0xb8;
	[tilespmem:$0x1BC00] =	vst v63  }
0x52: {  	s6 =	rddreg [dreg:$0xa]  }
0x53: {  	[tilespmem:s7], [sflag:$0x8] =	stream.linear.gather [hbm4b:s6+s3], $0x28, $0x38;
	[tilespmem:$0x1BC00] =	vst v63  }
0x54: {  	s29 =	rddreg [dreg:$0xf];
	s7 =	simm.s32 $0x14078  }
0x55: {  	[tilespmem:s8], [sflag:$0x4] =	stream.indirect.gather [hbm4b:s4+s23], $0x80, s7, s23, $0xb8;
	[tilespmem:$0x1BC00] =	vst v63  }
0x56: {  	s28 =	simm.s32 $0x0;
	s25 =	rddreg [dreg:$0xc]  }
0x57: {  	[tilespmem:s10], [sflag:$0x9] =	stream.linear.gather [hbm4b:s12+s3], $0x28, $0x38;
	[tilespmem:$0x1BC00] =	vst v63  }
0x58: {  	s22 =	simm.s32 $0x140A0;
	s24 =	simm.s32 $0x1A800;
	s5 =	rddreg [dreg:$0x12]  }
0x59: {  	[tilespmem:s24], [sflag:$0x5] =	stream.indirect.gather [hbm4b:s4+s23], $0x80, s22, s23, $0xb8;
	[tilespmem:$0x1BC00] =	vst v63  }
0x5a: {  	s0 =	simm.s32 $0x1A800;
	s2 =	simm.s32 $0x15480;
	s22 =	rddreg [dreg:$0x13]  }
0x5b: {  	s6 =	simm.s32 $0x18000;
	s7 =	simm.s32 $0x15500;
	s24 =	rddreg [dreg:$0x11]  }
0x5c: {  	[tilespmem:s11], [sflag:$0xA] =	stream.linear.gather [hbm4b:s25+s3], $0x28, $0x38;
	[tilespmem:$0x1BC00] =	vst v63  }
0x5d: {  	s8 =	simm.s32 $0x19400;
	s10 =	simm.s32 $0x15580;
	s25 =	rddreg [dreg:$0x10]  }
.LBB2_2:
0x5e: {  	s12 =	simm.s32 $0x1  }
0x5f: {  	_ =	swait.ge [sflag:s12], $0x1400  }
0x60: {  	[sflag:s12] =	ssyncset.done $0x0  }
0x61: {  	[sflag:s12] =	ssyncadd.s32 $0xFFFFEC00;
	s12 =	simm.s32 $0x6  }
0x62: {  	_ =	swait.ge [sflag:s12], $0x28  }
0x63: {  	[sflag:s12] =	ssyncset.done $0x0  }
0x64: {  	[sflag:s12] =	ssyncadd.s32 $0xFFFFFFD8;
	s12 =	simm.s32 $0x2  }
0x65: {  	[spmem:s1] =	stream.indirect.scatter.add.f32 [tilespmem:s26], [sflag:$0xB], $0x80, s31, s23, $0xb8;
	[tilespmem:$0x1BC00] =	vst v63  }
0x66: {  	_ =	swait.ge [sflag:s12], $0x1400  }
0x67: {  	[sflag:s12] =	ssyncset.done $0x0  }
0x68: {  	[sflag:s12] =	ssyncadd.s32 $0xFFFFEC00;
	s12 =	simm.s32 $0x7  }
0x69: {  	_ =	swait.ge [sflag:s12], $0x28  }
0x6a: {  	[sflag:s12] =	ssyncset.done $0x0  }
0x6b: {  	[sflag:s12] =	ssyncadd.s32 $0xFFFFFFD8;
	s12 =	simm.s32 $0x3  }
0x6c: {  	[spmem:s1] =	stream.indirect.scatter.add.f32 [tilespmem:s30], [sflag:$0xC], $0x80, s2, s23, $0xb8;
	[tilespmem:$0x1BC00] =	vst v63  }
0x6d: {  	_ =	swait.ge [sflag:s12], $0x1400  }
0x6e: {  	[sflag:s12] =	ssyncset.done $0x0  }
0x6f: {  	[sflag:s12] =	ssyncadd.s32 $0xFFFFEC00  }
0x70: {  	_ =	swait.ge [sflag:s13], $0x28  }
0x71: {  	[sflag:s13] =	ssyncset.done $0x0  }
0x72: {  	[sflag:s13] =	ssyncadd.s32 $0xFFFFFFD8  }
0x73: {  	[spmem:s1] =	stream.indirect.scatter.add.f32 [tilespmem:s6], [sflag:$0xD], $0x80, s7, s23, $0xb8;
	[tilespmem:$0x1BC00] =	vst v63  }
0x74: {  	_ =	swait.ge [sflag:s9], $0x1400  }
0x75: {  	[sflag:s9] =	ssyncset.done $0x0  }
0x76: {  	[sflag:s9] =	ssyncadd.s32 $0xFFFFEC00  }
0x77: {  	_ =	swait.ge [sflag:s14], $0x28  }
0x78: {  	[sflag:s14] =	ssyncset.done $0x0  }
0x79: {  	[sflag:s14] =	ssyncadd.s32 $0xFFFFFFD8  }
0x7a: {  	[spmem:s1] =	stream.indirect.scatter.add.f32 [tilespmem:s8], [sflag:$0xE], $0x80, s10, s23, $0xb8;
	[tilespmem:$0x1BC00] =	vst v63  }
0x7b: {  	_ =	swait.ge [sflag:s15], $0x1400  }
0x7c: {  	[sflag:s15] =	ssyncset.done $0x0  }
0x7d: {  	[sflag:s15] =	ssyncadd.s32 $0xFFFFEC00  }
0x7e: {  	_ =	swait.ge [sflag:s16], $0x28  }
0x7f: {  	p0 =	seq.s32 s28, $0x4B00;
	[sflag:s16] =	ssyncset.done $0x0  }
.Ltmp2:
0x80: {  	[sflag:s16] =	ssyncadd.s32 $0xFFFFFFD8;
	(pc) =	sbr.rel @p0 .LBB2_4-.Ltmp2, $4  }
0x81: {  	[spmem:s1] =	stream.indirect.scatter.add.f32 [tilespmem:s0], [sflag:$0xF], $0x80, s11, s23, $0xb8;
	[tilespmem:$0x1BC00] =	vst v63  }
0x82: {  	_ =	swait.ge [sflag:s17], $0x1400  }
0x83: {  	[sflag:s17] =	ssyncset.done $0x0  }
0x84: {  	s12 =	simm.s32 $0x15600;
	s11 =	simm.s32 $0x1A800;
	[sflag:s17] =	ssyncadd.s32 $0xFFFFEC00  }
0x85: {  	s31 =	sshra.s32 s28, $0x2  }
0x86: {  	s0 =	sadd.s32 $0x140C8, s31  }
0x87: {  	[tilespmem:s26], [sflag:$0x1] =	stream.indirect.gather [hbm4b:s4+s23], $0x80, s0, s23, $0xb8;
	[tilespmem:$0x1BC00] =	vst v63  }
0x88: {  	s0 =	sshrl.u32 s22, $0x3;
	s26 =	rddreg [dreg:$0x4]  }
0x89: {  	s30 =	simm.s32 $0x15400;
	s0 =	sadd.s32 s26, s0  }
0x8a: {  	[tilespmem:s30], [sflag:$0x6] =	stream.linear.gather [hbm4b:s0+s3], $0x28, $0x38;
	[tilespmem:$0x1BC00] =	vst v63  }
0x8b: {  	_ =	swait.ge [sflag:s21], $0x1400  }
0x8c: {  	[sflag:s21] =	ssyncset.done $0x0  }
0x8d: {  	s30 =	simm.s32 $0x16C00;
	s0 =	sadd.s32 $0x140F0, s31;
	[sflag:s21] =	ssyncadd.s32 $0xFFFFEC00  }
0x8e: {  	[tilespmem:s30], [sflag:$0x2] =	stream.indirect.gather [hbm4b:s4+s23], $0x80, s0, s23, $0xb8;
	[tilespmem:$0x1BC00] =	vst v63  }
0x8f: {  	_ = 	snop  }
0x90: {  	[tilespmem:s2], [sflag:$0x7] =	stream.linear.gather [hbm4b:s5+s3], $0x28, $0x38;
	[tilespmem:$0x1BC00] =	vst v63  }
0x91: {  	_ =	swait.ge [sflag:s18], $0x1400  }
0x92: {  	[sflag:s18] =	ssyncset.done $0x0  }
0x93: {  	s0 =	sadd.s32 $0x14118, s31;
	[sflag:s18] =	ssyncadd.s32 $0xFFFFEC00  }
0x94: {  	[tilespmem:s6], [sflag:$0x3] =	stream.indirect.gather [hbm4b:s4+s23], $0x80, s0, s23, $0xb8;
	[tilespmem:$0x1BC00] =	vst v63  }
0x95: {  	_ = 	snop  }
0x96: {  	[tilespmem:s7], [sflag:$0x8] =	stream.linear.gather [hbm4b:s24+s3], $0x28, $0x38;
	[tilespmem:$0x1BC00] =	vst v63  }
0x97: {  	_ =	swait.ge [sflag:s19], $0x1400  }
0x98: {  	[sflag:s19] =	ssyncset.done $0x0  }
0x99: {  	s0 =	sadd.s32 $0x14140, s31;
	[sflag:s19] =	ssyncadd.s32 $0xFFFFEC00  }
0x9a: {  	[tilespmem:s8], [sflag:$0x4] =	stream.indirect.gather [hbm4b:s4+s23], $0x80, s0, s23, $0xb8;
	[tilespmem:$0x1BC00] =	vst v63  }
0x9b: {  	_ = 	snop  }
0x9c: {  	[tilespmem:s10], [sflag:$0x9] =	stream.linear.gather [hbm4b:s25+s3], $0x28, $0x38;
	[tilespmem:$0x1BC00] =	vst v63  }
0x9d: {  	s28 =	sadd.s32 $0x320, s28;
	s22 =	sadd.s32 $0xC8, s22;
	_ =	swait.ge [sflag:s20], $0x1400  }
0x9e: {  	s26 =	simm.s32 $0x15800;
	s5 =	sadd.s32 $0x19, s5;
	[sflag:s20] =	ssyncset.done $0x0  }
.Ltmp3:
0x9f: {  	s0 =	sadd.s32 $0x14168, s31;
	[sflag:s20] =	ssyncadd.s32 $0xFFFFEC00;
	(pc) =	sbr.rel .LBB2_2-.Ltmp3, $4  }
0xa0: {  	[tilespmem:s11], [sflag:$0x5] =	stream.indirect.gather [hbm4b:s4+s23], $0x80, s0, s23, $0xb8;
	[tilespmem:$0x1BC00] =	vst v63  }
0xa1: {  	s24 =	sadd.s32 $0x19, s24;
	s31 =	simm.s32 $0x15400;
	s25 =	sadd.s32 $0x19, s25  }
0xa2: {  	[tilespmem:s12], [sflag:$0xA] =	stream.linear.gather [hbm4b:s29+s3], $0x28, $0x38;
	[tilespmem:$0x1BC00] =	vst v63  }
0xa3: {  	s0 =	simm.s32 $0x1A800;
	s11 =	simm.s32 $0x15600;
	s29 =	sadd.s32 $0x19, s29  }
.LBB2_5:
0xa4: {  	_ =	sfence.sel $0x180000  }
0xa5: {  	[bflag:$0x0] =	sbarrier.arrive $0xFFFF  }
0xa6: {  	_ =	strace $0x90000050  }
0xa7: {  	s0 =	stileid.u32;
	[bflag:$0x2] =	sbarrier.arrive $0xFFFF  }
0xa8: {  	p0 =	sne.s32 s0, $0x0;
	s0 =	rddreg [dreg:$0x3]  }
0xa9: {  	s0 =	sadd.s32 @!p0 $0x100000, s0  }
0xaa: {  	[sflag:s0] =	ssyncadd.tile.s32 @!p0 $0x1;
	_ =	shalt  }
.Lfunc_end2:
_tile_overlayer_lowered:
.L_overlay_start_2:
0xab: {  	(tag) =	ssettag $0x2  }
0xac: {  	s0 =	rddreg [dreg:$0x0];
	s2 =	stileid.u32  }
0xad: {  	s1 =	rddreg [dreg:$0x1];
	p0 =	sne.s32 s2, $0x0  }
0xae: {  	s3 =	rddreg [dreg:$0x2];
	[bflag:$0x3] =	sbarrier.arrive $0xFFFF;
	s2 =	simm.s32 @!p0 $0x1C10  }
0xaf: {  	[timem:s3], [sflag:s2] =	dma.local @!p0 [hbm:s0], s1  }
0xb0: {  	s0 =	simm.s32 @!p0 $0x10  }
0xb1: {  	_ =	swait.ge @!p0 [sflag:s0], s1  }
0xb2: {  	s1 =	ssub.s32 @!p0 $0x0, s1;
	[sflag:s0] =	ssyncset.done @!p0 $0x0  }
0xb3: {  	[sflag:s0] =	ssyncadd.s32 @!p0 s1  }
0xb4: {  	[bflag:$0x3] =	sbarrier.arrive $0xFFFF  }
0xb5: {  	_ =	shalt  }

</sc_bundles>
